<compile_context>
chip_gen: v7x
topology: tpu7x:2x2x1
jax: 0.10.2.dev20260603
libtpu: 0.0.44.dev20260713+nightly
codegen_flags: <defaults>
</compile_context>

<pallas_src>
import dataclasses
import functools

import jax
import jax.numpy as jnp
from jax import lax
from jax.experimental import pallas as pl
from jax.experimental.pallas import tpu as pltpu
from jax.experimental.pallas import tpu_sc as plsc

BATCH = 16384
NUM_AREA = 100000
EMBED_DIM = 64
OUT_W = 4 * EMBED_DIM
ROW = 2 * EMBED_DIM
NC = 2
NS = 16
NW = NC * NS
B_PER_W = BATCH // NW
CHUNK = 128
NCH = B_PER_W // CHUNK
LANES = 16


def kernel(gender_idx, age_idx, occupation_idx, area_idx, u_id,
           W_gender, W_age, W_occupation, W_area):
    del u_id
    g = gender_idx.astype(jnp.int32)
    a = age_idx.astype(jnp.int32)
    o = occupation_idx.astype(jnp.int32)
    ar = area_idx.astype(jnp.int32)

    n_gao = 2 * 7 * 21
    cid = jnp.arange(n_gao, dtype=jnp.int32)
    W_gao = jnp.concatenate(
        [W_gender[cid // (7 * 21)], W_age[(cid // 21) % 7],
         W_occupation[cid % 21],
         jnp.zeros((n_gao, EMBED_DIM), jnp.float32)], axis=1)
    X_area = W_area.reshape(-1, ROW)

    mesh = plsc.VectorSubcoreMesh(core_axis_name="c", subcore_axis_name="s")
    cp = pltpu.CompilerParams()
    if "needs_layout_passes" in pltpu.CompilerParams.__dataclass_fields__:
        cp = dataclasses.replace(cp, needs_layout_passes=False)

    @functools.partial(
        pl.kernel,
        mesh=mesh,
        compiler_params=cp,
        out_type=jax.ShapeDtypeStruct((BATCH, OUT_W), jnp.float32),
        scratch_types=[
            pltpu.VMEM((B_PER_W,), jnp.int32),
            pltpu.VMEM((B_PER_W,), jnp.int32),
            pltpu.VMEM((B_PER_W,), jnp.int32),
            pltpu.VMEM((B_PER_W,), jnp.int32),
            pltpu.VMEM((CHUNK, OUT_W), jnp.float32),
            pltpu.VMEM((CHUNK, OUT_W), jnp.float32),
            pltpu.VMEM((CHUNK, ROW), jnp.float32),
            pltpu.VMEM((CHUNK, ROW), jnp.float32),
            pltpu.SemaphoreType.DMA,
            pltpu.SemaphoreType.DMA,
            pltpu.SemaphoreType.DMA,
            pltpu.SemaphoreType.DMA,
            pltpu.SemaphoreType.DMA,
        ],
    )
    def emb_kernel(g_hbm, a_hbm, o_hbm, ar_hbm, wgao_hbm, xar_hbm, out_hbm,
                   gaov, tv, ov, hv, cat0, cat1, area0, area1,
                   semi, semg0, semg1, sems0, sems1):
        cats = (cat0, cat1)
        areas = (area0, area1)
        semg = (semg0, semg1)
        sems = (sems0, sems1)
        wid = lax.axis_index("s") * NC + lax.axis_index("c")
        base = wid * B_PER_W
        iot = lax.iota(jnp.int32, LANES)

        loads = [pltpu.async_copy(src.at[pl.ds(base, B_PER_W)], dst, semi)
                 for src, dst in ((g_hbm, gaov), (a_hbm, tv),
                                 (o_hbm, ov), (ar_hbm, hv))]
        for h in loads:
            h.wait()
        for t in range(B_PER_W // LANES):
            s = pl.ds(t * LANES, LANES)
            gaov.at[s][...] = (gaov.at[s][...] * 7 + tv.at[s][...]) * 21 + \
                ov.at[s][...]
            ar16 = hv.at[s][...]
            tv.at[s][...] = lax.shift_right_logical(ar16, 1)
            hv.at[s][...] = lax.shift_left(jnp.bitwise_and(ar16, 1), 6)

        def issue_gathers(c):
            s = c % 2
            off = pl.ds(c * CHUNK, CHUNK)
            return [
                pltpu.async_copy(wgao_hbm.at[gaov.at[off]], cats[s], semg[s]),
                pltpu.async_copy(xar_hbm.at[tv.at[off]], areas[s], semg[s]),
            ]

        def select_half(c):
            s = c % 2
            @pl.loop(0, CHUNK, step=LANES)
            def _(j0):
                rowv = iot + j0
                hvv = hv.at[pl.ds(c * CHUNK + j0, LANES)][...]
                colv = iot * 0 + (3 * EMBED_DIM)
                for cc in range(EMBED_DIM):
                    vals = plsc.load_gather(areas[s], [rowv, hvv + cc])
                    plsc.store_scatter(cats[s], [rowv, colv + cc], vals)

        pend_g = {0: issue_gathers(0), 1: None}
        pend_s = {0: None, 1: None}
        for c in range(NCH):
            s = c % 2
            for h in pend_g[s]:
                h.wait()
            if c + 1 < NCH:
                if pend_s[1 - s] is not None:
                    pend_s[1 - s].wait()
                    pend_s[1 - s] = None
                pend_g[1 - s] = issue_gathers(c + 1)
            select_half(c)
            pend_s[s] = pltpu.async_copy(
                cats[s], out_hbm.at[pl.ds(base + c * CHUNK, CHUNK)], sems[s])
        for s in (0, 1):
            if pend_s[s] is not None:
                pend_s[s].wait()

    return emb_kernel(g, a, o, ar, W_gao, X_area)

# --- scband reference (transcript-rebuilt; emitter-appended) ---
"""Pipeline reference for scband-user-emb-39462159515953 (READ-ONLY COPY).

The authoritative reference and input builder live on the scoring server;
editing this copy changes nothing except your own understanding.
"""

import jax, jax.numpy as jnp
import numpy as np

BATCH = 16384
NUM_GENDER = 2
NUM_AGE = 7
NUM_OCCUPATION = 21
NUM_ZIPCODE = 100000
EMBED_DIM = 64


def setup_inputs(seed: int = 0) -> dict:
    key = jax.random.key(seed)
    k1, k2, k3, k4, k5, k6, k7, k8, k9 = jax.random.split(key, 9)
    gender_idx = jax.random.randint(k1, (BATCH,), 0, NUM_GENDER, dtype=jnp.int64 if jax.config.jax_enable_x64 else jnp.int32)
    age_idx = jax.random.randint(k2, (BATCH,), 0, NUM_AGE)
    occupation_idx = jax.random.randint(k3, (BATCH,), 0, NUM_OCCUPATION)
    area_idx = jax.random.randint(k4, (BATCH,), 0, NUM_ZIPCODE)
    u_id = jax.random.randint(k5, (BATCH,), 0, BATCH)
    W_gender = jax.random.normal(k6, (NUM_GENDER, EMBED_DIM), dtype=jnp.float32)
    W_age = jax.random.normal(k7, (NUM_AGE, EMBED_DIM), dtype=jnp.float32)
    W_occupation = jax.random.normal(k8, (NUM_OCCUPATION, EMBED_DIM), dtype=jnp.float32)
    W_area = jax.random.normal(k9, (NUM_ZIPCODE, EMBED_DIM), dtype=jnp.float32)
    return {
        "gender_idx": gender_idx,
        "age_idx": age_idx,
        "occupation_idx": occupation_idx,
        "area_idx": area_idx,
        "u_id": u_id,
        "W_gender": W_gender,
        "W_age": W_age,
        "W_occupation": W_occupation,
        "W_area": W_area,
    }


def reference(gender_idx, age_idx, occupation_idx, area_idx, u_id, W_gender, W_age, W_occupation, W_area):
    gender_emb = jnp.take(W_gender, gender_idx, axis=0)
    age_emb = jnp.take(W_age, age_idx, axis=0)
    occupation_emb = jnp.take(W_occupation, occupation_idx, axis=0)
    area_emb = jnp.take(W_area, area_idx, axis=0)
    return jnp.concatenate((gender_emb, age_emb, occupation_emb, area_emb), axis=1)

if __name__ == "__main__":
    import jax
    _d = setup_inputs()
    print(jax.jit(kernel)(*tuple(_d.values())))

</pallas_src>

<mosaic_0001>
#map = affine_map<(d0, d1) -> (0)>
#map1 = affine_map<(d0, d1) -> (0, 0)>
module attributes {stable_mosaic.version = 14 : i64} {
  func.func @emb_kernel(%arg0: i32, %arg1: i32, %arg2: memref<16384xi32, #tpu.memory_space<hbm>>, %arg3: memref<16384xi32, #tpu.memory_space<hbm>>, %arg4: memref<16384xi32, #tpu.memory_space<hbm>>, %arg5: memref<16384xi32, #tpu.memory_space<hbm>>, %arg6: memref<294x256xf32, #tpu.memory_space<hbm>>, %arg7: memref<50000x128xf32, #tpu.memory_space<hbm>>, %arg8: memref<16384x256xf32, #tpu.memory_space<hbm>>, %arg9: memref<512xi32, #tpu.memory_space<vmem>>, %arg10: memref<512xi32, #tpu.memory_space<vmem>>, %arg11: memref<512xi32, #tpu.memory_space<vmem>>, %arg12: memref<512xi32, #tpu.memory_space<vmem>>, %arg13: memref<128x256xf32, #tpu.memory_space<vmem>>, %arg14: memref<128x256xf32, #tpu.memory_space<vmem>>, %arg15: memref<128x128xf32, #tpu.memory_space<vmem>>, %arg16: memref<128x128xf32, #tpu.memory_space<vmem>>, %arg17: memref<!tpu.dma_semaphore, #tpu.memory_space<semaphore_mem>>, %arg18: memref<!tpu.dma_semaphore, #tpu.memory_space<semaphore_mem>>, %arg19: memref<!tpu.dma_semaphore, #tpu.memory_space<semaphore_mem>>, %arg20: memref<!tpu.dma_semaphore, #tpu.memory_space<semaphore_mem>>, %arg21: memref<!tpu.dma_semaphore, #tpu.memory_space<semaphore_mem>>) attributes {dimension_semantics = [#tpu.dimension_semantics<core_parallel>, #tpu.dimension_semantics<subcore_parallel>], iteration_bounds = array<i64: 2, 16>, scalar_prefetch = 0 : i64, scratch_operands = 13 : i64, tpu.core_type = #tpu.core_type<sc_vector_subcore>, window_params = [{transform_indices = #map}, {transform_indices = #map}, {transform_indices = #map}, {transform_indices = #map}, {transform_indices = #map1}, {transform_indices = #map1}, {transform_indices = #map1}]} {
    %mul3A = arith.constant 2 : i32
    %mul3A_0 = arith.muli %arg1, %mul3A : i32
    %add3A = arith.addi %mul3A_0, %arg0 : i32
    %mul3A_1 = arith.constant 512 : i32
    %mul3A_2 = arith.muli %add3A, %mul3A_1 : i32
    %iota3A = tpu.iota {dimensions = array<i32: 0>} : vector<16xi32>
    %dma_start3A = tpu.memref_slice %arg2[%mul3A_2] : memref<16384xi32, #tpu.memory_space<hbm>> -> memref<512xi32, #tpu.memory_space<hbm>>
    %dma_start3A_3 = tpu.memref_slice %arg2[%mul3A_2] : memref<16384xi32, #tpu.memory_space<hbm>> -> memref<512xi32, #tpu.memory_space<hbm>>
    tpu.enqueue_dma source(%dma_start3A_3 : memref<512xi32, #tpu.memory_space<hbm>>) target(%arg9 : memref<512xi32, #tpu.memory_space<vmem>>) target_semaphore(%arg17 : memref<!tpu.dma_semaphore, #tpu.memory_space<semaphore_mem>>)
    %dma_start3A_4 = tpu.memref_slice %arg3[%mul3A_2] : memref<16384xi32, #tpu.memory_space<hbm>> -> memref<512xi32, #tpu.memory_space<hbm>>
    %dma_start3A_5 = tpu.memref_slice %arg3[%mul3A_2] : memref<16384xi32, #tpu.memory_space<hbm>> -> memref<512xi32, #tpu.memory_space<hbm>>
    tpu.enqueue_dma source(%dma_start3A_5 : memref<512xi32, #tpu.memory_space<hbm>>) target(%arg10 : memref<512xi32, #tpu.memory_space<vmem>>) target_semaphore(%arg17 : memref<!tpu.dma_semaphore, #tpu.memory_space<semaphore_mem>>)
    %dma_start3A_6 = tpu.memref_slice %arg4[%mul3A_2] : memref<16384xi32, #tpu.memory_space<hbm>> -> memref<512xi32, #tpu.memory_space<hbm>>
    %dma_start3A_7 = tpu.memref_slice %arg4[%mul3A_2] : memref<16384xi32, #tpu.memory_space<hbm>> -> memref<512xi32, #tpu.memory_space<hbm>>
    tpu.enqueue_dma source(%dma_start3A_7 : memref<512xi32, #tpu.memory_space<hbm>>) target(%arg11 : memref<512xi32, #tpu.memory_space<vmem>>) target_semaphore(%arg17 : memref<!tpu.dma_semaphore, #tpu.memory_space<semaphore_mem>>)
    %dma_start3A_8 = tpu.memref_slice %arg5[%mul3A_2] : memref<16384xi32, #tpu.memory_space<hbm>> -> memref<512xi32, #tpu.memory_space<hbm>>
    %dma_start3A_9 = tpu.memref_slice %arg5[%mul3A_2] : memref<16384xi32, #tpu.memory_space<hbm>> -> memref<512xi32, #tpu.memory_space<hbm>>
    tpu.enqueue_dma source(%dma_start3A_9 : memref<512xi32, #tpu.memory_space<hbm>>) target(%arg12 : memref<512xi32, #tpu.memory_space<vmem>>) target_semaphore(%arg17 : memref<!tpu.dma_semaphore, #tpu.memory_space<semaphore_mem>>)
    %dma_wait3A = tpu.memref_slice %arg2[%mul3A_2] : memref<16384xi32, #tpu.memory_space<hbm>> -> memref<512xi32, #tpu.memory_space<hbm>>
    %dma_wait3A_10 = tpu.memref_slice %arg2[%mul3A_2] : memref<16384xi32, #tpu.memory_space<hbm>> -> memref<512xi32, #tpu.memory_space<hbm>>
    tpu.wait_dma2 semaphore(%arg17 : memref<!tpu.dma_semaphore, #tpu.memory_space<semaphore_mem>>) src(%dma_wait3A_10 : memref<512xi32, #tpu.memory_space<hbm>>) dst(%arg9 : memref<512xi32, #tpu.memory_space<vmem>>)
    %dma_wait3A_11 = tpu.memref_slice %arg3[%mul3A_2] : memref<16384xi32, #tpu.memory_space<hbm>> -> memref<512xi32, #tpu.memory_space<hbm>>
    %dma_wait3A_12 = tpu.memref_slice %arg3[%mul3A_2] : memref<16384xi32, #tpu.memory_space<hbm>> -> memref<512xi32, #tpu.memory_space<hbm>>
    tpu.wait_dma2 semaphore(%arg17 : memref<!tpu.dma_semaphore, #tpu.memory_space<semaphore_mem>>) src(%dma_wait3A_12 : memref<512xi32, #tpu.memory_space<hbm>>) dst(%arg10 : memref<512xi32, #tpu.memory_space<vmem>>)
    %dma_wait3A_13 = tpu.memref_slice %arg4[%mul3A_2] : memref<16384xi32, #tpu.memory_space<hbm>> -> memref<512xi32, #tpu.memory_space<hbm>>
    %dma_wait3A_14 = tpu.memref_slice %arg4[%mul3A_2] : memref<16384xi32, #tpu.memory_space<hbm>> -> memref<512xi32, #tpu.memory_space<hbm>>
    tpu.wait_dma2 semaphore(%arg17 : memref<!tpu.dma_semaphore, #tpu.memory_space<semaphore_mem>>) src(%dma_wait3A_14 : memref<512xi32, #tpu.memory_space<hbm>>) dst(%arg11 : memref<512xi32, #tpu.memory_space<vmem>>)
    %dma_wait3A_15 = tpu.memref_slice %arg5[%mul3A_2] : memref<16384xi32, #tpu.memory_space<hbm>> -> memref<512xi32, #tpu.memory_space<hbm>>
    %dma_wait3A_16 = tpu.memref_slice %arg5[%mul3A_2] : memref<16384xi32, #tpu.memory_space<hbm>> -> memref<512xi32, #tpu.memory_space<hbm>>
    tpu.wait_dma2 semaphore(%arg17 : memref<!tpu.dma_semaphore, #tpu.memory_space<semaphore_mem>>) src(%dma_wait3A_16 : memref<512xi32, #tpu.memory_space<hbm>>) dst(%arg12 : memref<512xi32, #tpu.memory_space<vmem>>)
    %get3A = arith.constant 0 : index
    %get3A_17 = tpu.vector_load %arg9[%get3A] {strides = array<i32>} : memref<512xi32, #tpu.memory_space<vmem>>, vector<16xi32>,
    %mul3A_18 = arith.constant 7 : i32
    %mul3A_19 = vector.broadcast %mul3A_18 : i32 to vector<16xi32>
    %mul3A_20 = arith.muli %get3A_17, %mul3A_19 : vector<16xi32>
    %get3A_21 = arith.constant 0 : index
    %get3A_22 = tpu.vector_load %arg10[%get3A_21] {strides = array<i32>} : memref<512xi32, #tpu.memory_space<vmem>>, vector<16xi32>,
    %add3A_23 = arith.addi %mul3A_20, %get3A_22 : vector<16xi32>
    %mul3A_24 = arith.constant 21 : i32
    %mul3A_25 = vector.broadcast %mul3A_24 : i32 to vector<16xi32>
    %mul3A_26 = arith.muli %add3A_23, %mul3A_25 : vector<16xi32>
    %get3A_27 = arith.constant 0 : index
    %get3A_28 = tpu.vector_load %arg11[%get3A_27] {strides = array<i32>} : memref<512xi32, #tpu.memory_space<vmem>>, vector<16xi32>,
    %add3A_29 = arith.addi %mul3A_26, %get3A_28 : vector<16xi32>
    %swap3A = arith.constant 0 : index
    %swap3A_30 = tpu.vector_load %arg9[%swap3A] {strides = array<i32>} : memref<512xi32, #tpu.memory_space<vmem>>, vector<16xi32>,
    tpu.vector_store %arg9[%swap3A], %add3A_29 {strides = array<i32>} : memref<512xi32, #tpu.memory_space<vmem>>, vector<16xi32>,
    %get3A_31 = arith.constant 0 : index
    %get3A_32 = tpu.vector_load %arg12[%get3A_31] {strides = array<i32>} : memref<512xi32, #tpu.memory_space<vmem>>, vector<16xi32>,
    %shift_right_logical3A = arith.constant 1 : i32
    %shift_right_logical3A_33 = vector.broadcast %shift_right_logical3A : i32 to vector<16xi32>
    %shift_right_logical3A_34 = arith.shrui %get3A_32, %shift_right_logical3A_33 : vector<16xi32>
    %swap3A_35 = arith.constant 0 : index
    %swap3A_36 = tpu.vector_load %arg10[%swap3A_35] {strides = array<i32>} : memref<512xi32, #tpu.memory_space<vmem>>, vector<16xi32>,
    tpu.vector_store %arg10[%swap3A_35], %shift_right_logical3A_34 {strides = array<i32>} : memref<512xi32, #tpu.memory_space<vmem>>, vector<16xi32>,
    %and3A = arith.constant 1 : i32
    %and3A_37 = vector.broadcast %and3A : i32 to vector<16xi32>
    %and3A_38 = arith.andi %get3A_32, %and3A_37 : vector<16xi32>
    %shift_left3A = arith.constant 6 : i32
    %shift_left3A_39 = vector.broadcast %shift_left3A : i32 to vector<16xi32>
    %shift_left3A_40 = arith.shli %and3A_38, %shift_left3A_39 : vector<16xi32>
    %swap3A_41 = arith.constant 0 : index
    %swap3A_42 = tpu.vector_load %arg12[%swap3A_41] {strides = array<i32>} : memref<512xi32, #tpu.memory_space<vmem>>, vector<16xi32>,
    tpu.vector_store %arg12[%swap3A_41], %shift_left3A_40 {strides = array<i32>} : memref<512xi32, #tpu.memory_space<vmem>>, vector<16xi32>,
    %get3A_43 = arith.constant 16 : index
    %get3A_44 = tpu.vector_load %arg9[%get3A_43] {strides = array<i32>} : memref<512xi32, #tpu.memory_space<vmem>>, vector<16xi32>,
    %mul3A_45 = arith.constant 7 : i32
    %mul3A_46 = vector.broadcast %mul3A_45 : i32 to vector<16xi32>
    %mul3A_47 = arith.muli %get3A_44, %mul3A_46 : vector<16xi32>
    %get3A_48 = arith.constant 16 : index
    %get3A_49 = tpu.vector_load %arg10[%get3A_48] {strides = array<i32>} : memref<512xi32, #tpu.memory_space<vmem>>, vector<16xi32>,
    %add3A_50 = arith.addi %mul3A_47, %get3A_49 : vector<16xi32>
    %mul3A_51 = arith.constant 21 : i32
    %mul3A_52 = vector.broadcast %mul3A_51 : i32 to vector<16xi32>
    %mul3A_53 = arith.muli %add3A_50, %mul3A_52 : vector<16xi32>
    %get3A_54 = arith.constant 16 : index
    %get3A_55 = tpu.vector_load %arg11[%get3A_54] {strides = array<i32>} : memref<512xi32, #tpu.memory_space<vmem>>, vector<16xi32>,
    %add3A_56 = arith.addi %mul3A_53, %get3A_55 : vector<16xi32>
    %swap3A_57 = arith.constant 16 : index
    %swap3A_58 = tpu.vector_load %arg9[%swap3A_57] {strides = array<i32>} : memref<512xi32, #tpu.memory_space<vmem>>, vector<16xi32>,
    tpu.vector_store %arg9[%swap3A_57], %add3A_56 {strides = array<i32>} : memref<512xi32, #tpu.memory_space<vmem>>, vector<16xi32>,
    %get3A_59 = arith.constant 16 : index
    %get3A_60 = tpu.vector_load %arg12[%get3A_59] {strides = array<i32>} : memref<512xi32, #tpu.memory_space<vmem>>, vector<16xi32>,
    %shift_right_logical3A_61 = arith.constant 1 : i32
    %shift_right_logical3A_62 = vector.broadcast %shift_right_logical3A_61 : i32 to vector<16xi32>
    %shift_right_logical3A_63 = arith.shrui %get3A_60, %shift_right_logical3A_62 : vector<16xi32>
    %swap3A_64 = arith.constant 16 : index
    %swap3A_65 = tpu.vector_load %arg10[%swap3A_64] {strides = array<i32>} : memref<512xi32, #tpu.memory_space<vmem>>, vector<16xi32>,
    tpu.vector_store %arg10[%swap3A_64], %shift_right_logical3A_63 {strides = array<i32>} : memref<512xi32, #tpu.memory_space<vmem>>, vector<16xi32>,
    %and3A_66 = arith.constant 1 : i32
    %and3A_67 = vector.broadcast %and3A_66 : i32 to vector<16xi32>
    %and3A_68 = arith.andi %get3A_60, %and3A_67 : vector<16xi32>
    %shift_left3A_69 = arith.constant 6 : i32
    %shift_left3A_70 = vector.broadcast %shift_left3A_69 : i32 to vector<16xi32>
    %shift_left3A_71 = arith.shli %and3A_68, %shift_left3A_70 : vector<16xi32>
    %swap3A_72 = arith.constant 16 : index
    %swap3A_73 = tpu.vector_load %arg12[%swap3A_72] {strides = array<i32>} : memref<512xi32, #tpu.memory_space<vmem>>, vector<16xi32>,
    tpu.vector_store %arg12[%swap3A_72], %shift_left3A_71 {strides = array<i32>} : memref<512xi32, #tpu.memory_space<vmem>>, vector<16xi32>,
    %get3A_74 = arith.constant 32 : index
    %get3A_75 = tpu.vector_load %arg9[%get3A_74] {strides = array<i32>} : memref<512xi32, #tpu.memory_space<vmem>>, vector<16xi32>,
    %mul3A_76 = arith.constant 7 : i32
    %mul3A_77 = vector.broadcast %mul3A_76 : i32 to vector<16xi32>
    %mul3A_78 = arith.muli %get3A_75, %mul3A_77 : vector<16xi32>
    %get3A_79 = arith.constant 32 : index
    %get3A_80 = tpu.vector_load %arg10[%get3A_79] {strides = array<i32>} : memref<512xi32, #tpu.memory_space<vmem>>, vector<16xi32>,
    %add3A_81 = arith.addi %mul3A_78, %get3A_80 : vector<16xi32>
    %mul3A_82 = arith.constant 21 : i32
    %mul3A_83 = vector.broadcast %mul3A_82 : i32 to vector<16xi32>
    %mul3A_84 = arith.muli %add3A_81, %mul3A_83 : vector<16xi32>
    %get3A_85 = arith.constant 32 : index
    %get3A_86 = tpu.vector_load %arg11[%get3A_85] {strides = array<i32>} : memref<512xi32, #tpu.memory_space<vmem>>, vector<16xi32>,
    %add3A_87 = arith.addi %mul3A_84, %get3A_86 : vector<16xi32>
    %swap3A_88 = arith.constant 32 : index
    %swap3A_89 = tpu.vector_load %arg9[%swap3A_88] {strides = array<i32>} : memref<512xi32, #tpu.memory_space<vmem>>, vector<16xi32>,
    tpu.vector_store %arg9[%swap3A_88], %add3A_87 {strides = array<i32>} : memref<512xi32, #tpu.memory_space<vmem>>, vector<16xi32>,
    %get3A_90 = arith.constant 32 : index
    %get3A_91 = tpu.vector_load %arg12[%get3A_90] {strides = array<i32>} : memref<512xi32, #tpu.memory_space<vmem>>, vector<16xi32>,
    %shift_right_logical3A_92 = arith.constant 1 : i32
    %shift_right_logical3A_93 = vector.broadcast %shift_right_logical3A_92 : i32 to vector<16xi32>
    %shift_right_logical3A_94 = arith.shrui %get3A_91, %shift_right_logical3A_93 : vector<16xi32>
    %swap3A_95 = arith.constant 32 : index
    %swap3A_96 = tpu.vector_load %arg10[%swap3A_95] {strides = array<i32>} : memref<512xi32, #tpu.memory_space<vmem>>, vector<16xi32>,
    tpu.vector_store %arg10[%swap3A_95], %shift_right_logical3A_94 {strides = array<i32>} : memref<512xi32, #tpu.memory_space<vmem>>, vector<16xi32>,
    %and3A_97 = arith.constant 1 : i32
    %and3A_98 = vector.broadcast %and3A_97 : i32 to vector<16xi32>
    %and3A_99 = arith.andi %get3A_91, %and3A_98 : vector<16xi32>
    %shift_left3A_100 = arith.constant 6 : i32
    %shift_left3A_101 = vector.broadcast %shift_left3A_100 : i32 to vector<16xi32>
    %shift_left3A_102 = arith.shli %and3A_99, %shift_left3A_101 : vector<16xi32>
    %swap3A_103 = arith.constant 32 : index
    %swap3A_104 = tpu.vector_load %arg12[%swap3A_103] {strides = array<i32>} : memref<512xi32, #tpu.memory_space<vmem>>, vector<16xi32>,
    tpu.vector_store %arg12[%swap3A_103], %shift_left3A_102 {strides = array<i32>} : memref<512xi32, #tpu.memory_space<vmem>>, vector<16xi32>,
    %get3A_105 = arith.constant 48 : index
    %get3A_106 = tpu.vector_load %arg9[%get3A_105] {strides = array<i32>} : memref<512xi32, #tpu.memory_space<vmem>>, vector<16xi32>,
    %mul3A_107 = arith.constant 7 : i32
    %mul3A_108 = vector.broadcast %mul3A_107 : i32 to vector<16xi32>
    %mul3A_109 = arith.muli %get3A_106, %mul3A_108 : vector<16xi32>
    %get3A_110 = arith.constant 48 : index
    %get3A_111 = tpu.vector_load %arg10[%get3A_110] {strides = array<i32>} : memref<512xi32, #tpu.memory_space<vmem>>, vector<16xi32>,
    %add3A_112 = arith.addi %mul3A_109, %get3A_111 : vector<16xi32>
    %mul3A_113 = arith.constant 21 : i32
    %mul3A_114 = vector.broadcast %mul3A_113 : i32 to vector<16xi32>
    %mul3A_115 = arith.muli %add3A_112, %mul3A_114 : vector<16xi32>
    %get3A_116 = arith.constant 48 : index
    %get3A_117 = tpu.vector_load %arg11[%get3A_116] {strides = array<i32>} : memref<512xi32, #tpu.memory_space<vmem>>, vector<16xi32>,
    %add3A_118 = arith.addi %mul3A_115, %get3A_117 : vector<16xi32>
    %swap3A_119 = arith.constant 48 : index
    %swap3A_120 = tpu.vector_load %arg9[%swap3A_119] {strides = array<i32>} : memref<512xi32, #tpu.memory_space<vmem>>, vector<16xi32>,
    tpu.vector_store %arg9[%swap3A_119], %add3A_118 {strides = array<i32>} : memref<512xi32, #tpu.memory_space<vmem>>, vector<16xi32>,
    %get3A_121 = arith.constant 48 : index
    %get3A_122 = tpu.vector_load %arg12[%get3A_121] {strides = array<i32>} : memref<512xi32, #tpu.memory_space<vmem>>, vector<16xi32>,
    %shift_right_logical3A_123 = arith.constant 1 : i32
    %shift_right_logical3A_124 = vector.broadcast %shift_right_logical3A_123 : i32 to vector<16xi32>
    %shift_right_logical3A_125 = arith.shrui %get3A_122, %shift_right_logical3A_124 : vector<16xi32>
    %swap3A_126 = arith.constant 48 : index
    %swap3A_127 = tpu.vector_load %arg10[%swap3A_126] {strides = array<i32>} : memref<512xi32, #tpu.memory_space<vmem>>, vector<16xi32>,
    tpu.vector_store %arg10[%swap3A_126], %shift_right_logical3A_125 {strides = array<i32>} : memref<512xi32, #tpu.memory_space<vmem>>, vector<16xi32>,
    %and3A_128 = arith.constant 1 : i32
    %and3A_129 = vector.broadcast %and3A_128 : i32 to vector<16xi32>
    %and3A_130 = arith.andi %get3A_122, %and3A_129 : vector<16xi32>
    %shift_left3A_131 = arith.constant 6 : i32
    %shift_left3A_132 = vector.broadcast %shift_left3A_131 : i32 to vector<16xi32>
    %shift_left3A_133 = arith.shli %and3A_130, %shift_left3A_132 : vector<16xi32>
    %swap3A_134 = arith.constant 48 : index
    %swap3A_135 = tpu.vector_load %arg12[%swap3A_134] {strides = array<i32>} : memref<512xi32, #tpu.memory_space<vmem>>, vector<16xi32>,
    tpu.vector_store %arg12[%swap3A_134], %shift_left3A_133 {strides = array<i32>} : memref<512xi32, #tpu.memory_space<vmem>>, vector<16xi32>,
    %get3A_136 = arith.constant 64 : index
    %get3A_137 = tpu.vector_load %arg9[%get3A_136] {strides = array<i32>} : memref<512xi32, #tpu.memory_space<vmem>>, vector<16xi32>,
    %mul3A_138 = arith.constant 7 : i32
    %mul3A_139 = vector.broadcast %mul3A_138 : i32 to vector<16xi32>
    %mul3A_140 = arith.muli %get3A_137, %mul3A_139 : vector<16xi32>
    %get3A_141 = arith.constant 64 : index
    %get3A_142 = tpu.vector_load %arg10[%get3A_141] {strides = array<i32>} : memref<512xi32, #tpu.memory_space<vmem>>, vector<16xi32>,
    %add3A_143 = arith.addi %mul3A_140, %get3A_142 : vector<16xi32>
    %mul3A_144 = arith.constant 21 : i32
    %mul3A_145 = vector.broadcast %mul3A_144 : i32 to vector<16xi32>
    %mul3A_146 = arith.muli %add3A_143, %mul3A_145 : vector<16xi32>
    %get3A_147 = arith.constant 64 : index
    %get3A_148 = tpu.vector_load %arg11[%get3A_147] {strides = array<i32>} : memref<512xi32, #tpu.memory_space<vmem>>, vector<16xi32>,
    %add3A_149 = arith.addi %mul3A_146, %get3A_148 : vector<16xi32>
    %swap3A_150 = arith.constant 64 : index
    %swap3A_151 = tpu.vector_load %arg9[%swap3A_150] {strides = array<i32>} : memref<512xi32, #tpu.memory_space<vmem>>, vector<16xi32>,
    tpu.vector_store %arg9[%swap3A_150], %add3A_149 {strides = array<i32>} : memref<512xi32, #tpu.memory_space<vmem>>, vector<16xi32>,
    %get3A_152 = arith.constant 64 : index
    %get3A_153 = tpu.vector_load %arg12[%get3A_152] {strides = array<i32>} : memref<512xi32, #tpu.memory_space<vmem>>, vector<16xi32>,
    %shift_right_logical3A_154 = arith.constant 1 : i32
    %shift_right_logical3A_155 = vector.broadcast %shift_right_logical3A_154 : i32 to vector<16xi32>
    %shift_right_logical3A_156 = arith.shrui %get3A_153, %shift_right_logical3A_155 : vector<16xi32>
    %swap3A_157 = arith.constant 64 : index
    %swap3A_158 = tpu.vector_load %arg10[%swap3A_157] {strides = array<i32>} : memref<512xi32, #tpu.memory_space<vmem>>, vector<16xi32>,
    tpu.vector_store %arg10[%swap3A_157], %shift_right_logical3A_156 {strides = array<i32>} : memref<512xi32, #tpu.memory_space<vmem>>, vector<16xi32>,
    %and3A_159 = arith.constant 1 : i32
    %and3A_160 = vector.broadcast %and3A_159 : i32 to vector<16xi32>
    %and3A_161 = arith.andi %get3A_153, %and3A_160 : vector<16xi32>
    %shift_left3A_162 = arith.constant 6 : i32
    %shift_left3A_163 = vector.broadcast %shift_left3A_162 : i32 to vector<16xi32>
    %shift_left3A_164 = arith.shli %and3A_161, %shift_left3A_163 : vector<16xi32>
    %swap3A_165 = arith.constant 64 : index
    %swap3A_166 = tpu.vector_load %arg12[%swap3A_165] {strides = array<i32>} : memref<512xi32, #tpu.memory_space<vmem>>, vector<16xi32>,
    tpu.vector_store %arg12[%swap3A_165], %shift_left3A_164 {strides = array<i32>} : memref<512xi32, #tpu.memory_space<vmem>>, vector<16xi32>,
    %get3A_167 = arith.constant 80 : index
    %get3A_168 = tpu.vector_load %arg9[%get3A_167] {strides = array<i32>} : memref<512xi32, #tpu.memory_space<vmem>>, vector<16xi32>,
    %mul3A_169 = arith.constant 7 : i32
    %mul3A_170 = vector.broadcast %mul3A_169 : i32 to vector<16xi32>
    %mul3A_171 = arith.muli %get3A_168, %mul3A_170 : vector<16xi32>
    %get3A_172 = arith.constant 80 : index
    %get3A_173 = tpu.vector_load %arg10[%get3A_172] {strides = array<i32>} : memref<512xi32, #tpu.memory_space<vmem>>, vector<16xi32>,
    %add3A_174 = arith.addi %mul3A_171, %get3A_173 : vector<16xi32>
    %mul3A_175 = arith.constant 21 : i32
    %mul3A_176 = vector.broadcast %mul3A_175 : i32 to vector<16xi32>
    %mul3A_177 = arith.muli %add3A_174, %mul3A_176 : vector<16xi32>
    %get3A_178 = arith.constant 80 : index
    %get3A_179 = tpu.vector_load %arg11[%get3A_178] {strides = array<i32>} : memref<512xi32, #tpu.memory_space<vmem>>, vector<16xi32>,
    %add3A_180 = arith.addi %mul3A_177, %get3A_179 : vector<16xi32>
    %swap3A_181 = arith.constant 80 : index
    %swap3A_182 = tpu.vector_load %arg9[%swap3A_181] {strides = array<i32>} : memref<512xi32, #tpu.memory_space<vmem>>, vector<16xi32>,
    tpu.vector_store %arg9[%swap3A_181], %add3A_180 {strides = array<i32>} : memref<512xi32, #tpu.memory_space<vmem>>, vector<16xi32>,
    %get3A_183 = arith.constant 80 : index
    %get3A_184 = tpu.vector_load %arg12[%get3A_183] {strides = array<i32>} : memref<512xi32, #tpu.memory_space<vmem>>, vector<16xi32>,
    %shift_right_logical3A_185 = arith.constant 1 : i32
    %shift_right_logical3A_186 = vector.broadcast %shift_right_logical3A_185 : i32 to vector<16xi32>
    %shift_right_logical3A_187 = arith.shrui %get3A_184, %shift_right_logical3A_186 : vector<16xi32>
    %swap3A_188 = arith.constant 80 : index
    %swap3A_189 = tpu.vector_load %arg10[%swap3A_188] {strides = array<i32>} : memref<512xi32, #tpu.memory_space<vmem>>, vector<16xi32>,
    tpu.vector_store %arg10[%swap3A_188], %shift_right_logical3A_187 {strides = array<i32>} : memref<512xi32, #tpu.memory_space<vmem>>, vector<16xi32>,
    %and3A_190 = arith.constant 1 : i32
    %and3A_191 = vector.broadcast %and3A_190 : i32 to vector<16xi32>
    %and3A_192 = arith.andi %get3A_184, %and3A_191 : vector<16xi32>
    %shift_left3A_193 = arith.constant 6 : i32
    %shift_left3A_194 = vector.broadcast %shift_left3A_193 : i32 to vector<16xi32>
    %shift_left3A_195 = arith.shli %and3A_192, %shift_left3A_194 : vector<16xi32>
    %swap3A_196 = arith.constant 80 : index
    %swap3A_197 = tpu.vector_load %arg12[%swap3A_196] {strides = array<i32>} : memref<512xi32, #tpu.memory_space<vmem>>, vector<16xi32>,
    tpu.vector_store %arg12[%swap3A_196], %shift_left3A_195 {strides = array<i32>} : memref<512xi32, #tpu.memory_space<vmem>>, vector<16xi32>,
    %get3A_198 = arith.constant 96 : index
    %get3A_199 = tpu.vector_load %arg9[%get3A_198] {strides = array<i32>} : memref<512xi32, #tpu.memory_space<vmem>>, vector<16xi32>,
    %mul3A_200 = arith.constant 7 : i32
    %mul3A_201 = vector.broadcast %mul3A_200 : i32 to vector<16xi32>
    %mul3A_202 = arith.muli %get3A_199, %mul3A_201 : vector<16xi32>
    %get3A_203 = arith.constant 96 : index
    %get3A_204 = tpu.vector_load %arg10[%get3A_203] {strides = array<i32>} : memref<512xi32, #tpu.memory_space<vmem>>, vector<16xi32>,
    %add3A_205 = arith.addi %mul3A_202, %get3A_204 : vector<16xi32>
    %mul3A_206 = arith.constant 21 : i32
    %mul3A_207 = vector.broadcast %mul3A_206 : i32 to vector<16xi32>
    %mul3A_208 = arith.muli %add3A_205, %mul3A_207 : vector<16xi32>
    %get3A_209 = arith.constant 96 : index
    %get3A_210 = tpu.vector_load %arg11[%get3A_209] {strides = array<i32>} : memref<512xi32, #tpu.memory_space<vmem>>, vector<16xi32>,
    %add3A_211 = arith.addi %mul3A_208, %get3A_210 : vector<16xi32>
    %swap3A_212 = arith.constant 96 : index
    %swap3A_213 = tpu.vector_load %arg9[%swap3A_212] {strides = array<i32>} : memref<512xi32, #tpu.memory_space<vmem>>, vector<16xi32>,
    tpu.vector_store %arg9[%swap3A_212], %add3A_211 {strides = array<i32>} : memref<512xi32, #tpu.memory_space<vmem>>, vector<16xi32>,
    %get3A_214 = arith.constant 96 : index
    %get3A_215 = tpu.vector_load %arg12[%get3A_214] {strides = array<i32>} : memref<512xi32, #tpu.memory_space<vmem>>, vector<16xi32>,
    %shift_right_logical3A_216 = arith.constant 1 : i32
    %shift_right_logical3A_217 = vector.broadcast %shift_right_logical3A_216 : i32 to vector<16xi32>
    %shift_right_logical3A_218 = arith.shrui %get3A_215, %shift_right_logical3A_217 : vector<16xi32>
    %swap3A_219 = arith.constant 96 : index
    %swap3A_220 = tpu.vector_load %arg10[%swap3A_219] {strides = array<i32>} : memref<512xi32, #tpu.memory_space<vmem>>, vector<16xi32>,
    tpu.vector_store %arg10[%swap3A_219], %shift_right_logical3A_218 {strides = array<i32>} : memref<512xi32, #tpu.memory_space<vmem>>, vector<16xi32>,
    %and3A_221 = arith.constant 1 : i32
    %and3A_222 = vector.broadcast %and3A_221 : i32 to vector<16xi32>
    %and3A_223 = arith.andi %get3A_215, %and3A_222 : vector<16xi32>
    %shift_left3A_224 = arith.constant 6 : i32
    %shift_left3A_225 = vector.broadcast %shift_left3A_224 : i32 to vector<16xi32>
    %shift_left3A_226 = arith.shli %and3A_223, %shift_left3A_225 : vector<16xi32>
    %swap3A_227 = arith.constant 96 : index
    %swap3A_228 = tpu.vector_load %arg12[%swap3A_227] {strides = array<i32>} : memref<512xi32, #tpu.memory_space<vmem>>, vector<16xi32>,
    tpu.vector_store %arg12[%swap3A_227], %shift_left3A_226 {strides = array<i32>} : memref<512xi32, #tpu.memory_space<vmem>>, vector<16xi32>,
    %get3A_229 = arith.constant 112 : index
    %get3A_230 = tpu.vector_load %arg9[%get3A_229] {strides = array<i32>} : memref<512xi32, #tpu.memory_space<vmem>>, vector<16xi32>,
    %mul3A_231 = arith.constant 7 : i32
    %mul3A_232 = vector.broadcast %mul3A_231 : i32 to vector<16xi32>
    %mul3A_233 = arith.muli %get3A_230, %mul3A_232 : vector<16xi32>
    %get3A_234 = arith.constant 112 : index
    %get3A_235 = tpu.vector_load %arg10[%get3A_234] {strides = array<i32>} : memref<512xi32, #tpu.memory_space<vmem>>, vector<16xi32>,
    %add3A_236 = arith.addi %mul3A_233, %get3A_235 : vector<16xi32>
    %mul3A_237 = arith.constant 21 : i32
    %mul3A_238 = vector.broadcast %mul3A_237 : i32 to vector<16xi32>
    %mul3A_239 = arith.muli %add3A_236, %mul3A_238 : vector<16xi32>
    %get3A_240 = arith.constant 112 : index
    %get3A_241 = tpu.vector_load %arg11[%get3A_240] {strides = array<i32>} : memref<512xi32, #tpu.memory_space<vmem>>, vector<16xi32>,
    %add3A_242 = arith.addi %mul3A_239, %get3A_241 : vector<16xi32>
    %swap3A_243 = arith.constant 112 : index
    %swap3A_244 = tpu.vector_load %arg9[%swap3A_243] {strides = array<i32>} : memref<512xi32, #tpu.memory_space<vmem>>, vector<16xi32>,
    tpu.vector_store %arg9[%swap3A_243], %add3A_242 {strides = array<i32>} : memref<512xi32, #tpu.memory_space<vmem>>, vector<16xi32>,
    %get3A_245 = arith.constant 112 : index
    %get3A_246 = tpu.vector_load %arg12[%get3A_245] {strides = array<i32>} : memref<512xi32, #tpu.memory_space<vmem>>, vector<16xi32>,
    %shift_right_logical3A_247 = arith.constant 1 : i32
    %shift_right_logical3A_248 = vector.broadcast %shift_right_logical3A_247 : i32 to vector<16xi32>
    %shift_right_logical3A_249 = arith.shrui %get3A_246, %shift_right_logical3A_248 : vector<16xi32>
    %swap3A_250 = arith.constant 112 : index
    %swap3A_251 = tpu.vector_load %arg10[%swap3A_250] {strides = array<i32>} : memref<512xi32, #tpu.memory_space<vmem>>, vector<16xi32>,
    tpu.vector_store %arg10[%swap3A_250], %shift_right_logical3A_249 {strides = array<i32>} : memref<512xi32, #tpu.memory_space<vmem>>, vector<16xi32>,
    %and3A_252 = arith.constant 1 : i32
    %and3A_253 = vector.broadcast %and3A_252 : i32 to vector<16xi32>
    %and3A_254 = arith.andi %get3A_246, %and3A_253 : vector<16xi32>
    %shift_left3A_255 = arith.constant 6 : i32
    %shift_left3A_256 = vector.broadcast %shift_left3A_255 : i32 to vector<16xi32>
    %shift_left3A_257 = arith.shli %and3A_254, %shift_left3A_256 : vector<16xi32>
    %swap3A_258 = arith.constant 112 : index
    %swap3A_259 = tpu.vector_load %arg12[%swap3A_258] {strides = array<i32>} : memref<512xi32, #tpu.memory_space<vmem>>, vector<16xi32>,
    tpu.vector_store %arg12[%swap3A_258], %shift_left3A_257 {strides = array<i32>} : memref<512xi32, #tpu.memory_space<vmem>>, vector<16xi32>,
    %get3A_260 = arith.constant 128 : index
    %get3A_261 = tpu.vector_load %arg9[%get3A_260] {strides = array<i32>} : memref<512xi32, #tpu.memory_space<vmem>>, vector<16xi32>,
    %mul3A_262 = arith.constant 7 : i32
    %mul3A_263 = vector.broadcast %mul3A_262 : i32 to vector<16xi32>
    %mul3A_264 = arith.muli %get3A_261, %mul3A_263 : vector<16xi32>
    %get3A_265 = arith.constant 128 : index
    %get3A_266 = tpu.vector_load %arg10[%get3A_265] {strides = array<i32>} : memref<512xi32, #tpu.memory_space<vmem>>, vector<16xi32>,
    %add3A_267 = arith.addi %mul3A_264, %get3A_266 : vector<16xi32>
    %mul3A_268 = arith.constant 21 : i32
    %mul3A_269 = vector.broadcast %mul3A_268 : i32 to vector<16xi32>
    %mul3A_270 = arith.muli %add3A_267, %mul3A_269 : vector<16xi32>
    %get3A_271 = arith.constant 128 : index
    %get3A_272 = tpu.vector_load %arg11[%get3A_271] {strides = array<i32>} : memref<512xi32, #tpu.memory_space<vmem>>, vector<16xi32>,
    %add3A_273 = arith.addi %mul3A_270, %get3A_272 : vector<16xi32>
    %swap3A_274 = arith.constant 128 : index
    %swap3A_275 = tpu.vector_load %arg9[%swap3A_274] {strides = array<i32>} : memref<512xi32, #tpu.memory_space<vmem>>, vector<16xi32>,
    tpu.vector_store %arg9[%swap3A_274], %add3A_273 {strides = array<i32>} : memref<512xi32, #tpu.memory_space<vmem>>, vector<16xi32>,
    %get3A_276 = arith.constant 128 : index
    %get3A_277 = tpu.vector_load %arg12[%get3A_276] {strides = array<i32>} : memref<512xi32, #tpu.memory_space<vmem>>, vector<16xi32>,
    %shift_right_logical3A_278 = arith.constant 1 : i32
    %shift_right_logical3A_279 = vector.broadcast %shift_right_logical3A_278 : i32 to vector<16xi32>
    %shift_right_logical3A_280 = arith.shrui %get3A_277, %shift_right_logical3A_279 : vector<16xi32>
    %swap3A_281 = arith.constant 128 : index
    %swap3A_282 = tpu.vector_load %arg10[%swap3A_281] {strides = array<i32>} : memref<512xi32, #tpu.memory_space<vmem>>, vector<16xi32>,
    tpu.vector_store %arg10[%swap3A_281], %shift_right_logical3A_280 {strides = array<i32>} : memref<512xi32, #tpu.memory_space<vmem>>, vector<16xi32>,
    %and3A_283 = arith.constant 1 : i32
    %and3A_284 = vector.broadcast %and3A_283 : i32 to vector<16xi32>
    %and3A_285 = arith.andi %get3A_277, %and3A_284 : vector<16xi32>
    %shift_left3A_286 = arith.constant 6 : i32
    %shift_left3A_287 = vector.broadcast %shift_left3A_286 : i32 to vector<16xi32>
    %shift_left3A_288 = arith.shli %and3A_285, %shift_left3A_287 : vector<16xi32>
    %swap3A_289 = arith.constant 128 : index
    %swap3A_290 = tpu.vector_load %arg12[%swap3A_289] {strides = array<i32>} : memref<512xi32, #tpu.memory_space<vmem>>, vector<16xi32>,
    tpu.vector_store %arg12[%swap3A_289], %shift_left3A_288 {strides = array<i32>} : memref<512xi32, #tpu.memory_space<vmem>>, vector<16xi32>,
    %get3A_291 = arith.constant 144 : index
    %get3A_292 = tpu.vector_load %arg9[%get3A_291] {strides = array<i32>} : memref<512xi32, #tpu.memory_space<vmem>>, vector<16xi32>,
    %mul3A_293 = arith.constant 7 : i32
    %mul3A_294 = vector.broadcast %mul3A_293 : i32 to vector<16xi32>
    %mul3A_295 = arith.muli %get3A_292, %mul3A_294 : vector<16xi32>
    %get3A_296 = arith.constant 144 : index
    %get3A_297 = tpu.vector_load %arg10[%get3A_296] {strides = array<i32>} : memref<512xi32, #tpu.memory_space<vmem>>, vector<16xi32>,
    %add3A_298 = arith.addi %mul3A_295, %get3A_297 : vector<16xi32>
    %mul3A_299 = arith.constant 21 : i32
    %mul3A_300 = vector.broadcast %mul3A_299 : i32 to vector<16xi32>
    %mul3A_301 = arith.muli %add3A_298, %mul3A_300 : vector<16xi32>
    %get3A_302 = arith.constant 144 : index
    %get3A_303 = tpu.vector_load %arg11[%get3A_302] {strides = array<i32>} : memref<512xi32, #tpu.memory_space<vmem>>, vector<16xi32>,
    %add3A_304 = arith.addi %mul3A_301, %get3A_303 : vector<16xi32>
    %swap3A_305 = arith.constant 144 : index
    %swap3A_306 = tpu.vector_load %arg9[%swap3A_305] {strides = array<i32>} : memref<512xi32, #tpu.memory_space<vmem>>, vector<16xi32>,
    tpu.vector_store %arg9[%swap3A_305], %add3A_304 {strides = array<i32>} : memref<512xi32, #tpu.memory_space<vmem>>, vector<16xi32>,
    %get3A_307 = arith.constant 144 : index
    %get3A_308 = tpu.vector_load %arg12[%get3A_307] {strides = array<i32>} : memref<512xi32, #tpu.memory_space<vmem>>, vector<16xi32>,
    %shift_right_logical3A_309 = arith.constant 1 : i32
    %shift_right_logical3A_310 = vector.broadcast %shift_right_logical3A_309 : i32 to vector<16xi32>
    %shift_right_logical3A_311 = arith.shrui %get3A_308, %shift_right_logical3A_310 : vector<16xi32>
    %swap3A_312 = arith.constant 144 : index
    %swap3A_313 = tpu.vector_load %arg10[%swap3A_312] {strides = array<i32>} : memref<512xi32, #tpu.memory_space<vmem>>, vector<16xi32>,
    tpu.vector_store %arg10[%swap3A_312], %shift_right_logical3A_311 {strides = array<i32>} : memref<512xi32, #tpu.memory_space<vmem>>, vector<16xi32>,
    %and3A_314 = arith.constant 1 : i32
    %and3A_315 = vector.broadcast %and3A_314 : i32 to vector<16xi32>
    %and3A_316 = arith.andi %get3A_308, %and3A_315 : vector<16xi32>
    %shift_left3A_317 = arith.constant 6 : i32
    %shift_left3A_318 = vector.broadcast %shift_left3A_317 : i32 to vector<16xi32>
    %shift_left3A_319 = arith.shli %and3A_316, %shift_left3A_318 : vector<16xi32>
    %swap3A_320 = arith.constant 144 : index
    %swap3A_321 = tpu.vector_load %arg12[%swap3A_320] {strides = array<i32>} : memref<512xi32, #tpu.memory_space<vmem>>, vector<16xi32>,
    tpu.vector_store %arg12[%swap3A_320], %shift_left3A_319 {strides = array<i32>} : memref<512xi32, #tpu.memory_space<vmem>>, vector<16xi32>,
    %get3A_322 = arith.constant 160 : index
    %get3A_323 = tpu.vector_load %arg9[%get3A_322] {strides = array<i32>} : memref<512xi32, #tpu.memory_space<vmem>>, vector<16xi32>,
    %mul3A_324 = arith.constant 7 : i32
    %mul3A_325 = vector.broadcast %mul3A_324 : i32 to vector<16xi32>
    %mul3A_326 = arith.muli %get3A_323, %mul3A_325 : vector<16xi32>
    %get3A_327 = arith.constant 160 : index
    %get3A_328 = tpu.vector_load %arg10[%get3A_327] {strides = array<i32>} : memref<512xi32, #tpu.memory_space<vmem>>, vector<16xi32>,
    %add3A_329 = arith.addi %mul3A_326, %get3A_328 : vector<16xi32>
    %mul3A_330 = arith.constant 21 : i32
    %mul3A_331 = vector.broadcast %mul3A_330 : i32 to vector<16xi32>
    %mul3A_332 = arith.muli %add3A_329, %mul3A_331 : vector<16xi32>
    %get3A_333 = arith.constant 160 : index
    %get3A_334 = tpu.vector_load %arg11[%get3A_333] {strides = array<i32>} : memref<512xi32, #tpu.memory_space<vmem>>, vector<16xi32>,
    %add3A_335 = arith.addi %mul3A_332, %get3A_334 : vector<16xi32>
    %swap3A_336 = arith.constant 160 : index
    %swap3A_337 = tpu.vector_load %arg9[%swap3A_336] {strides = array<i32>} : memref<512xi32, #tpu.memory_space<vmem>>, vector<16xi32>,
    tpu.vector_store %arg9[%swap3A_336], %add3A_335 {strides = array<i32>} : memref<512xi32, #tpu.memory_space<vmem>>, vector<16xi32>,
    %get3A_338 = arith.constant 160 : index
    %get3A_339 = tpu.vector_load %arg12[%get3A_338] {strides = array<i32>} : memref<512xi32, #tpu.memory_space<vmem>>, vector<16xi32>,
    %shift_right_logical3A_340 = arith.constant 1 : i32
    %shift_right_logical3A_341 = vector.broadcast %shift_right_logical3A_340 : i32 to vector<16xi32>
    %shift_right_logical3A_342 = arith.shrui %get3A_339, %shift_right_logical3A_341 : vector<16xi32>
    %swap3A_343 = arith.constant 160 : index
    %swap3A_344 = tpu.vector_load %arg10[%swap3A_343] {strides = array<i32>} : memref<512xi32, #tpu.memory_space<vmem>>, vector<16xi32>,
    tpu.vector_store %arg10[%swap3A_343], %shift_right_logical3A_342 {strides = array<i32>} : memref<512xi32, #tpu.memory_space<vmem>>, vector<16xi32>,
    %and3A_345 = arith.constant 1 : i32
    %and3A_346 = vector.broadcast %and3A_345 : i32 to vector<16xi32>
    %and3A_347 = arith.andi %get3A_339, %and3A_346 : vector<16xi32>
    %shift_left3A_348 = arith.constant 6 : i32
    %shift_left3A_349 = vector.broadcast %shift_left3A_348 : i32 to vector<16xi32>
    %shift_left3A_350 = arith.shli %and3A_347, %shift_left3A_349 : vector<16xi32>
    %swap3A_351 = arith.constant 160 : index
    %swap3A_352 = tpu.vector_load %arg12[%swap3A_351] {strides = array<i32>} : memref<512xi32, #tpu.memory_space<vmem>>, vector<16xi32>,
    tpu.vector_store %arg12[%swap3A_351], %shift_left3A_350 {strides = array<i32>} : memref<512xi32, #tpu.memory_space<vmem>>, vector<16xi32>,
    %get3A_353 = arith.constant 176 : index
    %get3A_354 = tpu.vector_load %arg9[%get3A_353] {strides = array<i32>} : memref<512xi32, #tpu.memory_space<vmem>>, vector<16xi32>,
    %mul3A_355 = arith.constant 7 : i32
    %mul3A_356 = vector.broadcast %mul3A_355 : i32 to vector<16xi32>
    %mul3A_357 = arith.muli %get3A_354, %mul3A_356 : vector<16xi32>
    %get3A_358 = arith.constant 176 : index
    %get3A_359 = tpu.vector_load %arg10[%get3A_358] {strides = array<i32>} : memref<512xi32, #tpu.memory_space<vmem>>, vector<16xi32>,
    %add3A_360 = arith.addi %mul3A_357, %get3A_359 : vector<16xi32>
    %mul3A_361 = arith.constant 21 : i32
    %mul3A_362 = vector.broadcast %mul3A_361 : i32 to vector<16xi32>
    %mul3A_363 = arith.muli %add3A_360, %mul3A_362 : vector<16xi32>
    %get3A_364 = arith.constant 176 : index
    %get3A_365 = tpu.vector_load %arg11[%get3A_364] {strides = array<i32>} : memref<512xi32, #tpu.memory_space<vmem>>, vector<16xi32>,
    %add3A_366 = arith.addi %mul3A_363, %get3A_365 : vector<16xi32>
    %swap3A_367 = arith.constant 176 : index
    %swap3A_368 = tpu.vector_load %arg9[%swap3A_367] {strides = array<i32>} : memref<512xi32, #tpu.memory_space<vmem>>, vector<16xi32>,
    tpu.vector_store %arg9[%swap3A_367], %add3A_366 {strides = array<i32>} : memref<512xi32, #tpu.memory_space<vmem>>, vector<16xi32>,
    %get3A_369 = arith.constant 176 : index
    %get3A_370 = tpu.vector_load %arg12[%get3A_369] {strides = array<i32>} : memref<512xi32, #tpu.memory_space<vmem>>, vector<16xi32>,
    %shift_right_logical3A_371 = arith.constant 1 : i32
    %shift_right_logical3A_372 = vector.broadcast %shift_right_logical3A_371 : i32 to vector<16xi32>
    %shift_right_logical3A_373 = arith.shrui %get3A_370, %shift_right_logical3A_372 : vector<16xi32>
    %swap3A_374 = arith.constant 176 : index
    %swap3A_375 = tpu.vector_load %arg10[%swap3A_374] {strides = array<i32>} : memref<512xi32, #tpu.memory_space<vmem>>, vector<16xi32>,
    tpu.vector_store %arg10[%swap3A_374], %shift_right_logical3A_373 {strides = array<i32>} : memref<512xi32, #tpu.memory_space<vmem>>, vector<16xi32>,
    %and3A_376 = arith.constant 1 : i32
    %and3A_377 = vector.broadcast %and3A_376 : i32 to vector<16xi32>
    %and3A_378 = arith.andi %get3A_370, %and3A_377 : vector<16xi32>
    %shift_left3A_379 = arith.constant 6 : i32
    %shift_left3A_380 = vector.broadcast %shift_left3A_379 : i32 to vector<16xi32>
    %shift_left3A_381 = arith.shli %and3A_378, %shift_left3A_380 : vector<16xi32>
    %swap3A_382 = arith.constant 176 : index
    %swap3A_383 = tpu.vector_load %arg12[%swap3A_382] {strides = array<i32>} : memref<512xi32, #tpu.memory_space<vmem>>, vector<16xi32>,
    tpu.vector_store %arg12[%swap3A_382], %shift_left3A_381 {strides = array<i32>} : memref<512xi32, #tpu.memory_space<vmem>>, vector<16xi32>,
    %get3A_384 = arith.constant 192 : index
    %get3A_385 = tpu.vector_load %arg9[%get3A_384] {strides = array<i32>} : memref<512xi32, #tpu.memory_space<vmem>>, vector<16xi32>,
    %mul3A_386 = arith.constant 7 : i32
    %mul3A_387 = vector.broadcast %mul3A_386 : i32 to vector<16xi32>
    %mul3A_388 = arith.muli %get3A_385, %mul3A_387 : vector<16xi32>
    %get3A_389 = arith.constant 192 : index
    %get3A_390 = tpu.vector_load %arg10[%get3A_389] {strides = array<i32>} : memref<512xi32, #tpu.memory_space<vmem>>, vector<16xi32>,
    %add3A_391 = arith.addi %mul3A_388, %get3A_390 : vector<16xi32>
    %mul3A_392 = arith.constant 21 : i32
    %mul3A_393 = vector.broadcast %mul3A_392 : i32 to vector<16xi32>
    %mul3A_394 = arith.muli %add3A_391, %mul3A_393 : vector<16xi32>
    %get3A_395 = arith.constant 192 : index
    %get3A_396 = tpu.vector_load %arg11[%get3A_395] {strides = array<i32>} : memref<512xi32, #tpu.memory_space<vmem>>, vector<16xi32>,
    %add3A_397 = arith.addi %mul3A_394, %get3A_396 : vector<16xi32>
    %swap3A_398 = arith.constant 192 : index
    %swap3A_399 = tpu.vector_load %arg9[%swap3A_398] {strides = array<i32>} : memref<512xi32, #tpu.memory_space<vmem>>, vector<16xi32>,
    tpu.vector_store %arg9[%swap3A_398], %add3A_397 {strides = array<i32>} : memref<512xi32, #tpu.memory_space<vmem>>, vector<16xi32>,
    %get3A_400 = arith.constant 192 : index
    %get3A_401 = tpu.vector_load %arg12[%get3A_400] {strides = array<i32>} : memref<512xi32, #tpu.memory_space<vmem>>, vector<16xi32>,
    %shift_right_logical3A_402 = arith.constant 1 : i32
    %shift_right_logical3A_403 = vector.broadcast %shift_right_logical3A_402 : i32 to vector<16xi32>
    %shift_right_logical3A_404 = arith.shrui %get3A_401, %shift_right_logical3A_403 : vector<16xi32>
    %swap3A_405 = arith.constant 192 : index
    %swap3A_406 = tpu.vector_load %arg10[%swap3A_405] {strides = array<i32>} : memref<512xi32, #tpu.memory_space<vmem>>, vector<16xi32>,
    tpu.vector_store %arg10[%swap3A_405], %shift_right_logical3A_404 {strides = array<i32>} : memref<512xi32, #tpu.memory_space<vmem>>, vector<16xi32>,
    %and3A_407 = arith.constant 1 : i32
    %and3A_408 = vector.broadcast %and3A_407 : i32 to vector<16xi32>
    %and3A_409 = arith.andi %get3A_401, %and3A_408 : vector<16xi32>
    %shift_left3A_410 = arith.constant 6 : i32
    %shift_left3A_411 = vector.broadcast %shift_left3A_410 : i32 to vector<16xi32>
    %shift_left3A_412 = arith.shli %and3A_409, %shift_left3A_411 : vector<16xi32>
    %swap3A_413 = arith.constant 192 : index
    %swap3A_414 = tpu.vector_load %arg12[%swap3A_413] {strides = array<i32>} : memref<512xi32, #tpu.memory_space<vmem>>, vector<16xi32>,
    tpu.vector_store %arg12[%swap3A_413], %shift_left3A_412 {strides = array<i32>} : memref<512xi32, #tpu.memory_space<vmem>>, vector<16xi32>,
    %get3A_415 = arith.constant 208 : index
    %get3A_416 = tpu.vector_load %arg9[%get3A_415] {strides = array<i32>} : memref<512xi32, #tpu.memory_space<vmem>>, vector<16xi32>,
    %mul3A_417 = arith.constant 7 : i32
    %mul3A_418 = vector.broadcast %mul3A_417 : i32 to vector<16xi32>
    %mul3A_419 = arith.muli %get3A_416, %mul3A_418 : vector<16xi32>
    %get3A_420 = arith.constant 208 : index
    %get3A_421 = tpu.vector_load %arg10[%get3A_420] {strides = array<i32>} : memref<512xi32, #tpu.memory_space<vmem>>, vector<16xi32>,
    %add3A_422 = arith.addi %mul3A_419, %get3A_421 : vector<16xi32>
    %mul3A_423 = arith.constant 21 : i32
    %mul3A_424 = vector.broadcast %mul3A_423 : i32 to vector<16xi32>
    %mul3A_425 = arith.muli %add3A_422, %mul3A_424 : vector<16xi32>
    %get3A_426 = arith.constant 208 : index
    %get3A_427 = tpu.vector_load %arg11[%get3A_426] {strides = array<i32>} : memref<512xi32, #tpu.memory_space<vmem>>, vector<16xi32>,
    %add3A_428 = arith.addi %mul3A_425, %get3A_427 : vector<16xi32>
    %swap3A_429 = arith.constant 208 : index
    %swap3A_430 = tpu.vector_load %arg9[%swap3A_429] {strides = array<i32>} : memref<512xi32, #tpu.memory_space<vmem>>, vector<16xi32>,
    tpu.vector_store %arg9[%swap3A_429], %add3A_428 {strides = array<i32>} : memref<512xi32, #tpu.memory_space<vmem>>, vector<16xi32>,
    %get3A_431 = arith.constant 208 : index
    %get3A_432 = tpu.vector_load %arg12[%get3A_431] {strides = array<i32>} : memref<512xi32, #tpu.memory_space<vmem>>, vector<16xi32>,
    %shift_right_logical3A_433 = arith.constant 1 : i32
    %shift_right_logical3A_434 = vector.broadcast %shift_right_logical3A_433 : i32 to vector<16xi32>
    %shift_right_logical3A_435 = arith.shrui %get3A_432, %shift_right_logical3A_434 : vector<16xi32>
    %swap3A_436 = arith.constant 208 : index
    %swap3A_437 = tpu.vector_load %arg10[%swap3A_436] {strides = array<i32>} : memref<512xi32, #tpu.memory_space<vmem>>, vector<16xi32>,
    tpu.vector_store %arg10[%swap3A_436], %shift_right_logical3A_435 {strides = array<i32>} : memref<512xi32, #tpu.memory_space<vmem>>, vector<16xi32>,
    %and3A_438 = arith.constant 1 : i32
    %and3A_439 = vector.broadcast %and3A_438 : i32 to vector<16xi32>
    %and3A_440 = arith.andi %get3A_432, %and3A_439 : vector<16xi32>
    %shift_left3A_441 = arith.constant 6 : i32
    %shift_left3A_442 = vector.broadcast %shift_left3A_441 : i32 to vector<16xi32>
    %shift_left3A_443 = arith.shli %and3A_440, %shift_left3A_442 : vector<16xi32>
    %swap3A_444 = arith.constant 208 : index
    %swap3A_445 = tpu.vector_load %arg12[%swap3A_444] {strides = array<i32>} : memref<512xi32, #tpu.memory_space<vmem>>, vector<16xi32>,
    tpu.vector_store %arg12[%swap3A_444], %shift_left3A_443 {strides = array<i32>} : memref<512xi32, #tpu.memory_space<vmem>>, vector<16xi32>,
    %get3A_446 = arith.constant 224 : index
    %get3A_447 = tpu.vector_load %arg9[%get3A_446] {strides = array<i32>} : memref<512xi32, #tpu.memory_space<vmem>>, vector<16xi32>,
    %mul3A_448 = arith.constant 7 : i32
    %mul3A_449 = vector.broadcast %mul3A_448 : i32 to vector<16xi32>
    %mul3A_450 = arith.muli %get3A_447, %mul3A_449 : vector<16xi32>
    %get3A_451 = arith.constant 224 : index
    %get3A_452 = tpu.vector_load %arg10[%get3A_451] {strides = array<i32>} : memref<512xi32, #tpu.memory_space<vmem>>, vector<16xi32>,
    %add3A_453 = arith.addi %mul3A_450, %get3A_452 : vector<16xi32>
    %mul3A_454 = arith.constant 21 : i32
    %mul3A_455 = vector.broadcast %mul3A_454 : i32 to vector<16xi32>
    %mul3A_456 = arith.muli %add3A_453, %mul3A_455 : vector<16xi32>
    %get3A_457 = arith.constant 224 : index
    %get3A_458 = tpu.vector_load %arg11[%get3A_457] {strides = array<i32>} : memref<512xi32, #tpu.memory_space<vmem>>, vector<16xi32>,
    %add3A_459 = arith.addi %mul3A_456, %get3A_458 : vector<16xi32>
    %swap3A_460 = arith.constant 224 : index
    %swap3A_461 = tpu.vector_load %arg9[%swap3A_460] {strides = array<i32>} : memref<512xi32, #tpu.memory_space<vmem>>, vector<16xi32>,
    tpu.vector_store %arg9[%swap3A_460], %add3A_459 {strides = array<i32>} : memref<512xi32, #tpu.memory_space<vmem>>, vector<16xi32>,
    %get3A_462 = arith.constant 224 : index
    %get3A_463 = tpu.vector_load %arg12[%get3A_462] {strides = array<i32>} : memref<512xi32, #tpu.memory_space<vmem>>, vector<16xi32>,
    %shift_right_logical3A_464 = arith.constant 1 : i32
    %shift_right_logical3A_465 = vector.broadcast %shift_right_logical3A_464 : i32 to vector<16xi32>
    %shift_right_logical3A_466 = arith.shrui %get3A_463, %shift_right_logical3A_465 : vector<16xi32>
    %swap3A_467 = arith.constant 224 : index
    %swap3A_468 = tpu.vector_load %arg10[%swap3A_467] {strides = array<i32>} : memref<512xi32, #tpu.memory_space<vmem>>, vector<16xi32>,
    tpu.vector_store %arg10[%swap3A_467], %shift_right_logical3A_466 {strides = array<i32>} : memref<512xi32, #tpu.memory_space<vmem>>, vector<16xi32>,
    %and3A_469 = arith.constant 1 : i32
    %and3A_470 = vector.broadcast %and3A_469 : i32 to vector<16xi32>
    %and3A_471 = arith.andi %get3A_463, %and3A_470 : vector<16xi32>
    %shift_left3A_472 = arith.constant 6 : i32
    %shift_left3A_473 = vector.broadcast %shift_left3A_472 : i32 to vector<16xi32>
    %shift_left3A_474 = arith.shli %and3A_471, %shift_left3A_473 : vector<16xi32>
    %swap3A_475 = arith.constant 224 : index
    %swap3A_476 = tpu.vector_load %arg12[%swap3A_475] {strides = array<i32>} : memref<512xi32, #tpu.memory_space<vmem>>, vector<16xi32>,
    tpu.vector_store %arg12[%swap3A_475], %shift_left3A_474 {strides = array<i32>} : memref<512xi32, #tpu.memory_space<vmem>>, vector<16xi32>,
    %get3A_477 = arith.constant 240 : index
    %get3A_478 = tpu.vector_load %arg9[%get3A_477] {strides = array<i32>} : memref<512xi32, #tpu.memory_space<vmem>>, vector<16xi32>,
    %mul3A_479 = arith.constant 7 : i32
    %mul3A_480 = vector.broadcast %mul3A_479 : i32 to vector<16xi32>
    %mul3A_481 = arith.muli %get3A_478, %mul3A_480 : vector<16xi32>
    %get3A_482 = arith.constant 240 : index
    %get3A_483 = tpu.vector_load %arg10[%get3A_482] {strides = array<i32>} : memref<512xi32, #tpu.memory_space<vmem>>, vector<16xi32>,
    %add3A_484 = arith.addi %mul3A_481, %get3A_483 : vector<16xi32>
    %mul3A_485 = arith.constant 21 : i32
    %mul3A_486 = vector.broadcast %mul3A_485 : i32 to vector<16xi32>
    %mul3A_487 = arith.muli %add3A_484, %mul3A_486 : vector<16xi32>
    %get3A_488 = arith.constant 240 : index
    %get3A_489 = tpu.vector_load %arg11[%get3A_488] {strides = array<i32>} : memref<512xi32, #tpu.memory_space<vmem>>, vector<16xi32>,
    %add3A_490 = arith.addi %mul3A_487, %get3A_489 : vector<16xi32>
    %swap3A_491 = arith.constant 240 : index
    %swap3A_492 = tpu.vector_load %arg9[%swap3A_491] {strides = array<i32>} : memref<512xi32, #tpu.memory_space<vmem>>, vector<16xi32>,
    tpu.vector_store %arg9[%swap3A_491], %add3A_490 {strides = array<i32>} : memref<512xi32, #tpu.memory_space<vmem>>, vector<16xi32>,
    %get3A_493 = arith.constant 240 : index
    %get3A_494 = tpu.vector_load %arg12[%get3A_493] {strides = array<i32>} : memref<512xi32, #tpu.memory_space<vmem>>, vector<16xi32>,
    %shift_right_logical3A_495 = arith.constant 1 : i32
    %shift_right_logical3A_496 = vector.broadcast %shift_right_logical3A_495 : i32 to vector<16xi32>
    %shift_right_logical3A_497 = arith.shrui %get3A_494, %shift_right_logical3A_496 : vector<16xi32>
    %swap3A_498 = arith.constant 240 : index
    %swap3A_499 = tpu.vector_load %arg10[%swap3A_498] {strides = array<i32>} : memref<512xi32, #tpu.memory_space<vmem>>, vector<16xi32>,
    tpu.vector_store %arg10[%swap3A_498], %shift_right_logical3A_497 {strides = array<i32>} : memref<512xi32, #tpu.memory_space<vmem>>, vector<16xi32>,
    %and3A_500 = arith.constant 1 : i32
    %and3A_501 = vector.broadcast %and3A_500 : i32 to vector<16xi32>
    %and3A_502 = arith.andi %get3A_494, %and3A_501 : vector<16xi32>
    %shift_left3A_503 = arith.constant 6 : i32
    %shift_left3A_504 = vector.broadcast %shift_left3A_503 : i32 to vector<16xi32>
    %shift_left3A_505 = arith.shli %and3A_502, %shift_left3A_504 : vector<16xi32>
    %swap3A_506 = arith.constant 240 : index
    %swap3A_507 = tpu.vector_load %arg12[%swap3A_506] {strides = array<i32>} : memref<512xi32, #tpu.memory_space<vmem>>, vector<16xi32>,
    tpu.vector_store %arg12[%swap3A_506], %shift_left3A_505 {strides = array<i32>} : memref<512xi32, #tpu.memory_space<vmem>>, vector<16xi32>,
    %get3A_508 = arith.constant 256 : index
    %get3A_509 = tpu.vector_load %arg9[%get3A_508] {strides = array<i32>} : memref<512xi32, #tpu.memory_space<vmem>>, vector<16xi32>,
    %mul3A_510 = arith.constant 7 : i32
    %mul3A_511 = vector.broadcast %mul3A_510 : i32 to vector<16xi32>
    %mul3A_512 = arith.muli %get3A_509, %mul3A_511 : vector<16xi32>
    %get3A_513 = arith.constant 256 : index
    %get3A_514 = tpu.vector_load %arg10[%get3A_513] {strides = array<i32>} : memref<512xi32, #tpu.memory_space<vmem>>, vector<16xi32>,
    %add3A_515 = arith.addi %mul3A_512, %get3A_514 : vector<16xi32>
    %mul3A_516 = arith.constant 21 : i32
    %mul3A_517 = vector.broadcast %mul3A_516 : i32 to vector<16xi32>
    %mul3A_518 = arith.muli %add3A_515, %mul3A_517 : vector<16xi32>
    %get3A_519 = arith.constant 256 : index
    %get3A_520 = tpu.vector_load %arg11[%get3A_519] {strides = array<i32>} : memref<512xi32, #tpu.memory_space<vmem>>, vector<16xi32>,
    %add3A_521 = arith.addi %mul3A_518, %get3A_520 : vector<16xi32>
    %swap3A_522 = arith.constant 256 : index
    %swap3A_523 = tpu.vector_load %arg9[%swap3A_522] {strides = array<i32>} : memref<512xi32, #tpu.memory_space<vmem>>, vector<16xi32>,
    tpu.vector_store %arg9[%swap3A_522], %add3A_521 {strides = array<i32>} : memref<512xi32, #tpu.memory_space<vmem>>, vector<16xi32>,
    %get3A_524 = arith.constant 256 : index
    %get3A_525 = tpu.vector_load %arg12[%get3A_524] {strides = array<i32>} : memref<512xi32, #tpu.memory_space<vmem>>, vector<16xi32>,
    %shift_right_logical3A_526 = arith.constant 1 : i32
    %shift_right_logical3A_527 = vector.broadcast %shift_right_logical3A_526 : i32 to vector<16xi32>
    %shift_right_logical3A_528 = arith.shrui %get3A_525, %shift_right_logical3A_527 : vector<16xi32>
    %swap3A_529 = arith.constant 256 : index
    %swap3A_530 = tpu.vector_load %arg10[%swap3A_529] {strides = array<i32>} : memref<512xi32, #tpu.memory_space<vmem>>, vector<16xi32>,
    tpu.vector_store %arg10[%swap3A_529], %shift_right_logical3A_528 {strides = array<i32>} : memref<512xi32, #tpu.memory_space<vmem>>, vector<16xi32>,
    %and3A_531 = arith.constant 1 : i32
    %and3A_532 = vector.broadcast %and3A_531 : i32 to vector<16xi32>
    %and3A_533 = arith.andi %get3A_525, %and3A_532 : vector<16xi32>
    %shift_left3A_534 = arith.constant 6 : i32
    %shift_left3A_535 = vector.broadcast %shift_left3A_534 : i32 to vector<16xi32>
    %shift_left3A_536 = arith.shli %and3A_533, %shift_left3A_535 : vector<16xi32>
    %swap3A_537 = arith.constant 256 : index
    %swap3A_538 = tpu.vector_load %arg12[%swap3A_537] {strides = array<i32>} : memref<512xi32, #tpu.memory_space<vmem>>, vector<16xi32>,
    tpu.vector_store %arg12[%swap3A_537], %shift_left3A_536 {strides = array<i32>} : memref<512xi32, #tpu.memory_space<vmem>>, vector<16xi32>,
    %get3A_539 = arith.constant 272 : index
    %get3A_540 = tpu.vector_load %arg9[%get3A_539] {strides = array<i32>} : memref<512xi32, #tpu.memory_space<vmem>>, vector<16xi32>,
    %mul3A_541 = arith.constant 7 : i32
    %mul3A_542 = vector.broadcast %mul3A_541 : i32 to vector<16xi32>
    %mul3A_543 = arith.muli %get3A_540, %mul3A_542 : vector<16xi32>
    %get3A_544 = arith.constant 272 : index
    %get3A_545 = tpu.vector_load %arg10[%get3A_544] {strides = array<i32>} : memref<512xi32, #tpu.memory_space<vmem>>, vector<16xi32>,
    %add3A_546 = arith.addi %mul3A_543, %get3A_545 : vector<16xi32>
    %mul3A_547 = arith.constant 21 : i32
    %mul3A_548 = vector.broadcast %mul3A_547 : i32 to vector<16xi32>
    %mul3A_549 = arith.muli %add3A_546, %mul3A_548 : vector<16xi32>
    %get3A_550 = arith.constant 272 : index
    %get3A_551 = tpu.vector_load %arg11[%get3A_550] {strides = array<i32>} : memref<512xi32, #tpu.memory_space<vmem>>, vector<16xi32>,
    %add3A_552 = arith.addi %mul3A_549, %get3A_551 : vector<16xi32>
    %swap3A_553 = arith.constant 272 : index
    %swap3A_554 = tpu.vector_load %arg9[%swap3A_553] {strides = array<i32>} : memref<512xi32, #tpu.memory_space<vmem>>, vector<16xi32>,
    tpu.vector_store %arg9[%swap3A_553], %add3A_552 {strides = array<i32>} : memref<512xi32, #tpu.memory_space<vmem>>, vector<16xi32>,
    %get3A_555 = arith.constant 272 : index
    %get3A_556 = tpu.vector_load %arg12[%get3A_555] {strides = array<i32>} : memref<512xi32, #tpu.memory_space<vmem>>, vector<16xi32>,
    %shift_right_logical3A_557 = arith.constant 1 : i32
    %shift_right_logical3A_558 = vector.broadcast %shift_right_logical3A_557 : i32 to vector<16xi32>
    %shift_right_logical3A_559 = arith.shrui %get3A_556, %shift_right_logical3A_558 : vector<16xi32>
    %swap3A_560 = arith.constant 272 : index
    %swap3A_561 = tpu.vector_load %arg10[%swap3A_560] {strides = array<i32>} : memref<512xi32, #tpu.memory_space<vmem>>, vector<16xi32>,
    tpu.vector_store %arg10[%swap3A_560], %shift_right_logical3A_559 {strides = array<i32>} : memref<512xi32, #tpu.memory_space<vmem>>, vector<16xi32>,
    %and3A_562 = arith.constant 1 : i32
    %and3A_563 = vector.broadcast %and3A_562 : i32 to vector<16xi32>
    %and3A_564 = arith.andi %get3A_556, %and3A_563 : vector<16xi32>
    %shift_left3A_565 = arith.constant 6 : i32
    %shift_left3A_566 = vector.broadcast %shift_left3A_565 : i32 to vector<16xi32>
    %shift_left3A_567 = arith.shli %and3A_564, %shift_left3A_566 : vector<16xi32>
    %swap3A_568 = arith.constant 272 : index
    %swap3A_569 = tpu.vector_load %arg12[%swap3A_568] {strides = array<i32>} : memref<512xi32, #tpu.memory_space<vmem>>, vector<16xi32>,
    tpu.vector_store %arg12[%swap3A_568], %shift_left3A_567 {strides = array<i32>} : memref<512xi32, #tpu.memory_space<vmem>>, vector<16xi32>,
    %get3A_570 = arith.constant 288 : index
    %get3A_571 = tpu.vector_load %arg9[%get3A_570] {strides = array<i32>} : memref<512xi32, #tpu.memory_space<vmem>>, vector<16xi32>,
    %mul3A_572 = arith.constant 7 : i32
    %mul3A_573 = vector.broadcast %mul3A_572 : i32 to vector<16xi32>
    %mul3A_574 = arith.muli %get3A_571, %mul3A_573 : vector<16xi32>
    %get3A_575 = arith.constant 288 : index
    %get3A_576 = tpu.vector_load %arg10[%get3A_575] {strides = array<i32>} : memref<512xi32, #tpu.memory_space<vmem>>, vector<16xi32>,
    %add3A_577 = arith.addi %mul3A_574, %get3A_576 : vector<16xi32>
    %mul3A_578 = arith.constant 21 : i32
    %mul3A_579 = vector.broadcast %mul3A_578 : i32 to vector<16xi32>
    %mul3A_580 = arith.muli %add3A_577, %mul3A_579 : vector<16xi32>
    %get3A_581 = arith.constant 288 : index
    %get3A_582 = tpu.vector_load %arg11[%get3A_581] {strides = array<i32>} : memref<512xi32, #tpu.memory_space<vmem>>, vector<16xi32>,
    %add3A_583 = arith.addi %mul3A_580, %get3A_582 : vector<16xi32>
    %swap3A_584 = arith.constant 288 : index
    %swap3A_585 = tpu.vector_load %arg9[%swap3A_584] {strides = array<i32>} : memref<512xi32, #tpu.memory_space<vmem>>, vector<16xi32>,
    tpu.vector_store %arg9[%swap3A_584], %add3A_583 {strides = array<i32>} : memref<512xi32, #tpu.memory_space<vmem>>, vector<16xi32>,
    %get3A_586 = arith.constant 288 : index
    %get3A_587 = tpu.vector_load %arg12[%get3A_586] {strides = array<i32>} : memref<512xi32, #tpu.memory_space<vmem>>, vector<16xi32>,
    %shift_right_logical3A_588 = arith.constant 1 : i32
    %shift_right_logical3A_589 = vector.broadcast %shift_right_logical3A_588 : i32 to vector<16xi32>
    %shift_right_logical3A_590 = arith.shrui %get3A_587, %shift_right_logical3A_589 : vector<16xi32>
    %swap3A_591 = arith.constant 288 : index
    %swap3A_592 = tpu.vector_load %arg10[%swap3A_591] {strides = array<i32>} : memref<512xi32, #tpu.memory_space<vmem>>, vector<16xi32>,
    tpu.vector_store %arg10[%swap3A_591], %shift_right_logical3A_590 {strides = array<i32>} : memref<512xi32, #tpu.memory_space<vmem>>, vector<16xi32>,
    %and3A_593 = arith.constant 1 : i32
    %and3A_594 = vector.broadcast %and3A_593 : i32 to vector<16xi32>
    %and3A_595 = arith.andi %get3A_587, %and3A_594 : vector<16xi32>
    %shift_left3A_596 = arith.constant 6 : i32
    %shift_left3A_597 = vector.broadcast %shift_left3A_596 : i32 to vector<16xi32>
    %shift_left3A_598 = arith.shli %and3A_595, %shift_left3A_597 : vector<16xi32>
    %swap3A_599 = arith.constant 288 : index
    %swap3A_600 = tpu.vector_load %arg12[%swap3A_599] {strides = array<i32>} : memref<512xi32, #tpu.memory_space<vmem>>, vector<16xi32>,
    tpu.vector_store %arg12[%swap3A_599], %shift_left3A_598 {strides = array<i32>} : memref<512xi32, #tpu.memory_space<vmem>>, vector<16xi32>,
    %get3A_601 = arith.constant 304 : index
    %get3A_602 = tpu.vector_load %arg9[%get3A_601] {strides = array<i32>} : memref<512xi32, #tpu.memory_space<vmem>>, vector<16xi32>,
    %mul3A_603 = arith.constant 7 : i32
    %mul3A_604 = vector.broadcast %mul3A_603 : i32 to vector<16xi32>
    %mul3A_605 = arith.muli %get3A_602, %mul3A_604 : vector<16xi32>
    %get3A_606 = arith.constant 304 : index
    %get3A_607 = tpu.vector_load %arg10[%get3A_606] {strides = array<i32>} : memref<512xi32, #tpu.memory_space<vmem>>, vector<16xi32>,
    %add3A_608 = arith.addi %mul3A_605, %get3A_607 : vector<16xi32>
    %mul3A_609 = arith.constant 21 : i32
    %mul3A_610 = vector.broadcast %mul3A_609 : i32 to vector<16xi32>
    %mul3A_611 = arith.muli %add3A_608, %mul3A_610 : vector<16xi32>
    %get3A_612 = arith.constant 304 : index
    %get3A_613 = tpu.vector_load %arg11[%get3A_612] {strides = array<i32>} : memref<512xi32, #tpu.memory_space<vmem>>, vector<16xi32>,
    %add3A_614 = arith.addi %mul3A_611, %get3A_613 : vector<16xi32>
    %swap3A_615 = arith.constant 304 : index
    %swap3A_616 = tpu.vector_load %arg9[%swap3A_615] {strides = array<i32>} : memref<512xi32, #tpu.memory_space<vmem>>, vector<16xi32>,
    tpu.vector_store %arg9[%swap3A_615], %add3A_614 {strides = array<i32>} : memref<512xi32, #tpu.memory_space<vmem>>, vector<16xi32>,
    %get3A_617 = arith.constant 304 : index
    %get3A_618 = tpu.vector_load %arg12[%get3A_617] {strides = array<i32>} : memref<512xi32, #tpu.memory_space<vmem>>, vector<16xi32>,
    %shift_right_logical3A_619 = arith.constant 1 : i32
    %shift_right_logical3A_620 = vector.broadcast %shift_right_logical3A_619 : i32 to vector<16xi32>
    %shift_right_logical3A_621 = arith.shrui %get3A_618, %shift_right_logical3A_620 : vector<16xi32>
    %swap3A_622 = arith.constant 304 : index
    %swap3A_623 = tpu.vector_load %arg10[%swap3A_622] {strides = array<i32>} : memref<512xi32, #tpu.memory_space<vmem>>, vector<16xi32>,
    tpu.vector_store %arg10[%swap3A_622], %shift_right_logical3A_621 {strides = array<i32>} : memref<512xi32, #tpu.memory_space<vmem>>, vector<16xi32>,
    %and3A_624 = arith.constant 1 : i32
    %and3A_625 = vector.broadcast %and3A_624 : i32 to vector<16xi32>
    %and3A_626 = arith.andi %get3A_618, %and3A_625 : vector<16xi32>
    %shift_left3A_627 = arith.constant 6 : i32
    %shift_left3A_628 = vector.broadcast %shift_left3A_627 : i32 to vector<16xi32>
    %shift_left3A_629 = arith.shli %and3A_626, %shift_left3A_628 : vector<16xi32>
    %swap3A_630 = arith.constant 304 : index
    %swap3A_631 = tpu.vector_load %arg12[%swap3A_630] {strides = array<i32>} : memref<512xi32, #tpu.memory_space<vmem>>, vector<16xi32>,
    tpu.vector_store %arg12[%swap3A_630], %shift_left3A_629 {strides = array<i32>} : memref<512xi32, #tpu.memory_space<vmem>>, vector<16xi32>,
    %get3A_632 = arith.constant 320 : index
    %get3A_633 = tpu.vector_load %arg9[%get3A_632] {strides = array<i32>} : memref<512xi32, #tpu.memory_space<vmem>>, vector<16xi32>,
    %mul3A_634 = arith.constant 7 : i32
    %mul3A_635 = vector.broadcast %mul3A_634 : i32 to vector<16xi32>
    %mul3A_636 = arith.muli %get3A_633, %mul3A_635 : vector<16xi32>
    %get3A_637 = arith.constant 320 : index
    %get3A_638 = tpu.vector_load %arg10[%get3A_637] {strides = array<i32>} : memref<512xi32, #tpu.memory_space<vmem>>, vector<16xi32>,
    %add3A_639 = arith.addi %mul3A_636, %get3A_638 : vector<16xi32>
    %mul3A_640 = arith.constant 21 : i32
    %mul3A_641 = vector.broadcast %mul3A_640 : i32 to vector<16xi32>
    %mul3A_642 = arith.muli %add3A_639, %mul3A_641 : vector<16xi32>
    %get3A_643 = arith.constant 320 : index
    %get3A_644 = tpu.vector_load %arg11[%get3A_643] {strides = array<i32>} : memref<512xi32, #tpu.memory_space<vmem>>, vector<16xi32>,
    %add3A_645 = arith.addi %mul3A_642, %get3A_644 : vector<16xi32>
    %swap3A_646 = arith.constant 320 : index
    %swap3A_647 = tpu.vector_load %arg9[%swap3A_646] {strides = array<i32>} : memref<512xi32, #tpu.memory_space<vmem>>, vector<16xi32>,
    tpu.vector_store %arg9[%swap3A_646], %add3A_645 {strides = array<i32>} : memref<512xi32, #tpu.memory_space<vmem>>, vector<16xi32>,
    %get3A_648 = arith.constant 320 : index
    %get3A_649 = tpu.vector_load %arg12[%get3A_648] {strides = array<i32>} : memref<512xi32, #tpu.memory_space<vmem>>, vector<16xi32>,
    %shift_right_logical3A_650 = arith.constant 1 : i32
    %shift_right_logical3A_651 = vector.broadcast %shift_right_logical3A_650 : i32 to vector<16xi32>
    %shift_right_logical3A_652 = arith.shrui %get3A_649, %shift_right_logical3A_651 : vector<16xi32>
    %swap3A_653 = arith.constant 320 : index
    %swap3A_654 = tpu.vector_load %arg10[%swap3A_653] {strides = array<i32>} : memref<512xi32, #tpu.memory_space<vmem>>, vector<16xi32>,
    tpu.vector_store %arg10[%swap3A_653], %shift_right_logical3A_652 {strides = array<i32>} : memref<512xi32, #tpu.memory_space<vmem>>, vector<16xi32>,
    %and3A_655 = arith.constant 1 : i32
    %and3A_656 = vector.broadcast %and3A_655 : i32 to vector<16xi32>
    %and3A_657 = arith.andi %get3A_649, %and3A_656 : vector<16xi32>
    %shift_left3A_658 = arith.constant 6 : i32
    %shift_left3A_659 = vector.broadcast %shift_left3A_658 : i32 to vector<16xi32>
    %shift_left3A_660 = arith.shli %and3A_657, %shift_left3A_659 : vector<16xi32>
    %swap3A_661 = arith.constant 320 : index
    %swap3A_662 = tpu.vector_load %arg12[%swap3A_661] {strides = array<i32>} : memref<512xi32, #tpu.memory_space<vmem>>, vector<16xi32>,
    tpu.vector_store %arg12[%swap3A_661], %shift_left3A_660 {strides = array<i32>} : memref<512xi32, #tpu.memory_space<vmem>>, vector<16xi32>,
    %get3A_663 = arith.constant 336 : index
    %get3A_664 = tpu.vector_load %arg9[%get3A_663] {strides = array<i32>} : memref<512xi32, #tpu.memory_space<vmem>>, vector<16xi32>,
    %mul3A_665 = arith.constant 7 : i32
    %mul3A_666 = vector.broadcast %mul3A_665 : i32 to vector<16xi32>
    %mul3A_667 = arith.muli %get3A_664, %mul3A_666 : vector<16xi32>
    %get3A_668 = arith.constant 336 : index
    %get3A_669 = tpu.vector_load %arg10[%get3A_668] {strides = array<i32>} : memref<512xi32, #tpu.memory_space<vmem>>, vector<16xi32>,
    %add3A_670 = arith.addi %mul3A_667, %get3A_669 : vector<16xi32>
    %mul3A_671 = arith.constant 21 : i32
    %mul3A_672 = vector.broadcast %mul3A_671 : i32 to vector<16xi32>
    %mul3A_673 = arith.muli %add3A_670, %mul3A_672 : vector<16xi32>
    %get3A_674 = arith.constant 336 : index
    %get3A_675 = tpu.vector_load %arg11[%get3A_674] {strides = array<i32>} : memref<512xi32, #tpu.memory_space<vmem>>, vector<16xi32>,
    %add3A_676 = arith.addi %mul3A_673, %get3A_675 : vector<16xi32>
    %swap3A_677 = arith.constant 336 : index
    %swap3A_678 = tpu.vector_load %arg9[%swap3A_677] {strides = array<i32>} : memref<512xi32, #tpu.memory_space<vmem>>, vector<16xi32>,
    tpu.vector_store %arg9[%swap3A_677], %add3A_676 {strides = array<i32>} : memref<512xi32, #tpu.memory_space<vmem>>, vector<16xi32>,
    %get3A_679 = arith.constant 336 : index
    %get3A_680 = tpu.vector_load %arg12[%get3A_679] {strides = array<i32>} : memref<512xi32, #tpu.memory_space<vmem>>, vector<16xi32>,
    %shift_right_logical3A_681 = arith.constant 1 : i32
    %shift_right_logical3A_682 = vector.broadcast %shift_right_logical3A_681 : i32 to vector<16xi32>
    %shift_right_logical3A_683 = arith.shrui %get3A_680, %shift_right_logical3A_682 : vector<16xi32>
    %swap3A_684 = arith.constant 336 : index
    %swap3A_685 = tpu.vector_load %arg10[%swap3A_684] {strides = array<i32>} : memref<512xi32, #tpu.memory_space<vmem>>, vector<16xi32>,
    tpu.vector_store %arg10[%swap3A_684], %shift_right_logical3A_683 {strides = array<i32>} : memref<512xi32, #tpu.memory_space<vmem>>, vector<16xi32>,
    %and3A_686 = arith.constant 1 : i32
    %and3A_687 = vector.broadcast %and3A_686 : i32 to vector<16xi32>
    %and3A_688 = arith.andi %get3A_680, %and3A_687 : vector<16xi32>
    %shift_left3A_689 = arith.constant 6 : i32
    %shift_left3A_690 = vector.broadcast %shift_left3A_689 : i32 to vector<16xi32>
    %shift_left3A_691 = arith.shli %and3A_688, %shift_left3A_690 : vector<16xi32>
    %swap3A_692 = arith.constant 336 : index
    %swap3A_693 = tpu.vector_load %arg12[%swap3A_692] {strides = array<i32>} : memref<512xi32, #tpu.memory_space<vmem>>, vector<16xi32>,
    tpu.vector_store %arg12[%swap3A_692], %shift_left3A_691 {strides = array<i32>} : memref<512xi32, #tpu.memory_space<vmem>>, vector<16xi32>,
    %get3A_694 = arith.constant 352 : index
    %get3A_695 = tpu.vector_load %arg9[%get3A_694] {strides = array<i32>} : memref<512xi32, #tpu.memory_space<vmem>>, vector<16xi32>,
    %mul3A_696 = arith.constant 7 : i32
    %mul3A_697 = vector.broadcast %mul3A_696 : i32 to vector<16xi32>
    %mul3A_698 = arith.muli %get3A_695, %mul3A_697 : vector<16xi32>
    %get3A_699 = arith.constant 352 : index
    %get3A_700 = tpu.vector_load %arg10[%get3A_699] {strides = array<i32>} : memref<512xi32, #tpu.memory_space<vmem>>, vector<16xi32>,
    %add3A_701 = arith.addi %mul3A_698, %get3A_700 : vector<16xi32>
    %mul3A_702 = arith.constant 21 : i32
    %mul3A_703 = vector.broadcast %mul3A_702 : i32 to vector<16xi32>
    %mul3A_704 = arith.muli %add3A_701, %mul3A_703 : vector<16xi32>
    %get3A_705 = arith.constant 352 : index
    %get3A_706 = tpu.vector_load %arg11[%get3A_705] {strides = array<i32>} : memref<512xi32, #tpu.memory_space<vmem>>, vector<16xi32>,
    %add3A_707 = arith.addi %mul3A_704, %get3A_706 : vector<16xi32>
    %swap3A_708 = arith.constant 352 : index
    %swap3A_709 = tpu.vector_load %arg9[%swap3A_708] {strides = array<i32>} : memref<512xi32, #tpu.memory_space<vmem>>, vector<16xi32>,
    tpu.vector_store %arg9[%swap3A_708], %add3A_707 {strides = array<i32>} : memref<512xi32, #tpu.memory_space<vmem>>, vector<16xi32>,
    %get3A_710 = arith.constant 352 : index
    %get3A_711 = tpu.vector_load %arg12[%get3A_710] {strides = array<i32>} : memref<512xi32, #tpu.memory_space<vmem>>, vector<16xi32>,
    %shift_right_logical3A_712 = arith.constant 1 : i32
    %shift_right_logical3A_713 = vector.broadcast %shift_right_logical3A_712 : i32 to vector<16xi32>
    %shift_right_logical3A_714 = arith.shrui %get3A_711, %shift_right_logical3A_713 : vector<16xi32>
    %swap3A_715 = arith.constant 352 : index
    %swap3A_716 = tpu.vector_load %arg10[%swap3A_715] {strides = array<i32>} : memref<512xi32, #tpu.memory_space<vmem>>, vector<16xi32>,
    tpu.vector_store %arg10[%swap3A_715], %shift_right_logical3A_714 {strides = array<i32>} : memref<512xi32, #tpu.memory_space<vmem>>, vector<16xi32>,
    %and3A_717 = arith.constant 1 : i32
    %and3A_718 = vector.broadcast %and3A_717 : i32 to vector<16xi32>
    %and3A_719 = arith.andi %get3A_711, %and3A_718 : vector<16xi32>
    %shift_left3A_720 = arith.constant 6 : i32
    %shift_left3A_721 = vector.broadcast %shift_left3A_720 : i32 to vector<16xi32>
    %shift_left3A_722 = arith.shli %and3A_719, %shift_left3A_721 : vector<16xi32>
    %swap3A_723 = arith.constant 352 : index
    %swap3A_724 = tpu.vector_load %arg12[%swap3A_723] {strides = array<i32>} : memref<512xi32, #tpu.memory_space<vmem>>, vector<16xi32>,
    tpu.vector_store %arg12[%swap3A_723], %shift_left3A_722 {strides = array<i32>} : memref<512xi32, #tpu.memory_space<vmem>>, vector<16xi32>,
    %get3A_725 = arith.constant 368 : index
    %get3A_726 = tpu.vector_load %arg9[%get3A_725] {strides = array<i32>} : memref<512xi32, #tpu.memory_space<vmem>>, vector<16xi32>,
    %mul3A_727 = arith.constant 7 : i32
    %mul3A_728 = vector.broadcast %mul3A_727 : i32 to vector<16xi32>
    %mul3A_729 = arith.muli %get3A_726, %mul3A_728 : vector<16xi32>
    %get3A_730 = arith.constant 368 : index
    %get3A_731 = tpu.vector_load %arg10[%get3A_730] {strides = array<i32>} : memref<512xi32, #tpu.memory_space<vmem>>, vector<16xi32>,
    %add3A_732 = arith.addi %mul3A_729, %get3A_731 : vector<16xi32>
    %mul3A_733 = arith.constant 21 : i32
    %mul3A_734 = vector.broadcast %mul3A_733 : i32 to vector<16xi32>
    %mul3A_735 = arith.muli %add3A_732, %mul3A_734 : vector<16xi32>
    %get3A_736 = arith.constant 368 : index
    %get3A_737 = tpu.vector_load %arg11[%get3A_736] {strides = array<i32>} : memref<512xi32, #tpu.memory_space<vmem>>, vector<16xi32>,
    %add3A_738 = arith.addi %mul3A_735, %get3A_737 : vector<16xi32>
    %swap3A_739 = arith.constant 368 : index
    %swap3A_740 = tpu.vector_load %arg9[%swap3A_739] {strides = array<i32>} : memref<512xi32, #tpu.memory_space<vmem>>, vector<16xi32>,
    tpu.vector_store %arg9[%swap3A_739], %add3A_738 {strides = array<i32>} : memref<512xi32, #tpu.memory_space<vmem>>, vector<16xi32>,
    %get3A_741 = arith.constant 368 : index
    %get3A_742 = tpu.vector_load %arg12[%get3A_741] {strides = array<i32>} : memref<512xi32, #tpu.memory_space<vmem>>, vector<16xi32>,
    %shift_right_logical3A_743 = arith.constant 1 : i32
    %shift_right_logical3A_744 = vector.broadcast %shift_right_logical3A_743 : i32 to vector<16xi32>
    %shift_right_logical3A_745 = arith.shrui %get3A_742, %shift_right_logical3A_744 : vector<16xi32>
    %swap3A_746 = arith.constant 368 : index
    %swap3A_747 = tpu.vector_load %arg10[%swap3A_746] {strides = array<i32>} : memref<512xi32, #tpu.memory_space<vmem>>, vector<16xi32>,
    tpu.vector_store %arg10[%swap3A_746], %shift_right_logical3A_745 {strides = array<i32>} : memref<512xi32, #tpu.memory_space<vmem>>, vector<16xi32>,
    %and3A_748 = arith.constant 1 : i32
    %and3A_749 = vector.broadcast %and3A_748 : i32 to vector<16xi32>
    %and3A_750 = arith.andi %get3A_742, %and3A_749 : vector<16xi32>
    %shift_left3A_751 = arith.constant 6 : i32
    %shift_left3A_752 = vector.broadcast %shift_left3A_751 : i32 to vector<16xi32>
    %shift_left3A_753 = arith.shli %and3A_750, %shift_left3A_752 : vector<16xi32>
    %swap3A_754 = arith.constant 368 : index
    %swap3A_755 = tpu.vector_load %arg12[%swap3A_754] {strides = array<i32>} : memref<512xi32, #tpu.memory_space<vmem>>, vector<16xi32>,
    tpu.vector_store %arg12[%swap3A_754], %shift_left3A_753 {strides = array<i32>} : memref<512xi32, #tpu.memory_space<vmem>>, vector<16xi32>,
    %get3A_756 = arith.constant 384 : index
    %get3A_757 = tpu.vector_load %arg9[%get3A_756] {strides = array<i32>} : memref<512xi32, #tpu.memory_space<vmem>>, vector<16xi32>,
    %mul3A_758 = arith.constant 7 : i32
    %mul3A_759 = vector.broadcast %mul3A_758 : i32 to vector<16xi32>
    %mul3A_760 = arith.muli %get3A_757, %mul3A_759 : vector<16xi32>
    %get3A_761 = arith.constant 384 : index
    %get3A_762 = tpu.vector_load %arg10[%get3A_761] {strides = array<i32>} : memref<512xi32, #tpu.memory_space<vmem>>, vector<16xi32>,
    %add3A_763 = arith.addi %mul3A_760, %get3A_762 : vector<16xi32>
    %mul3A_764 = arith.constant 21 : i32
    %mul3A_765 = vector.broadcast %mul3A_764 : i32 to vector<16xi32>
    %mul3A_766 = arith.muli %add3A_763, %mul3A_765 : vector<16xi32>
    %get3A_767 = arith.constant 384 : index
    %get3A_768 = tpu.vector_load %arg11[%get3A_767] {strides = array<i32>} : memref<512xi32, #tpu.memory_space<vmem>>, vector<16xi32>,
    %add3A_769 = arith.addi %mul3A_766, %get3A_768 : vector<16xi32>
    %swap3A_770 = arith.constant 384 : index
    %swap3A_771 = tpu.vector_load %arg9[%swap3A_770] {strides = array<i32>} : memref<512xi32, #tpu.memory_space<vmem>>, vector<16xi32>,
    tpu.vector_store %arg9[%swap3A_770], %add3A_769 {strides = array<i32>} : memref<512xi32, #tpu.memory_space<vmem>>, vector<16xi32>,
    %get3A_772 = arith.constant 384 : index
    %get3A_773 = tpu.vector_load %arg12[%get3A_772] {strides = array<i32>} : memref<512xi32, #tpu.memory_space<vmem>>, vector<16xi32>,
    %shift_right_logical3A_774 = arith.constant 1 : i32
    %shift_right_logical3A_775 = vector.broadcast %shift_right_logical3A_774 : i32 to vector<16xi32>
    %shift_right_logical3A_776 = arith.shrui %get3A_773, %shift_right_logical3A_775 : vector<16xi32>
    %swap3A_777 = arith.constant 384 : index
    %swap3A_778 = tpu.vector_load %arg10[%swap3A_777] {strides = array<i32>} : memref<512xi32, #tpu.memory_space<vmem>>, vector<16xi32>,
    tpu.vector_store %arg10[%swap3A_777], %shift_right_logical3A_776 {strides = array<i32>} : memref<512xi32, #tpu.memory_space<vmem>>, vector<16xi32>,
    %and3A_779 = arith.constant 1 : i32
    %and3A_780 = vector.broadcast %and3A_779 : i32 to vector<16xi32>
    %and3A_781 = arith.andi %get3A_773, %and3A_780 : vector<16xi32>
    %shift_left3A_782 = arith.constant 6 : i32
    %shift_left3A_783 = vector.broadcast %shift_left3A_782 : i32 to vector<16xi32>
    %shift_left3A_784 = arith.shli %and3A_781, %shift_left3A_783 : vector<16xi32>
    %swap3A_785 = arith.constant 384 : index
    %swap3A_786 = tpu.vector_load %arg12[%swap3A_785] {strides = array<i32>} : memref<512xi32, #tpu.memory_space<vmem>>, vector<16xi32>,
    tpu.vector_store %arg12[%swap3A_785], %shift_left3A_784 {strides = array<i32>} : memref<512xi32, #tpu.memory_space<vmem>>, vector<16xi32>,
    %get3A_787 = arith.constant 400 : index
    %get3A_788 = tpu.vector_load %arg9[%get3A_787] {strides = array<i32>} : memref<512xi32, #tpu.memory_space<vmem>>, vector<16xi32>,
    %mul3A_789 = arith.constant 7 : i32
    %mul3A_790 = vector.broadcast %mul3A_789 : i32 to vector<16xi32>
    %mul3A_791 = arith.muli %get3A_788, %mul3A_790 : vector<16xi32>
    %get3A_792 = arith.constant 400 : index
    %get3A_793 = tpu.vector_load %arg10[%get3A_792] {strides = array<i32>} : memref<512xi32, #tpu.memory_space<vmem>>, vector<16xi32>,
    %add3A_794 = arith.addi %mul3A_791, %get3A_793 : vector<16xi32>
    %mul3A_795 = arith.constant 21 : i32
    %mul3A_796 = vector.broadcast %mul3A_795 : i32 to vector<16xi32>
    %mul3A_797 = arith.muli %add3A_794, %mul3A_796 : vector<16xi32>
    %get3A_798 = arith.constant 400 : index
    %get3A_799 = tpu.vector_load %arg11[%get3A_798] {strides = array<i32>} : memref<512xi32, #tpu.memory_space<vmem>>, vector<16xi32>,
    %add3A_800 = arith.addi %mul3A_797, %get3A_799 : vector<16xi32>
    %swap3A_801 = arith.constant 400 : index
    %swap3A_802 = tpu.vector_load %arg9[%swap3A_801] {strides = array<i32>} : memref<512xi32, #tpu.memory_space<vmem>>, vector<16xi32>,
    tpu.vector_store %arg9[%swap3A_801], %add3A_800 {strides = array<i32>} : memref<512xi32, #tpu.memory_space<vmem>>, vector<16xi32>,
    %get3A_803 = arith.constant 400 : index
    %get3A_804 = tpu.vector_load %arg12[%get3A_803] {strides = array<i32>} : memref<512xi32, #tpu.memory_space<vmem>>, vector<16xi32>,
    %shift_right_logical3A_805 = arith.constant 1 : i32
    %shift_right_logical3A_806 = vector.broadcast %shift_right_logical3A_805 : i32 to vector<16xi32>
    %shift_right_logical3A_807 = arith.shrui %get3A_804, %shift_right_logical3A_806 : vector<16xi32>
    %swap3A_808 = arith.constant 400 : index
    %swap3A_809 = tpu.vector_load %arg10[%swap3A_808] {strides = array<i32>} : memref<512xi32, #tpu.memory_space<vmem>>, vector<16xi32>,
    tpu.vector_store %arg10[%swap3A_808], %shift_right_logical3A_807 {strides = array<i32>} : memref<512xi32, #tpu.memory_space<vmem>>, vector<16xi32>,
    %and3A_810 = arith.constant 1 : i32
    %and3A_811 = vector.broadcast %and3A_810 : i32 to vector<16xi32>
    %and3A_812 = arith.andi %get3A_804, %and3A_811 : vector<16xi32>
    %shift_left3A_813 = arith.constant 6 : i32
    %shift_left3A_814 = vector.broadcast %shift_left3A_813 : i32 to vector<16xi32>
    %shift_left3A_815 = arith.shli %and3A_812, %shift_left3A_814 : vector<16xi32>
    %swap3A_816 = arith.constant 400 : index
    %swap3A_817 = tpu.vector_load %arg12[%swap3A_816] {strides = array<i32>} : memref<512xi32, #tpu.memory_space<vmem>>, vector<16xi32>,
    tpu.vector_store %arg12[%swap3A_816], %shift_left3A_815 {strides = array<i32>} : memref<512xi32, #tpu.memory_space<vmem>>, vector<16xi32>,
    %get3A_818 = arith.constant 416 : index
    %get3A_819 = tpu.vector_load %arg9[%get3A_818] {strides = array<i32>} : memref<512xi32, #tpu.memory_space<vmem>>, vector<16xi32>,
    %mul3A_820 = arith.constant 7 : i32
    %mul3A_821 = vector.broadcast %mul3A_820 : i32 to vector<16xi32>
    %mul3A_822 = arith.muli %get3A_819, %mul3A_821 : vector<16xi32>
    %get3A_823 = arith.constant 416 : index
    %get3A_824 = tpu.vector_load %arg10[%get3A_823] {strides = array<i32>} : memref<512xi32, #tpu.memory_space<vmem>>, vector<16xi32>,
    %add3A_825 = arith.addi %mul3A_822, %get3A_824 : vector<16xi32>
    %mul3A_826 = arith.constant 21 : i32
    %mul3A_827 = vector.broadcast %mul3A_826 : i32 to vector<16xi32>
    %mul3A_828 = arith.muli %add3A_825, %mul3A_827 : vector<16xi32>
    %get3A_829 = arith.constant 416 : index
    %get3A_830 = tpu.vector_load %arg11[%get3A_829] {strides = array<i32>} : memref<512xi32, #tpu.memory_space<vmem>>, vector<16xi32>,
    %add3A_831 = arith.addi %mul3A_828, %get3A_830 : vector<16xi32>
    %swap3A_832 = arith.constant 416 : index
    %swap3A_833 = tpu.vector_load %arg9[%swap3A_832] {strides = array<i32>} : memref<512xi32, #tpu.memory_space<vmem>>, vector<16xi32>,
    tpu.vector_store %arg9[%swap3A_832], %add3A_831 {strides = array<i32>} : memref<512xi32, #tpu.memory_space<vmem>>, vector<16xi32>,
    %get3A_834 = arith.constant 416 : index
    %get3A_835 = tpu.vector_load %arg12[%get3A_834] {strides = array<i32>} : memref<512xi32, #tpu.memory_space<vmem>>, vector<16xi32>,
    %shift_right_logical3A_836 = arith.constant 1 : i32
    %shift_right_logical3A_837 = vector.broadcast %shift_right_logical3A_836 : i32 to vector<16xi32>
    %shift_right_logical3A_838 = arith.shrui %get3A_835, %shift_right_logical3A_837 : vector<16xi32>
    %swap3A_839 = arith.constant 416 : index
    %swap3A_840 = tpu.vector_load %arg10[%swap3A_839] {strides = array<i32>} : memref<512xi32, #tpu.memory_space<vmem>>, vector<16xi32>,
    tpu.vector_store %arg10[%swap3A_839], %shift_right_logical3A_838 {strides = array<i32>} : memref<512xi32, #tpu.memory_space<vmem>>, vector<16xi32>,
    %and3A_841 = arith.constant 1 : i32
    %and3A_842 = vector.broadcast %and3A_841 : i32 to vector<16xi32>
    %and3A_843 = arith.andi %get3A_835, %and3A_842 : vector<16xi32>
    %shift_left3A_844 = arith.constant 6 : i32
    %shift_left3A_845 = vector.broadcast %shift_left3A_844 : i32 to vector<16xi32>
    %shift_left3A_846 = arith.shli %and3A_843, %shift_left3A_845 : vector<16xi32>
    %swap3A_847 = arith.constant 416 : index
    %swap3A_848 = tpu.vector_load %arg12[%swap3A_847] {strides = array<i32>} : memref<512xi32, #tpu.memory_space<vmem>>, vector<16xi32>,
    tpu.vector_store %arg12[%swap3A_847], %shift_left3A_846 {strides = array<i32>} : memref<512xi32, #tpu.memory_space<vmem>>, vector<16xi32>,
    %get3A_849 = arith.constant 432 : index
    %get3A_850 = tpu.vector_load %arg9[%get3A_849] {strides = array<i32>} : memref<512xi32, #tpu.memory_space<vmem>>, vector<16xi32>,
    %mul3A_851 = arith.constant 7 : i32
    %mul3A_852 = vector.broadcast %mul3A_851 : i32 to vector<16xi32>
    %mul3A_853 = arith.muli %get3A_850, %mul3A_852 : vector<16xi32>
    %get3A_854 = arith.constant 432 : index
    %get3A_855 = tpu.vector_load %arg10[%get3A_854] {strides = array<i32>} : memref<512xi32, #tpu.memory_space<vmem>>, vector<16xi32>,
    %add3A_856 = arith.addi %mul3A_853, %get3A_855 : vector<16xi32>
    %mul3A_857 = arith.constant 21 : i32
    %mul3A_858 = vector.broadcast %mul3A_857 : i32 to vector<16xi32>
    %mul3A_859 = arith.muli %add3A_856, %mul3A_858 : vector<16xi32>
    %get3A_860 = arith.constant 432 : index
    %get3A_861 = tpu.vector_load %arg11[%get3A_860] {strides = array<i32>} : memref<512xi32, #tpu.memory_space<vmem>>, vector<16xi32>,
    %add3A_862 = arith.addi %mul3A_859, %get3A_861 : vector<16xi32>
    %swap3A_863 = arith.constant 432 : index
    %swap3A_864 = tpu.vector_load %arg9[%swap3A_863] {strides = array<i32>} : memref<512xi32, #tpu.memory_space<vmem>>, vector<16xi32>,
    tpu.vector_store %arg9[%swap3A_863], %add3A_862 {strides = array<i32>} : memref<512xi32, #tpu.memory_space<vmem>>, vector<16xi32>,
    %get3A_865 = arith.constant 432 : index
    %get3A_866 = tpu.vector_load %arg12[%get3A_865] {strides = array<i32>} : memref<512xi32, #tpu.memory_space<vmem>>, vector<16xi32>,
    %shift_right_logical3A_867 = arith.constant 1 : i32
    %shift_right_logical3A_868 = vector.broadcast %shift_right_logical3A_867 : i32 to vector<16xi32>
    %shift_right_logical3A_869 = arith.shrui %get3A_866, %shift_right_logical3A_868 : vector<16xi32>
    %swap3A_870 = arith.constant 432 : index
    %swap3A_871 = tpu.vector_load %arg10[%swap3A_870] {strides = array<i32>} : memref<512xi32, #tpu.memory_space<vmem>>, vector<16xi32>,
    tpu.vector_store %arg10[%swap3A_870], %shift_right_logical3A_869 {strides = array<i32>} : memref<512xi32, #tpu.memory_space<vmem>>, vector<16xi32>,
    %and3A_872 = arith.constant 1 : i32
    %and3A_873 = vector.broadcast %and3A_872 : i32 to vector<16xi32>
    %and3A_874 = arith.andi %get3A_866, %and3A_873 : vector<16xi32>
    %shift_left3A_875 = arith.constant 6 : i32
    %shift_left3A_876 = vector.broadcast %shift_left3A_875 : i32 to vector<16xi32>
    %shift_left3A_877 = arith.shli %and3A_874, %shift_left3A_876 : vector<16xi32>
    %swap3A_878 = arith.constant 432 : index
    %swap3A_879 = tpu.vector_load %arg12[%swap3A_878] {strides = array<i32>} : memref<512xi32, #tpu.memory_space<vmem>>, vector<16xi32>,
    tpu.vector_store %arg12[%swap3A_878], %shift_left3A_877 {strides = array<i32>} : memref<512xi32, #tpu.memory_space<vmem>>, vector<16xi32>,
    %get3A_880 = arith.constant 448 : index
    %get3A_881 = tpu.vector_load %arg9[%get3A_880] {strides = array<i32>} : memref<512xi32, #tpu.memory_space<vmem>>, vector<16xi32>,
    %mul3A_882 = arith.constant 7 : i32
    %mul3A_883 = vector.broadcast %mul3A_882 : i32 to vector<16xi32>
    %mul3A_884 = arith.muli %get3A_881, %mul3A_883 : vector<16xi32>
    %get3A_885 = arith.constant 448 : index
    %get3A_886 = tpu.vector_load %arg10[%get3A_885] {strides = array<i32>} : memref<512xi32, #tpu.memory_space<vmem>>, vector<16xi32>,
    %add3A_887 = arith.addi %mul3A_884, %get3A_886 : vector<16xi32>
    %mul3A_888 = arith.constant 21 : i32
    %mul3A_889 = vector.broadcast %mul3A_888 : i32 to vector<16xi32>
    %mul3A_890 = arith.muli %add3A_887, %mul3A_889 : vector<16xi32>
    %get3A_891 = arith.constant 448 : index
    %get3A_892 = tpu.vector_load %arg11[%get3A_891] {strides = array<i32>} : memref<512xi32, #tpu.memory_space<vmem>>, vector<16xi32>,
    %add3A_893 = arith.addi %mul3A_890, %get3A_892 : vector<16xi32>
    %swap3A_894 = arith.constant 448 : index
    %swap3A_895 = tpu.vector_load %arg9[%swap3A_894] {strides = array<i32>} : memref<512xi32, #tpu.memory_space<vmem>>, vector<16xi32>,
    tpu.vector_store %arg9[%swap3A_894], %add3A_893 {strides = array<i32>} : memref<512xi32, #tpu.memory_space<vmem>>, vector<16xi32>,
    %get3A_896 = arith.constant 448 : index
    %get3A_897 = tpu.vector_load %arg12[%get3A_896] {strides = array<i32>} : memref<512xi32, #tpu.memory_space<vmem>>, vector<16xi32>,
    %shift_right_logical3A_898 = arith.constant 1 : i32
    %shift_right_logical3A_899 = vector.broadcast %shift_right_logical3A_898 : i32 to vector<16xi32>
    %shift_right_logical3A_900 = arith.shrui %get3A_897, %shift_right_logical3A_899 : vector<16xi32>
    %swap3A_901 = arith.constant 448 : index
    %swap3A_902 = tpu.vector_load %arg10[%swap3A_901] {strides = array<i32>} : memref<512xi32, #tpu.memory_space<vmem>>, vector<16xi32>,
    tpu.vector_store %arg10[%swap3A_901], %shift_right_logical3A_900 {strides = array<i32>} : memref<512xi32, #tpu.memory_space<vmem>>, vector<16xi32>,
    %and3A_903 = arith.constant 1 : i32
    %and3A_904 = vector.broadcast %and3A_903 : i32 to vector<16xi32>
    %and3A_905 = arith.andi %get3A_897, %and3A_904 : vector<16xi32>
    %shift_left3A_906 = arith.constant 6 : i32
    %shift_left3A_907 = vector.broadcast %shift_left3A_906 : i32 to vector<16xi32>
    %shift_left3A_908 = arith.shli %and3A_905, %shift_left3A_907 : vector<16xi32>
    %swap3A_909 = arith.constant 448 : index
    %swap3A_910 = tpu.vector_load %arg12[%swap3A_909] {strides = array<i32>} : memref<512xi32, #tpu.memory_space<vmem>>, vector<16xi32>,
    tpu.vector_store %arg12[%swap3A_909], %shift_left3A_908 {strides = array<i32>} : memref<512xi32, #tpu.memory_space<vmem>>, vector<16xi32>,
    %get3A_911 = arith.constant 464 : index
    %get3A_912 = tpu.vector_load %arg9[%get3A_911] {strides = array<i32>} : memref<512xi32, #tpu.memory_space<vmem>>, vector<16xi32>,
    %mul3A_913 = arith.constant 7 : i32
    %mul3A_914 = vector.broadcast %mul3A_913 : i32 to vector<16xi32>
    %mul3A_915 = arith.muli %get3A_912, %mul3A_914 : vector<16xi32>
    %get3A_916 = arith.constant 464 : index
    %get3A_917 = tpu.vector_load %arg10[%get3A_916] {strides = array<i32>} : memref<512xi32, #tpu.memory_space<vmem>>, vector<16xi32>,
    %add3A_918 = arith.addi %mul3A_915, %get3A_917 : vector<16xi32>
    %mul3A_919 = arith.constant 21 : i32
    %mul3A_920 = vector.broadcast %mul3A_919 : i32 to vector<16xi32>
    %mul3A_921 = arith.muli %add3A_918, %mul3A_920 : vector<16xi32>
    %get3A_922 = arith.constant 464 : index
    %get3A_923 = tpu.vector_load %arg11[%get3A_922] {strides = array<i32>} : memref<512xi32, #tpu.memory_space<vmem>>, vector<16xi32>,
    %add3A_924 = arith.addi %mul3A_921, %get3A_923 : vector<16xi32>
    %swap3A_925 = arith.constant 464 : index
    %swap3A_926 = tpu.vector_load %arg9[%swap3A_925] {strides = array<i32>} : memref<512xi32, #tpu.memory_space<vmem>>, vector<16xi32>,
    tpu.vector_store %arg9[%swap3A_925], %add3A_924 {strides = array<i32>} : memref<512xi32, #tpu.memory_space<vmem>>, vector<16xi32>,
    %get3A_927 = arith.constant 464 : index
    %get3A_928 = tpu.vector_load %arg12[%get3A_927] {strides = array<i32>} : memref<512xi32, #tpu.memory_space<vmem>>, vector<16xi32>,
    %shift_right_logical3A_929 = arith.constant 1 : i32
    %shift_right_logical3A_930 = vector.broadcast %shift_right_logical3A_929 : i32 to vector<16xi32>
    %shift_right_logical3A_931 = arith.shrui %get3A_928, %shift_right_logical3A_930 : vector<16xi32>
    %swap3A_932 = arith.constant 464 : index
    %swap3A_933 = tpu.vector_load %arg10[%swap3A_932] {strides = array<i32>} : memref<512xi32, #tpu.memory_space<vmem>>, vector<16xi32>,
    tpu.vector_store %arg10[%swap3A_932], %shift_right_logical3A_931 {strides = array<i32>} : memref<512xi32, #tpu.memory_space<vmem>>, vector<16xi32>,
    %and3A_934 = arith.constant 1 : i32
    %and3A_935 = vector.broadcast %and3A_934 : i32 to vector<16xi32>
    %and3A_936 = arith.andi %get3A_928, %and3A_935 : vector<16xi32>
    %shift_left3A_937 = arith.constant 6 : i32
    %shift_left3A_938 = vector.broadcast %shift_left3A_937 : i32 to vector<16xi32>
    %shift_left3A_939 = arith.shli %and3A_936, %shift_left3A_938 : vector<16xi32>
    %swap3A_940 = arith.constant 464 : index
    %swap3A_941 = tpu.vector_load %arg12[%swap3A_940] {strides = array<i32>} : memref<512xi32, #tpu.memory_space<vmem>>, vector<16xi32>,
    tpu.vector_store %arg12[%swap3A_940], %shift_left3A_939 {strides = array<i32>} : memref<512xi32, #tpu.memory_space<vmem>>, vector<16xi32>,
    %get3A_942 = arith.constant 480 : index
    %get3A_943 = tpu.vector_load %arg9[%get3A_942] {strides = array<i32>} : memref<512xi32, #tpu.memory_space<vmem>>, vector<16xi32>,
    %mul3A_944 = arith.constant 7 : i32
    %mul3A_945 = vector.broadcast %mul3A_944 : i32 to vector<16xi32>
    %mul3A_946 = arith.muli %get3A_943, %mul3A_945 : vector<16xi32>
    %get3A_947 = arith.constant 480 : index
    %get3A_948 = tpu.vector_load %arg10[%get3A_947] {strides = array<i32>} : memref<512xi32, #tpu.memory_space<vmem>>, vector<16xi32>,
    %add3A_949 = arith.addi %mul3A_946, %get3A_948 : vector<16xi32>
    %mul3A_950 = arith.constant 21 : i32
    %mul3A_951 = vector.broadcast %mul3A_950 : i32 to vector<16xi32>
    %mul3A_952 = arith.muli %add3A_949, %mul3A_951 : vector<16xi32>
    %get3A_953 = arith.constant 480 : index
    %get3A_954 = tpu.vector_load %arg11[%get3A_953] {strides = array<i32>} : memref<512xi32, #tpu.memory_space<vmem>>, vector<16xi32>,
    %add3A_955 = arith.addi %mul3A_952, %get3A_954 : vector<16xi32>
    %swap3A_956 = arith.constant 480 : index
    %swap3A_957 = tpu.vector_load %arg9[%swap3A_956] {strides = array<i32>} : memref<512xi32, #tpu.memory_space<vmem>>, vector<16xi32>,
    tpu.vector_store %arg9[%swap3A_956], %add3A_955 {strides = array<i32>} : memref<512xi32, #tpu.memory_space<vmem>>, vector<16xi32>,
    %get3A_958 = arith.constant 480 : index
    %get3A_959 = tpu.vector_load %arg12[%get3A_958] {strides = array<i32>} : memref<512xi32, #tpu.memory_space<vmem>>, vector<16xi32>,
    %shift_right_logical3A_960 = arith.constant 1 : i32
    %shift_right_logical3A_961 = vector.broadcast %shift_right_logical3A_960 : i32 to vector<16xi32>
    %shift_right_logical3A_962 = arith.shrui %get3A_959, %shift_right_logical3A_961 : vector<16xi32>
    %swap3A_963 = arith.constant 480 : index
    %swap3A_964 = tpu.vector_load %arg10[%swap3A_963] {strides = array<i32>} : memref<512xi32, #tpu.memory_space<vmem>>, vector<16xi32>,
    tpu.vector_store %arg10[%swap3A_963], %shift_right_logical3A_962 {strides = array<i32>} : memref<512xi32, #tpu.memory_space<vmem>>, vector<16xi32>,
    %and3A_965 = arith.constant 1 : i32
    %and3A_966 = vector.broadcast %and3A_965 : i32 to vector<16xi32>
    %and3A_967 = arith.andi %get3A_959, %and3A_966 : vector<16xi32>
    %shift_left3A_968 = arith.constant 6 : i32
    %shift_left3A_969 = vector.broadcast %shift_left3A_968 : i32 to vector<16xi32>
    %shift_left3A_970 = arith.shli %and3A_967, %shift_left3A_969 : vector<16xi32>
    %swap3A_971 = arith.constant 480 : index
    %swap3A_972 = tpu.vector_load %arg12[%swap3A_971] {strides = array<i32>} : memref<512xi32, #tpu.memory_space<vmem>>, vector<16xi32>,
    tpu.vector_store %arg12[%swap3A_971], %shift_left3A_970 {strides = array<i32>} : memref<512xi32, #tpu.memory_space<vmem>>, vector<16xi32>,
    %get3A_973 = arith.constant 496 : index
    %get3A_974 = tpu.vector_load %arg9[%get3A_973] {strides = array<i32>} : memref<512xi32, #tpu.memory_space<vmem>>, vector<16xi32>,
    %mul3A_975 = arith.constant 7 : i32
    %mul3A_976 = vector.broadcast %mul3A_975 : i32 to vector<16xi32>
    %mul3A_977 = arith.muli %get3A_974, %mul3A_976 : vector<16xi32>
    %get3A_978 = arith.constant 496 : index
    %get3A_979 = tpu.vector_load %arg10[%get3A_978] {strides = array<i32>} : memref<512xi32, #tpu.memory_space<vmem>>, vector<16xi32>,
    %add3A_980 = arith.addi %mul3A_977, %get3A_979 : vector<16xi32>
    %mul3A_981 = arith.constant 21 : i32
    %mul3A_982 = vector.broadcast %mul3A_981 : i32 to vector<16xi32>
    %mul3A_983 = arith.muli %add3A_980, %mul3A_982 : vector<16xi32>
    %get3A_984 = arith.constant 496 : index
    %get3A_985 = tpu.vector_load %arg11[%get3A_984] {strides = array<i32>} : memref<512xi32, #tpu.memory_space<vmem>>, vector<16xi32>,
    %add3A_986 = arith.addi %mul3A_983, %get3A_985 : vector<16xi32>
    %swap3A_987 = arith.constant 496 : index
    %swap3A_988 = tpu.vector_load %arg9[%swap3A_987] {strides = array<i32>} : memref<512xi32, #tpu.memory_space<vmem>>, vector<16xi32>,
    tpu.vector_store %arg9[%swap3A_987], %add3A_986 {strides = array<i32>} : memref<512xi32, #tpu.memory_space<vmem>>, vector<16xi32>,
    %get3A_989 = arith.constant 496 : index
    %get3A_990 = tpu.vector_load %arg12[%get3A_989] {strides = array<i32>} : memref<512xi32, #tpu.memory_space<vmem>>, vector<16xi32>,
    %shift_right_logical3A_991 = arith.constant 1 : i32
    %shift_right_logical3A_992 = vector.broadcast %shift_right_logical3A_991 : i32 to vector<16xi32>
    %shift_right_logical3A_993 = arith.shrui %get3A_990, %shift_right_logical3A_992 : vector<16xi32>
    %swap3A_994 = arith.constant 496 : index
    %swap3A_995 = tpu.vector_load %arg10[%swap3A_994] {strides = array<i32>} : memref<512xi32, #tpu.memory_space<vmem>>, vector<16xi32>,
    tpu.vector_store %arg10[%swap3A_994], %shift_right_logical3A_993 {strides = array<i32>} : memref<512xi32, #tpu.memory_space<vmem>>, vector<16xi32>,
    %and3A_996 = arith.constant 1 : i32
    %and3A_997 = vector.broadcast %and3A_996 : i32 to vector<16xi32>
    %and3A_998 = arith.andi %get3A_990, %and3A_997 : vector<16xi32>
    %shift_left3A_999 = arith.constant 6 : i32
    %shift_left3A_1000 = vector.broadcast %shift_left3A_999 : i32 to vector<16xi32>
    %shift_left3A_1001 = arith.shli %and3A_998, %shift_left3A_1000 : vector<16xi32>
    %swap3A_1002 = arith.constant 496 : index
    %swap3A_1003 = tpu.vector_load %arg12[%swap3A_1002] {strides = array<i32>} : memref<512xi32, #tpu.memory_space<vmem>>, vector<16xi32>,
    tpu.vector_store %arg12[%swap3A_1002], %shift_left3A_1001 {strides = array<i32>} : memref<512xi32, #tpu.memory_space<vmem>>, vector<16xi32>,
    %dma_start3A_1004 = arith.constant 0 : i32
    %dma_start3A_1005 = tpu.memref_slice %arg9[%dma_start3A_1004] : memref<512xi32, #tpu.memory_space<vmem>> -> memref<128xi32, #tpu.memory_space<vmem>>
    %dma_start3A_1006 = arith.constant 0 : i32
    %dma_start3A_1007 = arith.constant 0 : i32
    %dma_start3A_1008 = tpu.memref_slice %arg6[%dma_start3A_1006, %dma_start3A_1007] : memref<294x256xf32, #tpu.memory_space<hbm>> -> memref<294x256xf32, #tpu.memory_space<hbm>>
    tpu.enqueue_indirect_dma source(%dma_start3A_1008 : memref<294x256xf32, #tpu.memory_space<hbm>>) target(%arg13 : memref<128x256xf32, #tpu.memory_space<vmem>>) offsets(%dma_start3A_1005 : memref<128xi32, #tpu.memory_space<vmem>>) semaphore(%arg18 : memref<!tpu.dma_semaphore, #tpu.memory_space<semaphore_mem>>)
    %dma_start3A_1009 = arith.constant 0 : i32
    %dma_start3A_1010 = tpu.memref_slice %arg10[%dma_start3A_1009] : memref<512xi32, #tpu.memory_space<vmem>> -> memref<128xi32, #tpu.memory_space<vmem>>
    %dma_start3A_1011 = arith.constant 0 : i32
    %dma_start3A_1012 = arith.constant 0 : i32
    %dma_start3A_1013 = tpu.memref_slice %arg7[%dma_start3A_1011, %dma_start3A_1012] : memref<50000x128xf32, #tpu.memory_space<hbm>> -> memref<50000x128xf32, #tpu.memory_space<hbm>>
    tpu.enqueue_indirect_dma source(%dma_start3A_1013 : memref<50000x128xf32, #tpu.memory_space<hbm>>) target(%arg15 : memref<128x128xf32, #tpu.memory_space<vmem>>) offsets(%dma_start3A_1010 : memref<128xi32, #tpu.memory_space<vmem>>) semaphore(%arg18 : memref<!tpu.dma_semaphore, #tpu.memory_space<semaphore_mem>>)
    %dma_wait3A_1014 = arith.constant 0 : i32
    %dma_wait3A_1015 = tpu.memref_slice %arg9[%dma_wait3A_1014] : memref<512xi32, #tpu.memory_space<vmem>> -> memref<128xi32, #tpu.memory_space<vmem>>
    %dma_wait3A_1016 = arith.constant 0 : i32
    %dma_wait3A_1017 = arith.constant 0 : i32
    %dma_wait3A_1018 = tpu.memref_slice %arg6[%dma_wait3A_1016, %dma_wait3A_1017] : memref<294x256xf32, #tpu.memory_space<hbm>> -> memref<294x256xf32, #tpu.memory_space<hbm>>
    tpu.wait_indirect_dma semaphore(%arg18 : memref<!tpu.dma_semaphore, #tpu.memory_space<semaphore_mem>>) src(%dma_wait3A_1018 : memref<294x256xf32, #tpu.memory_space<hbm>>) dst(%arg13 : memref<128x256xf32, #tpu.memory_space<vmem>>)
    %dma_wait3A_1019 = arith.constant 0 : i32
    %dma_wait3A_1020 = tpu.memref_slice %arg10[%dma_wait3A_1019] : memref<512xi32, #tpu.memory_space<vmem>> -> memref<128xi32, #tpu.memory_space<vmem>>
    %dma_wait3A_1021 = arith.constant 0 : i32
    %dma_wait3A_1022 = arith.constant 0 : i32
    %dma_wait3A_1023 = tpu.memref_slice %arg7[%dma_wait3A_1021, %dma_wait3A_1022] : memref<50000x128xf32, #tpu.memory_space<hbm>> -> memref<50000x128xf32, #tpu.memory_space<hbm>>
    tpu.wait_indirect_dma semaphore(%arg18 : memref<!tpu.dma_semaphore, #tpu.memory_space<semaphore_mem>>) src(%dma_wait3A_1023 : memref<50000x128xf32, #tpu.memory_space<hbm>>) dst(%arg15 : memref<128x128xf32, #tpu.memory_space<vmem>>)
    %dma_start3A_1024 = arith.constant 128 : i32
    %dma_start3A_1025 = tpu.memref_slice %arg9[%dma_start3A_1024] : memref<512xi32, #tpu.memory_space<vmem>> -> memref<128xi32, #tpu.memory_space<vmem>>
    %dma_start3A_1026 = arith.constant 0 : i32
    %dma_start3A_1027 = arith.constant 0 : i32
    %dma_start3A_1028 = tpu.memref_slice %arg6[%dma_start3A_1026, %dma_start3A_1027] : memref<294x256xf32, #tpu.memory_space<hbm>> -> memref<294x256xf32, #tpu.memory_space<hbm>>
    tpu.enqueue_indirect_dma source(%dma_start3A_1028 : memref<294x256xf32, #tpu.memory_space<hbm>>) target(%arg14 : memref<128x256xf32, #tpu.memory_space<vmem>>) offsets(%dma_start3A_1025 : memref<128xi32, #tpu.memory_space<vmem>>) semaphore(%arg19 : memref<!tpu.dma_semaphore, #tpu.memory_space<semaphore_mem>>)
    %dma_start3A_1029 = arith.constant 128 : i32
    %dma_start3A_1030 = tpu.memref_slice %arg10[%dma_start3A_1029] : memref<512xi32, #tpu.memory_space<vmem>> -> memref<128xi32, #tpu.memory_space<vmem>>
    %dma_start3A_1031 = arith.constant 0 : i32
    %dma_start3A_1032 = arith.constant 0 : i32
    %dma_start3A_1033 = tpu.memref_slice %arg7[%dma_start3A_1031, %dma_start3A_1032] : memref<50000x128xf32, #tpu.memory_space<hbm>> -> memref<50000x128xf32, #tpu.memory_space<hbm>>
    tpu.enqueue_indirect_dma source(%dma_start3A_1033 : memref<50000x128xf32, #tpu.memory_space<hbm>>) target(%arg16 : memref<128x128xf32, #tpu.memory_space<vmem>>) offsets(%dma_start3A_1030 : memref<128xi32, #tpu.memory_space<vmem>>) semaphore(%arg19 : memref<!tpu.dma_semaphore, #tpu.memory_space<semaphore_mem>>)
    %scan3A = arith.constant 0 : i32
    %scan3A_1034 = arith.constant 8 : i32
    %scan3A_1035 = arith.addi %scan3A, %scan3A_1034 : i32
    %scan3A_1036 = arith.constant 1 : i32
    scf.for %scan3A_1143 = %scan3A to %scan3A_1035 step %scan3A_1036  : i32 {
      %mul3A_1144 = arith.constant 16 : i32
      %mul3A_1145 = arith.muli %scan3A_1143, %mul3A_1144 : i32
      %add3A_1146 = arith.constant 0 : i32
      %add3A_1147 = arith.addi %add3A_1146, %mul3A_1145 : i32
      %add3A_1148 = vector.broadcast %add3A_1147 : i32 to vector<16xi32>
      %add3A_1149 = arith.addi %iota3A, %add3A_1148 : vector<16xi32>
      %add3A_1150 = arith.constant 0 : i32
      %add3A_1151 = arith.addi %add3A_1150, %add3A_1147 : i32
      %get3A_1152 = arith.index_cast %add3A_1151 : i32 to index
      %get3A_1153 = tpu.vector_load %arg12[%get3A_1152] {strides = array<i32>} : memref<512xi32, #tpu.memory_space<vmem>>, vector<16xi32>,
      %mul3A_1154 = arith.constant 0 : i32
      %mul3A_1155 = vector.broadcast %mul3A_1154 : i32 to vector<16xi32>
      %mul3A_1156 = arith.muli %iota3A, %mul3A_1155 : vector<16xi32>
      %add3A_1157 = arith.constant 192 : i32
      %add3A_1158 = vector.broadcast %add3A_1157 : i32 to vector<16xi32>
      %add3A_1159 = arith.addi %mul3A_1156, %add3A_1158 : vector<16xi32>
      %add3A_1160 = arith.constant 0 : i32
      %add3A_1161 = vector.broadcast %add3A_1160 : i32 to vector<16xi32>
      %add3A_1162 = arith.addi %get3A_1153, %add3A_1161 : vector<16xi32>
      %gather3A = tpu.vector_load_idx %arg15[%add3A_1149, %add3A_1162] : memref<128x128xf32, #tpu.memory_space<vmem>>[vector<16xi32>, vector<16xi32>], vector<16xf32>,
      %add3A_1163 = arith.constant 0 : i32
      %add3A_1164 = vector.broadcast %add3A_1163 : i32 to vector<16xi32>
      %add3A_1165 = arith.addi %add3A_1159, %add3A_1164 : vector<16xi32>
      tpu.vector_store_idx %arg13[%add3A_1149, %add3A_1165], %gather3A : memref<128x256xf32, #tpu.memory_space<vmem>>[vector<16xi32>, vector<16xi32>], vector<16xf32>,
      %add3A_1166 = arith.constant 1 : i32
      %add3A_1167 = vector.broadcast %add3A_1166 : i32 to vector<16xi32>
      %add3A_1168 = arith.addi %get3A_1153, %add3A_1167 : vector<16xi32>
      %gather3A_1169 = tpu.vector_load_idx %arg15[%add3A_1149, %add3A_1168] : memref<128x128xf32, #tpu.memory_space<vmem>>[vector<16xi32>, vector<16xi32>], vector<16xf32>,
      %add3A_1170 = arith.constant 1 : i32
      %add3A_1171 = vector.broadcast %add3A_1170 : i32 to vector<16xi32>
      %add3A_1172 = arith.addi %add3A_1159, %add3A_1171 : vector<16xi32>
      tpu.vector_store_idx %arg13[%add3A_1149, %add3A_1172], %gather3A_1169 : memref<128x256xf32, #tpu.memory_space<vmem>>[vector<16xi32>, vector<16xi32>], vector<16xf32>,
      %add3A_1173 = arith.constant 2 : i32
      %add3A_1174 = vector.broadcast %add3A_1173 : i32 to vector<16xi32>
      %add3A_1175 = arith.addi %get3A_1153, %add3A_1174 : vector<16xi32>
      %gather3A_1176 = tpu.vector_load_idx %arg15[%add3A_1149, %add3A_1175] : memref<128x128xf32, #tpu.memory_space<vmem>>[vector<16xi32>, vector<16xi32>], vector<16xf32>,
      %add3A_1177 = arith.constant 2 : i32
      %add3A_1178 = vector.broadcast %add3A_1177 : i32 to vector<16xi32>
      %add3A_1179 = arith.addi %add3A_1159, %add3A_1178 : vector<16xi32>
      tpu.vector_store_idx %arg13[%add3A_1149, %add3A_1179], %gather3A_1176 : memref<128x256xf32, #tpu.memory_space<vmem>>[vector<16xi32>, vector<16xi32>], vector<16xf32>,
      %add3A_1180 = arith.constant 3 : i32
      %add3A_1181 = vector.broadcast %add3A_1180 : i32 to vector<16xi32>
      %add3A_1182 = arith.addi %get3A_1153, %add3A_1181 : vector<16xi32>
      %gather3A_1183 = tpu.vector_load_idx %arg15[%add3A_1149, %add3A_1182] : memref<128x128xf32, #tpu.memory_space<vmem>>[vector<16xi32>, vector<16xi32>], vector<16xf32>,
      %add3A_1184 = arith.constant 3 : i32
      %add3A_1185 = vector.broadcast %add3A_1184 : i32 to vector<16xi32>
      %add3A_1186 = arith.addi %add3A_1159, %add3A_1185 : vector<16xi32>
      tpu.vector_store_idx %arg13[%add3A_1149, %add3A_1186], %gather3A_1183 : memref<128x256xf32, #tpu.memory_space<vmem>>[vector<16xi32>, vector<16xi32>], vector<16xf32>,
      %add3A_1187 = arith.constant 4 : i32
      %add3A_1188 = vector.broadcast %add3A_1187 : i32 to vector<16xi32>
      %add3A_1189 = arith.addi %get3A_1153, %add3A_1188 : vector<16xi32>
      %gather3A_1190 = tpu.vector_load_idx %arg15[%add3A_1149, %add3A_1189] : memref<128x128xf32, #tpu.memory_space<vmem>>[vector<16xi32>, vector<16xi32>], vector<16xf32>,
      %add3A_1191 = arith.constant 4 : i32
      %add3A_1192 = vector.broadcast %add3A_1191 : i32 to vector<16xi32>
      %add3A_1193 = arith.addi %add3A_1159, %add3A_1192 : vector<16xi32>
      tpu.vector_store_idx %arg13[%add3A_1149, %add3A_1193], %gather3A_1190 : memref<128x256xf32, #tpu.memory_space<vmem>>[vector<16xi32>, vector<16xi32>], vector<16xf32>,
      %add3A_1194 = arith.constant 5 : i32
      %add3A_1195 = vector.broadcast %add3A_1194 : i32 to vector<16xi32>
      %add3A_1196 = arith.addi %get3A_1153, %add3A_1195 : vector<16xi32>
      %gather3A_1197 = tpu.vector_load_idx %arg15[%add3A_1149, %add3A_1196] : memref<128x128xf32, #tpu.memory_space<vmem>>[vector<16xi32>, vector<16xi32>], vector<16xf32>,
      %add3A_1198 = arith.constant 5 : i32
      %add3A_1199 = vector.broadcast %add3A_1198 : i32 to vector<16xi32>
      %add3A_1200 = arith.addi %add3A_1159, %add3A_1199 : vector<16xi32>
      tpu.vector_store_idx %arg13[%add3A_1149, %add3A_1200], %gather3A_1197 : memref<128x256xf32, #tpu.memory_space<vmem>>[vector<16xi32>, vector<16xi32>], vector<16xf32>,
      %add3A_1201 = arith.constant 6 : i32
      %add3A_1202 = vector.broadcast %add3A_1201 : i32 to vector<16xi32>
      %add3A_1203 = arith.addi %get3A_1153, %add3A_1202 : vector<16xi32>
      %gather3A_1204 = tpu.vector_load_idx %arg15[%add3A_1149, %add3A_1203] : memref<128x128xf32, #tpu.memory_space<vmem>>[vector<16xi32>, vector<16xi32>], vector<16xf32>,
      %add3A_1205 = arith.constant 6 : i32
      %add3A_1206 = vector.broadcast %add3A_1205 : i32 to vector<16xi32>
      %add3A_1207 = arith.addi %add3A_1159, %add3A_1206 : vector<16xi32>
      tpu.vector_store_idx %arg13[%add3A_1149, %add3A_1207], %gather3A_1204 : memref<128x256xf32, #tpu.memory_space<vmem>>[vector<16xi32>, vector<16xi32>], vector<16xf32>,
      %add3A_1208 = arith.constant 7 : i32
      %add3A_1209 = vector.broadcast %add3A_1208 : i32 to vector<16xi32>
      %add3A_1210 = arith.addi %get3A_1153, %add3A_1209 : vector<16xi32>
      %gather3A_1211 = tpu.vector_load_idx %arg15[%add3A_1149, %add3A_1210] : memref<128x128xf32, #tpu.memory_space<vmem>>[vector<16xi32>, vector<16xi32>], vector<16xf32>,
      %add3A_1212 = arith.constant 7 : i32
      %add3A_1213 = vector.broadcast %add3A_1212 : i32 to vector<16xi32>
      %add3A_1214 = arith.addi %add3A_1159, %add3A_1213 : vector<16xi32>
      tpu.vector_store_idx %arg13[%add3A_1149, %add3A_1214], %gather3A_1211 : memref<128x256xf32, #tpu.memory_space<vmem>>[vector<16xi32>, vector<16xi32>], vector<16xf32>,
      %add3A_1215 = arith.constant 8 : i32
      %add3A_1216 = vector.broadcast %add3A_1215 : i32 to vector<16xi32>
      %add3A_1217 = arith.addi %get3A_1153, %add3A_1216 : vector<16xi32>
      %gather3A_1218 = tpu.vector_load_idx %arg15[%add3A_1149, %add3A_1217] : memref<128x128xf32, #tpu.memory_space<vmem>>[vector<16xi32>, vector<16xi32>], vector<16xf32>,
      %add3A_1219 = arith.constant 8 : i32
      %add3A_1220 = vector.broadcast %add3A_1219 : i32 to vector<16xi32>
      %add3A_1221 = arith.addi %add3A_1159, %add3A_1220 : vector<16xi32>
      tpu.vector_store_idx %arg13[%add3A_1149, %add3A_1221], %gather3A_1218 : memref<128x256xf32, #tpu.memory_space<vmem>>[vector<16xi32>, vector<16xi32>], vector<16xf32>,
      %add3A_1222 = arith.constant 9 : i32
      %add3A_1223 = vector.broadcast %add3A_1222 : i32 to vector<16xi32>
      %add3A_1224 = arith.addi %get3A_1153, %add3A_1223 : vector<16xi32>
      %gather3A_1225 = tpu.vector_load_idx %arg15[%add3A_1149, %add3A_1224] : memref<128x128xf32, #tpu.memory_space<vmem>>[vector<16xi32>, vector<16xi32>], vector<16xf32>,
      %add3A_1226 = arith.constant 9 : i32
      %add3A_1227 = vector.broadcast %add3A_1226 : i32 to vector<16xi32>
      %add3A_1228 = arith.addi %add3A_1159, %add3A_1227 : vector<16xi32>
      tpu.vector_store_idx %arg13[%add3A_1149, %add3A_1228], %gather3A_1225 : memref<128x256xf32, #tpu.memory_space<vmem>>[vector<16xi32>, vector<16xi32>], vector<16xf32>,
      %add3A_1229 = arith.constant 10 : i32
      %add3A_1230 = vector.broadcast %add3A_1229 : i32 to vector<16xi32>
      %add3A_1231 = arith.addi %get3A_1153, %add3A_1230 : vector<16xi32>
      %gather3A_1232 = tpu.vector_load_idx %arg15[%add3A_1149, %add3A_1231] : memref<128x128xf32, #tpu.memory_space<vmem>>[vector<16xi32>, vector<16xi32>], vector<16xf32>,
      %add3A_1233 = arith.constant 10 : i32
      %add3A_1234 = vector.broadcast %add3A_1233 : i32 to vector<16xi32>
      %add3A_1235 = arith.addi %add3A_1159, %add3A_1234 : vector<16xi32>
      tpu.vector_store_idx %arg13[%add3A_1149, %add3A_1235], %gather3A_1232 : memref<128x256xf32, #tpu.memory_space<vmem>>[vector<16xi32>, vector<16xi32>], vector<16xf32>,
      %add3A_1236 = arith.constant 11 : i32
      %add3A_1237 = vector.broadcast %add3A_1236 : i32 to vector<16xi32>
      %add3A_1238 = arith.addi %get3A_1153, %add3A_1237 : vector<16xi32>
      %gather3A_1239 = tpu.vector_load_idx %arg15[%add3A_1149, %add3A_1238] : memref<128x128xf32, #tpu.memory_space<vmem>>[vector<16xi32>, vector<16xi32>], vector<16xf32>,
      %add3A_1240 = arith.constant 11 : i32
      %add3A_1241 = vector.broadcast %add3A_1240 : i32 to vector<16xi32>
      %add3A_1242 = arith.addi %add3A_1159, %add3A_1241 : vector<16xi32>
      tpu.vector_store_idx %arg13[%add3A_1149, %add3A_1242], %gather3A_1239 : memref<128x256xf32, #tpu.memory_space<vmem>>[vector<16xi32>, vector<16xi32>], vector<16xf32>,
      %add3A_1243 = arith.constant 12 : i32
      %add3A_1244 = vector.broadcast %add3A_1243 : i32 to vector<16xi32>
      %add3A_1245 = arith.addi %get3A_1153, %add3A_1244 : vector<16xi32>
      %gather3A_1246 = tpu.vector_load_idx %arg15[%add3A_1149, %add3A_1245] : memref<128x128xf32, #tpu.memory_space<vmem>>[vector<16xi32>, vector<16xi32>], vector<16xf32>,
      %add3A_1247 = arith.constant 12 : i32
      %add3A_1248 = vector.broadcast %add3A_1247 : i32 to vector<16xi32>
      %add3A_1249 = arith.addi %add3A_1159, %add3A_1248 : vector<16xi32>
      tpu.vector_store_idx %arg13[%add3A_1149, %add3A_1249], %gather3A_1246 : memref<128x256xf32, #tpu.memory_space<vmem>>[vector<16xi32>, vector<16xi32>], vector<16xf32>,
      %add3A_1250 = arith.constant 13 : i32
      %add3A_1251 = vector.broadcast %add3A_1250 : i32 to vector<16xi32>
      %add3A_1252 = arith.addi %get3A_1153, %add3A_1251 : vector<16xi32>
      %gather3A_1253 = tpu.vector_load_idx %arg15[%add3A_1149, %add3A_1252] : memref<128x128xf32, #tpu.memory_space<vmem>>[vector<16xi32>, vector<16xi32>], vector<16xf32>,
      %add3A_1254 = arith.constant 13 : i32
      %add3A_1255 = vector.broadcast %add3A_1254 : i32 to vector<16xi32>
      %add3A_1256 = arith.addi %add3A_1159, %add3A_1255 : vector<16xi32>
      tpu.vector_store_idx %arg13[%add3A_1149, %add3A_1256], %gather3A_1253 : memref<128x256xf32, #tpu.memory_space<vmem>>[vector<16xi32>, vector<16xi32>], vector<16xf32>,
      %add3A_1257 = arith.constant 14 : i32
      %add3A_1258 = vector.broadcast %add3A_1257 : i32 to vector<16xi32>
      %add3A_1259 = arith.addi %get3A_1153, %add3A_1258 : vector<16xi32>
      %gather3A_1260 = tpu.vector_load_idx %arg15[%add3A_1149, %add3A_1259] : memref<128x128xf32, #tpu.memory_space<vmem>>[vector<16xi32>, vector<16xi32>], vector<16xf32>,
      %add3A_1261 = arith.constant 14 : i32
      %add3A_1262 = vector.broadcast %add3A_1261 : i32 to vector<16xi32>
      %add3A_1263 = arith.addi %add3A_1159, %add3A_1262 : vector<16xi32>
      tpu.vector_store_idx %arg13[%add3A_1149, %add3A_1263], %gather3A_1260 : memref<128x256xf32, #tpu.memory_space<vmem>>[vector<16xi32>, vector<16xi32>], vector<16xf32>,
      %add3A_1264 = arith.constant 15 : i32
      %add3A_1265 = vector.broadcast %add3A_1264 : i32 to vector<16xi32>
      %add3A_1266 = arith.addi %get3A_1153, %add3A_1265 : vector<16xi32>
      %gather3A_1267 = tpu.vector_load_idx %arg15[%add3A_1149, %add3A_1266] : memref<128x128xf32, #tpu.memory_space<vmem>>[vector<16xi32>, vector<16xi32>], vector<16xf32>,
      %add3A_1268 = arith.constant 15 : i32
      %add3A_1269 = vector.broadcast %add3A_1268 : i32 to vector<16xi32>
      %add3A_1270 = arith.addi %add3A_1159, %add3A_1269 : vector<16xi32>
      tpu.vector_store_idx %arg13[%add3A_1149, %add3A_1270], %gather3A_1267 : memref<128x256xf32, #tpu.memory_space<vmem>>[vector<16xi32>, vector<16xi32>], vector<16xf32>,
      %add3A_1271 = arith.constant 16 : i32
      %add3A_1272 = vector.broadcast %add3A_1271 : i32 to vector<16xi32>
      %add3A_1273 = arith.addi %get3A_1153, %add3A_1272 : vector<16xi32>
      %gather3A_1274 = tpu.vector_load_idx %arg15[%add3A_1149, %add3A_1273] : memref<128x128xf32, #tpu.memory_space<vmem>>[vector<16xi32>, vector<16xi32>], vector<16xf32>,
      %add3A_1275 = arith.constant 16 : i32
      %add3A_1276 = vector.broadcast %add3A_1275 : i32 to vector<16xi32>
      %add3A_1277 = arith.addi %add3A_1159, %add3A_1276 : vector<16xi32>
      tpu.vector_store_idx %arg13[%add3A_1149, %add3A_1277], %gather3A_1274 : memref<128x256xf32, #tpu.memory_space<vmem>>[vector<16xi32>, vector<16xi32>], vector<16xf32>,
      %add3A_1278 = arith.constant 17 : i32
      %add3A_1279 = vector.broadcast %add3A_1278 : i32 to vector<16xi32>
      %add3A_1280 = arith.addi %get3A_1153, %add3A_1279 : vector<16xi32>
      %gather3A_1281 = tpu.vector_load_idx %arg15[%add3A_1149, %add3A_1280] : memref<128x128xf32, #tpu.memory_space<vmem>>[vector<16xi32>, vector<16xi32>], vector<16xf32>,
      %add3A_1282 = arith.constant 17 : i32
      %add3A_1283 = vector.broadcast %add3A_1282 : i32 to vector<16xi32>
      %add3A_1284 = arith.addi %add3A_1159, %add3A_1283 : vector<16xi32>
      tpu.vector_store_idx %arg13[%add3A_1149, %add3A_1284], %gather3A_1281 : memref<128x256xf32, #tpu.memory_space<vmem>>[vector<16xi32>, vector<16xi32>], vector<16xf32>,
      %add3A_1285 = arith.constant 18 : i32
      %add3A_1286 = vector.broadcast %add3A_1285 : i32 to vector<16xi32>
      %add3A_1287 = arith.addi %get3A_1153, %add3A_1286 : vector<16xi32>
      %gather3A_1288 = tpu.vector_load_idx %arg15[%add3A_1149, %add3A_1287] : memref<128x128xf32, #tpu.memory_space<vmem>>[vector<16xi32>, vector<16xi32>], vector<16xf32>,
      %add3A_1289 = arith.constant 18 : i32
      %add3A_1290 = vector.broadcast %add3A_1289 : i32 to vector<16xi32>
      %add3A_1291 = arith.addi %add3A_1159, %add3A_1290 : vector<16xi32>
      tpu.vector_store_idx %arg13[%add3A_1149, %add3A_1291], %gather3A_1288 : memref<128x256xf32, #tpu.memory_space<vmem>>[vector<16xi32>, vector<16xi32>], vector<16xf32>,
      %add3A_1292 = arith.constant 19 : i32
      %add3A_1293 = vector.broadcast %add3A_1292 : i32 to vector<16xi32>
      %add3A_1294 = arith.addi %get3A_1153, %add3A_1293 : vector<16xi32>
      %gather3A_1295 = tpu.vector_load_idx %arg15[%add3A_1149, %add3A_1294] : memref<128x128xf32, #tpu.memory_space<vmem>>[vector<16xi32>, vector<16xi32>], vector<16xf32>,
      %add3A_1296 = arith.constant 19 : i32
      %add3A_1297 = vector.broadcast %add3A_1296 : i32 to vector<16xi32>
      %add3A_1298 = arith.addi %add3A_1159, %add3A_1297 : vector<16xi32>
      tpu.vector_store_idx %arg13[%add3A_1149, %add3A_1298], %gather3A_1295 : memref<128x256xf32, #tpu.memory_space<vmem>>[vector<16xi32>, vector<16xi32>], vector<16xf32>,
      %add3A_1299 = arith.constant 20 : i32
      %add3A_1300 = vector.broadcast %add3A_1299 : i32 to vector<16xi32>
      %add3A_1301 = arith.addi %get3A_1153, %add3A_1300 : vector<16xi32>
      %gather3A_1302 = tpu.vector_load_idx %arg15[%add3A_1149, %add3A_1301] : memref<128x128xf32, #tpu.memory_space<vmem>>[vector<16xi32>, vector<16xi32>], vector<16xf32>,
      %add3A_1303 = arith.constant 20 : i32
      %add3A_1304 = vector.broadcast %add3A_1303 : i32 to vector<16xi32>
      %add3A_1305 = arith.addi %add3A_1159, %add3A_1304 : vector<16xi32>
      tpu.vector_store_idx %arg13[%add3A_1149, %add3A_1305], %gather3A_1302 : memref<128x256xf32, #tpu.memory_space<vmem>>[vector<16xi32>, vector<16xi32>], vector<16xf32>,
      %add3A_1306 = arith.constant 21 : i32
      %add3A_1307 = vector.broadcast %add3A_1306 : i32 to vector<16xi32>
      %add3A_1308 = arith.addi %get3A_1153, %add3A_1307 : vector<16xi32>
      %gather3A_1309 = tpu.vector_load_idx %arg15[%add3A_1149, %add3A_1308] : memref<128x128xf32, #tpu.memory_space<vmem>>[vector<16xi32>, vector<16xi32>], vector<16xf32>,
      %add3A_1310 = arith.constant 21 : i32
      %add3A_1311 = vector.broadcast %add3A_1310 : i32 to vector<16xi32>
      %add3A_1312 = arith.addi %add3A_1159, %add3A_1311 : vector<16xi32>
      tpu.vector_store_idx %arg13[%add3A_1149, %add3A_1312], %gather3A_1309 : memref<128x256xf32, #tpu.memory_space<vmem>>[vector<16xi32>, vector<16xi32>], vector<16xf32>,
      %add3A_1313 = arith.constant 22 : i32
      %add3A_1314 = vector.broadcast %add3A_1313 : i32 to vector<16xi32>
      %add3A_1315 = arith.addi %get3A_1153, %add3A_1314 : vector<16xi32>
      %gather3A_1316 = tpu.vector_load_idx %arg15[%add3A_1149, %add3A_1315] : memref<128x128xf32, #tpu.memory_space<vmem>>[vector<16xi32>, vector<16xi32>], vector<16xf32>,
      %add3A_1317 = arith.constant 22 : i32
      %add3A_1318 = vector.broadcast %add3A_1317 : i32 to vector<16xi32>
      %add3A_1319 = arith.addi %add3A_1159, %add3A_1318 : vector<16xi32>
      tpu.vector_store_idx %arg13[%add3A_1149, %add3A_1319], %gather3A_1316 : memref<128x256xf32, #tpu.memory_space<vmem>>[vector<16xi32>, vector<16xi32>], vector<16xf32>,
      %add3A_1320 = arith.constant 23 : i32
      %add3A_1321 = vector.broadcast %add3A_1320 : i32 to vector<16xi32>
      %add3A_1322 = arith.addi %get3A_1153, %add3A_1321 : vector<16xi32>
      %gather3A_1323 = tpu.vector_load_idx %arg15[%add3A_1149, %add3A_1322] : memref<128x128xf32, #tpu.memory_space<vmem>>[vector<16xi32>, vector<16xi32>], vector<16xf32>,
      %add3A_1324 = arith.constant 23 : i32
      %add3A_1325 = vector.broadcast %add3A_1324 : i32 to vector<16xi32>
      %add3A_1326 = arith.addi %add3A_1159, %add3A_1325 : vector<16xi32>
      tpu.vector_store_idx %arg13[%add3A_1149, %add3A_1326], %gather3A_1323 : memref<128x256xf32, #tpu.memory_space<vmem>>[vector<16xi32>, vector<16xi32>], vector<16xf32>,
      %add3A_1327 = arith.constant 24 : i32
      %add3A_1328 = vector.broadcast %add3A_1327 : i32 to vector<16xi32>
      %add3A_1329 = arith.addi %get3A_1153, %add3A_1328 : vector<16xi32>
      %gather3A_1330 = tpu.vector_load_idx %arg15[%add3A_1149, %add3A_1329] : memref<128x128xf32, #tpu.memory_space<vmem>>[vector<16xi32>, vector<16xi32>], vector<16xf32>,
      %add3A_1331 = arith.constant 24 : i32
      %add3A_1332 = vector.broadcast %add3A_1331 : i32 to vector<16xi32>
      %add3A_1333 = arith.addi %add3A_1159, %add3A_1332 : vector<16xi32>
      tpu.vector_store_idx %arg13[%add3A_1149, %add3A_1333], %gather3A_1330 : memref<128x256xf32, #tpu.memory_space<vmem>>[vector<16xi32>, vector<16xi32>], vector<16xf32>,
      %add3A_1334 = arith.constant 25 : i32
      %add3A_1335 = vector.broadcast %add3A_1334 : i32 to vector<16xi32>
      %add3A_1336 = arith.addi %get3A_1153, %add3A_1335 : vector<16xi32>
      %gather3A_1337 = tpu.vector_load_idx %arg15[%add3A_1149, %add3A_1336] : memref<128x128xf32, #tpu.memory_space<vmem>>[vector<16xi32>, vector<16xi32>], vector<16xf32>,
      %add3A_1338 = arith.constant 25 : i32
      %add3A_1339 = vector.broadcast %add3A_1338 : i32 to vector<16xi32>
      %add3A_1340 = arith.addi %add3A_1159, %add3A_1339 : vector<16xi32>
      tpu.vector_store_idx %arg13[%add3A_1149, %add3A_1340], %gather3A_1337 : memref<128x256xf32, #tpu.memory_space<vmem>>[vector<16xi32>, vector<16xi32>], vector<16xf32>,
      %add3A_1341 = arith.constant 26 : i32
      %add3A_1342 = vector.broadcast %add3A_1341 : i32 to vector<16xi32>
      %add3A_1343 = arith.addi %get3A_1153, %add3A_1342 : vector<16xi32>
      %gather3A_1344 = tpu.vector_load_idx %arg15[%add3A_1149, %add3A_1343] : memref<128x128xf32, #tpu.memory_space<vmem>>[vector<16xi32>, vector<16xi32>], vector<16xf32>,
      %add3A_1345 = arith.constant 26 : i32
      %add3A_1346 = vector.broadcast %add3A_1345 : i32 to vector<16xi32>
      %add3A_1347 = arith.addi %add3A_1159, %add3A_1346 : vector<16xi32>
      tpu.vector_store_idx %arg13[%add3A_1149, %add3A_1347], %gather3A_1344 : memref<128x256xf32, #tpu.memory_space<vmem>>[vector<16xi32>, vector<16xi32>], vector<16xf32>,
      %add3A_1348 = arith.constant 27 : i32
      %add3A_1349 = vector.broadcast %add3A_1348 : i32 to vector<16xi32>
      %add3A_1350 = arith.addi %get3A_1153, %add3A_1349 : vector<16xi32>
      %gather3A_1351 = tpu.vector_load_idx %arg15[%add3A_1149, %add3A_1350] : memref<128x128xf32, #tpu.memory_space<vmem>>[vector<16xi32>, vector<16xi32>], vector<16xf32>,
      %add3A_1352 = arith.constant 27 : i32
      %add3A_1353 = vector.broadcast %add3A_1352 : i32 to vector<16xi32>
      %add3A_1354 = arith.addi %add3A_1159, %add3A_1353 : vector<16xi32>
      tpu.vector_store_idx %arg13[%add3A_1149, %add3A_1354], %gather3A_1351 : memref<128x256xf32, #tpu.memory_space<vmem>>[vector<16xi32>, vector<16xi32>], vector<16xf32>,
      %add3A_1355 = arith.constant 28 : i32
      %add3A_1356 = vector.broadcast %add3A_1355 : i32 to vector<16xi32>
      %add3A_1357 = arith.addi %get3A_1153, %add3A_1356 : vector<16xi32>
      %gather3A_1358 = tpu.vector_load_idx %arg15[%add3A_1149, %add3A_1357] : memref<128x128xf32, #tpu.memory_space<vmem>>[vector<16xi32>, vector<16xi32>], vector<16xf32>,
      %add3A_1359 = arith.constant 28 : i32
      %add3A_1360 = vector.broadcast %add3A_1359 : i32 to vector<16xi32>
      %add3A_1361 = arith.addi %add3A_1159, %add3A_1360 : vector<16xi32>
      tpu.vector_store_idx %arg13[%add3A_1149, %add3A_1361], %gather3A_1358 : memref<128x256xf32, #tpu.memory_space<vmem>>[vector<16xi32>, vector<16xi32>], vector<16xf32>,
      %add3A_1362 = arith.constant 29 : i32
      %add3A_1363 = vector.broadcast %add3A_1362 : i32 to vector<16xi32>
      %add3A_1364 = arith.addi %get3A_1153, %add3A_1363 : vector<16xi32>
      %gather3A_1365 = tpu.vector_load_idx %arg15[%add3A_1149, %add3A_1364] : memref<128x128xf32, #tpu.memory_space<vmem>>[vector<16xi32>, vector<16xi32>], vector<16xf32>,
      %add3A_1366 = arith.constant 29 : i32
      %add3A_1367 = vector.broadcast %add3A_1366 : i32 to vector<16xi32>
      %add3A_1368 = arith.addi %add3A_1159, %add3A_1367 : vector<16xi32>
      tpu.vector_store_idx %arg13[%add3A_1149, %add3A_1368], %gather3A_1365 : memref<128x256xf32, #tpu.memory_space<vmem>>[vector<16xi32>, vector<16xi32>], vector<16xf32>,
      %add3A_1369 = arith.constant 30 : i32
      %add3A_1370 = vector.broadcast %add3A_1369 : i32 to vector<16xi32>
      %add3A_1371 = arith.addi %get3A_1153, %add3A_1370 : vector<16xi32>
      %gather3A_1372 = tpu.vector_load_idx %arg15[%add3A_1149, %add3A_1371] : memref<128x128xf32, #tpu.memory_space<vmem>>[vector<16xi32>, vector<16xi32>], vector<16xf32>,
      %add3A_1373 = arith.constant 30 : i32
      %add3A_1374 = vector.broadcast %add3A_1373 : i32 to vector<16xi32>
      %add3A_1375 = arith.addi %add3A_1159, %add3A_1374 : vector<16xi32>
      tpu.vector_store_idx %arg13[%add3A_1149, %add3A_1375], %gather3A_1372 : memref<128x256xf32, #tpu.memory_space<vmem>>[vector<16xi32>, vector<16xi32>], vector<16xf32>,
      %add3A_1376 = arith.constant 31 : i32
      %add3A_1377 = vector.broadcast %add3A_1376 : i32 to vector<16xi32>
      %add3A_1378 = arith.addi %get3A_1153, %add3A_1377 : vector<16xi32>
      %gather3A_1379 = tpu.vector_load_idx %arg15[%add3A_1149, %add3A_1378] : memref<128x128xf32, #tpu.memory_space<vmem>>[vector<16xi32>, vector<16xi32>], vector<16xf32>,
      %add3A_1380 = arith.constant 31 : i32
      %add3A_1381 = vector.broadcast %add3A_1380 : i32 to vector<16xi32>
      %add3A_1382 = arith.addi %add3A_1159, %add3A_1381 : vector<16xi32>
      tpu.vector_store_idx %arg13[%add3A_1149, %add3A_1382], %gather3A_1379 : memref<128x256xf32, #tpu.memory_space<vmem>>[vector<16xi32>, vector<16xi32>], vector<16xf32>,
      %add3A_1383 = arith.constant 32 : i32
      %add3A_1384 = vector.broadcast %add3A_1383 : i32 to vector<16xi32>
      %add3A_1385 = arith.addi %get3A_1153, %add3A_1384 : vector<16xi32>
      %gather3A_1386 = tpu.vector_load_idx %arg15[%add3A_1149, %add3A_1385] : memref<128x128xf32, #tpu.memory_space<vmem>>[vector<16xi32>, vector<16xi32>], vector<16xf32>,
      %add3A_1387 = arith.constant 32 : i32
      %add3A_1388 = vector.broadcast %add3A_1387 : i32 to vector<16xi32>
      %add3A_1389 = arith.addi %add3A_1159, %add3A_1388 : vector<16xi32>
      tpu.vector_store_idx %arg13[%add3A_1149, %add3A_1389], %gather3A_1386 : memref<128x256xf32, #tpu.memory_space<vmem>>[vector<16xi32>, vector<16xi32>], vector<16xf32>,
      %add3A_1390 = arith.constant 33 : i32
      %add3A_1391 = vector.broadcast %add3A_1390 : i32 to vector<16xi32>
      %add3A_1392 = arith.addi %get3A_1153, %add3A_1391 : vector<16xi32>
      %gather3A_1393 = tpu.vector_load_idx %arg15[%add3A_1149, %add3A_1392] : memref<128x128xf32, #tpu.memory_space<vmem>>[vector<16xi32>, vector<16xi32>], vector<16xf32>,
      %add3A_1394 = arith.constant 33 : i32
      %add3A_1395 = vector.broadcast %add3A_1394 : i32 to vector<16xi32>
      %add3A_1396 = arith.addi %add3A_1159, %add3A_1395 : vector<16xi32>
      tpu.vector_store_idx %arg13[%add3A_1149, %add3A_1396], %gather3A_1393 : memref<128x256xf32, #tpu.memory_space<vmem>>[vector<16xi32>, vector<16xi32>], vector<16xf32>,
      %add3A_1397 = arith.constant 34 : i32
      %add3A_1398 = vector.broadcast %add3A_1397 : i32 to vector<16xi32>
      %add3A_1399 = arith.addi %get3A_1153, %add3A_1398 : vector<16xi32>
      %gather3A_1400 = tpu.vector_load_idx %arg15[%add3A_1149, %add3A_1399] : memref<128x128xf32, #tpu.memory_space<vmem>>[vector<16xi32>, vector<16xi32>], vector<16xf32>,
      %add3A_1401 = arith.constant 34 : i32
      %add3A_1402 = vector.broadcast %add3A_1401 : i32 to vector<16xi32>
      %add3A_1403 = arith.addi %add3A_1159, %add3A_1402 : vector<16xi32>
      tpu.vector_store_idx %arg13[%add3A_1149, %add3A_1403], %gather3A_1400 : memref<128x256xf32, #tpu.memory_space<vmem>>[vector<16xi32>, vector<16xi32>], vector<16xf32>,
      %add3A_1404 = arith.constant 35 : i32
      %add3A_1405 = vector.broadcast %add3A_1404 : i32 to vector<16xi32>
      %add3A_1406 = arith.addi %get3A_1153, %add3A_1405 : vector<16xi32>
      %gather3A_1407 = tpu.vector_load_idx %arg15[%add3A_1149, %add3A_1406] : memref<128x128xf32, #tpu.memory_space<vmem>>[vector<16xi32>, vector<16xi32>], vector<16xf32>,
      %add3A_1408 = arith.constant 35 : i32
      %add3A_1409 = vector.broadcast %add3A_1408 : i32 to vector<16xi32>
      %add3A_1410 = arith.addi %add3A_1159, %add3A_1409 : vector<16xi32>
      tpu.vector_store_idx %arg13[%add3A_1149, %add3A_1410], %gather3A_1407 : memref<128x256xf32, #tpu.memory_space<vmem>>[vector<16xi32>, vector<16xi32>], vector<16xf32>,
      %add3A_1411 = arith.constant 36 : i32
      %add3A_1412 = vector.broadcast %add3A_1411 : i32 to vector<16xi32>
      %add3A_1413 = arith.addi %get3A_1153, %add3A_1412 : vector<16xi32>
      %gather3A_1414 = tpu.vector_load_idx %arg15[%add3A_1149, %add3A_1413] : memref<128x128xf32, #tpu.memory_space<vmem>>[vector<16xi32>, vector<16xi32>], vector<16xf32>,
      %add3A_1415 = arith.constant 36 : i32
      %add3A_1416 = vector.broadcast %add3A_1415 : i32 to vector<16xi32>
      %add3A_1417 = arith.addi %add3A_1159, %add3A_1416 : vector<16xi32>
      tpu.vector_store_idx %arg13[%add3A_1149, %add3A_1417], %gather3A_1414 : memref<128x256xf32, #tpu.memory_space<vmem>>[vector<16xi32>, vector<16xi32>], vector<16xf32>,
      %add3A_1418 = arith.constant 37 : i32
      %add3A_1419 = vector.broadcast %add3A_1418 : i32 to vector<16xi32>
      %add3A_1420 = arith.addi %get3A_1153, %add3A_1419 : vector<16xi32>
      %gather3A_1421 = tpu.vector_load_idx %arg15[%add3A_1149, %add3A_1420] : memref<128x128xf32, #tpu.memory_space<vmem>>[vector<16xi32>, vector<16xi32>], vector<16xf32>,
      %add3A_1422 = arith.constant 37 : i32
      %add3A_1423 = vector.broadcast %add3A_1422 : i32 to vector<16xi32>
      %add3A_1424 = arith.addi %add3A_1159, %add3A_1423 : vector<16xi32>
      tpu.vector_store_idx %arg13[%add3A_1149, %add3A_1424], %gather3A_1421 : memref<128x256xf32, #tpu.memory_space<vmem>>[vector<16xi32>, vector<16xi32>], vector<16xf32>,
      %add3A_1425 = arith.constant 38 : i32
      %add3A_1426 = vector.broadcast %add3A_1425 : i32 to vector<16xi32>
      %add3A_1427 = arith.addi %get3A_1153, %add3A_1426 : vector<16xi32>
      %gather3A_1428 = tpu.vector_load_idx %arg15[%add3A_1149, %add3A_1427] : memref<128x128xf32, #tpu.memory_space<vmem>>[vector<16xi32>, vector<16xi32>], vector<16xf32>,
      %add3A_1429 = arith.constant 38 : i32
      %add3A_1430 = vector.broadcast %add3A_1429 : i32 to vector<16xi32>
      %add3A_1431 = arith.addi %add3A_1159, %add3A_1430 : vector<16xi32>
      tpu.vector_store_idx %arg13[%add3A_1149, %add3A_1431], %gather3A_1428 : memref<128x256xf32, #tpu.memory_space<vmem>>[vector<16xi32>, vector<16xi32>], vector<16xf32>,
      %add3A_1432 = arith.constant 39 : i32
      %add3A_1433 = vector.broadcast %add3A_1432 : i32 to vector<16xi32>
      %add3A_1434 = arith.addi %get3A_1153, %add3A_1433 : vector<16xi32>
      %gather3A_1435 = tpu.vector_load_idx %arg15[%add3A_1149, %add3A_1434] : memref<128x128xf32, #tpu.memory_space<vmem>>[vector<16xi32>, vector<16xi32>], vector<16xf32>,
      %add3A_1436 = arith.constant 39 : i32
      %add3A_1437 = vector.broadcast %add3A_1436 : i32 to vector<16xi32>
      %add3A_1438 = arith.addi %add3A_1159, %add3A_1437 : vector<16xi32>
      tpu.vector_store_idx %arg13[%add3A_1149, %add3A_1438], %gather3A_1435 : memref<128x256xf32, #tpu.memory_space<vmem>>[vector<16xi32>, vector<16xi32>], vector<16xf32>,
      %add3A_1439 = arith.constant 40 : i32
      %add3A_1440 = vector.broadcast %add3A_1439 : i32 to vector<16xi32>
      %add3A_1441 = arith.addi %get3A_1153, %add3A_1440 : vector<16xi32>
      %gather3A_1442 = tpu.vector_load_idx %arg15[%add3A_1149, %add3A_1441] : memref<128x128xf32, #tpu.memory_space<vmem>>[vector<16xi32>, vector<16xi32>], vector<16xf32>,
      %add3A_1443 = arith.constant 40 : i32
      %add3A_1444 = vector.broadcast %add3A_1443 : i32 to vector<16xi32>
      %add3A_1445 = arith.addi %add3A_1159, %add3A_1444 : vector<16xi32>
      tpu.vector_store_idx %arg13[%add3A_1149, %add3A_1445], %gather3A_1442 : memref<128x256xf32, #tpu.memory_space<vmem>>[vector<16xi32>, vector<16xi32>], vector<16xf32>,
      %add3A_1446 = arith.constant 41 : i32
      %add3A_1447 = vector.broadcast %add3A_1446 : i32 to vector<16xi32>
      %add3A_1448 = arith.addi %get3A_1153, %add3A_1447 : vector<16xi32>
      %gather3A_1449 = tpu.vector_load_idx %arg15[%add3A_1149, %add3A_1448] : memref<128x128xf32, #tpu.memory_space<vmem>>[vector<16xi32>, vector<16xi32>], vector<16xf32>,
      %add3A_1450 = arith.constant 41 : i32
      %add3A_1451 = vector.broadcast %add3A_1450 : i32 to vector<16xi32>
      %add3A_1452 = arith.addi %add3A_1159, %add3A_1451 : vector<16xi32>
      tpu.vector_store_idx %arg13[%add3A_1149, %add3A_1452], %gather3A_1449 : memref<128x256xf32, #tpu.memory_space<vmem>>[vector<16xi32>, vector<16xi32>], vector<16xf32>,
      %add3A_1453 = arith.constant 42 : i32
      %add3A_1454 = vector.broadcast %add3A_1453 : i32 to vector<16xi32>
      %add3A_1455 = arith.addi %get3A_1153, %add3A_1454 : vector<16xi32>
      %gather3A_1456 = tpu.vector_load_idx %arg15[%add3A_1149, %add3A_1455] : memref<128x128xf32, #tpu.memory_space<vmem>>[vector<16xi32>, vector<16xi32>], vector<16xf32>,
      %add3A_1457 = arith.constant 42 : i32
      %add3A_1458 = vector.broadcast %add3A_1457 : i32 to vector<16xi32>
      %add3A_1459 = arith.addi %add3A_1159, %add3A_1458 : vector<16xi32>
      tpu.vector_store_idx %arg13[%add3A_1149, %add3A_1459], %gather3A_1456 : memref<128x256xf32, #tpu.memory_space<vmem>>[vector<16xi32>, vector<16xi32>], vector<16xf32>,
      %add3A_1460 = arith.constant 43 : i32
      %add3A_1461 = vector.broadcast %add3A_1460 : i32 to vector<16xi32>
      %add3A_1462 = arith.addi %get3A_1153, %add3A_1461 : vector<16xi32>
      %gather3A_1463 = tpu.vector_load_idx %arg15[%add3A_1149, %add3A_1462] : memref<128x128xf32, #tpu.memory_space<vmem>>[vector<16xi32>, vector<16xi32>], vector<16xf32>,
      %add3A_1464 = arith.constant 43 : i32
      %add3A_1465 = vector.broadcast %add3A_1464 : i32 to vector<16xi32>
      %add3A_1466 = arith.addi %add3A_1159, %add3A_1465 : vector<16xi32>
      tpu.vector_store_idx %arg13[%add3A_1149, %add3A_1466], %gather3A_1463 : memref<128x256xf32, #tpu.memory_space<vmem>>[vector<16xi32>, vector<16xi32>], vector<16xf32>,
      %add3A_1467 = arith.constant 44 : i32
      %add3A_1468 = vector.broadcast %add3A_1467 : i32 to vector<16xi32>
      %add3A_1469 = arith.addi %get3A_1153, %add3A_1468 : vector<16xi32>
      %gather3A_1470 = tpu.vector_load_idx %arg15[%add3A_1149, %add3A_1469] : memref<128x128xf32, #tpu.memory_space<vmem>>[vector<16xi32>, vector<16xi32>], vector<16xf32>,
      %add3A_1471 = arith.constant 44 : i32
      %add3A_1472 = vector.broadcast %add3A_1471 : i32 to vector<16xi32>
      %add3A_1473 = arith.addi %add3A_1159, %add3A_1472 : vector<16xi32>
      tpu.vector_store_idx %arg13[%add3A_1149, %add3A_1473], %gather3A_1470 : memref<128x256xf32, #tpu.memory_space<vmem>>[vector<16xi32>, vector<16xi32>], vector<16xf32>,
      %add3A_1474 = arith.constant 45 : i32
      %add3A_1475 = vector.broadcast %add3A_1474 : i32 to vector<16xi32>
      %add3A_1476 = arith.addi %get3A_1153, %add3A_1475 : vector<16xi32>
      %gather3A_1477 = tpu.vector_load_idx %arg15[%add3A_1149, %add3A_1476] : memref<128x128xf32, #tpu.memory_space<vmem>>[vector<16xi32>, vector<16xi32>], vector<16xf32>,
      %add3A_1478 = arith.constant 45 : i32
      %add3A_1479 = vector.broadcast %add3A_1478 : i32 to vector<16xi32>
      %add3A_1480 = arith.addi %add3A_1159, %add3A_1479 : vector<16xi32>
      tpu.vector_store_idx %arg13[%add3A_1149, %add3A_1480], %gather3A_1477 : memref<128x256xf32, #tpu.memory_space<vmem>>[vector<16xi32>, vector<16xi32>], vector<16xf32>,
      %add3A_1481 = arith.constant 46 : i32
      %add3A_1482 = vector.broadcast %add3A_1481 : i32 to vector<16xi32>
      %add3A_1483 = arith.addi %get3A_1153, %add3A_1482 : vector<16xi32>
      %gather3A_1484 = tpu.vector_load_idx %arg15[%add3A_1149, %add3A_1483] : memref<128x128xf32, #tpu.memory_space<vmem>>[vector<16xi32>, vector<16xi32>], vector<16xf32>,
      %add3A_1485 = arith.constant 46 : i32
      %add3A_1486 = vector.broadcast %add3A_1485 : i32 to vector<16xi32>
      %add3A_1487 = arith.addi %add3A_1159, %add3A_1486 : vector<16xi32>
      tpu.vector_store_idx %arg13[%add3A_1149, %add3A_1487], %gather3A_1484 : memref<128x256xf32, #tpu.memory_space<vmem>>[vector<16xi32>, vector<16xi32>], vector<16xf32>,
      %add3A_1488 = arith.constant 47 : i32
      %add3A_1489 = vector.broadcast %add3A_1488 : i32 to vector<16xi32>
      %add3A_1490 = arith.addi %get3A_1153, %add3A_1489 : vector<16xi32>
      %gather3A_1491 = tpu.vector_load_idx %arg15[%add3A_1149, %add3A_1490] : memref<128x128xf32, #tpu.memory_space<vmem>>[vector<16xi32>, vector<16xi32>], vector<16xf32>,
      %add3A_1492 = arith.constant 47 : i32
      %add3A_1493 = vector.broadcast %add3A_1492 : i32 to vector<16xi32>
      %add3A_1494 = arith.addi %add3A_1159, %add3A_1493 : vector<16xi32>
      tpu.vector_store_idx %arg13[%add3A_1149, %add3A_1494], %gather3A_1491 : memref<128x256xf32, #tpu.memory_space<vmem>>[vector<16xi32>, vector<16xi32>], vector<16xf32>,
      %add3A_1495 = arith.constant 48 : i32
      %add3A_1496 = vector.broadcast %add3A_1495 : i32 to vector<16xi32>
      %add3A_1497 = arith.addi %get3A_1153, %add3A_1496 : vector<16xi32>
      %gather3A_1498 = tpu.vector_load_idx %arg15[%add3A_1149, %add3A_1497] : memref<128x128xf32, #tpu.memory_space<vmem>>[vector<16xi32>, vector<16xi32>], vector<16xf32>,
      %add3A_1499 = arith.constant 48 : i32
      %add3A_1500 = vector.broadcast %add3A_1499 : i32 to vector<16xi32>
      %add3A_1501 = arith.addi %add3A_1159, %add3A_1500 : vector<16xi32>
      tpu.vector_store_idx %arg13[%add3A_1149, %add3A_1501], %gather3A_1498 : memref<128x256xf32, #tpu.memory_space<vmem>>[vector<16xi32>, vector<16xi32>], vector<16xf32>,
      %add3A_1502 = arith.constant 49 : i32
      %add3A_1503 = vector.broadcast %add3A_1502 : i32 to vector<16xi32>
      %add3A_1504 = arith.addi %get3A_1153, %add3A_1503 : vector<16xi32>
      %gather3A_1505 = tpu.vector_load_idx %arg15[%add3A_1149, %add3A_1504] : memref<128x128xf32, #tpu.memory_space<vmem>>[vector<16xi32>, vector<16xi32>], vector<16xf32>,
      %add3A_1506 = arith.constant 49 : i32
      %add3A_1507 = vector.broadcast %add3A_1506 : i32 to vector<16xi32>
      %add3A_1508 = arith.addi %add3A_1159, %add3A_1507 : vector<16xi32>
      tpu.vector_store_idx %arg13[%add3A_1149, %add3A_1508], %gather3A_1505 : memref<128x256xf32, #tpu.memory_space<vmem>>[vector<16xi32>, vector<16xi32>], vector<16xf32>,
      %add3A_1509 = arith.constant 50 : i32
      %add3A_1510 = vector.broadcast %add3A_1509 : i32 to vector<16xi32>
      %add3A_1511 = arith.addi %get3A_1153, %add3A_1510 : vector<16xi32>
      %gather3A_1512 = tpu.vector_load_idx %arg15[%add3A_1149, %add3A_1511] : memref<128x128xf32, #tpu.memory_space<vmem>>[vector<16xi32>, vector<16xi32>], vector<16xf32>,
      %add3A_1513 = arith.constant 50 : i32
      %add3A_1514 = vector.broadcast %add3A_1513 : i32 to vector<16xi32>
      %add3A_1515 = arith.addi %add3A_1159, %add3A_1514 : vector<16xi32>
      tpu.vector_store_idx %arg13[%add3A_1149, %add3A_1515], %gather3A_1512 : memref<128x256xf32, #tpu.memory_space<vmem>>[vector<16xi32>, vector<16xi32>], vector<16xf32>,
      %add3A_1516 = arith.constant 51 : i32
      %add3A_1517 = vector.broadcast %add3A_1516 : i32 to vector<16xi32>
      %add3A_1518 = arith.addi %get3A_1153, %add3A_1517 : vector<16xi32>
      %gather3A_1519 = tpu.vector_load_idx %arg15[%add3A_1149, %add3A_1518] : memref<128x128xf32, #tpu.memory_space<vmem>>[vector<16xi32>, vector<16xi32>], vector<16xf32>,
      %add3A_1520 = arith.constant 51 : i32
      %add3A_1521 = vector.broadcast %add3A_1520 : i32 to vector<16xi32>
      %add3A_1522 = arith.addi %add3A_1159, %add3A_1521 : vector<16xi32>
      tpu.vector_store_idx %arg13[%add3A_1149, %add3A_1522], %gather3A_1519 : memref<128x256xf32, #tpu.memory_space<vmem>>[vector<16xi32>, vector<16xi32>], vector<16xf32>,
      %add3A_1523 = arith.constant 52 : i32
      %add3A_1524 = vector.broadcast %add3A_1523 : i32 to vector<16xi32>
      %add3A_1525 = arith.addi %get3A_1153, %add3A_1524 : vector<16xi32>
      %gather3A_1526 = tpu.vector_load_idx %arg15[%add3A_1149, %add3A_1525] : memref<128x128xf32, #tpu.memory_space<vmem>>[vector<16xi32>, vector<16xi32>], vector<16xf32>,
      %add3A_1527 = arith.constant 52 : i32
      %add3A_1528 = vector.broadcast %add3A_1527 : i32 to vector<16xi32>
      %add3A_1529 = arith.addi %add3A_1159, %add3A_1528 : vector<16xi32>
      tpu.vector_store_idx %arg13[%add3A_1149, %add3A_1529], %gather3A_1526 : memref<128x256xf32, #tpu.memory_space<vmem>>[vector<16xi32>, vector<16xi32>], vector<16xf32>,
      %add3A_1530 = arith.constant 53 : i32
      %add3A_1531 = vector.broadcast %add3A_1530 : i32 to vector<16xi32>
      %add3A_1532 = arith.addi %get3A_1153, %add3A_1531 : vector<16xi32>
      %gather3A_1533 = tpu.vector_load_idx %arg15[%add3A_1149, %add3A_1532] : memref<128x128xf32, #tpu.memory_space<vmem>>[vector<16xi32>, vector<16xi32>], vector<16xf32>,
      %add3A_1534 = arith.constant 53 : i32
      %add3A_1535 = vector.broadcast %add3A_1534 : i32 to vector<16xi32>
      %add3A_1536 = arith.addi %add3A_1159, %add3A_1535 : vector<16xi32>
      tpu.vector_store_idx %arg13[%add3A_1149, %add3A_1536], %gather3A_1533 : memref<128x256xf32, #tpu.memory_space<vmem>>[vector<16xi32>, vector<16xi32>], vector<16xf32>,
      %add3A_1537 = arith.constant 54 : i32
      %add3A_1538 = vector.broadcast %add3A_1537 : i32 to vector<16xi32>
      %add3A_1539 = arith.addi %get3A_1153, %add3A_1538 : vector<16xi32>
      %gather3A_1540 = tpu.vector_load_idx %arg15[%add3A_1149, %add3A_1539] : memref<128x128xf32, #tpu.memory_space<vmem>>[vector<16xi32>, vector<16xi32>], vector<16xf32>,
      %add3A_1541 = arith.constant 54 : i32
      %add3A_1542 = vector.broadcast %add3A_1541 : i32 to vector<16xi32>
      %add3A_1543 = arith.addi %add3A_1159, %add3A_1542 : vector<16xi32>
      tpu.vector_store_idx %arg13[%add3A_1149, %add3A_1543], %gather3A_1540 : memref<128x256xf32, #tpu.memory_space<vmem>>[vector<16xi32>, vector<16xi32>], vector<16xf32>,
      %add3A_1544 = arith.constant 55 : i32
      %add3A_1545 = vector.broadcast %add3A_1544 : i32 to vector<16xi32>
      %add3A_1546 = arith.addi %get3A_1153, %add3A_1545 : vector<16xi32>
      %gather3A_1547 = tpu.vector_load_idx %arg15[%add3A_1149, %add3A_1546] : memref<128x128xf32, #tpu.memory_space<vmem>>[vector<16xi32>, vector<16xi32>], vector<16xf32>,
      %add3A_1548 = arith.constant 55 : i32
      %add3A_1549 = vector.broadcast %add3A_1548 : i32 to vector<16xi32>
      %add3A_1550 = arith.addi %add3A_1159, %add3A_1549 : vector<16xi32>
      tpu.vector_store_idx %arg13[%add3A_1149, %add3A_1550], %gather3A_1547 : memref<128x256xf32, #tpu.memory_space<vmem>>[vector<16xi32>, vector<16xi32>], vector<16xf32>,
      %add3A_1551 = arith.constant 56 : i32
      %add3A_1552 = vector.broadcast %add3A_1551 : i32 to vector<16xi32>
      %add3A_1553 = arith.addi %get3A_1153, %add3A_1552 : vector<16xi32>
      %gather3A_1554 = tpu.vector_load_idx %arg15[%add3A_1149, %add3A_1553] : memref<128x128xf32, #tpu.memory_space<vmem>>[vector<16xi32>, vector<16xi32>], vector<16xf32>,
      %add3A_1555 = arith.constant 56 : i32
      %add3A_1556 = vector.broadcast %add3A_1555 : i32 to vector<16xi32>
      %add3A_1557 = arith.addi %add3A_1159, %add3A_1556 : vector<16xi32>
      tpu.vector_store_idx %arg13[%add3A_1149, %add3A_1557], %gather3A_1554 : memref<128x256xf32, #tpu.memory_space<vmem>>[vector<16xi32>, vector<16xi32>], vector<16xf32>,
      %add3A_1558 = arith.constant 57 : i32
      %add3A_1559 = vector.broadcast %add3A_1558 : i32 to vector<16xi32>
      %add3A_1560 = arith.addi %get3A_1153, %add3A_1559 : vector<16xi32>
      %gather3A_1561 = tpu.vector_load_idx %arg15[%add3A_1149, %add3A_1560] : memref<128x128xf32, #tpu.memory_space<vmem>>[vector<16xi32>, vector<16xi32>], vector<16xf32>,
      %add3A_1562 = arith.constant 57 : i32
      %add3A_1563 = vector.broadcast %add3A_1562 : i32 to vector<16xi32>
      %add3A_1564 = arith.addi %add3A_1159, %add3A_1563 : vector<16xi32>
      tpu.vector_store_idx %arg13[%add3A_1149, %add3A_1564], %gather3A_1561 : memref<128x256xf32, #tpu.memory_space<vmem>>[vector<16xi32>, vector<16xi32>], vector<16xf32>,
      %add3A_1565 = arith.constant 58 : i32
      %add3A_1566 = vector.broadcast %add3A_1565 : i32 to vector<16xi32>
      %add3A_1567 = arith.addi %get3A_1153, %add3A_1566 : vector<16xi32>
      %gather3A_1568 = tpu.vector_load_idx %arg15[%add3A_1149, %add3A_1567] : memref<128x128xf32, #tpu.memory_space<vmem>>[vector<16xi32>, vector<16xi32>], vector<16xf32>,
      %add3A_1569 = arith.constant 58 : i32
      %add3A_1570 = vector.broadcast %add3A_1569 : i32 to vector<16xi32>
      %add3A_1571 = arith.addi %add3A_1159, %add3A_1570 : vector<16xi32>
      tpu.vector_store_idx %arg13[%add3A_1149, %add3A_1571], %gather3A_1568 : memref<128x256xf32, #tpu.memory_space<vmem>>[vector<16xi32>, vector<16xi32>], vector<16xf32>,
      %add3A_1572 = arith.constant 59 : i32
      %add3A_1573 = vector.broadcast %add3A_1572 : i32 to vector<16xi32>
      %add3A_1574 = arith.addi %get3A_1153, %add3A_1573 : vector<16xi32>
      %gather3A_1575 = tpu.vector_load_idx %arg15[%add3A_1149, %add3A_1574] : memref<128x128xf32, #tpu.memory_space<vmem>>[vector<16xi32>, vector<16xi32>], vector<16xf32>,
      %add3A_1576 = arith.constant 59 : i32
      %add3A_1577 = vector.broadcast %add3A_1576 : i32 to vector<16xi32>
      %add3A_1578 = arith.addi %add3A_1159, %add3A_1577 : vector<16xi32>
      tpu.vector_store_idx %arg13[%add3A_1149, %add3A_1578], %gather3A_1575 : memref<128x256xf32, #tpu.memory_space<vmem>>[vector<16xi32>, vector<16xi32>], vector<16xf32>,
      %add3A_1579 = arith.constant 60 : i32
      %add3A_1580 = vector.broadcast %add3A_1579 : i32 to vector<16xi32>
      %add3A_1581 = arith.addi %get3A_1153, %add3A_1580 : vector<16xi32>
      %gather3A_1582 = tpu.vector_load_idx %arg15[%add3A_1149, %add3A_1581] : memref<128x128xf32, #tpu.memory_space<vmem>>[vector<16xi32>, vector<16xi32>], vector<16xf32>,
      %add3A_1583 = arith.constant 60 : i32
      %add3A_1584 = vector.broadcast %add3A_1583 : i32 to vector<16xi32>
      %add3A_1585 = arith.addi %add3A_1159, %add3A_1584 : vector<16xi32>
      tpu.vector_store_idx %arg13[%add3A_1149, %add3A_1585], %gather3A_1582 : memref<128x256xf32, #tpu.memory_space<vmem>>[vector<16xi32>, vector<16xi32>], vector<16xf32>,
      %add3A_1586 = arith.constant 61 : i32
      %add3A_1587 = vector.broadcast %add3A_1586 : i32 to vector<16xi32>
      %add3A_1588 = arith.addi %get3A_1153, %add3A_1587 : vector<16xi32>
      %gather3A_1589 = tpu.vector_load_idx %arg15[%add3A_1149, %add3A_1588] : memref<128x128xf32, #tpu.memory_space<vmem>>[vector<16xi32>, vector<16xi32>], vector<16xf32>,
      %add3A_1590 = arith.constant 61 : i32
      %add3A_1591 = vector.broadcast %add3A_1590 : i32 to vector<16xi32>
      %add3A_1592 = arith.addi %add3A_1159, %add3A_1591 : vector<16xi32>
      tpu.vector_store_idx %arg13[%add3A_1149, %add3A_1592], %gather3A_1589 : memref<128x256xf32, #tpu.memory_space<vmem>>[vector<16xi32>, vector<16xi32>], vector<16xf32>,
      %add3A_1593 = arith.constant 62 : i32
      %add3A_1594 = vector.broadcast %add3A_1593 : i32 to vector<16xi32>
      %add3A_1595 = arith.addi %get3A_1153, %add3A_1594 : vector<16xi32>
      %gather3A_1596 = tpu.vector_load_idx %arg15[%add3A_1149, %add3A_1595] : memref<128x128xf32, #tpu.memory_space<vmem>>[vector<16xi32>, vector<16xi32>], vector<16xf32>,
      %add3A_1597 = arith.constant 62 : i32
      %add3A_1598 = vector.broadcast %add3A_1597 : i32 to vector<16xi32>
      %add3A_1599 = arith.addi %add3A_1159, %add3A_1598 : vector<16xi32>
      tpu.vector_store_idx %arg13[%add3A_1149, %add3A_1599], %gather3A_1596 : memref<128x256xf32, #tpu.memory_space<vmem>>[vector<16xi32>, vector<16xi32>], vector<16xf32>,
      %add3A_1600 = arith.constant 63 : i32
      %add3A_1601 = vector.broadcast %add3A_1600 : i32 to vector<16xi32>
      %add3A_1602 = arith.addi %get3A_1153, %add3A_1601 : vector<16xi32>
      %gather3A_1603 = tpu.vector_load_idx %arg15[%add3A_1149, %add3A_1602] : memref<128x128xf32, #tpu.memory_space<vmem>>[vector<16xi32>, vector<16xi32>], vector<16xf32>,
      %add3A_1604 = arith.constant 63 : i32
      %add3A_1605 = vector.broadcast %add3A_1604 : i32 to vector<16xi32>
      %add3A_1606 = arith.addi %add3A_1159, %add3A_1605 : vector<16xi32>
      tpu.vector_store_idx %arg13[%add3A_1149, %add3A_1606], %gather3A_1603 : memref<128x256xf32, #tpu.memory_space<vmem>>[vector<16xi32>, vector<16xi32>], vector<16xf32>,
    }
    %scan3A_1037 = arith.constant 8 : i32
    %add3A_1038 = arith.constant 0 : i32
    %add3A_1039 = arith.addi %mul3A_2, %add3A_1038 : i32
    %dma_start3A_1040 = arith.constant 0 : i32
    %dma_start3A_1041 = tpu.memref_slice %arg8[%add3A_1039, %dma_start3A_1040] : memref<16384x256xf32, #tpu.memory_space<hbm>> -> memref<128x256xf32, #tpu.memory_space<hbm>>
    %dma_start3A_1042 = arith.constant 0 : i32
    %dma_start3A_1043 = tpu.memref_slice %arg8[%add3A_1039, %dma_start3A_1042] : memref<16384x256xf32, #tpu.memory_space<hbm>> -> memref<128x256xf32, #tpu.memory_space<hbm>>
    tpu.enqueue_dma source(%arg13 : memref<128x256xf32, #tpu.memory_space<vmem>>) target(%dma_start3A_1043 : memref<128x256xf32, #tpu.memory_space<hbm>>) target_semaphore(%arg20 : memref<!tpu.dma_semaphore, #tpu.memory_space<semaphore_mem>>)
    %dma_wait3A_1044 = arith.constant 128 : i32
    %dma_wait3A_1045 = tpu.memref_slice %arg9[%dma_wait3A_1044] : memref<512xi32, #tpu.memory_space<vmem>> -> memref<128xi32, #tpu.memory_space<vmem>>
    %dma_wait3A_1046 = arith.constant 0 : i32
    %dma_wait3A_1047 = arith.constant 0 : i32
    %dma_wait3A_1048 = tpu.memref_slice %arg6[%dma_wait3A_1046, %dma_wait3A_1047] : memref<294x256xf32, #tpu.memory_space<hbm>> -> memref<294x256xf32, #tpu.memory_space<hbm>>
    tpu.wait_indirect_dma semaphore(%arg19 : memref<!tpu.dma_semaphore, #tpu.memory_space<semaphore_mem>>) src(%dma_wait3A_1048 : memref<294x256xf32, #tpu.memory_space<hbm>>) dst(%arg14 : memref<128x256xf32, #tpu.memory_space<vmem>>)
    %dma_wait3A_1049 = arith.constant 128 : i32
    %dma_wait3A_1050 = tpu.memref_slice %arg10[%dma_wait3A_1049] : memref<512xi32, #tpu.memory_space<vmem>> -> memref<128xi32, #tpu.memory_space<vmem>>
    %dma_wait3A_1051 = arith.constant 0 : i32
    %dma_wait3A_1052 = arith.constant 0 : i32
    %dma_wait3A_1053 = tpu.memref_slice %arg7[%dma_wait3A_1051, %dma_wait3A_1052] : memref<50000x128xf32, #tpu.memory_space<hbm>> -> memref<50000x128xf32, #tpu.memory_space<hbm>>
    tpu.wait_indirect_dma semaphore(%arg19 : memref<!tpu.dma_semaphore, #tpu.memory_space<semaphore_mem>>) src(%dma_wait3A_1053 : memref<50000x128xf32, #tpu.memory_space<hbm>>) dst(%arg16 : memref<128x128xf32, #tpu.memory_space<vmem>>)
    %dma_wait3A_1054 = arith.constant 0 : i32
    %dma_wait3A_1055 = tpu.memref_slice %arg8[%add3A_1039, %dma_wait3A_1054] : memref<16384x256xf32, #tpu.memory_space<hbm>> -> memref<128x256xf32, #tpu.memory_space<hbm>>
    %dma_wait3A_1056 = arith.constant 0 : i32
    %dma_wait3A_1057 = tpu.memref_slice %arg8[%add3A_1039, %dma_wait3A_1056] : memref<16384x256xf32, #tpu.memory_space<hbm>> -> memref<128x256xf32, #tpu.memory_space<hbm>>
    tpu.wait_dma2 semaphore(%arg20 : memref<!tpu.dma_semaphore, #tpu.memory_space<semaphore_mem>>) src(%arg13 : memref<128x256xf32, #tpu.memory_space<vmem>>) dst(%dma_wait3A_1057 : memref<128x256xf32, #tpu.memory_space<hbm>>)
    %dma_start3A_1058 = arith.constant 256 : i32
    %dma_start3A_1059 = tpu.memref_slice %arg9[%dma_start3A_1058] : memref<512xi32, #tpu.memory_space<vmem>> -> memref<128xi32, #tpu.memory_space<vmem>>
    %dma_start3A_1060 = arith.constant 0 : i32
    %dma_start3A_1061 = arith.constant 0 : i32
    %dma_start3A_1062 = tpu.memref_slice %arg6[%dma_start3A_1060, %dma_start3A_1061] : memref<294x256xf32, #tpu.memory_space<hbm>> -> memref<294x256xf32, #tpu.memory_space<hbm>>
    tpu.enqueue_indirect_dma source(%dma_start3A_1062 : memref<294x256xf32, #tpu.memory_space<hbm>>) target(%arg13 : memref<128x256xf32, #tpu.memory_space<vmem>>) offsets(%dma_start3A_1059 : memref<128xi32, #tpu.memory_space<vmem>>) semaphore(%arg18 : memref<!tpu.dma_semaphore, #tpu.memory_space<semaphore_mem>>)
    %dma_start3A_1063 = arith.constant 256 : i32
    %dma_start3A_1064 = tpu.memref_slice %arg10[%dma_start3A_1063] : memref<512xi32, #tpu.memory_space<vmem>> -> memref<128xi32, #tpu.memory_space<vmem>>
    %dma_start3A_1065 = arith.constant 0 : i32
    %dma_start3A_1066 = arith.constant 0 : i32
    %dma_start3A_1067 = tpu.memref_slice %arg7[%dma_start3A_1065, %dma_start3A_1066] : memref<50000x128xf32, #tpu.memory_space<hbm>> -> memref<50000x128xf32, #tpu.memory_space<hbm>>
    tpu.enqueue_indirect_dma source(%dma_start3A_1067 : memref<50000x128xf32, #tpu.memory_space<hbm>>) target(%arg15 : memref<128x128xf32, #tpu.memory_space<vmem>>) offsets(%dma_start3A_1064 : memref<128xi32, #tpu.memory_space<vmem>>) semaphore(%arg18 : memref<!tpu.dma_semaphore, #tpu.memory_space<semaphore_mem>>)
    %scan3A_1068 = arith.constant 0 : i32
    %scan3A_1069 = arith.constant 8 : i32
    %scan3A_1070 = arith.addi %scan3A_1068, %scan3A_1069 : i32
    %scan3A_1071 = arith.constant 1 : i32
    scf.for %scan3A_1143 = %scan3A_1068 to %scan3A_1070 step %scan3A_1071  : i32 {
      %mul3A_1144 = arith.constant 16 : i32
      %mul3A_1145 = arith.muli %scan3A_1143, %mul3A_1144 : i32
      %add3A_1146 = arith.constant 0 : i32
      %add3A_1147 = arith.addi %add3A_1146, %mul3A_1145 : i32
      %add3A_1148 = vector.broadcast %add3A_1147 : i32 to vector<16xi32>
      %add3A_1149 = arith.addi %iota3A, %add3A_1148 : vector<16xi32>
      %add3A_1150 = arith.constant 128 : i32
      %add3A_1151 = arith.addi %add3A_1150, %add3A_1147 : i32
      %get3A_1152 = arith.index_cast %add3A_1151 : i32 to index
      %get3A_1153 = tpu.vector_load %arg12[%get3A_1152] {strides = array<i32>} : memref<512xi32, #tpu.memory_space<vmem>>, vector<16xi32>,
      %mul3A_1154 = arith.constant 0 : i32
      %mul3A_1155 = vector.broadcast %mul3A_1154 : i32 to vector<16xi32>
      %mul3A_1156 = arith.muli %iota3A, %mul3A_1155 : vector<16xi32>
      %add3A_1157 = arith.constant 192 : i32
      %add3A_1158 = vector.broadcast %add3A_1157 : i32 to vector<16xi32>
      %add3A_1159 = arith.addi %mul3A_1156, %add3A_1158 : vector<16xi32>
      %add3A_1160 = arith.constant 0 : i32
      %add3A_1161 = vector.broadcast %add3A_1160 : i32 to vector<16xi32>
      %add3A_1162 = arith.addi %get3A_1153, %add3A_1161 : vector<16xi32>
      %gather3A = tpu.vector_load_idx %arg16[%add3A_1149, %add3A_1162] : memref<128x128xf32, #tpu.memory_space<vmem>>[vector<16xi32>, vector<16xi32>], vector<16xf32>,
      %add3A_1163 = arith.constant 0 : i32
      %add3A_1164 = vector.broadcast %add3A_1163 : i32 to vector<16xi32>
      %add3A_1165 = arith.addi %add3A_1159, %add3A_1164 : vector<16xi32>
      tpu.vector_store_idx %arg14[%add3A_1149, %add3A_1165], %gather3A : memref<128x256xf32, #tpu.memory_space<vmem>>[vector<16xi32>, vector<16xi32>], vector<16xf32>,
      %add3A_1166 = arith.constant 1 : i32
      %add3A_1167 = vector.broadcast %add3A_1166 : i32 to vector<16xi32>
      %add3A_1168 = arith.addi %get3A_1153, %add3A_1167 : vector<16xi32>
      %gather3A_1169 = tpu.vector_load_idx %arg16[%add3A_1149, %add3A_1168] : memref<128x128xf32, #tpu.memory_space<vmem>>[vector<16xi32>, vector<16xi32>], vector<16xf32>,
      %add3A_1170 = arith.constant 1 : i32
      %add3A_1171 = vector.broadcast %add3A_1170 : i32 to vector<16xi32>
      %add3A_1172 = arith.addi %add3A_1159, %add3A_1171 : vector<16xi32>
      tpu.vector_store_idx %arg14[%add3A_1149, %add3A_1172], %gather3A_1169 : memref<128x256xf32, #tpu.memory_space<vmem>>[vector<16xi32>, vector<16xi32>], vector<16xf32>,
      %add3A_1173 = arith.constant 2 : i32
      %add3A_1174 = vector.broadcast %add3A_1173 : i32 to vector<16xi32>
      %add3A_1175 = arith.addi %get3A_1153, %add3A_1174 : vector<16xi32>
      %gather3A_1176 = tpu.vector_load_idx %arg16[%add3A_1149, %add3A_1175] : memref<128x128xf32, #tpu.memory_space<vmem>>[vector<16xi32>, vector<16xi32>], vector<16xf32>,
      %add3A_1177 = arith.constant 2 : i32
      %add3A_1178 = vector.broadcast %add3A_1177 : i32 to vector<16xi32>
      %add3A_1179 = arith.addi %add3A_1159, %add3A_1178 : vector<16xi32>
      tpu.vector_store_idx %arg14[%add3A_1149, %add3A_1179], %gather3A_1176 : memref<128x256xf32, #tpu.memory_space<vmem>>[vector<16xi32>, vector<16xi32>], vector<16xf32>,
      %add3A_1180 = arith.constant 3 : i32
      %add3A_1181 = vector.broadcast %add3A_1180 : i32 to vector<16xi32>
      %add3A_1182 = arith.addi %get3A_1153, %add3A_1181 : vector<16xi32>
      %gather3A_1183 = tpu.vector_load_idx %arg16[%add3A_1149, %add3A_1182] : memref<128x128xf32, #tpu.memory_space<vmem>>[vector<16xi32>, vector<16xi32>], vector<16xf32>,
      %add3A_1184 = arith.constant 3 : i32
      %add3A_1185 = vector.broadcast %add3A_1184 : i32 to vector<16xi32>
      %add3A_1186 = arith.addi %add3A_1159, %add3A_1185 : vector<16xi32>
      tpu.vector_store_idx %arg14[%add3A_1149, %add3A_1186], %gather3A_1183 : memref<128x256xf32, #tpu.memory_space<vmem>>[vector<16xi32>, vector<16xi32>], vector<16xf32>,
      %add3A_1187 = arith.constant 4 : i32
      %add3A_1188 = vector.broadcast %add3A_1187 : i32 to vector<16xi32>
      %add3A_1189 = arith.addi %get3A_1153, %add3A_1188 : vector<16xi32>
      %gather3A_1190 = tpu.vector_load_idx %arg16[%add3A_1149, %add3A_1189] : memref<128x128xf32, #tpu.memory_space<vmem>>[vector<16xi32>, vector<16xi32>], vector<16xf32>,
      %add3A_1191 = arith.constant 4 : i32
      %add3A_1192 = vector.broadcast %add3A_1191 : i32 to vector<16xi32>
      %add3A_1193 = arith.addi %add3A_1159, %add3A_1192 : vector<16xi32>
      tpu.vector_store_idx %arg14[%add3A_1149, %add3A_1193], %gather3A_1190 : memref<128x256xf32, #tpu.memory_space<vmem>>[vector<16xi32>, vector<16xi32>], vector<16xf32>,
      %add3A_1194 = arith.constant 5 : i32
      %add3A_1195 = vector.broadcast %add3A_1194 : i32 to vector<16xi32>
      %add3A_1196 = arith.addi %get3A_1153, %add3A_1195 : vector<16xi32>
      %gather3A_1197 = tpu.vector_load_idx %arg16[%add3A_1149, %add3A_1196] : memref<128x128xf32, #tpu.memory_space<vmem>>[vector<16xi32>, vector<16xi32>], vector<16xf32>,
      %add3A_1198 = arith.constant 5 : i32
      %add3A_1199 = vector.broadcast %add3A_1198 : i32 to vector<16xi32>
      %add3A_1200 = arith.addi %add3A_1159, %add3A_1199 : vector<16xi32>
      tpu.vector_store_idx %arg14[%add3A_1149, %add3A_1200], %gather3A_1197 : memref<128x256xf32, #tpu.memory_space<vmem>>[vector<16xi32>, vector<16xi32>], vector<16xf32>,
      %add3A_1201 = arith.constant 6 : i32
      %add3A_1202 = vector.broadcast %add3A_1201 : i32 to vector<16xi32>
      %add3A_1203 = arith.addi %get3A_1153, %add3A_1202 : vector<16xi32>
      %gather3A_1204 = tpu.vector_load_idx %arg16[%add3A_1149, %add3A_1203] : memref<128x128xf32, #tpu.memory_space<vmem>>[vector<16xi32>, vector<16xi32>], vector<16xf32>,
      %add3A_1205 = arith.constant 6 : i32
      %add3A_1206 = vector.broadcast %add3A_1205 : i32 to vector<16xi32>
      %add3A_1207 = arith.addi %add3A_1159, %add3A_1206 : vector<16xi32>
      tpu.vector_store_idx %arg14[%add3A_1149, %add3A_1207], %gather3A_1204 : memref<128x256xf32, #tpu.memory_space<vmem>>[vector<16xi32>, vector<16xi32>], vector<16xf32>,
      %add3A_1208 = arith.constant 7 : i32
      %add3A_1209 = vector.broadcast %add3A_1208 : i32 to vector<16xi32>
      %add3A_1210 = arith.addi %get3A_1153, %add3A_1209 : vector<16xi32>
      %gather3A_1211 = tpu.vector_load_idx %arg16[%add3A_1149, %add3A_1210] : memref<128x128xf32, #tpu.memory_space<vmem>>[vector<16xi32>, vector<16xi32>], vector<16xf32>,
      %add3A_1212 = arith.constant 7 : i32
      %add3A_1213 = vector.broadcast %add3A_1212 : i32 to vector<16xi32>
      %add3A_1214 = arith.addi %add3A_1159, %add3A_1213 : vector<16xi32>
      tpu.vector_store_idx %arg14[%add3A_1149, %add3A_1214], %gather3A_1211 : memref<128x256xf32, #tpu.memory_space<vmem>>[vector<16xi32>, vector<16xi32>], vector<16xf32>,
      %add3A_1215 = arith.constant 8 : i32
      %add3A_1216 = vector.broadcast %add3A_1215 : i32 to vector<16xi32>
      %add3A_1217 = arith.addi %get3A_1153, %add3A_1216 : vector<16xi32>
      %gather3A_1218 = tpu.vector_load_idx %arg16[%add3A_1149, %add3A_1217] : memref<128x128xf32, #tpu.memory_space<vmem>>[vector<16xi32>, vector<16xi32>], vector<16xf32>,
      %add3A_1219 = arith.constant 8 : i32
      %add3A_1220 = vector.broadcast %add3A_1219 : i32 to vector<16xi32>
      %add3A_1221 = arith.addi %add3A_1159, %add3A_1220 : vector<16xi32>
      tpu.vector_store_idx %arg14[%add3A_1149, %add3A_1221], %gather3A_1218 : memref<128x256xf32, #tpu.memory_space<vmem>>[vector<16xi32>, vector<16xi32>], vector<16xf32>,
      %add3A_1222 = arith.constant 9 : i32
      %add3A_1223 = vector.broadcast %add3A_1222 : i32 to vector<16xi32>
      %add3A_1224 = arith.addi %get3A_1153, %add3A_1223 : vector<16xi32>
      %gather3A_1225 = tpu.vector_load_idx %arg16[%add3A_1149, %add3A_1224] : memref<128x128xf32, #tpu.memory_space<vmem>>[vector<16xi32>, vector<16xi32>], vector<16xf32>,
      %add3A_1226 = arith.constant 9 : i32
      %add3A_1227 = vector.broadcast %add3A_1226 : i32 to vector<16xi32>
      %add3A_1228 = arith.addi %add3A_1159, %add3A_1227 : vector<16xi32>
      tpu.vector_store_idx %arg14[%add3A_1149, %add3A_1228], %gather3A_1225 : memref<128x256xf32, #tpu.memory_space<vmem>>[vector<16xi32>, vector<16xi32>], vector<16xf32>,
      %add3A_1229 = arith.constant 10 : i32
      %add3A_1230 = vector.broadcast %add3A_1229 : i32 to vector<16xi32>
      %add3A_1231 = arith.addi %get3A_1153, %add3A_1230 : vector<16xi32>
      %gather3A_1232 = tpu.vector_load_idx %arg16[%add3A_1149, %add3A_1231] : memref<128x128xf32, #tpu.memory_space<vmem>>[vector<16xi32>, vector<16xi32>], vector<16xf32>,
      %add3A_1233 = arith.constant 10 : i32
      %add3A_1234 = vector.broadcast %add3A_1233 : i32 to vector<16xi32>
      %add3A_1235 = arith.addi %add3A_1159, %add3A_1234 : vector<16xi32>
      tpu.vector_store_idx %arg14[%add3A_1149, %add3A_1235], %gather3A_1232 : memref<128x256xf32, #tpu.memory_space<vmem>>[vector<16xi32>, vector<16xi32>], vector<16xf32>,
      %add3A_1236 = arith.constant 11 : i32
      %add3A_1237 = vector.broadcast %add3A_1236 : i32 to vector<16xi32>
      %add3A_1238 = arith.addi %get3A_1153, %add3A_1237 : vector<16xi32>
      %gather3A_1239 = tpu.vector_load_idx %arg16[%add3A_1149, %add3A_1238] : memref<128x128xf32, #tpu.memory_space<vmem>>[vector<16xi32>, vector<16xi32>], vector<16xf32>,
      %add3A_1240 = arith.constant 11 : i32
      %add3A_1241 = vector.broadcast %add3A_1240 : i32 to vector<16xi32>
      %add3A_1242 = arith.addi %add3A_1159, %add3A_1241 : vector<16xi32>
      tpu.vector_store_idx %arg14[%add3A_1149, %add3A_1242], %gather3A_1239 : memref<128x256xf32, #tpu.memory_space<vmem>>[vector<16xi32>, vector<16xi32>], vector<16xf32>,
      %add3A_1243 = arith.constant 12 : i32
      %add3A_1244 = vector.broadcast %add3A_1243 : i32 to vector<16xi32>
      %add3A_1245 = arith.addi %get3A_1153, %add3A_1244 : vector<16xi32>
      %gather3A_1246 = tpu.vector_load_idx %arg16[%add3A_1149, %add3A_1245] : memref<128x128xf32, #tpu.memory_space<vmem>>[vector<16xi32>, vector<16xi32>], vector<16xf32>,
      %add3A_1247 = arith.constant 12 : i32
      %add3A_1248 = vector.broadcast %add3A_1247 : i32 to vector<16xi32>
      %add3A_1249 = arith.addi %add3A_1159, %add3A_1248 : vector<16xi32>
      tpu.vector_store_idx %arg14[%add3A_1149, %add3A_1249], %gather3A_1246 : memref<128x256xf32, #tpu.memory_space<vmem>>[vector<16xi32>, vector<16xi32>], vector<16xf32>,
      %add3A_1250 = arith.constant 13 : i32
      %add3A_1251 = vector.broadcast %add3A_1250 : i32 to vector<16xi32>
      %add3A_1252 = arith.addi %get3A_1153, %add3A_1251 : vector<16xi32>
      %gather3A_1253 = tpu.vector_load_idx %arg16[%add3A_1149, %add3A_1252] : memref<128x128xf32, #tpu.memory_space<vmem>>[vector<16xi32>, vector<16xi32>], vector<16xf32>,
      %add3A_1254 = arith.constant 13 : i32
      %add3A_1255 = vector.broadcast %add3A_1254 : i32 to vector<16xi32>
      %add3A_1256 = arith.addi %add3A_1159, %add3A_1255 : vector<16xi32>
      tpu.vector_store_idx %arg14[%add3A_1149, %add3A_1256], %gather3A_1253 : memref<128x256xf32, #tpu.memory_space<vmem>>[vector<16xi32>, vector<16xi32>], vector<16xf32>,
      %add3A_1257 = arith.constant 14 : i32
      %add3A_1258 = vector.broadcast %add3A_1257 : i32 to vector<16xi32>
      %add3A_1259 = arith.addi %get3A_1153, %add3A_1258 : vector<16xi32>
      %gather3A_1260 = tpu.vector_load_idx %arg16[%add3A_1149, %add3A_1259] : memref<128x128xf32, #tpu.memory_space<vmem>>[vector<16xi32>, vector<16xi32>], vector<16xf32>,
      %add3A_1261 = arith.constant 14 : i32
      %add3A_1262 = vector.broadcast %add3A_1261 : i32 to vector<16xi32>
      %add3A_1263 = arith.addi %add3A_1159, %add3A_1262 : vector<16xi32>
      tpu.vector_store_idx %arg14[%add3A_1149, %add3A_1263], %gather3A_1260 : memref<128x256xf32, #tpu.memory_space<vmem>>[vector<16xi32>, vector<16xi32>], vector<16xf32>,
      %add3A_1264 = arith.constant 15 : i32
      %add3A_1265 = vector.broadcast %add3A_1264 : i32 to vector<16xi32>
      %add3A_1266 = arith.addi %get3A_1153, %add3A_1265 : vector<16xi32>
      %gather3A_1267 = tpu.vector_load_idx %arg16[%add3A_1149, %add3A_1266] : memref<128x128xf32, #tpu.memory_space<vmem>>[vector<16xi32>, vector<16xi32>], vector<16xf32>,
      %add3A_1268 = arith.constant 15 : i32
      %add3A_1269 = vector.broadcast %add3A_1268 : i32 to vector<16xi32>
      %add3A_1270 = arith.addi %add3A_1159, %add3A_1269 : vector<16xi32>
      tpu.vector_store_idx %arg14[%add3A_1149, %add3A_1270], %gather3A_1267 : memref<128x256xf32, #tpu.memory_space<vmem>>[vector<16xi32>, vector<16xi32>], vector<16xf32>,
      %add3A_1271 = arith.constant 16 : i32
      %add3A_1272 = vector.broadcast %add3A_1271 : i32 to vector<16xi32>
      %add3A_1273 = arith.addi %get3A_1153, %add3A_1272 : vector<16xi32>
      %gather3A_1274 = tpu.vector_load_idx %arg16[%add3A_1149, %add3A_1273] : memref<128x128xf32, #tpu.memory_space<vmem>>[vector<16xi32>, vector<16xi32>], vector<16xf32>,
      %add3A_1275 = arith.constant 16 : i32
      %add3A_1276 = vector.broadcast %add3A_1275 : i32 to vector<16xi32>
      %add3A_1277 = arith.addi %add3A_1159, %add3A_1276 : vector<16xi32>
      tpu.vector_store_idx %arg14[%add3A_1149, %add3A_1277], %gather3A_1274 : memref<128x256xf32, #tpu.memory_space<vmem>>[vector<16xi32>, vector<16xi32>], vector<16xf32>,
      %add3A_1278 = arith.constant 17 : i32
      %add3A_1279 = vector.broadcast %add3A_1278 : i32 to vector<16xi32>
      %add3A_1280 = arith.addi %get3A_1153, %add3A_1279 : vector<16xi32>
      %gather3A_1281 = tpu.vector_load_idx %arg16[%add3A_1149, %add3A_1280] : memref<128x128xf32, #tpu.memory_space<vmem>>[vector<16xi32>, vector<16xi32>], vector<16xf32>,
      %add3A_1282 = arith.constant 17 : i32
      %add3A_1283 = vector.broadcast %add3A_1282 : i32 to vector<16xi32>
      %add3A_1284 = arith.addi %add3A_1159, %add3A_1283 : vector<16xi32>
      tpu.vector_store_idx %arg14[%add3A_1149, %add3A_1284], %gather3A_1281 : memref<128x256xf32, #tpu.memory_space<vmem>>[vector<16xi32>, vector<16xi32>], vector<16xf32>,
      %add3A_1285 = arith.constant 18 : i32
      %add3A_1286 = vector.broadcast %add3A_1285 : i32 to vector<16xi32>
      %add3A_1287 = arith.addi %get3A_1153, %add3A_1286 : vector<16xi32>
      %gather3A_1288 = tpu.vector_load_idx %arg16[%add3A_1149, %add3A_1287] : memref<128x128xf32, #tpu.memory_space<vmem>>[vector<16xi32>, vector<16xi32>], vector<16xf32>,
      %add3A_1289 = arith.constant 18 : i32
      %add3A_1290 = vector.broadcast %add3A_1289 : i32 to vector<16xi32>
      %add3A_1291 = arith.addi %add3A_1159, %add3A_1290 : vector<16xi32>
      tpu.vector_store_idx %arg14[%add3A_1149, %add3A_1291], %gather3A_1288 : memref<128x256xf32, #tpu.memory_space<vmem>>[vector<16xi32>, vector<16xi32>], vector<16xf32>,
      %add3A_1292 = arith.constant 19 : i32
      %add3A_1293 = vector.broadcast %add3A_1292 : i32 to vector<16xi32>
      %add3A_1294 = arith.addi %get3A_1153, %add3A_1293 : vector<16xi32>
      %gather3A_1295 = tpu.vector_load_idx %arg16[%add3A_1149, %add3A_1294] : memref<128x128xf32, #tpu.memory_space<vmem>>[vector<16xi32>, vector<16xi32>], vector<16xf32>,
      %add3A_1296 = arith.constant 19 : i32
      %add3A_1297 = vector.broadcast %add3A_1296 : i32 to vector<16xi32>
      %add3A_1298 = arith.addi %add3A_1159, %add3A_1297 : vector<16xi32>
      tpu.vector_store_idx %arg14[%add3A_1149, %add3A_1298], %gather3A_1295 : memref<128x256xf32, #tpu.memory_space<vmem>>[vector<16xi32>, vector<16xi32>], vector<16xf32>,
      %add3A_1299 = arith.constant 20 : i32
      %add3A_1300 = vector.broadcast %add3A_1299 : i32 to vector<16xi32>
      %add3A_1301 = arith.addi %get3A_1153, %add3A_1300 : vector<16xi32>
      %gather3A_1302 = tpu.vector_load_idx %arg16[%add3A_1149, %add3A_1301] : memref<128x128xf32, #tpu.memory_space<vmem>>[vector<16xi32>, vector<16xi32>], vector<16xf32>,
      %add3A_1303 = arith.constant 20 : i32
      %add3A_1304 = vector.broadcast %add3A_1303 : i32 to vector<16xi32>
      %add3A_1305 = arith.addi %add3A_1159, %add3A_1304 : vector<16xi32>
      tpu.vector_store_idx %arg14[%add3A_1149, %add3A_1305], %gather3A_1302 : memref<128x256xf32, #tpu.memory_space<vmem>>[vector<16xi32>, vector<16xi32>], vector<16xf32>,
      %add3A_1306 = arith.constant 21 : i32
      %add3A_1307 = vector.broadcast %add3A_1306 : i32 to vector<16xi32>
      %add3A_1308 = arith.addi %get3A_1153, %add3A_1307 : vector<16xi32>
      %gather3A_1309 = tpu.vector_load_idx %arg16[%add3A_1149, %add3A_1308] : memref<128x128xf32, #tpu.memory_space<vmem>>[vector<16xi32>, vector<16xi32>], vector<16xf32>,
      %add3A_1310 = arith.constant 21 : i32
      %add3A_1311 = vector.broadcast %add3A_1310 : i32 to vector<16xi32>
      %add3A_1312 = arith.addi %add3A_1159, %add3A_1311 : vector<16xi32>
      tpu.vector_store_idx %arg14[%add3A_1149, %add3A_1312], %gather3A_1309 : memref<128x256xf32, #tpu.memory_space<vmem>>[vector<16xi32>, vector<16xi32>], vector<16xf32>,
      %add3A_1313 = arith.constant 22 : i32
      %add3A_1314 = vector.broadcast %add3A_1313 : i32 to vector<16xi32>
      %add3A_1315 = arith.addi %get3A_1153, %add3A_1314 : vector<16xi32>
      %gather3A_1316 = tpu.vector_load_idx %arg16[%add3A_1149, %add3A_1315] : memref<128x128xf32, #tpu.memory_space<vmem>>[vector<16xi32>, vector<16xi32>], vector<16xf32>,
      %add3A_1317 = arith.constant 22 : i32
      %add3A_1318 = vector.broadcast %add3A_1317 : i32 to vector<16xi32>
      %add3A_1319 = arith.addi %add3A_1159, %add3A_1318 : vector<16xi32>
      tpu.vector_store_idx %arg14[%add3A_1149, %add3A_1319], %gather3A_1316 : memref<128x256xf32, #tpu.memory_space<vmem>>[vector<16xi32>, vector<16xi32>], vector<16xf32>,
      %add3A_1320 = arith.constant 23 : i32
      %add3A_1321 = vector.broadcast %add3A_1320 : i32 to vector<16xi32>
      %add3A_1322 = arith.addi %get3A_1153, %add3A_1321 : vector<16xi32>
      %gather3A_1323 = tpu.vector_load_idx %arg16[%add3A_1149, %add3A_1322] : memref<128x128xf32, #tpu.memory_space<vmem>>[vector<16xi32>, vector<16xi32>], vector<16xf32>,
      %add3A_1324 = arith.constant 23 : i32
      %add3A_1325 = vector.broadcast %add3A_1324 : i32 to vector<16xi32>
      %add3A_1326 = arith.addi %add3A_1159, %add3A_1325 : vector<16xi32>
      tpu.vector_store_idx %arg14[%add3A_1149, %add3A_1326], %gather3A_1323 : memref<128x256xf32, #tpu.memory_space<vmem>>[vector<16xi32>, vector<16xi32>], vector<16xf32>,
      %add3A_1327 = arith.constant 24 : i32
      %add3A_1328 = vector.broadcast %add3A_1327 : i32 to vector<16xi32>
      %add3A_1329 = arith.addi %get3A_1153, %add3A_1328 : vector<16xi32>
      %gather3A_1330 = tpu.vector_load_idx %arg16[%add3A_1149, %add3A_1329] : memref<128x128xf32, #tpu.memory_space<vmem>>[vector<16xi32>, vector<16xi32>], vector<16xf32>,
      %add3A_1331 = arith.constant 24 : i32
      %add3A_1332 = vector.broadcast %add3A_1331 : i32 to vector<16xi32>
      %add3A_1333 = arith.addi %add3A_1159, %add3A_1332 : vector<16xi32>
      tpu.vector_store_idx %arg14[%add3A_1149, %add3A_1333], %gather3A_1330 : memref<128x256xf32, #tpu.memory_space<vmem>>[vector<16xi32>, vector<16xi32>], vector<16xf32>,
      %add3A_1334 = arith.constant 25 : i32
      %add3A_1335 = vector.broadcast %add3A_1334 : i32 to vector<16xi32>
      %add3A_1336 = arith.addi %get3A_1153, %add3A_1335 : vector<16xi32>
      %gather3A_1337 = tpu.vector_load_idx %arg16[%add3A_1149, %add3A_1336] : memref<128x128xf32, #tpu.memory_space<vmem>>[vector<16xi32>, vector<16xi32>], vector<16xf32>,
      %add3A_1338 = arith.constant 25 : i32
      %add3A_1339 = vector.broadcast %add3A_1338 : i32 to vector<16xi32>
      %add3A_1340 = arith.addi %add3A_1159, %add3A_1339 : vector<16xi32>
      tpu.vector_store_idx %arg14[%add3A_1149, %add3A_1340], %gather3A_1337 : memref<128x256xf32, #tpu.memory_space<vmem>>[vector<16xi32>, vector<16xi32>], vector<16xf32>,
      %add3A_1341 = arith.constant 26 : i32
      %add3A_1342 = vector.broadcast %add3A_1341 : i32 to vector<16xi32>
      %add3A_1343 = arith.addi %get3A_1153, %add3A_1342 : vector<16xi32>
      %gather3A_1344 = tpu.vector_load_idx %arg16[%add3A_1149, %add3A_1343] : memref<128x128xf32, #tpu.memory_space<vmem>>[vector<16xi32>, vector<16xi32>], vector<16xf32>,
      %add3A_1345 = arith.constant 26 : i32
      %add3A_1346 = vector.broadcast %add3A_1345 : i32 to vector<16xi32>
      %add3A_1347 = arith.addi %add3A_1159, %add3A_1346 : vector<16xi32>
      tpu.vector_store_idx %arg14[%add3A_1149, %add3A_1347], %gather3A_1344 : memref<128x256xf32, #tpu.memory_space<vmem>>[vector<16xi32>, vector<16xi32>], vector<16xf32>,
      %add3A_1348 = arith.constant 27 : i32
      %add3A_1349 = vector.broadcast %add3A_1348 : i32 to vector<16xi32>
      %add3A_1350 = arith.addi %get3A_1153, %add3A_1349 : vector<16xi32>
      %gather3A_1351 = tpu.vector_load_idx %arg16[%add3A_1149, %add3A_1350] : memref<128x128xf32, #tpu.memory_space<vmem>>[vector<16xi32>, vector<16xi32>], vector<16xf32>,
      %add3A_1352 = arith.constant 27 : i32
      %add3A_1353 = vector.broadcast %add3A_1352 : i32 to vector<16xi32>
      %add3A_1354 = arith.addi %add3A_1159, %add3A_1353 : vector<16xi32>
      tpu.vector_store_idx %arg14[%add3A_1149, %add3A_1354], %gather3A_1351 : memref<128x256xf32, #tpu.memory_space<vmem>>[vector<16xi32>, vector<16xi32>], vector<16xf32>,
      %add3A_1355 = arith.constant 28 : i32
      %add3A_1356 = vector.broadcast %add3A_1355 : i32 to vector<16xi32>
      %add3A_1357 = arith.addi %get3A_1153, %add3A_1356 : vector<16xi32>
      %gather3A_1358 = tpu.vector_load_idx %arg16[%add3A_1149, %add3A_1357] : memref<128x128xf32, #tpu.memory_space<vmem>>[vector<16xi32>, vector<16xi32>], vector<16xf32>,
      %add3A_1359 = arith.constant 28 : i32
      %add3A_1360 = vector.broadcast %add3A_1359 : i32 to vector<16xi32>
      %add3A_1361 = arith.addi %add3A_1159, %add3A_1360 : vector<16xi32>
      tpu.vector_store_idx %arg14[%add3A_1149, %add3A_1361], %gather3A_1358 : memref<128x256xf32, #tpu.memory_space<vmem>>[vector<16xi32>, vector<16xi32>], vector<16xf32>,
      %add3A_1362 = arith.constant 29 : i32
      %add3A_1363 = vector.broadcast %add3A_1362 : i32 to vector<16xi32>
      %add3A_1364 = arith.addi %get3A_1153, %add3A_1363 : vector<16xi32>
      %gather3A_1365 = tpu.vector_load_idx %arg16[%add3A_1149, %add3A_1364] : memref<128x128xf32, #tpu.memory_space<vmem>>[vector<16xi32>, vector<16xi32>], vector<16xf32>,
      %add3A_1366 = arith.constant 29 : i32
      %add3A_1367 = vector.broadcast %add3A_1366 : i32 to vector<16xi32>
      %add3A_1368 = arith.addi %add3A_1159, %add3A_1367 : vector<16xi32>
      tpu.vector_store_idx %arg14[%add3A_1149, %add3A_1368], %gather3A_1365 : memref<128x256xf32, #tpu.memory_space<vmem>>[vector<16xi32>, vector<16xi32>], vector<16xf32>,
      %add3A_1369 = arith.constant 30 : i32
      %add3A_1370 = vector.broadcast %add3A_1369 : i32 to vector<16xi32>
      %add3A_1371 = arith.addi %get3A_1153, %add3A_1370 : vector<16xi32>
      %gather3A_1372 = tpu.vector_load_idx %arg16[%add3A_1149, %add3A_1371] : memref<128x128xf32, #tpu.memory_space<vmem>>[vector<16xi32>, vector<16xi32>], vector<16xf32>,
      %add3A_1373 = arith.constant 30 : i32
      %add3A_1374 = vector.broadcast %add3A_1373 : i32 to vector<16xi32>
      %add3A_1375 = arith.addi %add3A_1159, %add3A_1374 : vector<16xi32>
      tpu.vector_store_idx %arg14[%add3A_1149, %add3A_1375], %gather3A_1372 : memref<128x256xf32, #tpu.memory_space<vmem>>[vector<16xi32>, vector<16xi32>], vector<16xf32>,
      %add3A_1376 = arith.constant 31 : i32
      %add3A_1377 = vector.broadcast %add3A_1376 : i32 to vector<16xi32>
      %add3A_1378 = arith.addi %get3A_1153, %add3A_1377 : vector<16xi32>
      %gather3A_1379 = tpu.vector_load_idx %arg16[%add3A_1149, %add3A_1378] : memref<128x128xf32, #tpu.memory_space<vmem>>[vector<16xi32>, vector<16xi32>], vector<16xf32>,
      %add3A_1380 = arith.constant 31 : i32
      %add3A_1381 = vector.broadcast %add3A_1380 : i32 to vector<16xi32>
      %add3A_1382 = arith.addi %add3A_1159, %add3A_1381 : vector<16xi32>
      tpu.vector_store_idx %arg14[%add3A_1149, %add3A_1382], %gather3A_1379 : memref<128x256xf32, #tpu.memory_space<vmem>>[vector<16xi32>, vector<16xi32>], vector<16xf32>,
      %add3A_1383 = arith.constant 32 : i32
      %add3A_1384 = vector.broadcast %add3A_1383 : i32 to vector<16xi32>
      %add3A_1385 = arith.addi %get3A_1153, %add3A_1384 : vector<16xi32>
      %gather3A_1386 = tpu.vector_load_idx %arg16[%add3A_1149, %add3A_1385] : memref<128x128xf32, #tpu.memory_space<vmem>>[vector<16xi32>, vector<16xi32>], vector<16xf32>,
      %add3A_1387 = arith.constant 32 : i32
      %add3A_1388 = vector.broadcast %add3A_1387 : i32 to vector<16xi32>
      %add3A_1389 = arith.addi %add3A_1159, %add3A_1388 : vector<16xi32>
      tpu.vector_store_idx %arg14[%add3A_1149, %add3A_1389], %gather3A_1386 : memref<128x256xf32, #tpu.memory_space<vmem>>[vector<16xi32>, vector<16xi32>], vector<16xf32>,
      %add3A_1390 = arith.constant 33 : i32
      %add3A_1391 = vector.broadcast %add3A_1390 : i32 to vector<16xi32>
      %add3A_1392 = arith.addi %get3A_1153, %add3A_1391 : vector<16xi32>
      %gather3A_1393 = tpu.vector_load_idx %arg16[%add3A_1149, %add3A_1392] : memref<128x128xf32, #tpu.memory_space<vmem>>[vector<16xi32>, vector<16xi32>], vector<16xf32>,
      %add3A_1394 = arith.constant 33 : i32
      %add3A_1395 = vector.broadcast %add3A_1394 : i32 to vector<16xi32>
      %add3A_1396 = arith.addi %add3A_1159, %add3A_1395 : vector<16xi32>
      tpu.vector_store_idx %arg14[%add3A_1149, %add3A_1396], %gather3A_1393 : memref<128x256xf32, #tpu.memory_space<vmem>>[vector<16xi32>, vector<16xi32>], vector<16xf32>,
      %add3A_1397 = arith.constant 34 : i32
      %add3A_1398 = vector.broadcast %add3A_1397 : i32 to vector<16xi32>
      %add3A_1399 = arith.addi %get3A_1153, %add3A_1398 : vector<16xi32>
      %gather3A_1400 = tpu.vector_load_idx %arg16[%add3A_1149, %add3A_1399] : memref<128x128xf32, #tpu.memory_space<vmem>>[vector<16xi32>, vector<16xi32>], vector<16xf32>,
      %add3A_1401 = arith.constant 34 : i32
      %add3A_1402 = vector.broadcast %add3A_1401 : i32 to vector<16xi32>
      %add3A_1403 = arith.addi %add3A_1159, %add3A_1402 : vector<16xi32>
      tpu.vector_store_idx %arg14[%add3A_1149, %add3A_1403], %gather3A_1400 : memref<128x256xf32, #tpu.memory_space<vmem>>[vector<16xi32>, vector<16xi32>], vector<16xf32>,
      %add3A_1404 = arith.constant 35 : i32
      %add3A_1405 = vector.broadcast %add3A_1404 : i32 to vector<16xi32>
      %add3A_1406 = arith.addi %get3A_1153, %add3A_1405 : vector<16xi32>
      %gather3A_1407 = tpu.vector_load_idx %arg16[%add3A_1149, %add3A_1406] : memref<128x128xf32, #tpu.memory_space<vmem>>[vector<16xi32>, vector<16xi32>], vector<16xf32>,
      %add3A_1408 = arith.constant 35 : i32
      %add3A_1409 = vector.broadcast %add3A_1408 : i32 to vector<16xi32>
      %add3A_1410 = arith.addi %add3A_1159, %add3A_1409 : vector<16xi32>
      tpu.vector_store_idx %arg14[%add3A_1149, %add3A_1410], %gather3A_1407 : memref<128x256xf32, #tpu.memory_space<vmem>>[vector<16xi32>, vector<16xi32>], vector<16xf32>,
      %add3A_1411 = arith.constant 36 : i32
      %add3A_1412 = vector.broadcast %add3A_1411 : i32 to vector<16xi32>
      %add3A_1413 = arith.addi %get3A_1153, %add3A_1412 : vector<16xi32>
      %gather3A_1414 = tpu.vector_load_idx %arg16[%add3A_1149, %add3A_1413] : memref<128x128xf32, #tpu.memory_space<vmem>>[vector<16xi32>, vector<16xi32>], vector<16xf32>,
      %add3A_1415 = arith.constant 36 : i32
      %add3A_1416 = vector.broadcast %add3A_1415 : i32 to vector<16xi32>
      %add3A_1417 = arith.addi %add3A_1159, %add3A_1416 : vector<16xi32>
      tpu.vector_store_idx %arg14[%add3A_1149, %add3A_1417], %gather3A_1414 : memref<128x256xf32, #tpu.memory_space<vmem>>[vector<16xi32>, vector<16xi32>], vector<16xf32>,
      %add3A_1418 = arith.constant 37 : i32
      %add3A_1419 = vector.broadcast %add3A_1418 : i32 to vector<16xi32>
      %add3A_1420 = arith.addi %get3A_1153, %add3A_1419 : vector<16xi32>
      %gather3A_1421 = tpu.vector_load_idx %arg16[%add3A_1149, %add3A_1420] : memref<128x128xf32, #tpu.memory_space<vmem>>[vector<16xi32>, vector<16xi32>], vector<16xf32>,
      %add3A_1422 = arith.constant 37 : i32
      %add3A_1423 = vector.broadcast %add3A_1422 : i32 to vector<16xi32>
      %add3A_1424 = arith.addi %add3A_1159, %add3A_1423 : vector<16xi32>
      tpu.vector_store_idx %arg14[%add3A_1149, %add3A_1424], %gather3A_1421 : memref<128x256xf32, #tpu.memory_space<vmem>>[vector<16xi32>, vector<16xi32>], vector<16xf32>,
      %add3A_1425 = arith.constant 38 : i32
      %add3A_1426 = vector.broadcast %add3A_1425 : i32 to vector<16xi32>
      %add3A_1427 = arith.addi %get3A_1153, %add3A_1426 : vector<16xi32>
      %gather3A_1428 = tpu.vector_load_idx %arg16[%add3A_1149, %add3A_1427] : memref<128x128xf32, #tpu.memory_space<vmem>>[vector<16xi32>, vector<16xi32>], vector<16xf32>,
      %add3A_1429 = arith.constant 38 : i32
      %add3A_1430 = vector.broadcast %add3A_1429 : i32 to vector<16xi32>
      %add3A_1431 = arith.addi %add3A_1159, %add3A_1430 : vector<16xi32>
      tpu.vector_store_idx %arg14[%add3A_1149, %add3A_1431], %gather3A_1428 : memref<128x256xf32, #tpu.memory_space<vmem>>[vector<16xi32>, vector<16xi32>], vector<16xf32>,
      %add3A_1432 = arith.constant 39 : i32
      %add3A_1433 = vector.broadcast %add3A_1432 : i32 to vector<16xi32>
      %add3A_1434 = arith.addi %get3A_1153, %add3A_1433 : vector<16xi32>
      %gather3A_1435 = tpu.vector_load_idx %arg16[%add3A_1149, %add3A_1434] : memref<128x128xf32, #tpu.memory_space<vmem>>[vector<16xi32>, vector<16xi32>], vector<16xf32>,
      %add3A_1436 = arith.constant 39 : i32
      %add3A_1437 = vector.broadcast %add3A_1436 : i32 to vector<16xi32>
      %add3A_1438 = arith.addi %add3A_1159, %add3A_1437 : vector<16xi32>
      tpu.vector_store_idx %arg14[%add3A_1149, %add3A_1438], %gather3A_1435 : memref<128x256xf32, #tpu.memory_space<vmem>>[vector<16xi32>, vector<16xi32>], vector<16xf32>,
      %add3A_1439 = arith.constant 40 : i32
      %add3A_1440 = vector.broadcast %add3A_1439 : i32 to vector<16xi32>
      %add3A_1441 = arith.addi %get3A_1153, %add3A_1440 : vector<16xi32>
      %gather3A_1442 = tpu.vector_load_idx %arg16[%add3A_1149, %add3A_1441] : memref<128x128xf32, #tpu.memory_space<vmem>>[vector<16xi32>, vector<16xi32>], vector<16xf32>,
      %add3A_1443 = arith.constant 40 : i32
      %add3A_1444 = vector.broadcast %add3A_1443 : i32 to vector<16xi32>
      %add3A_1445 = arith.addi %add3A_1159, %add3A_1444 : vector<16xi32>
      tpu.vector_store_idx %arg14[%add3A_1149, %add3A_1445], %gather3A_1442 : memref<128x256xf32, #tpu.memory_space<vmem>>[vector<16xi32>, vector<16xi32>], vector<16xf32>,
      %add3A_1446 = arith.constant 41 : i32
      %add3A_1447 = vector.broadcast %add3A_1446 : i32 to vector<16xi32>
      %add3A_1448 = arith.addi %get3A_1153, %add3A_1447 : vector<16xi32>
      %gather3A_1449 = tpu.vector_load_idx %arg16[%add3A_1149, %add3A_1448] : memref<128x128xf32, #tpu.memory_space<vmem>>[vector<16xi32>, vector<16xi32>], vector<16xf32>,
      %add3A_1450 = arith.constant 41 : i32
      %add3A_1451 = vector.broadcast %add3A_1450 : i32 to vector<16xi32>
      %add3A_1452 = arith.addi %add3A_1159, %add3A_1451 : vector<16xi32>
      tpu.vector_store_idx %arg14[%add3A_1149, %add3A_1452], %gather3A_1449 : memref<128x256xf32, #tpu.memory_space<vmem>>[vector<16xi32>, vector<16xi32>], vector<16xf32>,
      %add3A_1453 = arith.constant 42 : i32
      %add3A_1454 = vector.broadcast %add3A_1453 : i32 to vector<16xi32>
      %add3A_1455 = arith.addi %get3A_1153, %add3A_1454 : vector<16xi32>
      %gather3A_1456 = tpu.vector_load_idx %arg16[%add3A_1149, %add3A_1455] : memref<128x128xf32, #tpu.memory_space<vmem>>[vector<16xi32>, vector<16xi32>], vector<16xf32>,
      %add3A_1457 = arith.constant 42 : i32
      %add3A_1458 = vector.broadcast %add3A_1457 : i32 to vector<16xi32>
      %add3A_1459 = arith.addi %add3A_1159, %add3A_1458 : vector<16xi32>
      tpu.vector_store_idx %arg14[%add3A_1149, %add3A_1459], %gather3A_1456 : memref<128x256xf32, #tpu.memory_space<vmem>>[vector<16xi32>, vector<16xi32>], vector<16xf32>,
      %add3A_1460 = arith.constant 43 : i32
      %add3A_1461 = vector.broadcast %add3A_1460 : i32 to vector<16xi32>
      %add3A_1462 = arith.addi %get3A_1153, %add3A_1461 : vector<16xi32>
      %gather3A_1463 = tpu.vector_load_idx %arg16[%add3A_1149, %add3A_1462] : memref<128x128xf32, #tpu.memory_space<vmem>>[vector<16xi32>, vector<16xi32>], vector<16xf32>,
      %add3A_1464 = arith.constant 43 : i32
      %add3A_1465 = vector.broadcast %add3A_1464 : i32 to vector<16xi32>
      %add3A_1466 = arith.addi %add3A_1159, %add3A_1465 : vector<16xi32>
      tpu.vector_store_idx %arg14[%add3A_1149, %add3A_1466], %gather3A_1463 : memref<128x256xf32, #tpu.memory_space<vmem>>[vector<16xi32>, vector<16xi32>], vector<16xf32>,
      %add3A_1467 = arith.constant 44 : i32
      %add3A_1468 = vector.broadcast %add3A_1467 : i32 to vector<16xi32>
      %add3A_1469 = arith.addi %get3A_1153, %add3A_1468 : vector<16xi32>
      %gather3A_1470 = tpu.vector_load_idx %arg16[%add3A_1149, %add3A_1469] : memref<128x128xf32, #tpu.memory_space<vmem>>[vector<16xi32>, vector<16xi32>], vector<16xf32>,
      %add3A_1471 = arith.constant 44 : i32
      %add3A_1472 = vector.broadcast %add3A_1471 : i32 to vector<16xi32>
      %add3A_1473 = arith.addi %add3A_1159, %add3A_1472 : vector<16xi32>
      tpu.vector_store_idx %arg14[%add3A_1149, %add3A_1473], %gather3A_1470 : memref<128x256xf32, #tpu.memory_space<vmem>>[vector<16xi32>, vector<16xi32>], vector<16xf32>,
      %add3A_1474 = arith.constant 45 : i32
      %add3A_1475 = vector.broadcast %add3A_1474 : i32 to vector<16xi32>
      %add3A_1476 = arith.addi %get3A_1153, %add3A_1475 : vector<16xi32>
      %gather3A_1477 = tpu.vector_load_idx %arg16[%add3A_1149, %add3A_1476] : memref<128x128xf32, #tpu.memory_space<vmem>>[vector<16xi32>, vector<16xi32>], vector<16xf32>,
      %add3A_1478 = arith.constant 45 : i32
      %add3A_1479 = vector.broadcast %add3A_1478 : i32 to vector<16xi32>
      %add3A_1480 = arith.addi %add3A_1159, %add3A_1479 : vector<16xi32>
      tpu.vector_store_idx %arg14[%add3A_1149, %add3A_1480], %gather3A_1477 : memref<128x256xf32, #tpu.memory_space<vmem>>[vector<16xi32>, vector<16xi32>], vector<16xf32>,
      %add3A_1481 = arith.constant 46 : i32
      %add3A_1482 = vector.broadcast %add3A_1481 : i32 to vector<16xi32>
      %add3A_1483 = arith.addi %get3A_1153, %add3A_1482 : vector<16xi32>
      %gather3A_1484 = tpu.vector_load_idx %arg16[%add3A_1149, %add3A_1483] : memref<128x128xf32, #tpu.memory_space<vmem>>[vector<16xi32>, vector<16xi32>], vector<16xf32>,
      %add3A_1485 = arith.constant 46 : i32
      %add3A_1486 = vector.broadcast %add3A_1485 : i32 to vector<16xi32>
      %add3A_1487 = arith.addi %add3A_1159, %add3A_1486 : vector<16xi32>
      tpu.vector_store_idx %arg14[%add3A_1149, %add3A_1487], %gather3A_1484 : memref<128x256xf32, #tpu.memory_space<vmem>>[vector<16xi32>, vector<16xi32>], vector<16xf32>,
      %add3A_1488 = arith.constant 47 : i32
      %add3A_1489 = vector.broadcast %add3A_1488 : i32 to vector<16xi32>
      %add3A_1490 = arith.addi %get3A_1153, %add3A_1489 : vector<16xi32>
      %gather3A_1491 = tpu.vector_load_idx %arg16[%add3A_1149, %add3A_1490] : memref<128x128xf32, #tpu.memory_space<vmem>>[vector<16xi32>, vector<16xi32>], vector<16xf32>,
      %add3A_1492 = arith.constant 47 : i32
      %add3A_1493 = vector.broadcast %add3A_1492 : i32 to vector<16xi32>
      %add3A_1494 = arith.addi %add3A_1159, %add3A_1493 : vector<16xi32>
      tpu.vector_store_idx %arg14[%add3A_1149, %add3A_1494], %gather3A_1491 : memref<128x256xf32, #tpu.memory_space<vmem>>[vector<16xi32>, vector<16xi32>], vector<16xf32>,
      %add3A_1495 = arith.constant 48 : i32
      %add3A_1496 = vector.broadcast %add3A_1495 : i32 to vector<16xi32>
      %add3A_1497 = arith.addi %get3A_1153, %add3A_1496 : vector<16xi32>
      %gather3A_1498 = tpu.vector_load_idx %arg16[%add3A_1149, %add3A_1497] : memref<128x128xf32, #tpu.memory_space<vmem>>[vector<16xi32>, vector<16xi32>], vector<16xf32>,
      %add3A_1499 = arith.constant 48 : i32
      %add3A_1500 = vector.broadcast %add3A_1499 : i32 to vector<16xi32>
      %add3A_1501 = arith.addi %add3A_1159, %add3A_1500 : vector<16xi32>
      tpu.vector_store_idx %arg14[%add3A_1149, %add3A_1501], %gather3A_1498 : memref<128x256xf32, #tpu.memory_space<vmem>>[vector<16xi32>, vector<16xi32>], vector<16xf32>,
      %add3A_1502 = arith.constant 49 : i32
      %add3A_1503 = vector.broadcast %add3A_1502 : i32 to vector<16xi32>
      %add3A_1504 = arith.addi %get3A_1153, %add3A_1503 : vector<16xi32>
      %gather3A_1505 = tpu.vector_load_idx %arg16[%add3A_1149, %add3A_1504] : memref<128x128xf32, #tpu.memory_space<vmem>>[vector<16xi32>, vector<16xi32>], vector<16xf32>,
      %add3A_1506 = arith.constant 49 : i32
      %add3A_1507 = vector.broadcast %add3A_1506 : i32 to vector<16xi32>
      %add3A_1508 = arith.addi %add3A_1159, %add3A_1507 : vector<16xi32>
      tpu.vector_store_idx %arg14[%add3A_1149, %add3A_1508], %gather3A_1505 : memref<128x256xf32, #tpu.memory_space<vmem>>[vector<16xi32>, vector<16xi32>], vector<16xf32>,
      %add3A_1509 = arith.constant 50 : i32
      %add3A_1510 = vector.broadcast %add3A_1509 : i32 to vector<16xi32>
      %add3A_1511 = arith.addi %get3A_1153, %add3A_1510 : vector<16xi32>
      %gather3A_1512 = tpu.vector_load_idx %arg16[%add3A_1149, %add3A_1511] : memref<128x128xf32, #tpu.memory_space<vmem>>[vector<16xi32>, vector<16xi32>], vector<16xf32>,
      %add3A_1513 = arith.constant 50 : i32
      %add3A_1514 = vector.broadcast %add3A_1513 : i32 to vector<16xi32>
      %add3A_1515 = arith.addi %add3A_1159, %add3A_1514 : vector<16xi32>
      tpu.vector_store_idx %arg14[%add3A_1149, %add3A_1515], %gather3A_1512 : memref<128x256xf32, #tpu.memory_space<vmem>>[vector<16xi32>, vector<16xi32>], vector<16xf32>,
      %add3A_1516 = arith.constant 51 : i32
      %add3A_1517 = vector.broadcast %add3A_1516 : i32 to vector<16xi32>
      %add3A_1518 = arith.addi %get3A_1153, %add3A_1517 : vector<16xi32>
      %gather3A_1519 = tpu.vector_load_idx %arg16[%add3A_1149, %add3A_1518] : memref<128x128xf32, #tpu.memory_space<vmem>>[vector<16xi32>, vector<16xi32>], vector<16xf32>,
      %add3A_1520 = arith.constant 51 : i32
      %add3A_1521 = vector.broadcast %add3A_1520 : i32 to vector<16xi32>
      %add3A_1522 = arith.addi %add3A_1159, %add3A_1521 : vector<16xi32>
      tpu.vector_store_idx %arg14[%add3A_1149, %add3A_1522], %gather3A_1519 : memref<128x256xf32, #tpu.memory_space<vmem>>[vector<16xi32>, vector<16xi32>], vector<16xf32>,
      %add3A_1523 = arith.constant 52 : i32
      %add3A_1524 = vector.broadcast %add3A_1523 : i32 to vector<16xi32>
      %add3A_1525 = arith.addi %get3A_1153, %add3A_1524 : vector<16xi32>
      %gather3A_1526 = tpu.vector_load_idx %arg16[%add3A_1149, %add3A_1525] : memref<128x128xf32, #tpu.memory_space<vmem>>[vector<16xi32>, vector<16xi32>], vector<16xf32>,
      %add3A_1527 = arith.constant 52 : i32
      %add3A_1528 = vector.broadcast %add3A_1527 : i32 to vector<16xi32>
      %add3A_1529 = arith.addi %add3A_1159, %add3A_1528 : vector<16xi32>
      tpu.vector_store_idx %arg14[%add3A_1149, %add3A_1529], %gather3A_1526 : memref<128x256xf32, #tpu.memory_space<vmem>>[vector<16xi32>, vector<16xi32>], vector<16xf32>,
      %add3A_1530 = arith.constant 53 : i32
      %add3A_1531 = vector.broadcast %add3A_1530 : i32 to vector<16xi32>
      %add3A_1532 = arith.addi %get3A_1153, %add3A_1531 : vector<16xi32>
      %gather3A_1533 = tpu.vector_load_idx %arg16[%add3A_1149, %add3A_1532] : memref<128x128xf32, #tpu.memory_space<vmem>>[vector<16xi32>, vector<16xi32>], vector<16xf32>,
      %add3A_1534 = arith.constant 53 : i32
      %add3A_1535 = vector.broadcast %add3A_1534 : i32 to vector<16xi32>
      %add3A_1536 = arith.addi %add3A_1159, %add3A_1535 : vector<16xi32>
      tpu.vector_store_idx %arg14[%add3A_1149, %add3A_1536], %gather3A_1533 : memref<128x256xf32, #tpu.memory_space<vmem>>[vector<16xi32>, vector<16xi32>], vector<16xf32>,
      %add3A_1537 = arith.constant 54 : i32
      %add3A_1538 = vector.broadcast %add3A_1537 : i32 to vector<16xi32>
      %add3A_1539 = arith.addi %get3A_1153, %add3A_1538 : vector<16xi32>
      %gather3A_1540 = tpu.vector_load_idx %arg16[%add3A_1149, %add3A_1539] : memref<128x128xf32, #tpu.memory_space<vmem>>[vector<16xi32>, vector<16xi32>], vector<16xf32>,
      %add3A_1541 = arith.constant 54 : i32
      %add3A_1542 = vector.broadcast %add3A_1541 : i32 to vector<16xi32>
      %add3A_1543 = arith.addi %add3A_1159, %add3A_1542 : vector<16xi32>
      tpu.vector_store_idx %arg14[%add3A_1149, %add3A_1543], %gather3A_1540 : memref<128x256xf32, #tpu.memory_space<vmem>>[vector<16xi32>, vector<16xi32>], vector<16xf32>,
      %add3A_1544 = arith.constant 55 : i32
      %add3A_1545 = vector.broadcast %add3A_1544 : i32 to vector<16xi32>
      %add3A_1546 = arith.addi %get3A_1153, %add3A_1545 : vector<16xi32>
      %gather3A_1547 = tpu.vector_load_idx %arg16[%add3A_1149, %add3A_1546] : memref<128x128xf32, #tpu.memory_space<vmem>>[vector<16xi32>, vector<16xi32>], vector<16xf32>,
      %add3A_1548 = arith.constant 55 : i32
      %add3A_1549 = vector.broadcast %add3A_1548 : i32 to vector<16xi32>
      %add3A_1550 = arith.addi %add3A_1159, %add3A_1549 : vector<16xi32>
      tpu.vector_store_idx %arg14[%add3A_1149, %add3A_1550], %gather3A_1547 : memref<128x256xf32, #tpu.memory_space<vmem>>[vector<16xi32>, vector<16xi32>], vector<16xf32>,
      %add3A_1551 = arith.constant 56 : i32
      %add3A_1552 = vector.broadcast %add3A_1551 : i32 to vector<16xi32>
      %add3A_1553 = arith.addi %get3A_1153, %add3A_1552 : vector<16xi32>
      %gather3A_1554 = tpu.vector_load_idx %arg16[%add3A_1149, %add3A_1553] : memref<128x128xf32, #tpu.memory_space<vmem>>[vector<16xi32>, vector<16xi32>], vector<16xf32>,
      %add3A_1555 = arith.constant 56 : i32
      %add3A_1556 = vector.broadcast %add3A_1555 : i32 to vector<16xi32>
      %add3A_1557 = arith.addi %add3A_1159, %add3A_1556 : vector<16xi32>
      tpu.vector_store_idx %arg14[%add3A_1149, %add3A_1557], %gather3A_1554 : memref<128x256xf32, #tpu.memory_space<vmem>>[vector<16xi32>, vector<16xi32>], vector<16xf32>,
      %add3A_1558 = arith.constant 57 : i32
      %add3A_1559 = vector.broadcast %add3A_1558 : i32 to vector<16xi32>
      %add3A_1560 = arith.addi %get3A_1153, %add3A_1559 : vector<16xi32>
      %gather3A_1561 = tpu.vector_load_idx %arg16[%add3A_1149, %add3A_1560] : memref<128x128xf32, #tpu.memory_space<vmem>>[vector<16xi32>, vector<16xi32>], vector<16xf32>,
      %add3A_1562 = arith.constant 57 : i32
      %add3A_1563 = vector.broadcast %add3A_1562 : i32 to vector<16xi32>
      %add3A_1564 = arith.addi %add3A_1159, %add3A_1563 : vector<16xi32>
      tpu.vector_store_idx %arg14[%add3A_1149, %add3A_1564], %gather3A_1561 : memref<128x256xf32, #tpu.memory_space<vmem>>[vector<16xi32>, vector<16xi32>], vector<16xf32>,
      %add3A_1565 = arith.constant 58 : i32
      %add3A_1566 = vector.broadcast %add3A_1565 : i32 to vector<16xi32>
      %add3A_1567 = arith.addi %get3A_1153, %add3A_1566 : vector<16xi32>
      %gather3A_1568 = tpu.vector_load_idx %arg16[%add3A_1149, %add3A_1567] : memref<128x128xf32, #tpu.memory_space<vmem>>[vector<16xi32>, vector<16xi32>], vector<16xf32>,
      %add3A_1569 = arith.constant 58 : i32
      %add3A_1570 = vector.broadcast %add3A_1569 : i32 to vector<16xi32>
      %add3A_1571 = arith.addi %add3A_1159, %add3A_1570 : vector<16xi32>
      tpu.vector_store_idx %arg14[%add3A_1149, %add3A_1571], %gather3A_1568 : memref<128x256xf32, #tpu.memory_space<vmem>>[vector<16xi32>, vector<16xi32>], vector<16xf32>,
      %add3A_1572 = arith.constant 59 : i32
      %add3A_1573 = vector.broadcast %add3A_1572 : i32 to vector<16xi32>
      %add3A_1574 = arith.addi %get3A_1153, %add3A_1573 : vector<16xi32>
      %gather3A_1575 = tpu.vector_load_idx %arg16[%add3A_1149, %add3A_1574] : memref<128x128xf32, #tpu.memory_space<vmem>>[vector<16xi32>, vector<16xi32>], vector<16xf32>,
      %add3A_1576 = arith.constant 59 : i32
      %add3A_1577 = vector.broadcast %add3A_1576 : i32 to vector<16xi32>
      %add3A_1578 = arith.addi %add3A_1159, %add3A_1577 : vector<16xi32>
      tpu.vector_store_idx %arg14[%add3A_1149, %add3A_1578], %gather3A_1575 : memref<128x256xf32, #tpu.memory_space<vmem>>[vector<16xi32>, vector<16xi32>], vector<16xf32>,
      %add3A_1579 = arith.constant 60 : i32
      %add3A_1580 = vector.broadcast %add3A_1579 : i32 to vector<16xi32>
      %add3A_1581 = arith.addi %get3A_1153, %add3A_1580 : vector<16xi32>
      %gather3A_1582 = tpu.vector_load_idx %arg16[%add3A_1149, %add3A_1581] : memref<128x128xf32, #tpu.memory_space<vmem>>[vector<16xi32>, vector<16xi32>], vector<16xf32>,
      %add3A_1583 = arith.constant 60 : i32
      %add3A_1584 = vector.broadcast %add3A_1583 : i32 to vector<16xi32>
      %add3A_1585 = arith.addi %add3A_1159, %add3A_1584 : vector<16xi32>
      tpu.vector_store_idx %arg14[%add3A_1149, %add3A_1585], %gather3A_1582 : memref<128x256xf32, #tpu.memory_space<vmem>>[vector<16xi32>, vector<16xi32>], vector<16xf32>,
      %add3A_1586 = arith.constant 61 : i32
      %add3A_1587 = vector.broadcast %add3A_1586 : i32 to vector<16xi32>
      %add3A_1588 = arith.addi %get3A_1153, %add3A_1587 : vector<16xi32>
      %gather3A_1589 = tpu.vector_load_idx %arg16[%add3A_1149, %add3A_1588] : memref<128x128xf32, #tpu.memory_space<vmem>>[vector<16xi32>, vector<16xi32>], vector<16xf32>,
      %add3A_1590 = arith.constant 61 : i32
      %add3A_1591 = vector.broadcast %add3A_1590 : i32 to vector<16xi32>
      %add3A_1592 = arith.addi %add3A_1159, %add3A_1591 : vector<16xi32>
      tpu.vector_store_idx %arg14[%add3A_1149, %add3A_1592], %gather3A_1589 : memref<128x256xf32, #tpu.memory_space<vmem>>[vector<16xi32>, vector<16xi32>], vector<16xf32>,
      %add3A_1593 = arith.constant 62 : i32
      %add3A_1594 = vector.broadcast %add3A_1593 : i32 to vector<16xi32>
      %add3A_1595 = arith.addi %get3A_1153, %add3A_1594 : vector<16xi32>
      %gather3A_1596 = tpu.vector_load_idx %arg16[%add3A_1149, %add3A_1595] : memref<128x128xf32, #tpu.memory_space<vmem>>[vector<16xi32>, vector<16xi32>], vector<16xf32>,
      %add3A_1597 = arith.constant 62 : i32
      %add3A_1598 = vector.broadcast %add3A_1597 : i32 to vector<16xi32>
      %add3A_1599 = arith.addi %add3A_1159, %add3A_1598 : vector<16xi32>
      tpu.vector_store_idx %arg14[%add3A_1149, %add3A_1599], %gather3A_1596 : memref<128x256xf32, #tpu.memory_space<vmem>>[vector<16xi32>, vector<16xi32>], vector<16xf32>,
      %add3A_1600 = arith.constant 63 : i32
      %add3A_1601 = vector.broadcast %add3A_1600 : i32 to vector<16xi32>
      %add3A_1602 = arith.addi %get3A_1153, %add3A_1601 : vector<16xi32>
      %gather3A_1603 = tpu.vector_load_idx %arg16[%add3A_1149, %add3A_1602] : memref<128x128xf32, #tpu.memory_space<vmem>>[vector<16xi32>, vector<16xi32>], vector<16xf32>,
      %add3A_1604 = arith.constant 63 : i32
      %add3A_1605 = vector.broadcast %add3A_1604 : i32 to vector<16xi32>
      %add3A_1606 = arith.addi %add3A_1159, %add3A_1605 : vector<16xi32>
      tpu.vector_store_idx %arg14[%add3A_1149, %add3A_1606], %gather3A_1603 : memref<128x256xf32, #tpu.memory_space<vmem>>[vector<16xi32>, vector<16xi32>], vector<16xf32>,
    }
    %scan3A_1072 = arith.constant 8 : i32
    %add3A_1073 = arith.constant 128 : i32
    %add3A_1074 = arith.addi %mul3A_2, %add3A_1073 : i32
    %dma_start3A_1075 = arith.constant 0 : i32
    %dma_start3A_1076 = tpu.memref_slice %arg8[%add3A_1074, %dma_start3A_1075] : memref<16384x256xf32, #tpu.memory_space<hbm>> -> memref<128x256xf32, #tpu.memory_space<hbm>>
    %dma_start3A_1077 = arith.constant 0 : i32
    %dma_start3A_1078 = tpu.memref_slice %arg8[%add3A_1074, %dma_start3A_1077] : memref<16384x256xf32, #tpu.memory_space<hbm>> -> memref<128x256xf32, #tpu.memory_space<hbm>>
    tpu.enqueue_dma source(%arg14 : memref<128x256xf32, #tpu.memory_space<vmem>>) target(%dma_start3A_1078 : memref<128x256xf32, #tpu.memory_space<hbm>>) target_semaphore(%arg21 : memref<!tpu.dma_semaphore, #tpu.memory_space<semaphore_mem>>)
    %dma_wait3A_1079 = arith.constant 256 : i32
    %dma_wait3A_1080 = tpu.memref_slice %arg9[%dma_wait3A_1079] : memref<512xi32, #tpu.memory_space<vmem>> -> memref<128xi32, #tpu.memory_space<vmem>>
    %dma_wait3A_1081 = arith.constant 0 : i32
    %dma_wait3A_1082 = arith.constant 0 : i32
    %dma_wait3A_1083 = tpu.memref_slice %arg6[%dma_wait3A_1081, %dma_wait3A_1082] : memref<294x256xf32, #tpu.memory_space<hbm>> -> memref<294x256xf32, #tpu.memory_space<hbm>>
    tpu.wait_indirect_dma semaphore(%arg18 : memref<!tpu.dma_semaphore, #tpu.memory_space<semaphore_mem>>) src(%dma_wait3A_1083 : memref<294x256xf32, #tpu.memory_space<hbm>>) dst(%arg13 : memref<128x256xf32, #tpu.memory_space<vmem>>)
    %dma_wait3A_1084 = arith.constant 256 : i32
    %dma_wait3A_1085 = tpu.memref_slice %arg10[%dma_wait3A_1084] : memref<512xi32, #tpu.memory_space<vmem>> -> memref<128xi32, #tpu.memory_space<vmem>>
    %dma_wait3A_1086 = arith.constant 0 : i32
    %dma_wait3A_1087 = arith.constant 0 : i32
    %dma_wait3A_1088 = tpu.memref_slice %arg7[%dma_wait3A_1086, %dma_wait3A_1087] : memref<50000x128xf32, #tpu.memory_space<hbm>> -> memref<50000x128xf32, #tpu.memory_space<hbm>>
    tpu.wait_indirect_dma semaphore(%arg18 : memref<!tpu.dma_semaphore, #tpu.memory_space<semaphore_mem>>) src(%dma_wait3A_1088 : memref<50000x128xf32, #tpu.memory_space<hbm>>) dst(%arg15 : memref<128x128xf32, #tpu.memory_space<vmem>>)
    %dma_wait3A_1089 = arith.constant 0 : i32
    %dma_wait3A_1090 = tpu.memref_slice %arg8[%add3A_1074, %dma_wait3A_1089] : memref<16384x256xf32, #tpu.memory_space<hbm>> -> memref<128x256xf32, #tpu.memory_space<hbm>>
    %dma_wait3A_1091 = arith.constant 0 : i32
    %dma_wait3A_1092 = tpu.memref_slice %arg8[%add3A_1074, %dma_wait3A_1091] : memref<16384x256xf32, #tpu.memory_space<hbm>> -> memref<128x256xf32, #tpu.memory_space<hbm>>
    tpu.wait_dma2 semaphore(%arg21 : memref<!tpu.dma_semaphore, #tpu.memory_space<semaphore_mem>>) src(%arg14 : memref<128x256xf32, #tpu.memory_space<vmem>>) dst(%dma_wait3A_1092 : memref<128x256xf32, #tpu.memory_space<hbm>>)
    %dma_start3A_1093 = arith.constant 384 : i32
    %dma_start3A_1094 = tpu.memref_slice %arg9[%dma_start3A_1093] : memref<512xi32, #tpu.memory_space<vmem>> -> memref<128xi32, #tpu.memory_space<vmem>>
    %dma_start3A_1095 = arith.constant 0 : i32
    %dma_start3A_1096 = arith.constant 0 : i32
    %dma_start3A_1097 = tpu.memref_slice %arg6[%dma_start3A_1095, %dma_start3A_1096] : memref<294x256xf32, #tpu.memory_space<hbm>> -> memref<294x256xf32, #tpu.memory_space<hbm>>
    tpu.enqueue_indirect_dma source(%dma_start3A_1097 : memref<294x256xf32, #tpu.memory_space<hbm>>) target(%arg14 : memref<128x256xf32, #tpu.memory_space<vmem>>) offsets(%dma_start3A_1094 : memref<128xi32, #tpu.memory_space<vmem>>) semaphore(%arg19 : memref<!tpu.dma_semaphore, #tpu.memory_space<semaphore_mem>>)
    %dma_start3A_1098 = arith.constant 384 : i32
    %dma_start3A_1099 = tpu.memref_slice %arg10[%dma_start3A_1098] : memref<512xi32, #tpu.memory_space<vmem>> -> memref<128xi32, #tpu.memory_space<vmem>>
    %dma_start3A_1100 = arith.constant 0 : i32
    %dma_start3A_1101 = arith.constant 0 : i32
    %dma_start3A_1102 = tpu.memref_slice %arg7[%dma_start3A_1100, %dma_start3A_1101] : memref<50000x128xf32, #tpu.memory_space<hbm>> -> memref<50000x128xf32, #tpu.memory_space<hbm>>
    tpu.enqueue_indirect_dma source(%dma_start3A_1102 : memref<50000x128xf32, #tpu.memory_space<hbm>>) target(%arg16 : memref<128x128xf32, #tpu.memory_space<vmem>>) offsets(%dma_start3A_1099 : memref<128xi32, #tpu.memory_space<vmem>>) semaphore(%arg19 : memref<!tpu.dma_semaphore, #tpu.memory_space<semaphore_mem>>)
    %scan3A_1103 = arith.constant 0 : i32
    %scan3A_1104 = arith.constant 8 : i32
    %scan3A_1105 = arith.addi %scan3A_1103, %scan3A_1104 : i32
    %scan3A_1106 = arith.constant 1 : i32
    scf.for %scan3A_1143 = %scan3A_1103 to %scan3A_1105 step %scan3A_1106  : i32 {
      %mul3A_1144 = arith.constant 16 : i32
      %mul3A_1145 = arith.muli %scan3A_1143, %mul3A_1144 : i32
      %add3A_1146 = arith.constant 0 : i32
      %add3A_1147 = arith.addi %add3A_1146, %mul3A_1145 : i32
      %add3A_1148 = vector.broadcast %add3A_1147 : i32 to vector<16xi32>
      %add3A_1149 = arith.addi %iota3A, %add3A_1148 : vector<16xi32>
      %add3A_1150 = arith.constant 256 : i32
      %add3A_1151 = arith.addi %add3A_1150, %add3A_1147 : i32
      %get3A_1152 = arith.index_cast %add3A_1151 : i32 to index
      %get3A_1153 = tpu.vector_load %arg12[%get3A_1152] {strides = array<i32>} : memref<512xi32, #tpu.memory_space<vmem>>, vector<16xi32>,
      %mul3A_1154 = arith.constant 0 : i32
      %mul3A_1155 = vector.broadcast %mul3A_1154 : i32 to vector<16xi32>
      %mul3A_1156 = arith.muli %iota3A, %mul3A_1155 : vector<16xi32>
      %add3A_1157 = arith.constant 192 : i32
      %add3A_1158 = vector.broadcast %add3A_1157 : i32 to vector<16xi32>
      %add3A_1159 = arith.addi %mul3A_1156, %add3A_1158 : vector<16xi32>
      %add3A_1160 = arith.constant 0 : i32
      %add3A_1161 = vector.broadcast %add3A_1160 : i32 to vector<16xi32>
      %add3A_1162 = arith.addi %get3A_1153, %add3A_1161 : vector<16xi32>
      %gather3A = tpu.vector_load_idx %arg15[%add3A_1149, %add3A_1162] : memref<128x128xf32, #tpu.memory_space<vmem>>[vector<16xi32>, vector<16xi32>], vector<16xf32>,
      %add3A_1163 = arith.constant 0 : i32
      %add3A_1164 = vector.broadcast %add3A_1163 : i32 to vector<16xi32>
      %add3A_1165 = arith.addi %add3A_1159, %add3A_1164 : vector<16xi32>
      tpu.vector_store_idx %arg13[%add3A_1149, %add3A_1165], %gather3A : memref<128x256xf32, #tpu.memory_space<vmem>>[vector<16xi32>, vector<16xi32>], vector<16xf32>,
      %add3A_1166 = arith.constant 1 : i32
      %add3A_1167 = vector.broadcast %add3A_1166 : i32 to vector<16xi32>
      %add3A_1168 = arith.addi %get3A_1153, %add3A_1167 : vector<16xi32>
      %gather3A_1169 = tpu.vector_load_idx %arg15[%add3A_1149, %add3A_1168] : memref<128x128xf32, #tpu.memory_space<vmem>>[vector<16xi32>, vector<16xi32>], vector<16xf32>,
      %add3A_1170 = arith.constant 1 : i32
      %add3A_1171 = vector.broadcast %add3A_1170 : i32 to vector<16xi32>
      %add3A_1172 = arith.addi %add3A_1159, %add3A_1171 : vector<16xi32>
      tpu.vector_store_idx %arg13[%add3A_1149, %add3A_1172], %gather3A_1169 : memref<128x256xf32, #tpu.memory_space<vmem>>[vector<16xi32>, vector<16xi32>], vector<16xf32>,
      %add3A_1173 = arith.constant 2 : i32
      %add3A_1174 = vector.broadcast %add3A_1173 : i32 to vector<16xi32>
      %add3A_1175 = arith.addi %get3A_1153, %add3A_1174 : vector<16xi32>
      %gather3A_1176 = tpu.vector_load_idx %arg15[%add3A_1149, %add3A_1175] : memref<128x128xf32, #tpu.memory_space<vmem>>[vector<16xi32>, vector<16xi32>], vector<16xf32>,
      %add3A_1177 = arith.constant 2 : i32
      %add3A_1178 = vector.broadcast %add3A_1177 : i32 to vector<16xi32>
      %add3A_1179 = arith.addi %add3A_1159, %add3A_1178 : vector<16xi32>
      tpu.vector_store_idx %arg13[%add3A_1149, %add3A_1179], %gather3A_1176 : memref<128x256xf32, #tpu.memory_space<vmem>>[vector<16xi32>, vector<16xi32>], vector<16xf32>,
      %add3A_1180 = arith.constant 3 : i32
      %add3A_1181 = vector.broadcast %add3A_1180 : i32 to vector<16xi32>
      %add3A_1182 = arith.addi %get3A_1153, %add3A_1181 : vector<16xi32>
      %gather3A_1183 = tpu.vector_load_idx %arg15[%add3A_1149, %add3A_1182] : memref<128x128xf32, #tpu.memory_space<vmem>>[vector<16xi32>, vector<16xi32>], vector<16xf32>,
      %add3A_1184 = arith.constant 3 : i32
      %add3A_1185 = vector.broadcast %add3A_1184 : i32 to vector<16xi32>
      %add3A_1186 = arith.addi %add3A_1159, %add3A_1185 : vector<16xi32>
      tpu.vector_store_idx %arg13[%add3A_1149, %add3A_1186], %gather3A_1183 : memref<128x256xf32, #tpu.memory_space<vmem>>[vector<16xi32>, vector<16xi32>], vector<16xf32>,
      %add3A_1187 = arith.constant 4 : i32
      %add3A_1188 = vector.broadcast %add3A_1187 : i32 to vector<16xi32>
      %add3A_1189 = arith.addi %get3A_1153, %add3A_1188 : vector<16xi32>
      %gather3A_1190 = tpu.vector_load_idx %arg15[%add3A_1149, %add3A_1189] : memref<128x128xf32, #tpu.memory_space<vmem>>[vector<16xi32>, vector<16xi32>], vector<16xf32>,
      %add3A_1191 = arith.constant 4 : i32
      %add3A_1192 = vector.broadcast %add3A_1191 : i32 to vector<16xi32>
      %add3A_1193 = arith.addi %add3A_1159, %add3A_1192 : vector<16xi32>
      tpu.vector_store_idx %arg13[%add3A_1149, %add3A_1193], %gather3A_1190 : memref<128x256xf32, #tpu.memory_space<vmem>>[vector<16xi32>, vector<16xi32>], vector<16xf32>,
      %add3A_1194 = arith.constant 5 : i32
      %add3A_1195 = vector.broadcast %add3A_1194 : i32 to vector<16xi32>
      %add3A_1196 = arith.addi %get3A_1153, %add3A_1195 : vector<16xi32>
      %gather3A_1197 = tpu.vector_load_idx %arg15[%add3A_1149, %add3A_1196] : memref<128x128xf32, #tpu.memory_space<vmem>>[vector<16xi32>, vector<16xi32>], vector<16xf32>,
      %add3A_1198 = arith.constant 5 : i32
      %add3A_1199 = vector.broadcast %add3A_1198 : i32 to vector<16xi32>
      %add3A_1200 = arith.addi %add3A_1159, %add3A_1199 : vector<16xi32>
      tpu.vector_store_idx %arg13[%add3A_1149, %add3A_1200], %gather3A_1197 : memref<128x256xf32, #tpu.memory_space<vmem>>[vector<16xi32>, vector<16xi32>], vector<16xf32>,
      %add3A_1201 = arith.constant 6 : i32
      %add3A_1202 = vector.broadcast %add3A_1201 : i32 to vector<16xi32>
      %add3A_1203 = arith.addi %get3A_1153, %add3A_1202 : vector<16xi32>
      %gather3A_1204 = tpu.vector_load_idx %arg15[%add3A_1149, %add3A_1203] : memref<128x128xf32, #tpu.memory_space<vmem>>[vector<16xi32>, vector<16xi32>], vector<16xf32>,
      %add3A_1205 = arith.constant 6 : i32
      %add3A_1206 = vector.broadcast %add3A_1205 : i32 to vector<16xi32>
      %add3A_1207 = arith.addi %add3A_1159, %add3A_1206 : vector<16xi32>
      tpu.vector_store_idx %arg13[%add3A_1149, %add3A_1207], %gather3A_1204 : memref<128x256xf32, #tpu.memory_space<vmem>>[vector<16xi32>, vector<16xi32>], vector<16xf32>,
      %add3A_1208 = arith.constant 7 : i32
      %add3A_1209 = vector.broadcast %add3A_1208 : i32 to vector<16xi32>
      %add3A_1210 = arith.addi %get3A_1153, %add3A_1209 : vector<16xi32>
      %gather3A_1211 = tpu.vector_load_idx %arg15[%add3A_1149, %add3A_1210] : memref<128x128xf32, #tpu.memory_space<vmem>>[vector<16xi32>, vector<16xi32>], vector<16xf32>,
      %add3A_1212 = arith.constant 7 : i32
      %add3A_1213 = vector.broadcast %add3A_1212 : i32 to vector<16xi32>
      %add3A_1214 = arith.addi %add3A_1159, %add3A_1213 : vector<16xi32>
      tpu.vector_store_idx %arg13[%add3A_1149, %add3A_1214], %gather3A_1211 : memref<128x256xf32, #tpu.memory_space<vmem>>[vector<16xi32>, vector<16xi32>], vector<16xf32>,
      %add3A_1215 = arith.constant 8 : i32
      %add3A_1216 = vector.broadcast %add3A_1215 : i32 to vector<16xi32>
      %add3A_1217 = arith.addi %get3A_1153, %add3A_1216 : vector<16xi32>
      %gather3A_1218 = tpu.vector_load_idx %arg15[%add3A_1149, %add3A_1217] : memref<128x128xf32, #tpu.memory_space<vmem>>[vector<16xi32>, vector<16xi32>], vector<16xf32>,
      %add3A_1219 = arith.constant 8 : i32
      %add3A_1220 = vector.broadcast %add3A_1219 : i32 to vector<16xi32>
      %add3A_1221 = arith.addi %add3A_1159, %add3A_1220 : vector<16xi32>
      tpu.vector_store_idx %arg13[%add3A_1149, %add3A_1221], %gather3A_1218 : memref<128x256xf32, #tpu.memory_space<vmem>>[vector<16xi32>, vector<16xi32>], vector<16xf32>,
      %add3A_1222 = arith.constant 9 : i32
      %add3A_1223 = vector.broadcast %add3A_1222 : i32 to vector<16xi32>
      %add3A_1224 = arith.addi %get3A_1153, %add3A_1223 : vector<16xi32>
      %gather3A_1225 = tpu.vector_load_idx %arg15[%add3A_1149, %add3A_1224] : memref<128x128xf32, #tpu.memory_space<vmem>>[vector<16xi32>, vector<16xi32>], vector<16xf32>,
      %add3A_1226 = arith.constant 9 : i32
      %add3A_1227 = vector.broadcast %add3A_1226 : i32 to vector<16xi32>
      %add3A_1228 = arith.addi %add3A_1159, %add3A_1227 : vector<16xi32>
      tpu.vector_store_idx %arg13[%add3A_1149, %add3A_1228], %gather3A_1225 : memref<128x256xf32, #tpu.memory_space<vmem>>[vector<16xi32>, vector<16xi32>], vector<16xf32>,
      %add3A_1229 = arith.constant 10 : i32
      %add3A_1230 = vector.broadcast %add3A_1229 : i32 to vector<16xi32>
      %add3A_1231 = arith.addi %get3A_1153, %add3A_1230 : vector<16xi32>
      %gather3A_1232 = tpu.vector_load_idx %arg15[%add3A_1149, %add3A_1231] : memref<128x128xf32, #tpu.memory_space<vmem>>[vector<16xi32>, vector<16xi32>], vector<16xf32>,
      %add3A_1233 = arith.constant 10 : i32
      %add3A_1234 = vector.broadcast %add3A_1233 : i32 to vector<16xi32>
      %add3A_1235 = arith.addi %add3A_1159, %add3A_1234 : vector<16xi32>
      tpu.vector_store_idx %arg13[%add3A_1149, %add3A_1235], %gather3A_1232 : memref<128x256xf32, #tpu.memory_space<vmem>>[vector<16xi32>, vector<16xi32>], vector<16xf32>,
      %add3A_1236 = arith.constant 11 : i32
      %add3A_1237 = vector.broadcast %add3A_1236 : i32 to vector<16xi32>
      %add3A_1238 = arith.addi %get3A_1153, %add3A_1237 : vector<16xi32>
      %gather3A_1239 = tpu.vector_load_idx %arg15[%add3A_1149, %add3A_1238] : memref<128x128xf32, #tpu.memory_space<vmem>>[vector<16xi32>, vector<16xi32>], vector<16xf32>,
      %add3A_1240 = arith.constant 11 : i32
      %add3A_1241 = vector.broadcast %add3A_1240 : i32 to vector<16xi32>
      %add3A_1242 = arith.addi %add3A_1159, %add3A_1241 : vector<16xi32>
      tpu.vector_store_idx %arg13[%add3A_1149, %add3A_1242], %gather3A_1239 : memref<128x256xf32, #tpu.memory_space<vmem>>[vector<16xi32>, vector<16xi32>], vector<16xf32>,
      %add3A_1243 = arith.constant 12 : i32
      %add3A_1244 = vector.broadcast %add3A_1243 : i32 to vector<16xi32>
      %add3A_1245 = arith.addi %get3A_1153, %add3A_1244 : vector<16xi32>
      %gather3A_1246 = tpu.vector_load_idx %arg15[%add3A_1149, %add3A_1245] : memref<128x128xf32, #tpu.memory_space<vmem>>[vector<16xi32>, vector<16xi32>], vector<16xf32>,
      %add3A_1247 = arith.constant 12 : i32
      %add3A_1248 = vector.broadcast %add3A_1247 : i32 to vector<16xi32>
      %add3A_1249 = arith.addi %add3A_1159, %add3A_1248 : vector<16xi32>
      tpu.vector_store_idx %arg13[%add3A_1149, %add3A_1249], %gather3A_1246 : memref<128x256xf32, #tpu.memory_space<vmem>>[vector<16xi32>, vector<16xi32>], vector<16xf32>,
      %add3A_1250 = arith.constant 13 : i32
      %add3A_1251 = vector.broadcast %add3A_1250 : i32 to vector<16xi32>
      %add3A_1252 = arith.addi %get3A_1153, %add3A_1251 : vector<16xi32>
      %gather3A_1253 = tpu.vector_load_idx %arg15[%add3A_1149, %add3A_1252] : memref<128x128xf32, #tpu.memory_space<vmem>>[vector<16xi32>, vector<16xi32>], vector<16xf32>,
      %add3A_1254 = arith.constant 13 : i32
      %add3A_1255 = vector.broadcast %add3A_1254 : i32 to vector<16xi32>
      %add3A_1256 = arith.addi %add3A_1159, %add3A_1255 : vector<16xi32>
      tpu.vector_store_idx %arg13[%add3A_1149, %add3A_1256], %gather3A_1253 : memref<128x256xf32, #tpu.memory_space<vmem>>[vector<16xi32>, vector<16xi32>], vector<16xf32>,
      %add3A_1257 = arith.constant 14 : i32
      %add3A_1258 = vector.broadcast %add3A_1257 : i32 to vector<16xi32>
      %add3A_1259 = arith.addi %get3A_1153, %add3A_1258 : vector<16xi32>
      %gather3A_1260 = tpu.vector_load_idx %arg15[%add3A_1149, %add3A_1259] : memref<128x128xf32, #tpu.memory_space<vmem>>[vector<16xi32>, vector<16xi32>], vector<16xf32>,
      %add3A_1261 = arith.constant 14 : i32
      %add3A_1262 = vector.broadcast %add3A_1261 : i32 to vector<16xi32>
      %add3A_1263 = arith.addi %add3A_1159, %add3A_1262 : vector<16xi32>
      tpu.vector_store_idx %arg13[%add3A_1149, %add3A_1263], %gather3A_1260 : memref<128x256xf32, #tpu.memory_space<vmem>>[vector<16xi32>, vector<16xi32>], vector<16xf32>,
      %add3A_1264 = arith.constant 15 : i32
      %add3A_1265 = vector.broadcast %add3A_1264 : i32 to vector<16xi32>
      %add3A_1266 = arith.addi %get3A_1153, %add3A_1265 : vector<16xi32>
      %gather3A_1267 = tpu.vector_load_idx %arg15[%add3A_1149, %add3A_1266] : memref<128x128xf32, #tpu.memory_space<vmem>>[vector<16xi32>, vector<16xi32>], vector<16xf32>,
      %add3A_1268 = arith.constant 15 : i32
      %add3A_1269 = vector.broadcast %add3A_1268 : i32 to vector<16xi32>
      %add3A_1270 = arith.addi %add3A_1159, %add3A_1269 : vector<16xi32>
      tpu.vector_store_idx %arg13[%add3A_1149, %add3A_1270], %gather3A_1267 : memref<128x256xf32, #tpu.memory_space<vmem>>[vector<16xi32>, vector<16xi32>], vector<16xf32>,
      %add3A_1271 = arith.constant 16 : i32
      %add3A_1272 = vector.broadcast %add3A_1271 : i32 to vector<16xi32>
      %add3A_1273 = arith.addi %get3A_1153, %add3A_1272 : vector<16xi32>
      %gather3A_1274 = tpu.vector_load_idx %arg15[%add3A_1149, %add3A_1273] : memref<128x128xf32, #tpu.memory_space<vmem>>[vector<16xi32>, vector<16xi32>], vector<16xf32>,
      %add3A_1275 = arith.constant 16 : i32
      %add3A_1276 = vector.broadcast %add3A_1275 : i32 to vector<16xi32>
      %add3A_1277 = arith.addi %add3A_1159, %add3A_1276 : vector<16xi32>
      tpu.vector_store_idx %arg13[%add3A_1149, %add3A_1277], %gather3A_1274 : memref<128x256xf32, #tpu.memory_space<vmem>>[vector<16xi32>, vector<16xi32>], vector<16xf32>,
      %add3A_1278 = arith.constant 17 : i32
      %add3A_1279 = vector.broadcast %add3A_1278 : i32 to vector<16xi32>
      %add3A_1280 = arith.addi %get3A_1153, %add3A_1279 : vector<16xi32>
      %gather3A_1281 = tpu.vector_load_idx %arg15[%add3A_1149, %add3A_1280] : memref<128x128xf32, #tpu.memory_space<vmem>>[vector<16xi32>, vector<16xi32>], vector<16xf32>,
      %add3A_1282 = arith.constant 17 : i32
      %add3A_1283 = vector.broadcast %add3A_1282 : i32 to vector<16xi32>
      %add3A_1284 = arith.addi %add3A_1159, %add3A_1283 : vector<16xi32>
      tpu.vector_store_idx %arg13[%add3A_1149, %add3A_1284], %gather3A_1281 : memref<128x256xf32, #tpu.memory_space<vmem>>[vector<16xi32>, vector<16xi32>], vector<16xf32>,
      %add3A_1285 = arith.constant 18 : i32
      %add3A_1286 = vector.broadcast %add3A_1285 : i32 to vector<16xi32>
      %add3A_1287 = arith.addi %get3A_1153, %add3A_1286 : vector<16xi32>
      %gather3A_1288 = tpu.vector_load_idx %arg15[%add3A_1149, %add3A_1287] : memref<128x128xf32, #tpu.memory_space<vmem>>[vector<16xi32>, vector<16xi32>], vector<16xf32>,
      %add3A_1289 = arith.constant 18 : i32
      %add3A_1290 = vector.broadcast %add3A_1289 : i32 to vector<16xi32>
      %add3A_1291 = arith.addi %add3A_1159, %add3A_1290 : vector<16xi32>
      tpu.vector_store_idx %arg13[%add3A_1149, %add3A_1291], %gather3A_1288 : memref<128x256xf32, #tpu.memory_space<vmem>>[vector<16xi32>, vector<16xi32>], vector<16xf32>,
      %add3A_1292 = arith.constant 19 : i32
      %add3A_1293 = vector.broadcast %add3A_1292 : i32 to vector<16xi32>
      %add3A_1294 = arith.addi %get3A_1153, %add3A_1293 : vector<16xi32>
      %gather3A_1295 = tpu.vector_load_idx %arg15[%add3A_1149, %add3A_1294] : memref<128x128xf32, #tpu.memory_space<vmem>>[vector<16xi32>, vector<16xi32>], vector<16xf32>,
      %add3A_1296 = arith.constant 19 : i32
      %add3A_1297 = vector.broadcast %add3A_1296 : i32 to vector<16xi32>
      %add3A_1298 = arith.addi %add3A_1159, %add3A_1297 : vector<16xi32>
      tpu.vector_store_idx %arg13[%add3A_1149, %add3A_1298], %gather3A_1295 : memref<128x256xf32, #tpu.memory_space<vmem>>[vector<16xi32>, vector<16xi32>], vector<16xf32>,
      %add3A_1299 = arith.constant 20 : i32
      %add3A_1300 = vector.broadcast %add3A_1299 : i32 to vector<16xi32>
      %add3A_1301 = arith.addi %get3A_1153, %add3A_1300 : vector<16xi32>
      %gather3A_1302 = tpu.vector_load_idx %arg15[%add3A_1149, %add3A_1301] : memref<128x128xf32, #tpu.memory_space<vmem>>[vector<16xi32>, vector<16xi32>], vector<16xf32>,
      %add3A_1303 = arith.constant 20 : i32
      %add3A_1304 = vector.broadcast %add3A_1303 : i32 to vector<16xi32>
      %add3A_1305 = arith.addi %add3A_1159, %add3A_1304 : vector<16xi32>
      tpu.vector_store_idx %arg13[%add3A_1149, %add3A_1305], %gather3A_1302 : memref<128x256xf32, #tpu.memory_space<vmem>>[vector<16xi32>, vector<16xi32>], vector<16xf32>,
      %add3A_1306 = arith.constant 21 : i32
      %add3A_1307 = vector.broadcast %add3A_1306 : i32 to vector<16xi32>
      %add3A_1308 = arith.addi %get3A_1153, %add3A_1307 : vector<16xi32>
      %gather3A_1309 = tpu.vector_load_idx %arg15[%add3A_1149, %add3A_1308] : memref<128x128xf32, #tpu.memory_space<vmem>>[vector<16xi32>, vector<16xi32>], vector<16xf32>,
      %add3A_1310 = arith.constant 21 : i32
      %add3A_1311 = vector.broadcast %add3A_1310 : i32 to vector<16xi32>
      %add3A_1312 = arith.addi %add3A_1159, %add3A_1311 : vector<16xi32>
      tpu.vector_store_idx %arg13[%add3A_1149, %add3A_1312], %gather3A_1309 : memref<128x256xf32, #tpu.memory_space<vmem>>[vector<16xi32>, vector<16xi32>], vector<16xf32>,
      %add3A_1313 = arith.constant 22 : i32
      %add3A_1314 = vector.broadcast %add3A_1313 : i32 to vector<16xi32>
      %add3A_1315 = arith.addi %get3A_1153, %add3A_1314 : vector<16xi32>
      %gather3A_1316 = tpu.vector_load_idx %arg15[%add3A_1149, %add3A_1315] : memref<128x128xf32, #tpu.memory_space<vmem>>[vector<16xi32>, vector<16xi32>], vector<16xf32>,
      %add3A_1317 = arith.constant 22 : i32
      %add3A_1318 = vector.broadcast %add3A_1317 : i32 to vector<16xi32>
      %add3A_1319 = arith.addi %add3A_1159, %add3A_1318 : vector<16xi32>
      tpu.vector_store_idx %arg13[%add3A_1149, %add3A_1319], %gather3A_1316 : memref<128x256xf32, #tpu.memory_space<vmem>>[vector<16xi32>, vector<16xi32>], vector<16xf32>,
      %add3A_1320 = arith.constant 23 : i32
      %add3A_1321 = vector.broadcast %add3A_1320 : i32 to vector<16xi32>
      %add3A_1322 = arith.addi %get3A_1153, %add3A_1321 : vector<16xi32>
      %gather3A_1323 = tpu.vector_load_idx %arg15[%add3A_1149, %add3A_1322] : memref<128x128xf32, #tpu.memory_space<vmem>>[vector<16xi32>, vector<16xi32>], vector<16xf32>,
      %add3A_1324 = arith.constant 23 : i32
      %add3A_1325 = vector.broadcast %add3A_1324 : i32 to vector<16xi32>
      %add3A_1326 = arith.addi %add3A_1159, %add3A_1325 : vector<16xi32>
      tpu.vector_store_idx %arg13[%add3A_1149, %add3A_1326], %gather3A_1323 : memref<128x256xf32, #tpu.memory_space<vmem>>[vector<16xi32>, vector<16xi32>], vector<16xf32>,
      %add3A_1327 = arith.constant 24 : i32
      %add3A_1328 = vector.broadcast %add3A_1327 : i32 to vector<16xi32>
      %add3A_1329 = arith.addi %get3A_1153, %add3A_1328 : vector<16xi32>
      %gather3A_1330 = tpu.vector_load_idx %arg15[%add3A_1149, %add3A_1329] : memref<128x128xf32, #tpu.memory_space<vmem>>[vector<16xi32>, vector<16xi32>], vector<16xf32>,
      %add3A_1331 = arith.constant 24 : i32
      %add3A_1332 = vector.broadcast %add3A_1331 : i32 to vector<16xi32>
      %add3A_1333 = arith.addi %add3A_1159, %add3A_1332 : vector<16xi32>
      tpu.vector_store_idx %arg13[%add3A_1149, %add3A_1333], %gather3A_1330 : memref<128x256xf32, #tpu.memory_space<vmem>>[vector<16xi32>, vector<16xi32>], vector<16xf32>,
      %add3A_1334 = arith.constant 25 : i32
      %add3A_1335 = vector.broadcast %add3A_1334 : i32 to vector<16xi32>
      %add3A_1336 = arith.addi %get3A_1153, %add3A_1335 : vector<16xi32>
      %gather3A_1337 = tpu.vector_load_idx %arg15[%add3A_1149, %add3A_1336] : memref<128x128xf32, #tpu.memory_space<vmem>>[vector<16xi32>, vector<16xi32>], vector<16xf32>,
      %add3A_1338 = arith.constant 25 : i32
      %add3A_1339 = vector.broadcast %add3A_1338 : i32 to vector<16xi32>
      %add3A_1340 = arith.addi %add3A_1159, %add3A_1339 : vector<16xi32>
      tpu.vector_store_idx %arg13[%add3A_1149, %add3A_1340], %gather3A_1337 : memref<128x256xf32, #tpu.memory_space<vmem>>[vector<16xi32>, vector<16xi32>], vector<16xf32>,
      %add3A_1341 = arith.constant 26 : i32
      %add3A_1342 = vector.broadcast %add3A_1341 : i32 to vector<16xi32>
      %add3A_1343 = arith.addi %get3A_1153, %add3A_1342 : vector<16xi32>
      %gather3A_1344 = tpu.vector_load_idx %arg15[%add3A_1149, %add3A_1343] : memref<128x128xf32, #tpu.memory_space<vmem>>[vector<16xi32>, vector<16xi32>], vector<16xf32>,
      %add3A_1345 = arith.constant 26 : i32
      %add3A_1346 = vector.broadcast %add3A_1345 : i32 to vector<16xi32>
      %add3A_1347 = arith.addi %add3A_1159, %add3A_1346 : vector<16xi32>
      tpu.vector_store_idx %arg13[%add3A_1149, %add3A_1347], %gather3A_1344 : memref<128x256xf32, #tpu.memory_space<vmem>>[vector<16xi32>, vector<16xi32>], vector<16xf32>,
      %add3A_1348 = arith.constant 27 : i32
      %add3A_1349 = vector.broadcast %add3A_1348 : i32 to vector<16xi32>
      %add3A_1350 = arith.addi %get3A_1153, %add3A_1349 : vector<16xi32>
      %gather3A_1351 = tpu.vector_load_idx %arg15[%add3A_1149, %add3A_1350] : memref<128x128xf32, #tpu.memory_space<vmem>>[vector<16xi32>, vector<16xi32>], vector<16xf32>,
      %add3A_1352 = arith.constant 27 : i32
      %add3A_1353 = vector.broadcast %add3A_1352 : i32 to vector<16xi32>
      %add3A_1354 = arith.addi %add3A_1159, %add3A_1353 : vector<16xi32>
      tpu.vector_store_idx %arg13[%add3A_1149, %add3A_1354], %gather3A_1351 : memref<128x256xf32, #tpu.memory_space<vmem>>[vector<16xi32>, vector<16xi32>], vector<16xf32>,
      %add3A_1355 = arith.constant 28 : i32
      %add3A_1356 = vector.broadcast %add3A_1355 : i32 to vector<16xi32>
      %add3A_1357 = arith.addi %get3A_1153, %add3A_1356 : vector<16xi32>
      %gather3A_1358 = tpu.vector_load_idx %arg15[%add3A_1149, %add3A_1357] : memref<128x128xf32, #tpu.memory_space<vmem>>[vector<16xi32>, vector<16xi32>], vector<16xf32>,
      %add3A_1359 = arith.constant 28 : i32
      %add3A_1360 = vector.broadcast %add3A_1359 : i32 to vector<16xi32>
      %add3A_1361 = arith.addi %add3A_1159, %add3A_1360 : vector<16xi32>
      tpu.vector_store_idx %arg13[%add3A_1149, %add3A_1361], %gather3A_1358 : memref<128x256xf32, #tpu.memory_space<vmem>>[vector<16xi32>, vector<16xi32>], vector<16xf32>,
      %add3A_1362 = arith.constant 29 : i32
      %add3A_1363 = vector.broadcast %add3A_1362 : i32 to vector<16xi32>
      %add3A_1364 = arith.addi %get3A_1153, %add3A_1363 : vector<16xi32>
      %gather3A_1365 = tpu.vector_load_idx %arg15[%add3A_1149, %add3A_1364] : memref<128x128xf32, #tpu.memory_space<vmem>>[vector<16xi32>, vector<16xi32>], vector<16xf32>,
      %add3A_1366 = arith.constant 29 : i32
      %add3A_1367 = vector.broadcast %add3A_1366 : i32 to vector<16xi32>
      %add3A_1368 = arith.addi %add3A_1159, %add3A_1367 : vector<16xi32>
      tpu.vector_store_idx %arg13[%add3A_1149, %add3A_1368], %gather3A_1365 : memref<128x256xf32, #tpu.memory_space<vmem>>[vector<16xi32>, vector<16xi32>], vector<16xf32>,
      %add3A_1369 = arith.constant 30 : i32
      %add3A_1370 = vector.broadcast %add3A_1369 : i32 to vector<16xi32>
      %add3A_1371 = arith.addi %get3A_1153, %add3A_1370 : vector<16xi32>
      %gather3A_1372 = tpu.vector_load_idx %arg15[%add3A_1149, %add3A_1371] : memref<128x128xf32, #tpu.memory_space<vmem>>[vector<16xi32>, vector<16xi32>], vector<16xf32>,
      %add3A_1373 = arith.constant 30 : i32
      %add3A_1374 = vector.broadcast %add3A_1373 : i32 to vector<16xi32>
      %add3A_1375 = arith.addi %add3A_1159, %add3A_1374 : vector<16xi32>
      tpu.vector_store_idx %arg13[%add3A_1149, %add3A_1375], %gather3A_1372 : memref<128x256xf32, #tpu.memory_space<vmem>>[vector<16xi32>, vector<16xi32>], vector<16xf32>,
      %add3A_1376 = arith.constant 31 : i32
      %add3A_1377 = vector.broadcast %add3A_1376 : i32 to vector<16xi32>
      %add3A_1378 = arith.addi %get3A_1153, %add3A_1377 : vector<16xi32>
      %gather3A_1379 = tpu.vector_load_idx %arg15[%add3A_1149, %add3A_1378] : memref<128x128xf32, #tpu.memory_space<vmem>>[vector<16xi32>, vector<16xi32>], vector<16xf32>,
      %add3A_1380 = arith.constant 31 : i32
      %add3A_1381 = vector.broadcast %add3A_1380 : i32 to vector<16xi32>
      %add3A_1382 = arith.addi %add3A_1159, %add3A_1381 : vector<16xi32>
      tpu.vector_store_idx %arg13[%add3A_1149, %add3A_1382], %gather3A_1379 : memref<128x256xf32, #tpu.memory_space<vmem>>[vector<16xi32>, vector<16xi32>], vector<16xf32>,
      %add3A_1383 = arith.constant 32 : i32
      %add3A_1384 = vector.broadcast %add3A_1383 : i32 to vector<16xi32>
      %add3A_1385 = arith.addi %get3A_1153, %add3A_1384 : vector<16xi32>
      %gather3A_1386 = tpu.vector_load_idx %arg15[%add3A_1149, %add3A_1385] : memref<128x128xf32, #tpu.memory_space<vmem>>[vector<16xi32>, vector<16xi32>], vector<16xf32>,
      %add3A_1387 = arith.constant 32 : i32
      %add3A_1388 = vector.broadcast %add3A_1387 : i32 to vector<16xi32>
      %add3A_1389 = arith.addi %add3A_1159, %add3A_1388 : vector<16xi32>
      tpu.vector_store_idx %arg13[%add3A_1149, %add3A_1389], %gather3A_1386 : memref<128x256xf32, #tpu.memory_space<vmem>>[vector<16xi32>, vector<16xi32>], vector<16xf32>,
      %add3A_1390 = arith.constant 33 : i32
      %add3A_1391 = vector.broadcast %add3A_1390 : i32 to vector<16xi32>
      %add3A_1392 = arith.addi %get3A_1153, %add3A_1391 : vector<16xi32>
      %gather3A_1393 = tpu.vector_load_idx %arg15[%add3A_1149, %add3A_1392] : memref<128x128xf32, #tpu.memory_space<vmem>>[vector<16xi32>, vector<16xi32>], vector<16xf32>,
      %add3A_1394 = arith.constant 33 : i32
      %add3A_1395 = vector.broadcast %add3A_1394 : i32 to vector<16xi32>
      %add3A_1396 = arith.addi %add3A_1159, %add3A_1395 : vector<16xi32>
      tpu.vector_store_idx %arg13[%add3A_1149, %add3A_1396], %gather3A_1393 : memref<128x256xf32, #tpu.memory_space<vmem>>[vector<16xi32>, vector<16xi32>], vector<16xf32>,
      %add3A_1397 = arith.constant 34 : i32
      %add3A_1398 = vector.broadcast %add3A_1397 : i32 to vector<16xi32>
      %add3A_1399 = arith.addi %get3A_1153, %add3A_1398 : vector<16xi32>
      %gather3A_1400 = tpu.vector_load_idx %arg15[%add3A_1149, %add3A_1399] : memref<128x128xf32, #tpu.memory_space<vmem>>[vector<16xi32>, vector<16xi32>], vector<16xf32>,
      %add3A_1401 = arith.constant 34 : i32
      %add3A_1402 = vector.broadcast %add3A_1401 : i32 to vector<16xi32>
      %add3A_1403 = arith.addi %add3A_1159, %add3A_1402 : vector<16xi32>
      tpu.vector_store_idx %arg13[%add3A_1149, %add3A_1403], %gather3A_1400 : memref<128x256xf32, #tpu.memory_space<vmem>>[vector<16xi32>, vector<16xi32>], vector<16xf32>,
      %add3A_1404 = arith.constant 35 : i32
      %add3A_1405 = vector.broadcast %add3A_1404 : i32 to vector<16xi32>
      %add3A_1406 = arith.addi %get3A_1153, %add3A_1405 : vector<16xi32>
      %gather3A_1407 = tpu.vector_load_idx %arg15[%add3A_1149, %add3A_1406] : memref<128x128xf32, #tpu.memory_space<vmem>>[vector<16xi32>, vector<16xi32>], vector<16xf32>,
      %add3A_1408 = arith.constant 35 : i32
      %add3A_1409 = vector.broadcast %add3A_1408 : i32 to vector<16xi32>
      %add3A_1410 = arith.addi %add3A_1159, %add3A_1409 : vector<16xi32>
      tpu.vector_store_idx %arg13[%add3A_1149, %add3A_1410], %gather3A_1407 : memref<128x256xf32, #tpu.memory_space<vmem>>[vector<16xi32>, vector<16xi32>], vector<16xf32>,
      %add3A_1411 = arith.constant 36 : i32
      %add3A_1412 = vector.broadcast %add3A_1411 : i32 to vector<16xi32>
      %add3A_1413 = arith.addi %get3A_1153, %add3A_1412 : vector<16xi32>
      %gather3A_1414 = tpu.vector_load_idx %arg15[%add3A_1149, %add3A_1413] : memref<128x128xf32, #tpu.memory_space<vmem>>[vector<16xi32>, vector<16xi32>], vector<16xf32>,
      %add3A_1415 = arith.constant 36 : i32
      %add3A_1416 = vector.broadcast %add3A_1415 : i32 to vector<16xi32>
      %add3A_1417 = arith.addi %add3A_1159, %add3A_1416 : vector<16xi32>
      tpu.vector_store_idx %arg13[%add3A_1149, %add3A_1417], %gather3A_1414 : memref<128x256xf32, #tpu.memory_space<vmem>>[vector<16xi32>, vector<16xi32>], vector<16xf32>,
      %add3A_1418 = arith.constant 37 : i32
      %add3A_1419 = vector.broadcast %add3A_1418 : i32 to vector<16xi32>
      %add3A_1420 = arith.addi %get3A_1153, %add3A_1419 : vector<16xi32>
      %gather3A_1421 = tpu.vector_load_idx %arg15[%add3A_1149, %add3A_1420] : memref<128x128xf32, #tpu.memory_space<vmem>>[vector<16xi32>, vector<16xi32>], vector<16xf32>,
      %add3A_1422 = arith.constant 37 : i32
      %add3A_1423 = vector.broadcast %add3A_1422 : i32 to vector<16xi32>
      %add3A_1424 = arith.addi %add3A_1159, %add3A_1423 : vector<16xi32>
      tpu.vector_store_idx %arg13[%add3A_1149, %add3A_1424], %gather3A_1421 : memref<128x256xf32, #tpu.memory_space<vmem>>[vector<16xi32>, vector<16xi32>], vector<16xf32>,
      %add3A_1425 = arith.constant 38 : i32
      %add3A_1426 = vector.broadcast %add3A_1425 : i32 to vector<16xi32>
      %add3A_1427 = arith.addi %get3A_1153, %add3A_1426 : vector<16xi32>
      %gather3A_1428 = tpu.vector_load_idx %arg15[%add3A_1149, %add3A_1427] : memref<128x128xf32, #tpu.memory_space<vmem>>[vector<16xi32>, vector<16xi32>], vector<16xf32>,
      %add3A_1429 = arith.constant 38 : i32
      %add3A_1430 = vector.broadcast %add3A_1429 : i32 to vector<16xi32>
      %add3A_1431 = arith.addi %add3A_1159, %add3A_1430 : vector<16xi32>
      tpu.vector_store_idx %arg13[%add3A_1149, %add3A_1431], %gather3A_1428 : memref<128x256xf32, #tpu.memory_space<vmem>>[vector<16xi32>, vector<16xi32>], vector<16xf32>,
      %add3A_1432 = arith.constant 39 : i32
      %add3A_1433 = vector.broadcast %add3A_1432 : i32 to vector<16xi32>
      %add3A_1434 = arith.addi %get3A_1153, %add3A_1433 : vector<16xi32>
      %gather3A_1435 = tpu.vector_load_idx %arg15[%add3A_1149, %add3A_1434] : memref<128x128xf32, #tpu.memory_space<vmem>>[vector<16xi32>, vector<16xi32>], vector<16xf32>,
      %add3A_1436 = arith.constant 39 : i32
      %add3A_1437 = vector.broadcast %add3A_1436 : i32 to vector<16xi32>
      %add3A_1438 = arith.addi %add3A_1159, %add3A_1437 : vector<16xi32>
      tpu.vector_store_idx %arg13[%add3A_1149, %add3A_1438], %gather3A_1435 : memref<128x256xf32, #tpu.memory_space<vmem>>[vector<16xi32>, vector<16xi32>], vector<16xf32>,
      %add3A_1439 = arith.constant 40 : i32
      %add3A_1440 = vector.broadcast %add3A_1439 : i32 to vector<16xi32>
      %add3A_1441 = arith.addi %get3A_1153, %add3A_1440 : vector<16xi32>
      %gather3A_1442 = tpu.vector_load_idx %arg15[%add3A_1149, %add3A_1441] : memref<128x128xf32, #tpu.memory_space<vmem>>[vector<16xi32>, vector<16xi32>], vector<16xf32>,
      %add3A_1443 = arith.constant 40 : i32
      %add3A_1444 = vector.broadcast %add3A_1443 : i32 to vector<16xi32>
      %add3A_1445 = arith.addi %add3A_1159, %add3A_1444 : vector<16xi32>
      tpu.vector_store_idx %arg13[%add3A_1149, %add3A_1445], %gather3A_1442 : memref<128x256xf32, #tpu.memory_space<vmem>>[vector<16xi32>, vector<16xi32>], vector<16xf32>,
      %add3A_1446 = arith.constant 41 : i32
      %add3A_1447 = vector.broadcast %add3A_1446 : i32 to vector<16xi32>
      %add3A_1448 = arith.addi %get3A_1153, %add3A_1447 : vector<16xi32>
      %gather3A_1449 = tpu.vector_load_idx %arg15[%add3A_1149, %add3A_1448] : memref<128x128xf32, #tpu.memory_space<vmem>>[vector<16xi32>, vector<16xi32>], vector<16xf32>,
      %add3A_1450 = arith.constant 41 : i32
      %add3A_1451 = vector.broadcast %add3A_1450 : i32 to vector<16xi32>
      %add3A_1452 = arith.addi %add3A_1159, %add3A_1451 : vector<16xi32>
      tpu.vector_store_idx %arg13[%add3A_1149, %add3A_1452], %gather3A_1449 : memref<128x256xf32, #tpu.memory_space<vmem>>[vector<16xi32>, vector<16xi32>], vector<16xf32>,
      %add3A_1453 = arith.constant 42 : i32
      %add3A_1454 = vector.broadcast %add3A_1453 : i32 to vector<16xi32>
      %add3A_1455 = arith.addi %get3A_1153, %add3A_1454 : vector<16xi32>
      %gather3A_1456 = tpu.vector_load_idx %arg15[%add3A_1149, %add3A_1455] : memref<128x128xf32, #tpu.memory_space<vmem>>[vector<16xi32>, vector<16xi32>], vector<16xf32>,
      %add3A_1457 = arith.constant 42 : i32
      %add3A_1458 = vector.broadcast %add3A_1457 : i32 to vector<16xi32>
      %add3A_1459 = arith.addi %add3A_1159, %add3A_1458 : vector<16xi32>
      tpu.vector_store_idx %arg13[%add3A_1149, %add3A_1459], %gather3A_1456 : memref<128x256xf32, #tpu.memory_space<vmem>>[vector<16xi32>, vector<16xi32>], vector<16xf32>,
      %add3A_1460 = arith.constant 43 : i32
      %add3A_1461 = vector.broadcast %add3A_1460 : i32 to vector<16xi32>
      %add3A_1462 = arith.addi %get3A_1153, %add3A_1461 : vector<16xi32>
      %gather3A_1463 = tpu.vector_load_idx %arg15[%add3A_1149, %add3A_1462] : memref<128x128xf32, #tpu.memory_space<vmem>>[vector<16xi32>, vector<16xi32>], vector<16xf32>,
      %add3A_1464 = arith.constant 43 : i32
      %add3A_1465 = vector.broadcast %add3A_1464 : i32 to vector<16xi32>
      %add3A_1466 = arith.addi %add3A_1159, %add3A_1465 : vector<16xi32>
      tpu.vector_store_idx %arg13[%add3A_1149, %add3A_1466], %gather3A_1463 : memref<128x256xf32, #tpu.memory_space<vmem>>[vector<16xi32>, vector<16xi32>], vector<16xf32>,
      %add3A_1467 = arith.constant 44 : i32
      %add3A_1468 = vector.broadcast %add3A_1467 : i32 to vector<16xi32>
      %add3A_1469 = arith.addi %get3A_1153, %add3A_1468 : vector<16xi32>
      %gather3A_1470 = tpu.vector_load_idx %arg15[%add3A_1149, %add3A_1469] : memref<128x128xf32, #tpu.memory_space<vmem>>[vector<16xi32>, vector<16xi32>], vector<16xf32>,
      %add3A_1471 = arith.constant 44 : i32
      %add3A_1472 = vector.broadcast %add3A_1471 : i32 to vector<16xi32>
      %add3A_1473 = arith.addi %add3A_1159, %add3A_1472 : vector<16xi32>
      tpu.vector_store_idx %arg13[%add3A_1149, %add3A_1473], %gather3A_1470 : memref<128x256xf32, #tpu.memory_space<vmem>>[vector<16xi32>, vector<16xi32>], vector<16xf32>,
      %add3A_1474 = arith.constant 45 : i32
      %add3A_1475 = vector.broadcast %add3A_1474 : i32 to vector<16xi32>
      %add3A_1476 = arith.addi %get3A_1153, %add3A_1475 : vector<16xi32>
      %gather3A_1477 = tpu.vector_load_idx %arg15[%add3A_1149, %add3A_1476] : memref<128x128xf32, #tpu.memory_space<vmem>>[vector<16xi32>, vector<16xi32>], vector<16xf32>,
      %add3A_1478 = arith.constant 45 : i32
      %add3A_1479 = vector.broadcast %add3A_1478 : i32 to vector<16xi32>
      %add3A_1480 = arith.addi %add3A_1159, %add3A_1479 : vector<16xi32>
      tpu.vector_store_idx %arg13[%add3A_1149, %add3A_1480], %gather3A_1477 : memref<128x256xf32, #tpu.memory_space<vmem>>[vector<16xi32>, vector<16xi32>], vector<16xf32>,
      %add3A_1481 = arith.constant 46 : i32
      %add3A_1482 = vector.broadcast %add3A_1481 : i32 to vector<16xi32>
      %add3A_1483 = arith.addi %get3A_1153, %add3A_1482 : vector<16xi32>
      %gather3A_1484 = tpu.vector_load_idx %arg15[%add3A_1149, %add3A_1483] : memref<128x128xf32, #tpu.memory_space<vmem>>[vector<16xi32>, vector<16xi32>], vector<16xf32>,
      %add3A_1485 = arith.constant 46 : i32
      %add3A_1486 = vector.broadcast %add3A_1485 : i32 to vector<16xi32>
      %add3A_1487 = arith.addi %add3A_1159, %add3A_1486 : vector<16xi32>
      tpu.vector_store_idx %arg13[%add3A_1149, %add3A_1487], %gather3A_1484 : memref<128x256xf32, #tpu.memory_space<vmem>>[vector<16xi32>, vector<16xi32>], vector<16xf32>,
      %add3A_1488 = arith.constant 47 : i32
      %add3A_1489 = vector.broadcast %add3A_1488 : i32 to vector<16xi32>
      %add3A_1490 = arith.addi %get3A_1153, %add3A_1489 : vector<16xi32>
      %gather3A_1491 = tpu.vector_load_idx %arg15[%add3A_1149, %add3A_1490] : memref<128x128xf32, #tpu.memory_space<vmem>>[vector<16xi32>, vector<16xi32>], vector<16xf32>,
      %add3A_1492 = arith.constant 47 : i32
      %add3A_1493 = vector.broadcast %add3A_1492 : i32 to vector<16xi32>
      %add3A_1494 = arith.addi %add3A_1159, %add3A_1493 : vector<16xi32>
      tpu.vector_store_idx %arg13[%add3A_1149, %add3A_1494], %gather3A_1491 : memref<128x256xf32, #tpu.memory_space<vmem>>[vector<16xi32>, vector<16xi32>], vector<16xf32>,
      %add3A_1495 = arith.constant 48 : i32
      %add3A_1496 = vector.broadcast %add3A_1495 : i32 to vector<16xi32>
      %add3A_1497 = arith.addi %get3A_1153, %add3A_1496 : vector<16xi32>
      %gather3A_1498 = tpu.vector_load_idx %arg15[%add3A_1149, %add3A_1497] : memref<128x128xf32, #tpu.memory_space<vmem>>[vector<16xi32>, vector<16xi32>], vector<16xf32>,
      %add3A_1499 = arith.constant 48 : i32
      %add3A_1500 = vector.broadcast %add3A_1499 : i32 to vector<16xi32>
      %add3A_1501 = arith.addi %add3A_1159, %add3A_1500 : vector<16xi32>
      tpu.vector_store_idx %arg13[%add3A_1149, %add3A_1501], %gather3A_1498 : memref<128x256xf32, #tpu.memory_space<vmem>>[vector<16xi32>, vector<16xi32>], vector<16xf32>,
      %add3A_1502 = arith.constant 49 : i32
      %add3A_1503 = vector.broadcast %add3A_1502 : i32 to vector<16xi32>
      %add3A_1504 = arith.addi %get3A_1153, %add3A_1503 : vector<16xi32>
      %gather3A_1505 = tpu.vector_load_idx %arg15[%add3A_1149, %add3A_1504] : memref<128x128xf32, #tpu.memory_space<vmem>>[vector<16xi32>, vector<16xi32>], vector<16xf32>,
      %add3A_1506 = arith.constant 49 : i32
      %add3A_1507 = vector.broadcast %add3A_1506 : i32 to vector<16xi32>
      %add3A_1508 = arith.addi %add3A_1159, %add3A_1507 : vector<16xi32>
      tpu.vector_store_idx %arg13[%add3A_1149, %add3A_1508], %gather3A_1505 : memref<128x256xf32, #tpu.memory_space<vmem>>[vector<16xi32>, vector<16xi32>], vector<16xf32>,
      %add3A_1509 = arith.constant 50 : i32
      %add3A_1510 = vector.broadcast %add3A_1509 : i32 to vector<16xi32>
      %add3A_1511 = arith.addi %get3A_1153, %add3A_1510 : vector<16xi32>
      %gather3A_1512 = tpu.vector_load_idx %arg15[%add3A_1149, %add3A_1511] : memref<128x128xf32, #tpu.memory_space<vmem>>[vector<16xi32>, vector<16xi32>], vector<16xf32>,
      %add3A_1513 = arith.constant 50 : i32
      %add3A_1514 = vector.broadcast %add3A_1513 : i32 to vector<16xi32>
      %add3A_1515 = arith.addi %add3A_1159, %add3A_1514 : vector<16xi32>
      tpu.vector_store_idx %arg13[%add3A_1149, %add3A_1515], %gather3A_1512 : memref<128x256xf32, #tpu.memory_space<vmem>>[vector<16xi32>, vector<16xi32>], vector<16xf32>,
      %add3A_1516 = arith.constant 51 : i32
      %add3A_1517 = vector.broadcast %add3A_1516 : i32 to vector<16xi32>
      %add3A_1518 = arith.addi %get3A_1153, %add3A_1517 : vector<16xi32>
      %gather3A_1519 = tpu.vector_load_idx %arg15[%add3A_1149, %add3A_1518] : memref<128x128xf32, #tpu.memory_space<vmem>>[vector<16xi32>, vector<16xi32>], vector<16xf32>,
      %add3A_1520 = arith.constant 51 : i32
      %add3A_1521 = vector.broadcast %add3A_1520 : i32 to vector<16xi32>
      %add3A_1522 = arith.addi %add3A_1159, %add3A_1521 : vector<16xi32>
      tpu.vector_store_idx %arg13[%add3A_1149, %add3A_1522], %gather3A_1519 : memref<128x256xf32, #tpu.memory_space<vmem>>[vector<16xi32>, vector<16xi32>], vector<16xf32>,
      %add3A_1523 = arith.constant 52 : i32
      %add3A_1524 = vector.broadcast %add3A_1523 : i32 to vector<16xi32>
      %add3A_1525 = arith.addi %get3A_1153, %add3A_1524 : vector<16xi32>
      %gather3A_1526 = tpu.vector_load_idx %arg15[%add3A_1149, %add3A_1525] : memref<128x128xf32, #tpu.memory_space<vmem>>[vector<16xi32>, vector<16xi32>], vector<16xf32>,
      %add3A_1527 = arith.constant 52 : i32
      %add3A_1528 = vector.broadcast %add3A_1527 : i32 to vector<16xi32>
      %add3A_1529 = arith.addi %add3A_1159, %add3A_1528 : vector<16xi32>
      tpu.vector_store_idx %arg13[%add3A_1149, %add3A_1529], %gather3A_1526 : memref<128x256xf32, #tpu.memory_space<vmem>>[vector<16xi32>, vector<16xi32>], vector<16xf32>,
      %add3A_1530 = arith.constant 53 : i32
      %add3A_1531 = vector.broadcast %add3A_1530 : i32 to vector<16xi32>
      %add3A_1532 = arith.addi %get3A_1153, %add3A_1531 : vector<16xi32>
      %gather3A_1533 = tpu.vector_load_idx %arg15[%add3A_1149, %add3A_1532] : memref<128x128xf32, #tpu.memory_space<vmem>>[vector<16xi32>, vector<16xi32>], vector<16xf32>,
      %add3A_1534 = arith.constant 53 : i32
      %add3A_1535 = vector.broadcast %add3A_1534 : i32 to vector<16xi32>
      %add3A_1536 = arith.addi %add3A_1159, %add3A_1535 : vector<16xi32>
      tpu.vector_store_idx %arg13[%add3A_1149, %add3A_1536], %gather3A_1533 : memref<128x256xf32, #tpu.memory_space<vmem>>[vector<16xi32>, vector<16xi32>], vector<16xf32>,
      %add3A_1537 = arith.constant 54 : i32
      %add3A_1538 = vector.broadcast %add3A_1537 : i32 to vector<16xi32>
      %add3A_1539 = arith.addi %get3A_1153, %add3A_1538 : vector<16xi32>
      %gather3A_1540 = tpu.vector_load_idx %arg15[%add3A_1149, %add3A_1539] : memref<128x128xf32, #tpu.memory_space<vmem>>[vector<16xi32>, vector<16xi32>], vector<16xf32>,
      %add3A_1541 = arith.constant 54 : i32
      %add3A_1542 = vector.broadcast %add3A_1541 : i32 to vector<16xi32>
      %add3A_1543 = arith.addi %add3A_1159, %add3A_1542 : vector<16xi32>
      tpu.vector_store_idx %arg13[%add3A_1149, %add3A_1543], %gather3A_1540 : memref<128x256xf32, #tpu.memory_space<vmem>>[vector<16xi32>, vector<16xi32>], vector<16xf32>,
      %add3A_1544 = arith.constant 55 : i32
      %add3A_1545 = vector.broadcast %add3A_1544 : i32 to vector<16xi32>
      %add3A_1546 = arith.addi %get3A_1153, %add3A_1545 : vector<16xi32>
      %gather3A_1547 = tpu.vector_load_idx %arg15[%add3A_1149, %add3A_1546] : memref<128x128xf32, #tpu.memory_space<vmem>>[vector<16xi32>, vector<16xi32>], vector<16xf32>,
      %add3A_1548 = arith.constant 55 : i32
      %add3A_1549 = vector.broadcast %add3A_1548 : i32 to vector<16xi32>
      %add3A_1550 = arith.addi %add3A_1159, %add3A_1549 : vector<16xi32>
      tpu.vector_store_idx %arg13[%add3A_1149, %add3A_1550], %gather3A_1547 : memref<128x256xf32, #tpu.memory_space<vmem>>[vector<16xi32>, vector<16xi32>], vector<16xf32>,
      %add3A_1551 = arith.constant 56 : i32
      %add3A_1552 = vector.broadcast %add3A_1551 : i32 to vector<16xi32>
      %add3A_1553 = arith.addi %get3A_1153, %add3A_1552 : vector<16xi32>
      %gather3A_1554 = tpu.vector_load_idx %arg15[%add3A_1149, %add3A_1553] : memref<128x128xf32, #tpu.memory_space<vmem>>[vector<16xi32>, vector<16xi32>], vector<16xf32>,
      %add3A_1555 = arith.constant 56 : i32
      %add3A_1556 = vector.broadcast %add3A_1555 : i32 to vector<16xi32>
      %add3A_1557 = arith.addi %add3A_1159, %add3A_1556 : vector<16xi32>
      tpu.vector_store_idx %arg13[%add3A_1149, %add3A_1557], %gather3A_1554 : memref<128x256xf32, #tpu.memory_space<vmem>>[vector<16xi32>, vector<16xi32>], vector<16xf32>,
      %add3A_1558 = arith.constant 57 : i32
      %add3A_1559 = vector.broadcast %add3A_1558 : i32 to vector<16xi32>
      %add3A_1560 = arith.addi %get3A_1153, %add3A_1559 : vector<16xi32>
      %gather3A_1561 = tpu.vector_load_idx %arg15[%add3A_1149, %add3A_1560] : memref<128x128xf32, #tpu.memory_space<vmem>>[vector<16xi32>, vector<16xi32>], vector<16xf32>,
      %add3A_1562 = arith.constant 57 : i32
      %add3A_1563 = vector.broadcast %add3A_1562 : i32 to vector<16xi32>
      %add3A_1564 = arith.addi %add3A_1159, %add3A_1563 : vector<16xi32>
      tpu.vector_store_idx %arg13[%add3A_1149, %add3A_1564], %gather3A_1561 : memref<128x256xf32, #tpu.memory_space<vmem>>[vector<16xi32>, vector<16xi32>], vector<16xf32>,
      %add3A_1565 = arith.constant 58 : i32
      %add3A_1566 = vector.broadcast %add3A_1565 : i32 to vector<16xi32>
      %add3A_1567 = arith.addi %get3A_1153, %add3A_1566 : vector<16xi32>
      %gather3A_1568 = tpu.vector_load_idx %arg15[%add3A_1149, %add3A_1567] : memref<128x128xf32, #tpu.memory_space<vmem>>[vector<16xi32>, vector<16xi32>], vector<16xf32>,
      %add3A_1569 = arith.constant 58 : i32
      %add3A_1570 = vector.broadcast %add3A_1569 : i32 to vector<16xi32>
      %add3A_1571 = arith.addi %add3A_1159, %add3A_1570 : vector<16xi32>
      tpu.vector_store_idx %arg13[%add3A_1149, %add3A_1571], %gather3A_1568 : memref<128x256xf32, #tpu.memory_space<vmem>>[vector<16xi32>, vector<16xi32>], vector<16xf32>,
      %add3A_1572 = arith.constant 59 : i32
      %add3A_1573 = vector.broadcast %add3A_1572 : i32 to vector<16xi32>
      %add3A_1574 = arith.addi %get3A_1153, %add3A_1573 : vector<16xi32>
      %gather3A_1575 = tpu.vector_load_idx %arg15[%add3A_1149, %add3A_1574] : memref<128x128xf32, #tpu.memory_space<vmem>>[vector<16xi32>, vector<16xi32>], vector<16xf32>,
      %add3A_1576 = arith.constant 59 : i32
      %add3A_1577 = vector.broadcast %add3A_1576 : i32 to vector<16xi32>
      %add3A_1578 = arith.addi %add3A_1159, %add3A_1577 : vector<16xi32>
      tpu.vector_store_idx %arg13[%add3A_1149, %add3A_1578], %gather3A_1575 : memref<128x256xf32, #tpu.memory_space<vmem>>[vector<16xi32>, vector<16xi32>], vector<16xf32>,
      %add3A_1579 = arith.constant 60 : i32
      %add3A_1580 = vector.broadcast %add3A_1579 : i32 to vector<16xi32>
      %add3A_1581 = arith.addi %get3A_1153, %add3A_1580 : vector<16xi32>
      %gather3A_1582 = tpu.vector_load_idx %arg15[%add3A_1149, %add3A_1581] : memref<128x128xf32, #tpu.memory_space<vmem>>[vector<16xi32>, vector<16xi32>], vector<16xf32>,
      %add3A_1583 = arith.constant 60 : i32
      %add3A_1584 = vector.broadcast %add3A_1583 : i32 to vector<16xi32>
      %add3A_1585 = arith.addi %add3A_1159, %add3A_1584 : vector<16xi32>
      tpu.vector_store_idx %arg13[%add3A_1149, %add3A_1585], %gather3A_1582 : memref<128x256xf32, #tpu.memory_space<vmem>>[vector<16xi32>, vector<16xi32>], vector<16xf32>,
      %add3A_1586 = arith.constant 61 : i32
      %add3A_1587 = vector.broadcast %add3A_1586 : i32 to vector<16xi32>
      %add3A_1588 = arith.addi %get3A_1153, %add3A_1587 : vector<16xi32>
      %gather3A_1589 = tpu.vector_load_idx %arg15[%add3A_1149, %add3A_1588] : memref<128x128xf32, #tpu.memory_space<vmem>>[vector<16xi32>, vector<16xi32>], vector<16xf32>,
      %add3A_1590 = arith.constant 61 : i32
      %add3A_1591 = vector.broadcast %add3A_1590 : i32 to vector<16xi32>
      %add3A_1592 = arith.addi %add3A_1159, %add3A_1591 : vector<16xi32>
      tpu.vector_store_idx %arg13[%add3A_1149, %add3A_1592], %gather3A_1589 : memref<128x256xf32, #tpu.memory_space<vmem>>[vector<16xi32>, vector<16xi32>], vector<16xf32>,
      %add3A_1593 = arith.constant 62 : i32
      %add3A_1594 = vector.broadcast %add3A_1593 : i32 to vector<16xi32>
      %add3A_1595 = arith.addi %get3A_1153, %add3A_1594 : vector<16xi32>
      %gather3A_1596 = tpu.vector_load_idx %arg15[%add3A_1149, %add3A_1595] : memref<128x128xf32, #tpu.memory_space<vmem>>[vector<16xi32>, vector<16xi32>], vector<16xf32>,
      %add3A_1597 = arith.constant 62 : i32
      %add3A_1598 = vector.broadcast %add3A_1597 : i32 to vector<16xi32>
      %add3A_1599 = arith.addi %add3A_1159, %add3A_1598 : vector<16xi32>
      tpu.vector_store_idx %arg13[%add3A_1149, %add3A_1599], %gather3A_1596 : memref<128x256xf32, #tpu.memory_space<vmem>>[vector<16xi32>, vector<16xi32>], vector<16xf32>,
      %add3A_1600 = arith.constant 63 : i32
      %add3A_1601 = vector.broadcast %add3A_1600 : i32 to vector<16xi32>
      %add3A_1602 = arith.addi %get3A_1153, %add3A_1601 : vector<16xi32>
      %gather3A_1603 = tpu.vector_load_idx %arg15[%add3A_1149, %add3A_1602] : memref<128x128xf32, #tpu.memory_space<vmem>>[vector<16xi32>, vector<16xi32>], vector<16xf32>,
      %add3A_1604 = arith.constant 63 : i32
      %add3A_1605 = vector.broadcast %add3A_1604 : i32 to vector<16xi32>
      %add3A_1606 = arith.addi %add3A_1159, %add3A_1605 : vector<16xi32>
      tpu.vector_store_idx %arg13[%add3A_1149, %add3A_1606], %gather3A_1603 : memref<128x256xf32, #tpu.memory_space<vmem>>[vector<16xi32>, vector<16xi32>], vector<16xf32>,
    }
    %scan3A_1107 = arith.constant 8 : i32
    %add3A_1108 = arith.constant 256 : i32
    %add3A_1109 = arith.addi %mul3A_2, %add3A_1108 : i32
    %dma_start3A_1110 = arith.constant 0 : i32
    %dma_start3A_1111 = tpu.memref_slice %arg8[%add3A_1109, %dma_start3A_1110] : memref<16384x256xf32, #tpu.memory_space<hbm>> -> memref<128x256xf32, #tpu.memory_space<hbm>>
    %dma_start3A_1112 = arith.constant 0 : i32
    %dma_start3A_1113 = tpu.memref_slice %arg8[%add3A_1109, %dma_start3A_1112] : memref<16384x256xf32, #tpu.memory_space<hbm>> -> memref<128x256xf32, #tpu.memory_space<hbm>>
    tpu.enqueue_dma source(%arg13 : memref<128x256xf32, #tpu.memory_space<vmem>>) target(%dma_start3A_1113 : memref<128x256xf32, #tpu.memory_space<hbm>>) target_semaphore(%arg20 : memref<!tpu.dma_semaphore, #tpu.memory_space<semaphore_mem>>)
    %dma_wait3A_1114 = arith.constant 384 : i32
    %dma_wait3A_1115 = tpu.memref_slice %arg9[%dma_wait3A_1114] : memref<512xi32, #tpu.memory_space<vmem>> -> memref<128xi32, #tpu.memory_space<vmem>>
    %dma_wait3A_1116 = arith.constant 0 : i32
    %dma_wait3A_1117 = arith.constant 0 : i32
    %dma_wait3A_1118 = tpu.memref_slice %arg6[%dma_wait3A_1116, %dma_wait3A_1117] : memref<294x256xf32, #tpu.memory_space<hbm>> -> memref<294x256xf32, #tpu.memory_space<hbm>>
    tpu.wait_indirect_dma semaphore(%arg19 : memref<!tpu.dma_semaphore, #tpu.memory_space<semaphore_mem>>) src(%dma_wait3A_1118 : memref<294x256xf32, #tpu.memory_space<hbm>>) dst(%arg14 : memref<128x256xf32, #tpu.memory_space<vmem>>)
    %dma_wait3A_1119 = arith.constant 384 : i32
    %dma_wait3A_1120 = tpu.memref_slice %arg10[%dma_wait3A_1119] : memref<512xi32, #tpu.memory_space<vmem>> -> memref<128xi32, #tpu.memory_space<vmem>>
    %dma_wait3A_1121 = arith.constant 0 : i32
    %dma_wait3A_1122 = arith.constant 0 : i32
    %dma_wait3A_1123 = tpu.memref_slice %arg7[%dma_wait3A_1121, %dma_wait3A_1122] : memref<50000x128xf32, #tpu.memory_space<hbm>> -> memref<50000x128xf32, #tpu.memory_space<hbm>>
    tpu.wait_indirect_dma semaphore(%arg19 : memref<!tpu.dma_semaphore, #tpu.memory_space<semaphore_mem>>) src(%dma_wait3A_1123 : memref<50000x128xf32, #tpu.memory_space<hbm>>) dst(%arg16 : memref<128x128xf32, #tpu.memory_space<vmem>>)
    %scan3A_1124 = arith.constant 0 : i32
    %scan3A_1125 = arith.constant 8 : i32
    %scan3A_1126 = arith.addi %scan3A_1124, %scan3A_1125 : i32
    %scan3A_1127 = arith.constant 1 : i32
    scf.for %scan3A_1143 = %scan3A_1124 to %scan3A_1126 step %scan3A_1127  : i32 {
      %mul3A_1144 = arith.constant 16 : i32
      %mul3A_1145 = arith.muli %scan3A_1143, %mul3A_1144 : i32
      %add3A_1146 = arith.constant 0 : i32
      %add3A_1147 = arith.addi %add3A_1146, %mul3A_1145 : i32
      %add3A_1148 = vector.broadcast %add3A_1147 : i32 to vector<16xi32>
      %add3A_1149 = arith.addi %iota3A, %add3A_1148 : vector<16xi32>
      %add3A_1150 = arith.constant 384 : i32
      %add3A_1151 = arith.addi %add3A_1150, %add3A_1147 : i32
      %get3A_1152 = arith.index_cast %add3A_1151 : i32 to index
      %get3A_1153 = tpu.vector_load %arg12[%get3A_1152] {strides = array<i32>} : memref<512xi32, #tpu.memory_space<vmem>>, vector<16xi32>,
      %mul3A_1154 = arith.constant 0 : i32
      %mul3A_1155 = vector.broadcast %mul3A_1154 : i32 to vector<16xi32>
      %mul3A_1156 = arith.muli %iota3A, %mul3A_1155 : vector<16xi32>
      %add3A_1157 = arith.constant 192 : i32
      %add3A_1158 = vector.broadcast %add3A_1157 : i32 to vector<16xi32>
      %add3A_1159 = arith.addi %mul3A_1156, %add3A_1158 : vector<16xi32>
      %add3A_1160 = arith.constant 0 : i32
      %add3A_1161 = vector.broadcast %add3A_1160 : i32 to vector<16xi32>
      %add3A_1162 = arith.addi %get3A_1153, %add3A_1161 : vector<16xi32>
      %gather3A = tpu.vector_load_idx %arg16[%add3A_1149, %add3A_1162] : memref<128x128xf32, #tpu.memory_space<vmem>>[vector<16xi32>, vector<16xi32>], vector<16xf32>,
      %add3A_1163 = arith.constant 0 : i32
      %add3A_1164 = vector.broadcast %add3A_1163 : i32 to vector<16xi32>
      %add3A_1165 = arith.addi %add3A_1159, %add3A_1164 : vector<16xi32>
      tpu.vector_store_idx %arg14[%add3A_1149, %add3A_1165], %gather3A : memref<128x256xf32, #tpu.memory_space<vmem>>[vector<16xi32>, vector<16xi32>], vector<16xf32>,
      %add3A_1166 = arith.constant 1 : i32
      %add3A_1167 = vector.broadcast %add3A_1166 : i32 to vector<16xi32>
      %add3A_1168 = arith.addi %get3A_1153, %add3A_1167 : vector<16xi32>
      %gather3A_1169 = tpu.vector_load_idx %arg16[%add3A_1149, %add3A_1168] : memref<128x128xf32, #tpu.memory_space<vmem>>[vector<16xi32>, vector<16xi32>], vector<16xf32>,
      %add3A_1170 = arith.constant 1 : i32
      %add3A_1171 = vector.broadcast %add3A_1170 : i32 to vector<16xi32>
      %add3A_1172 = arith.addi %add3A_1159, %add3A_1171 : vector<16xi32>
      tpu.vector_store_idx %arg14[%add3A_1149, %add3A_1172], %gather3A_1169 : memref<128x256xf32, #tpu.memory_space<vmem>>[vector<16xi32>, vector<16xi32>], vector<16xf32>,
      %add3A_1173 = arith.constant 2 : i32
      %add3A_1174 = vector.broadcast %add3A_1173 : i32 to vector<16xi32>
      %add3A_1175 = arith.addi %get3A_1153, %add3A_1174 : vector<16xi32>
      %gather3A_1176 = tpu.vector_load_idx %arg16[%add3A_1149, %add3A_1175] : memref<128x128xf32, #tpu.memory_space<vmem>>[vector<16xi32>, vector<16xi32>], vector<16xf32>,
      %add3A_1177 = arith.constant 2 : i32
      %add3A_1178 = vector.broadcast %add3A_1177 : i32 to vector<16xi32>
      %add3A_1179 = arith.addi %add3A_1159, %add3A_1178 : vector<16xi32>
      tpu.vector_store_idx %arg14[%add3A_1149, %add3A_1179], %gather3A_1176 : memref<128x256xf32, #tpu.memory_space<vmem>>[vector<16xi32>, vector<16xi32>], vector<16xf32>,
      %add3A_1180 = arith.constant 3 : i32
      %add3A_1181 = vector.broadcast %add3A_1180 : i32 to vector<16xi32>
      %add3A_1182 = arith.addi %get3A_1153, %add3A_1181 : vector<16xi32>
      %gather3A_1183 = tpu.vector_load_idx %arg16[%add3A_1149, %add3A_1182] : memref<128x128xf32, #tpu.memory_space<vmem>>[vector<16xi32>, vector<16xi32>], vector<16xf32>,
      %add3A_1184 = arith.constant 3 : i32
      %add3A_1185 = vector.broadcast %add3A_1184 : i32 to vector<16xi32>
      %add3A_1186 = arith.addi %add3A_1159, %add3A_1185 : vector<16xi32>
      tpu.vector_store_idx %arg14[%add3A_1149, %add3A_1186], %gather3A_1183 : memref<128x256xf32, #tpu.memory_space<vmem>>[vector<16xi32>, vector<16xi32>], vector<16xf32>,
      %add3A_1187 = arith.constant 4 : i32
      %add3A_1188 = vector.broadcast %add3A_1187 : i32 to vector<16xi32>
      %add3A_1189 = arith.addi %get3A_1153, %add3A_1188 : vector<16xi32>
      %gather3A_1190 = tpu.vector_load_idx %arg16[%add3A_1149, %add3A_1189] : memref<128x128xf32, #tpu.memory_space<vmem>>[vector<16xi32>, vector<16xi32>], vector<16xf32>,
      %add3A_1191 = arith.constant 4 : i32
      %add3A_1192 = vector.broadcast %add3A_1191 : i32 to vector<16xi32>
      %add3A_1193 = arith.addi %add3A_1159, %add3A_1192 : vector<16xi32>
      tpu.vector_store_idx %arg14[%add3A_1149, %add3A_1193], %gather3A_1190 : memref<128x256xf32, #tpu.memory_space<vmem>>[vector<16xi32>, vector<16xi32>], vector<16xf32>,
      %add3A_1194 = arith.constant 5 : i32
      %add3A_1195 = vector.broadcast %add3A_1194 : i32 to vector<16xi32>
      %add3A_1196 = arith.addi %get3A_1153, %add3A_1195 : vector<16xi32>
      %gather3A_1197 = tpu.vector_load_idx %arg16[%add3A_1149, %add3A_1196] : memref<128x128xf32, #tpu.memory_space<vmem>>[vector<16xi32>, vector<16xi32>], vector<16xf32>,
      %add3A_1198 = arith.constant 5 : i32
      %add3A_1199 = vector.broadcast %add3A_1198 : i32 to vector<16xi32>
      %add3A_1200 = arith.addi %add3A_1159, %add3A_1199 : vector<16xi32>
      tpu.vector_store_idx %arg14[%add3A_1149, %add3A_1200], %gather3A_1197 : memref<128x256xf32, #tpu.memory_space<vmem>>[vector<16xi32>, vector<16xi32>], vector<16xf32>,
      %add3A_1201 = arith.constant 6 : i32
      %add3A_1202 = vector.broadcast %add3A_1201 : i32 to vector<16xi32>
      %add3A_1203 = arith.addi %get3A_1153, %add3A_1202 : vector<16xi32>
      %gather3A_1204 = tpu.vector_load_idx %arg16[%add3A_1149, %add3A_1203] : memref<128x128xf32, #tpu.memory_space<vmem>>[vector<16xi32>, vector<16xi32>], vector<16xf32>,
      %add3A_1205 = arith.constant 6 : i32
      %add3A_1206 = vector.broadcast %add3A_1205 : i32 to vector<16xi32>
      %add3A_1207 = arith.addi %add3A_1159, %add3A_1206 : vector<16xi32>
      tpu.vector_store_idx %arg14[%add3A_1149, %add3A_1207], %gather3A_1204 : memref<128x256xf32, #tpu.memory_space<vmem>>[vector<16xi32>, vector<16xi32>], vector<16xf32>,
      %add3A_1208 = arith.constant 7 : i32
      %add3A_1209 = vector.broadcast %add3A_1208 : i32 to vector<16xi32>
      %add3A_1210 = arith.addi %get3A_1153, %add3A_1209 : vector<16xi32>
      %gather3A_1211 = tpu.vector_load_idx %arg16[%add3A_1149, %add3A_1210] : memref<128x128xf32, #tpu.memory_space<vmem>>[vector<16xi32>, vector<16xi32>], vector<16xf32>,
      %add3A_1212 = arith.constant 7 : i32
      %add3A_1213 = vector.broadcast %add3A_1212 : i32 to vector<16xi32>
      %add3A_1214 = arith.addi %add3A_1159, %add3A_1213 : vector<16xi32>
      tpu.vector_store_idx %arg14[%add3A_1149, %add3A_1214], %gather3A_1211 : memref<128x256xf32, #tpu.memory_space<vmem>>[vector<16xi32>, vector<16xi32>], vector<16xf32>,
      %add3A_1215 = arith.constant 8 : i32
      %add3A_1216 = vector.broadcast %add3A_1215 : i32 to vector<16xi32>
      %add3A_1217 = arith.addi %get3A_1153, %add3A_1216 : vector<16xi32>
      %gather3A_1218 = tpu.vector_load_idx %arg16[%add3A_1149, %add3A_1217] : memref<128x128xf32, #tpu.memory_space<vmem>>[vector<16xi32>, vector<16xi32>], vector<16xf32>,
      %add3A_1219 = arith.constant 8 : i32
      %add3A_1220 = vector.broadcast %add3A_1219 : i32 to vector<16xi32>
      %add3A_1221 = arith.addi %add3A_1159, %add3A_1220 : vector<16xi32>
      tpu.vector_store_idx %arg14[%add3A_1149, %add3A_1221], %gather3A_1218 : memref<128x256xf32, #tpu.memory_space<vmem>>[vector<16xi32>, vector<16xi32>], vector<16xf32>,
      %add3A_1222 = arith.constant 9 : i32
      %add3A_1223 = vector.broadcast %add3A_1222 : i32 to vector<16xi32>
      %add3A_1224 = arith.addi %get3A_1153, %add3A_1223 : vector<16xi32>
      %gather3A_1225 = tpu.vector_load_idx %arg16[%add3A_1149, %add3A_1224] : memref<128x128xf32, #tpu.memory_space<vmem>>[vector<16xi32>, vector<16xi32>], vector<16xf32>,
      %add3A_1226 = arith.constant 9 : i32
      %add3A_1227 = vector.broadcast %add3A_1226 : i32 to vector<16xi32>
      %add3A_1228 = arith.addi %add3A_1159, %add3A_1227 : vector<16xi32>
      tpu.vector_store_idx %arg14[%add3A_1149, %add3A_1228], %gather3A_1225 : memref<128x256xf32, #tpu.memory_space<vmem>>[vector<16xi32>, vector<16xi32>], vector<16xf32>,
      %add3A_1229 = arith.constant 10 : i32
      %add3A_1230 = vector.broadcast %add3A_1229 : i32 to vector<16xi32>
      %add3A_1231 = arith.addi %get3A_1153, %add3A_1230 : vector<16xi32>
      %gather3A_1232 = tpu.vector_load_idx %arg16[%add3A_1149, %add3A_1231] : memref<128x128xf32, #tpu.memory_space<vmem>>[vector<16xi32>, vector<16xi32>], vector<16xf32>,
      %add3A_1233 = arith.constant 10 : i32
      %add3A_1234 = vector.broadcast %add3A_1233 : i32 to vector<16xi32>
      %add3A_1235 = arith.addi %add3A_1159, %add3A_1234 : vector<16xi32>
      tpu.vector_store_idx %arg14[%add3A_1149, %add3A_1235], %gather3A_1232 : memref<128x256xf32, #tpu.memory_space<vmem>>[vector<16xi32>, vector<16xi32>], vector<16xf32>,
      %add3A_1236 = arith.constant 11 : i32
      %add3A_1237 = vector.broadcast %add3A_1236 : i32 to vector<16xi32>
      %add3A_1238 = arith.addi %get3A_1153, %add3A_1237 : vector<16xi32>
      %gather3A_1239 = tpu.vector_load_idx %arg16[%add3A_1149, %add3A_1238] : memref<128x128xf32, #tpu.memory_space<vmem>>[vector<16xi32>, vector<16xi32>], vector<16xf32>,
      %add3A_1240 = arith.constant 11 : i32
      %add3A_1241 = vector.broadcast %add3A_1240 : i32 to vector<16xi32>
      %add3A_1242 = arith.addi %add3A_1159, %add3A_1241 : vector<16xi32>
      tpu.vector_store_idx %arg14[%add3A_1149, %add3A_1242], %gather3A_1239 : memref<128x256xf32, #tpu.memory_space<vmem>>[vector<16xi32>, vector<16xi32>], vector<16xf32>,
      %add3A_1243 = arith.constant 12 : i32
      %add3A_1244 = vector.broadcast %add3A_1243 : i32 to vector<16xi32>
      %add3A_1245 = arith.addi %get3A_1153, %add3A_1244 : vector<16xi32>
      %gather3A_1246 = tpu.vector_load_idx %arg16[%add3A_1149, %add3A_1245] : memref<128x128xf32, #tpu.memory_space<vmem>>[vector<16xi32>, vector<16xi32>], vector<16xf32>,
      %add3A_1247 = arith.constant 12 : i32
      %add3A_1248 = vector.broadcast %add3A_1247 : i32 to vector<16xi32>
      %add3A_1249 = arith.addi %add3A_1159, %add3A_1248 : vector<16xi32>
      tpu.vector_store_idx %arg14[%add3A_1149, %add3A_1249], %gather3A_1246 : memref<128x256xf32, #tpu.memory_space<vmem>>[vector<16xi32>, vector<16xi32>], vector<16xf32>,
      %add3A_1250 = arith.constant 13 : i32
      %add3A_1251 = vector.broadcast %add3A_1250 : i32 to vector<16xi32>
      %add3A_1252 = arith.addi %get3A_1153, %add3A_1251 : vector<16xi32>
      %gather3A_1253 = tpu.vector_load_idx %arg16[%add3A_1149, %add3A_1252] : memref<128x128xf32, #tpu.memory_space<vmem>>[vector<16xi32>, vector<16xi32>], vector<16xf32>,
      %add3A_1254 = arith.constant 13 : i32
      %add3A_1255 = vector.broadcast %add3A_1254 : i32 to vector<16xi32>
      %add3A_1256 = arith.addi %add3A_1159, %add3A_1255 : vector<16xi32>
      tpu.vector_store_idx %arg14[%add3A_1149, %add3A_1256], %gather3A_1253 : memref<128x256xf32, #tpu.memory_space<vmem>>[vector<16xi32>, vector<16xi32>], vector<16xf32>,
      %add3A_1257 = arith.constant 14 : i32
      %add3A_1258 = vector.broadcast %add3A_1257 : i32 to vector<16xi32>
      %add3A_1259 = arith.addi %get3A_1153, %add3A_1258 : vector<16xi32>
      %gather3A_1260 = tpu.vector_load_idx %arg16[%add3A_1149, %add3A_1259] : memref<128x128xf32, #tpu.memory_space<vmem>>[vector<16xi32>, vector<16xi32>], vector<16xf32>,
      %add3A_1261 = arith.constant 14 : i32
      %add3A_1262 = vector.broadcast %add3A_1261 : i32 to vector<16xi32>
      %add3A_1263 = arith.addi %add3A_1159, %add3A_1262 : vector<16xi32>
      tpu.vector_store_idx %arg14[%add3A_1149, %add3A_1263], %gather3A_1260 : memref<128x256xf32, #tpu.memory_space<vmem>>[vector<16xi32>, vector<16xi32>], vector<16xf32>,
      %add3A_1264 = arith.constant 15 : i32
      %add3A_1265 = vector.broadcast %add3A_1264 : i32 to vector<16xi32>
      %add3A_1266 = arith.addi %get3A_1153, %add3A_1265 : vector<16xi32>
      %gather3A_1267 = tpu.vector_load_idx %arg16[%add3A_1149, %add3A_1266] : memref<128x128xf32, #tpu.memory_space<vmem>>[vector<16xi32>, vector<16xi32>], vector<16xf32>,
      %add3A_1268 = arith.constant 15 : i32
      %add3A_1269 = vector.broadcast %add3A_1268 : i32 to vector<16xi32>
      %add3A_1270 = arith.addi %add3A_1159, %add3A_1269 : vector<16xi32>
      tpu.vector_store_idx %arg14[%add3A_1149, %add3A_1270], %gather3A_1267 : memref<128x256xf32, #tpu.memory_space<vmem>>[vector<16xi32>, vector<16xi32>], vector<16xf32>,
      %add3A_1271 = arith.constant 16 : i32
      %add3A_1272 = vector.broadcast %add3A_1271 : i32 to vector<16xi32>
      %add3A_1273 = arith.addi %get3A_1153, %add3A_1272 : vector<16xi32>
      %gather3A_1274 = tpu.vector_load_idx %arg16[%add3A_1149, %add3A_1273] : memref<128x128xf32, #tpu.memory_space<vmem>>[vector<16xi32>, vector<16xi32>], vector<16xf32>,
      %add3A_1275 = arith.constant 16 : i32
      %add3A_1276 = vector.broadcast %add3A_1275 : i32 to vector<16xi32>
      %add3A_1277 = arith.addi %add3A_1159, %add3A_1276 : vector<16xi32>
      tpu.vector_store_idx %arg14[%add3A_1149, %add3A_1277], %gather3A_1274 : memref<128x256xf32, #tpu.memory_space<vmem>>[vector<16xi32>, vector<16xi32>], vector<16xf32>,
      %add3A_1278 = arith.constant 17 : i32
      %add3A_1279 = vector.broadcast %add3A_1278 : i32 to vector<16xi32>
      %add3A_1280 = arith.addi %get3A_1153, %add3A_1279 : vector<16xi32>
      %gather3A_1281 = tpu.vector_load_idx %arg16[%add3A_1149, %add3A_1280] : memref<128x128xf32, #tpu.memory_space<vmem>>[vector<16xi32>, vector<16xi32>], vector<16xf32>,
      %add3A_1282 = arith.constant 17 : i32
      %add3A_1283 = vector.broadcast %add3A_1282 : i32 to vector<16xi32>
      %add3A_1284 = arith.addi %add3A_1159, %add3A_1283 : vector<16xi32>
      tpu.vector_store_idx %arg14[%add3A_1149, %add3A_1284], %gather3A_1281 : memref<128x256xf32, #tpu.memory_space<vmem>>[vector<16xi32>, vector<16xi32>], vector<16xf32>,
      %add3A_1285 = arith.constant 18 : i32
      %add3A_1286 = vector.broadcast %add3A_1285 : i32 to vector<16xi32>
      %add3A_1287 = arith.addi %get3A_1153, %add3A_1286 : vector<16xi32>
      %gather3A_1288 = tpu.vector_load_idx %arg16[%add3A_1149, %add3A_1287] : memref<128x128xf32, #tpu.memory_space<vmem>>[vector<16xi32>, vector<16xi32>], vector<16xf32>,
      %add3A_1289 = arith.constant 18 : i32
      %add3A_1290 = vector.broadcast %add3A_1289 : i32 to vector<16xi32>
      %add3A_1291 = arith.addi %add3A_1159, %add3A_1290 : vector<16xi32>
      tpu.vector_store_idx %arg14[%add3A_1149, %add3A_1291], %gather3A_1288 : memref<128x256xf32, #tpu.memory_space<vmem>>[vector<16xi32>, vector<16xi32>], vector<16xf32>,
      %add3A_1292 = arith.constant 19 : i32
      %add3A_1293 = vector.broadcast %add3A_1292 : i32 to vector<16xi32>
      %add3A_1294 = arith.addi %get3A_1153, %add3A_1293 : vector<16xi32>
      %gather3A_1295 = tpu.vector_load_idx %arg16[%add3A_1149, %add3A_1294] : memref<128x128xf32, #tpu.memory_space<vmem>>[vector<16xi32>, vector<16xi32>], vector<16xf32>,
      %add3A_1296 = arith.constant 19 : i32
      %add3A_1297 = vector.broadcast %add3A_1296 : i32 to vector<16xi32>
      %add3A_1298 = arith.addi %add3A_1159, %add3A_1297 : vector<16xi32>
      tpu.vector_store_idx %arg14[%add3A_1149, %add3A_1298], %gather3A_1295 : memref<128x256xf32, #tpu.memory_space<vmem>>[vector<16xi32>, vector<16xi32>], vector<16xf32>,
      %add3A_1299 = arith.constant 20 : i32
      %add3A_1300 = vector.broadcast %add3A_1299 : i32 to vector<16xi32>
      %add3A_1301 = arith.addi %get3A_1153, %add3A_1300 : vector<16xi32>
      %gather3A_1302 = tpu.vector_load_idx %arg16[%add3A_1149, %add3A_1301] : memref<128x128xf32, #tpu.memory_space<vmem>>[vector<16xi32>, vector<16xi32>], vector<16xf32>,
      %add3A_1303 = arith.constant 20 : i32
      %add3A_1304 = vector.broadcast %add3A_1303 : i32 to vector<16xi32>
      %add3A_1305 = arith.addi %add3A_1159, %add3A_1304 : vector<16xi32>
      tpu.vector_store_idx %arg14[%add3A_1149, %add3A_1305], %gather3A_1302 : memref<128x256xf32, #tpu.memory_space<vmem>>[vector<16xi32>, vector<16xi32>], vector<16xf32>,
      %add3A_1306 = arith.constant 21 : i32
      %add3A_1307 = vector.broadcast %add3A_1306 : i32 to vector<16xi32>
      %add3A_1308 = arith.addi %get3A_1153, %add3A_1307 : vector<16xi32>
      %gather3A_1309 = tpu.vector_load_idx %arg16[%add3A_1149, %add3A_1308] : memref<128x128xf32, #tpu.memory_space<vmem>>[vector<16xi32>, vector<16xi32>], vector<16xf32>,
      %add3A_1310 = arith.constant 21 : i32
      %add3A_1311 = vector.broadcast %add3A_1310 : i32 to vector<16xi32>
      %add3A_1312 = arith.addi %add3A_1159, %add3A_1311 : vector<16xi32>
      tpu.vector_store_idx %arg14[%add3A_1149, %add3A_1312], %gather3A_1309 : memref<128x256xf32, #tpu.memory_space<vmem>>[vector<16xi32>, vector<16xi32>], vector<16xf32>,
      %add3A_1313 = arith.constant 22 : i32
      %add3A_1314 = vector.broadcast %add3A_1313 : i32 to vector<16xi32>
      %add3A_1315 = arith.addi %get3A_1153, %add3A_1314 : vector<16xi32>
      %gather3A_1316 = tpu.vector_load_idx %arg16[%add3A_1149, %add3A_1315] : memref<128x128xf32, #tpu.memory_space<vmem>>[vector<16xi32>, vector<16xi32>], vector<16xf32>,
      %add3A_1317 = arith.constant 22 : i32
      %add3A_1318 = vector.broadcast %add3A_1317 : i32 to vector<16xi32>
      %add3A_1319 = arith.addi %add3A_1159, %add3A_1318 : vector<16xi32>
      tpu.vector_store_idx %arg14[%add3A_1149, %add3A_1319], %gather3A_1316 : memref<128x256xf32, #tpu.memory_space<vmem>>[vector<16xi32>, vector<16xi32>], vector<16xf32>,
      %add3A_1320 = arith.constant 23 : i32
      %add3A_1321 = vector.broadcast %add3A_1320 : i32 to vector<16xi32>
      %add3A_1322 = arith.addi %get3A_1153, %add3A_1321 : vector<16xi32>
      %gather3A_1323 = tpu.vector_load_idx %arg16[%add3A_1149, %add3A_1322] : memref<128x128xf32, #tpu.memory_space<vmem>>[vector<16xi32>, vector<16xi32>], vector<16xf32>,
      %add3A_1324 = arith.constant 23 : i32
      %add3A_1325 = vector.broadcast %add3A_1324 : i32 to vector<16xi32>
      %add3A_1326 = arith.addi %add3A_1159, %add3A_1325 : vector<16xi32>
      tpu.vector_store_idx %arg14[%add3A_1149, %add3A_1326], %gather3A_1323 : memref<128x256xf32, #tpu.memory_space<vmem>>[vector<16xi32>, vector<16xi32>], vector<16xf32>,
      %add3A_1327 = arith.constant 24 : i32
      %add3A_1328 = vector.broadcast %add3A_1327 : i32 to vector<16xi32>
      %add3A_1329 = arith.addi %get3A_1153, %add3A_1328 : vector<16xi32>
      %gather3A_1330 = tpu.vector_load_idx %arg16[%add3A_1149, %add3A_1329] : memref<128x128xf32, #tpu.memory_space<vmem>>[vector<16xi32>, vector<16xi32>], vector<16xf32>,
      %add3A_1331 = arith.constant 24 : i32
      %add3A_1332 = vector.broadcast %add3A_1331 : i32 to vector<16xi32>
      %add3A_1333 = arith.addi %add3A_1159, %add3A_1332 : vector<16xi32>
      tpu.vector_store_idx %arg14[%add3A_1149, %add3A_1333], %gather3A_1330 : memref<128x256xf32, #tpu.memory_space<vmem>>[vector<16xi32>, vector<16xi32>], vector<16xf32>,
      %add3A_1334 = arith.constant 25 : i32
      %add3A_1335 = vector.broadcast %add3A_1334 : i32 to vector<16xi32>
      %add3A_1336 = arith.addi %get3A_1153, %add3A_1335 : vector<16xi32>
      %gather3A_1337 = tpu.vector_load_idx %arg16[%add3A_1149, %add3A_1336] : memref<128x128xf32, #tpu.memory_space<vmem>>[vector<16xi32>, vector<16xi32>], vector<16xf32>,
      %add3A_1338 = arith.constant 25 : i32
      %add3A_1339 = vector.broadcast %add3A_1338 : i32 to vector<16xi32>
      %add3A_1340 = arith.addi %add3A_1159, %add3A_1339 : vector<16xi32>
      tpu.vector_store_idx %arg14[%add3A_1149, %add3A_1340], %gather3A_1337 : memref<128x256xf32, #tpu.memory_space<vmem>>[vector<16xi32>, vector<16xi32>], vector<16xf32>,
      %add3A_1341 = arith.constant 26 : i32
      %add3A_1342 = vector.broadcast %add3A_1341 : i32 to vector<16xi32>
      %add3A_1343 = arith.addi %get3A_1153, %add3A_1342 : vector<16xi32>
      %gather3A_1344 = tpu.vector_load_idx %arg16[%add3A_1149, %add3A_1343] : memref<128x128xf32, #tpu.memory_space<vmem>>[vector<16xi32>, vector<16xi32>], vector<16xf32>,
      %add3A_1345 = arith.constant 26 : i32
      %add3A_1346 = vector.broadcast %add3A_1345 : i32 to vector<16xi32>
      %add3A_1347 = arith.addi %add3A_1159, %add3A_1346 : vector<16xi32>
      tpu.vector_store_idx %arg14[%add3A_1149, %add3A_1347], %gather3A_1344 : memref<128x256xf32, #tpu.memory_space<vmem>>[vector<16xi32>, vector<16xi32>], vector<16xf32>,
      %add3A_1348 = arith.constant 27 : i32
      %add3A_1349 = vector.broadcast %add3A_1348 : i32 to vector<16xi32>
      %add3A_1350 = arith.addi %get3A_1153, %add3A_1349 : vector<16xi32>
      %gather3A_1351 = tpu.vector_load_idx %arg16[%add3A_1149, %add3A_1350] : memref<128x128xf32, #tpu.memory_space<vmem>>[vector<16xi32>, vector<16xi32>], vector<16xf32>,
      %add3A_1352 = arith.constant 27 : i32
      %add3A_1353 = vector.broadcast %add3A_1352 : i32 to vector<16xi32>
      %add3A_1354 = arith.addi %add3A_1159, %add3A_1353 : vector<16xi32>
      tpu.vector_store_idx %arg14[%add3A_1149, %add3A_1354], %gather3A_1351 : memref<128x256xf32, #tpu.memory_space<vmem>>[vector<16xi32>, vector<16xi32>], vector<16xf32>,
      %add3A_1355 = arith.constant 28 : i32
      %add3A_1356 = vector.broadcast %add3A_1355 : i32 to vector<16xi32>
      %add3A_1357 = arith.addi %get3A_1153, %add3A_1356 : vector<16xi32>
      %gather3A_1358 = tpu.vector_load_idx %arg16[%add3A_1149, %add3A_1357] : memref<128x128xf32, #tpu.memory_space<vmem>>[vector<16xi32>, vector<16xi32>], vector<16xf32>,
      %add3A_1359 = arith.constant 28 : i32
      %add3A_1360 = vector.broadcast %add3A_1359 : i32 to vector<16xi32>
      %add3A_1361 = arith.addi %add3A_1159, %add3A_1360 : vector<16xi32>
      tpu.vector_store_idx %arg14[%add3A_1149, %add3A_1361], %gather3A_1358 : memref<128x256xf32, #tpu.memory_space<vmem>>[vector<16xi32>, vector<16xi32>], vector<16xf32>,
      %add3A_1362 = arith.constant 29 : i32
      %add3A_1363 = vector.broadcast %add3A_1362 : i32 to vector<16xi32>
      %add3A_1364 = arith.addi %get3A_1153, %add3A_1363 : vector<16xi32>
      %gather3A_1365 = tpu.vector_load_idx %arg16[%add3A_1149, %add3A_1364] : memref<128x128xf32, #tpu.memory_space<vmem>>[vector<16xi32>, vector<16xi32>], vector<16xf32>,
      %add3A_1366 = arith.constant 29 : i32
      %add3A_1367 = vector.broadcast %add3A_1366 : i32 to vector<16xi32>
      %add3A_1368 = arith.addi %add3A_1159, %add3A_1367 : vector<16xi32>
      tpu.vector_store_idx %arg14[%add3A_1149, %add3A_1368], %gather3A_1365 : memref<128x256xf32, #tpu.memory_space<vmem>>[vector<16xi32>, vector<16xi32>], vector<16xf32>,
      %add3A_1369 = arith.constant 30 : i32
      %add3A_1370 = vector.broadcast %add3A_1369 : i32 to vector<16xi32>
      %add3A_1371 = arith.addi %get3A_1153, %add3A_1370 : vector<16xi32>
      %gather3A_1372 = tpu.vector_load_idx %arg16[%add3A_1149, %add3A_1371] : memref<128x128xf32, #tpu.memory_space<vmem>>[vector<16xi32>, vector<16xi32>], vector<16xf32>,
      %add3A_1373 = arith.constant 30 : i32
      %add3A_1374 = vector.broadcast %add3A_1373 : i32 to vector<16xi32>
      %add3A_1375 = arith.addi %add3A_1159, %add3A_1374 : vector<16xi32>
      tpu.vector_store_idx %arg14[%add3A_1149, %add3A_1375], %gather3A_1372 : memref<128x256xf32, #tpu.memory_space<vmem>>[vector<16xi32>, vector<16xi32>], vector<16xf32>,
      %add3A_1376 = arith.constant 31 : i32
      %add3A_1377 = vector.broadcast %add3A_1376 : i32 to vector<16xi32>
      %add3A_1378 = arith.addi %get3A_1153, %add3A_1377 : vector<16xi32>
      %gather3A_1379 = tpu.vector_load_idx %arg16[%add3A_1149, %add3A_1378] : memref<128x128xf32, #tpu.memory_space<vmem>>[vector<16xi32>, vector<16xi32>], vector<16xf32>,
      %add3A_1380 = arith.constant 31 : i32
      %add3A_1381 = vector.broadcast %add3A_1380 : i32 to vector<16xi32>
      %add3A_1382 = arith.addi %add3A_1159, %add3A_1381 : vector<16xi32>
      tpu.vector_store_idx %arg14[%add3A_1149, %add3A_1382], %gather3A_1379 : memref<128x256xf32, #tpu.memory_space<vmem>>[vector<16xi32>, vector<16xi32>], vector<16xf32>,
      %add3A_1383 = arith.constant 32 : i32
      %add3A_1384 = vector.broadcast %add3A_1383 : i32 to vector<16xi32>
      %add3A_1385 = arith.addi %get3A_1153, %add3A_1384 : vector<16xi32>
      %gather3A_1386 = tpu.vector_load_idx %arg16[%add3A_1149, %add3A_1385] : memref<128x128xf32, #tpu.memory_space<vmem>>[vector<16xi32>, vector<16xi32>], vector<16xf32>,
      %add3A_1387 = arith.constant 32 : i32
      %add3A_1388 = vector.broadcast %add3A_1387 : i32 to vector<16xi32>
      %add3A_1389 = arith.addi %add3A_1159, %add3A_1388 : vector<16xi32>
      tpu.vector_store_idx %arg14[%add3A_1149, %add3A_1389], %gather3A_1386 : memref<128x256xf32, #tpu.memory_space<vmem>>[vector<16xi32>, vector<16xi32>], vector<16xf32>,
      %add3A_1390 = arith.constant 33 : i32
      %add3A_1391 = vector.broadcast %add3A_1390 : i32 to vector<16xi32>
      %add3A_1392 = arith.addi %get3A_1153, %add3A_1391 : vector<16xi32>
      %gather3A_1393 = tpu.vector_load_idx %arg16[%add3A_1149, %add3A_1392] : memref<128x128xf32, #tpu.memory_space<vmem>>[vector<16xi32>, vector<16xi32>], vector<16xf32>,
      %add3A_1394 = arith.constant 33 : i32
      %add3A_1395 = vector.broadcast %add3A_1394 : i32 to vector<16xi32>
      %add3A_1396 = arith.addi %add3A_1159, %add3A_1395 : vector<16xi32>
      tpu.vector_store_idx %arg14[%add3A_1149, %add3A_1396], %gather3A_1393 : memref<128x256xf32, #tpu.memory_space<vmem>>[vector<16xi32>, vector<16xi32>], vector<16xf32>,
      %add3A_1397 = arith.constant 34 : i32
      %add3A_1398 = vector.broadcast %add3A_1397 : i32 to vector<16xi32>
      %add3A_1399 = arith.addi %get3A_1153, %add3A_1398 : vector<16xi32>
      %gather3A_1400 = tpu.vector_load_idx %arg16[%add3A_1149, %add3A_1399] : memref<128x128xf32, #tpu.memory_space<vmem>>[vector<16xi32>, vector<16xi32>], vector<16xf32>,
      %add3A_1401 = arith.constant 34 : i32
      %add3A_1402 = vector.broadcast %add3A_1401 : i32 to vector<16xi32>
      %add3A_1403 = arith.addi %add3A_1159, %add3A_1402 : vector<16xi32>
      tpu.vector_store_idx %arg14[%add3A_1149, %add3A_1403], %gather3A_1400 : memref<128x256xf32, #tpu.memory_space<vmem>>[vector<16xi32>, vector<16xi32>], vector<16xf32>,
      %add3A_1404 = arith.constant 35 : i32
      %add3A_1405 = vector.broadcast %add3A_1404 : i32 to vector<16xi32>
      %add3A_1406 = arith.addi %get3A_1153, %add3A_1405 : vector<16xi32>
      %gather3A_1407 = tpu.vector_load_idx %arg16[%add3A_1149, %add3A_1406] : memref<128x128xf32, #tpu.memory_space<vmem>>[vector<16xi32>, vector<16xi32>], vector<16xf32>,
      %add3A_1408 = arith.constant 35 : i32
      %add3A_1409 = vector.broadcast %add3A_1408 : i32 to vector<16xi32>
      %add3A_1410 = arith.addi %add3A_1159, %add3A_1409 : vector<16xi32>
      tpu.vector_store_idx %arg14[%add3A_1149, %add3A_1410], %gather3A_1407 : memref<128x256xf32, #tpu.memory_space<vmem>>[vector<16xi32>, vector<16xi32>], vector<16xf32>,
      %add3A_1411 = arith.constant 36 : i32
      %add3A_1412 = vector.broadcast %add3A_1411 : i32 to vector<16xi32>
      %add3A_1413 = arith.addi %get3A_1153, %add3A_1412 : vector<16xi32>
      %gather3A_1414 = tpu.vector_load_idx %arg16[%add3A_1149, %add3A_1413] : memref<128x128xf32, #tpu.memory_space<vmem>>[vector<16xi32>, vector<16xi32>], vector<16xf32>,
      %add3A_1415 = arith.constant 36 : i32
      %add3A_1416 = vector.broadcast %add3A_1415 : i32 to vector<16xi32>
      %add3A_1417 = arith.addi %add3A_1159, %add3A_1416 : vector<16xi32>
      tpu.vector_store_idx %arg14[%add3A_1149, %add3A_1417], %gather3A_1414 : memref<128x256xf32, #tpu.memory_space<vmem>>[vector<16xi32>, vector<16xi32>], vector<16xf32>,
      %add3A_1418 = arith.constant 37 : i32
      %add3A_1419 = vector.broadcast %add3A_1418 : i32 to vector<16xi32>
      %add3A_1420 = arith.addi %get3A_1153, %add3A_1419 : vector<16xi32>
      %gather3A_1421 = tpu.vector_load_idx %arg16[%add3A_1149, %add3A_1420] : memref<128x128xf32, #tpu.memory_space<vmem>>[vector<16xi32>, vector<16xi32>], vector<16xf32>,
      %add3A_1422 = arith.constant 37 : i32
      %add3A_1423 = vector.broadcast %add3A_1422 : i32 to vector<16xi32>
      %add3A_1424 = arith.addi %add3A_1159, %add3A_1423 : vector<16xi32>
      tpu.vector_store_idx %arg14[%add3A_1149, %add3A_1424], %gather3A_1421 : memref<128x256xf32, #tpu.memory_space<vmem>>[vector<16xi32>, vector<16xi32>], vector<16xf32>,
      %add3A_1425 = arith.constant 38 : i32
      %add3A_1426 = vector.broadcast %add3A_1425 : i32 to vector<16xi32>
      %add3A_1427 = arith.addi %get3A_1153, %add3A_1426 : vector<16xi32>
      %gather3A_1428 = tpu.vector_load_idx %arg16[%add3A_1149, %add3A_1427] : memref<128x128xf32, #tpu.memory_space<vmem>>[vector<16xi32>, vector<16xi32>], vector<16xf32>,
      %add3A_1429 = arith.constant 38 : i32
      %add3A_1430 = vector.broadcast %add3A_1429 : i32 to vector<16xi32>
      %add3A_1431 = arith.addi %add3A_1159, %add3A_1430 : vector<16xi32>
      tpu.vector_store_idx %arg14[%add3A_1149, %add3A_1431], %gather3A_1428 : memref<128x256xf32, #tpu.memory_space<vmem>>[vector<16xi32>, vector<16xi32>], vector<16xf32>,
      %add3A_1432 = arith.constant 39 : i32
      %add3A_1433 = vector.broadcast %add3A_1432 : i32 to vector<16xi32>
      %add3A_1434 = arith.addi %get3A_1153, %add3A_1433 : vector<16xi32>
      %gather3A_1435 = tpu.vector_load_idx %arg16[%add3A_1149, %add3A_1434] : memref<128x128xf32, #tpu.memory_space<vmem>>[vector<16xi32>, vector<16xi32>], vector<16xf32>,
      %add3A_1436 = arith.constant 39 : i32
      %add3A_1437 = vector.broadcast %add3A_1436 : i32 to vector<16xi32>
      %add3A_1438 = arith.addi %add3A_1159, %add3A_1437 : vector<16xi32>
      tpu.vector_store_idx %arg14[%add3A_1149, %add3A_1438], %gather3A_1435 : memref<128x256xf32, #tpu.memory_space<vmem>>[vector<16xi32>, vector<16xi32>], vector<16xf32>,
      %add3A_1439 = arith.constant 40 : i32
      %add3A_1440 = vector.broadcast %add3A_1439 : i32 to vector<16xi32>
      %add3A_1441 = arith.addi %get3A_1153, %add3A_1440 : vector<16xi32>
      %gather3A_1442 = tpu.vector_load_idx %arg16[%add3A_1149, %add3A_1441] : memref<128x128xf32, #tpu.memory_space<vmem>>[vector<16xi32>, vector<16xi32>], vector<16xf32>,
      %add3A_1443 = arith.constant 40 : i32
      %add3A_1444 = vector.broadcast %add3A_1443 : i32 to vector<16xi32>
      %add3A_1445 = arith.addi %add3A_1159, %add3A_1444 : vector<16xi32>
      tpu.vector_store_idx %arg14[%add3A_1149, %add3A_1445], %gather3A_1442 : memref<128x256xf32, #tpu.memory_space<vmem>>[vector<16xi32>, vector<16xi32>], vector<16xf32>,
      %add3A_1446 = arith.constant 41 : i32
      %add3A_1447 = vector.broadcast %add3A_1446 : i32 to vector<16xi32>
      %add3A_1448 = arith.addi %get3A_1153, %add3A_1447 : vector<16xi32>
      %gather3A_1449 = tpu.vector_load_idx %arg16[%add3A_1149, %add3A_1448] : memref<128x128xf32, #tpu.memory_space<vmem>>[vector<16xi32>, vector<16xi32>], vector<16xf32>,
      %add3A_1450 = arith.constant 41 : i32
      %add3A_1451 = vector.broadcast %add3A_1450 : i32 to vector<16xi32>
      %add3A_1452 = arith.addi %add3A_1159, %add3A_1451 : vector<16xi32>
      tpu.vector_store_idx %arg14[%add3A_1149, %add3A_1452], %gather3A_1449 : memref<128x256xf32, #tpu.memory_space<vmem>>[vector<16xi32>, vector<16xi32>], vector<16xf32>,
      %add3A_1453 = arith.constant 42 : i32
      %add3A_1454 = vector.broadcast %add3A_1453 : i32 to vector<16xi32>
      %add3A_1455 = arith.addi %get3A_1153, %add3A_1454 : vector<16xi32>
      %gather3A_1456 = tpu.vector_load_idx %arg16[%add3A_1149, %add3A_1455] : memref<128x128xf32, #tpu.memory_space<vmem>>[vector<16xi32>, vector<16xi32>], vector<16xf32>,
      %add3A_1457 = arith.constant 42 : i32
      %add3A_1458 = vector.broadcast %add3A_1457 : i32 to vector<16xi32>
      %add3A_1459 = arith.addi %add3A_1159, %add3A_1458 : vector<16xi32>
      tpu.vector_store_idx %arg14[%add3A_1149, %add3A_1459], %gather3A_1456 : memref<128x256xf32, #tpu.memory_space<vmem>>[vector<16xi32>, vector<16xi32>], vector<16xf32>,
      %add3A_1460 = arith.constant 43 : i32
      %add3A_1461 = vector.broadcast %add3A_1460 : i32 to vector<16xi32>
      %add3A_1462 = arith.addi %get3A_1153, %add3A_1461 : vector<16xi32>
      %gather3A_1463 = tpu.vector_load_idx %arg16[%add3A_1149, %add3A_1462] : memref<128x128xf32, #tpu.memory_space<vmem>>[vector<16xi32>, vector<16xi32>], vector<16xf32>,
      %add3A_1464 = arith.constant 43 : i32
      %add3A_1465 = vector.broadcast %add3A_1464 : i32 to vector<16xi32>
      %add3A_1466 = arith.addi %add3A_1159, %add3A_1465 : vector<16xi32>
      tpu.vector_store_idx %arg14[%add3A_1149, %add3A_1466], %gather3A_1463 : memref<128x256xf32, #tpu.memory_space<vmem>>[vector<16xi32>, vector<16xi32>], vector<16xf32>,
      %add3A_1467 = arith.constant 44 : i32
      %add3A_1468 = vector.broadcast %add3A_1467 : i32 to vector<16xi32>
      %add3A_1469 = arith.addi %get3A_1153, %add3A_1468 : vector<16xi32>
      %gather3A_1470 = tpu.vector_load_idx %arg16[%add3A_1149, %add3A_1469] : memref<128x128xf32, #tpu.memory_space<vmem>>[vector<16xi32>, vector<16xi32>], vector<16xf32>,
      %add3A_1471 = arith.constant 44 : i32
      %add3A_1472 = vector.broadcast %add3A_1471 : i32 to vector<16xi32>
      %add3A_1473 = arith.addi %add3A_1159, %add3A_1472 : vector<16xi32>
      tpu.vector_store_idx %arg14[%add3A_1149, %add3A_1473], %gather3A_1470 : memref<128x256xf32, #tpu.memory_space<vmem>>[vector<16xi32>, vector<16xi32>], vector<16xf32>,
      %add3A_1474 = arith.constant 45 : i32
      %add3A_1475 = vector.broadcast %add3A_1474 : i32 to vector<16xi32>
      %add3A_1476 = arith.addi %get3A_1153, %add3A_1475 : vector<16xi32>
      %gather3A_1477 = tpu.vector_load_idx %arg16[%add3A_1149, %add3A_1476] : memref<128x128xf32, #tpu.memory_space<vmem>>[vector<16xi32>, vector<16xi32>], vector<16xf32>,
      %add3A_1478 = arith.constant 45 : i32
      %add3A_1479 = vector.broadcast %add3A_1478 : i32 to vector<16xi32>
      %add3A_1480 = arith.addi %add3A_1159, %add3A_1479 : vector<16xi32>
      tpu.vector_store_idx %arg14[%add3A_1149, %add3A_1480], %gather3A_1477 : memref<128x256xf32, #tpu.memory_space<vmem>>[vector<16xi32>, vector<16xi32>], vector<16xf32>,
      %add3A_1481 = arith.constant 46 : i32
      %add3A_1482 = vector.broadcast %add3A_1481 : i32 to vector<16xi32>
      %add3A_1483 = arith.addi %get3A_1153, %add3A_1482 : vector<16xi32>
      %gather3A_1484 = tpu.vector_load_idx %arg16[%add3A_1149, %add3A_1483] : memref<128x128xf32, #tpu.memory_space<vmem>>[vector<16xi32>, vector<16xi32>], vector<16xf32>,
      %add3A_1485 = arith.constant 46 : i32
      %add3A_1486 = vector.broadcast %add3A_1485 : i32 to vector<16xi32>
      %add3A_1487 = arith.addi %add3A_1159, %add3A_1486 : vector<16xi32>
      tpu.vector_store_idx %arg14[%add3A_1149, %add3A_1487], %gather3A_1484 : memref<128x256xf32, #tpu.memory_space<vmem>>[vector<16xi32>, vector<16xi32>], vector<16xf32>,
      %add3A_1488 = arith.constant 47 : i32
      %add3A_1489 = vector.broadcast %add3A_1488 : i32 to vector<16xi32>
      %add3A_1490 = arith.addi %get3A_1153, %add3A_1489 : vector<16xi32>
      %gather3A_1491 = tpu.vector_load_idx %arg16[%add3A_1149, %add3A_1490] : memref<128x128xf32, #tpu.memory_space<vmem>>[vector<16xi32>, vector<16xi32>], vector<16xf32>,
      %add3A_1492 = arith.constant 47 : i32
      %add3A_1493 = vector.broadcast %add3A_1492 : i32 to vector<16xi32>
      %add3A_1494 = arith.addi %add3A_1159, %add3A_1493 : vector<16xi32>
      tpu.vector_store_idx %arg14[%add3A_1149, %add3A_1494], %gather3A_1491 : memref<128x256xf32, #tpu.memory_space<vmem>>[vector<16xi32>, vector<16xi32>], vector<16xf32>,
      %add3A_1495 = arith.constant 48 : i32
      %add3A_1496 = vector.broadcast %add3A_1495 : i32 to vector<16xi32>
      %add3A_1497 = arith.addi %get3A_1153, %add3A_1496 : vector<16xi32>
      %gather3A_1498 = tpu.vector_load_idx %arg16[%add3A_1149, %add3A_1497] : memref<128x128xf32, #tpu.memory_space<vmem>>[vector<16xi32>, vector<16xi32>], vector<16xf32>,
      %add3A_1499 = arith.constant 48 : i32
      %add3A_1500 = vector.broadcast %add3A_1499 : i32 to vector<16xi32>
      %add3A_1501 = arith.addi %add3A_1159, %add3A_1500 : vector<16xi32>
      tpu.vector_store_idx %arg14[%add3A_1149, %add3A_1501], %gather3A_1498 : memref<128x256xf32, #tpu.memory_space<vmem>>[vector<16xi32>, vector<16xi32>], vector<16xf32>,
      %add3A_1502 = arith.constant 49 : i32
      %add3A_1503 = vector.broadcast %add3A_1502 : i32 to vector<16xi32>
      %add3A_1504 = arith.addi %get3A_1153, %add3A_1503 : vector<16xi32>
      %gather3A_1505 = tpu.vector_load_idx %arg16[%add3A_1149, %add3A_1504] : memref<128x128xf32, #tpu.memory_space<vmem>>[vector<16xi32>, vector<16xi32>], vector<16xf32>,
      %add3A_1506 = arith.constant 49 : i32
      %add3A_1507 = vector.broadcast %add3A_1506 : i32 to vector<16xi32>
      %add3A_1508 = arith.addi %add3A_1159, %add3A_1507 : vector<16xi32>
      tpu.vector_store_idx %arg14[%add3A_1149, %add3A_1508], %gather3A_1505 : memref<128x256xf32, #tpu.memory_space<vmem>>[vector<16xi32>, vector<16xi32>], vector<16xf32>,
      %add3A_1509 = arith.constant 50 : i32
      %add3A_1510 = vector.broadcast %add3A_1509 : i32 to vector<16xi32>
      %add3A_1511 = arith.addi %get3A_1153, %add3A_1510 : vector<16xi32>
      %gather3A_1512 = tpu.vector_load_idx %arg16[%add3A_1149, %add3A_1511] : memref<128x128xf32, #tpu.memory_space<vmem>>[vector<16xi32>, vector<16xi32>], vector<16xf32>,
      %add3A_1513 = arith.constant 50 : i32
      %add3A_1514 = vector.broadcast %add3A_1513 : i32 to vector<16xi32>
      %add3A_1515 = arith.addi %add3A_1159, %add3A_1514 : vector<16xi32>
      tpu.vector_store_idx %arg14[%add3A_1149, %add3A_1515], %gather3A_1512 : memref<128x256xf32, #tpu.memory_space<vmem>>[vector<16xi32>, vector<16xi32>], vector<16xf32>,
      %add3A_1516 = arith.constant 51 : i32
      %add3A_1517 = vector.broadcast %add3A_1516 : i32 to vector<16xi32>
      %add3A_1518 = arith.addi %get3A_1153, %add3A_1517 : vector<16xi32>
      %gather3A_1519 = tpu.vector_load_idx %arg16[%add3A_1149, %add3A_1518] : memref<128x128xf32, #tpu.memory_space<vmem>>[vector<16xi32>, vector<16xi32>], vector<16xf32>,
      %add3A_1520 = arith.constant 51 : i32
      %add3A_1521 = vector.broadcast %add3A_1520 : i32 to vector<16xi32>
      %add3A_1522 = arith.addi %add3A_1159, %add3A_1521 : vector<16xi32>
      tpu.vector_store_idx %arg14[%add3A_1149, %add3A_1522], %gather3A_1519 : memref<128x256xf32, #tpu.memory_space<vmem>>[vector<16xi32>, vector<16xi32>], vector<16xf32>,
      %add3A_1523 = arith.constant 52 : i32
      %add3A_1524 = vector.broadcast %add3A_1523 : i32 to vector<16xi32>
      %add3A_1525 = arith.addi %get3A_1153, %add3A_1524 : vector<16xi32>
      %gather3A_1526 = tpu.vector_load_idx %arg16[%add3A_1149, %add3A_1525] : memref<128x128xf32, #tpu.memory_space<vmem>>[vector<16xi32>, vector<16xi32>], vector<16xf32>,
      %add3A_1527 = arith.constant 52 : i32
      %add3A_1528 = vector.broadcast %add3A_1527 : i32 to vector<16xi32>
      %add3A_1529 = arith.addi %add3A_1159, %add3A_1528 : vector<16xi32>
      tpu.vector_store_idx %arg14[%add3A_1149, %add3A_1529], %gather3A_1526 : memref<128x256xf32, #tpu.memory_space<vmem>>[vector<16xi32>, vector<16xi32>], vector<16xf32>,
      %add3A_1530 = arith.constant 53 : i32
      %add3A_1531 = vector.broadcast %add3A_1530 : i32 to vector<16xi32>
      %add3A_1532 = arith.addi %get3A_1153, %add3A_1531 : vector<16xi32>
      %gather3A_1533 = tpu.vector_load_idx %arg16[%add3A_1149, %add3A_1532] : memref<128x128xf32, #tpu.memory_space<vmem>>[vector<16xi32>, vector<16xi32>], vector<16xf32>,
      %add3A_1534 = arith.constant 53 : i32
      %add3A_1535 = vector.broadcast %add3A_1534 : i32 to vector<16xi32>
      %add3A_1536 = arith.addi %add3A_1159, %add3A_1535 : vector<16xi32>
      tpu.vector_store_idx %arg14[%add3A_1149, %add3A_1536], %gather3A_1533 : memref<128x256xf32, #tpu.memory_space<vmem>>[vector<16xi32>, vector<16xi32>], vector<16xf32>,
      %add3A_1537 = arith.constant 54 : i32
      %add3A_1538 = vector.broadcast %add3A_1537 : i32 to vector<16xi32>
      %add3A_1539 = arith.addi %get3A_1153, %add3A_1538 : vector<16xi32>
      %gather3A_1540 = tpu.vector_load_idx %arg16[%add3A_1149, %add3A_1539] : memref<128x128xf32, #tpu.memory_space<vmem>>[vector<16xi32>, vector<16xi32>], vector<16xf32>,
      %add3A_1541 = arith.constant 54 : i32
      %add3A_1542 = vector.broadcast %add3A_1541 : i32 to vector<16xi32>
      %add3A_1543 = arith.addi %add3A_1159, %add3A_1542 : vector<16xi32>
      tpu.vector_store_idx %arg14[%add3A_1149, %add3A_1543], %gather3A_1540 : memref<128x256xf32, #tpu.memory_space<vmem>>[vector<16xi32>, vector<16xi32>], vector<16xf32>,
      %add3A_1544 = arith.constant 55 : i32
      %add3A_1545 = vector.broadcast %add3A_1544 : i32 to vector<16xi32>
      %add3A_1546 = arith.addi %get3A_1153, %add3A_1545 : vector<16xi32>
      %gather3A_1547 = tpu.vector_load_idx %arg16[%add3A_1149, %add3A_1546] : memref<128x128xf32, #tpu.memory_space<vmem>>[vector<16xi32>, vector<16xi32>], vector<16xf32>,
      %add3A_1548 = arith.constant 55 : i32
      %add3A_1549 = vector.broadcast %add3A_1548 : i32 to vector<16xi32>
      %add3A_1550 = arith.addi %add3A_1159, %add3A_1549 : vector<16xi32>
      tpu.vector_store_idx %arg14[%add3A_1149, %add3A_1550], %gather3A_1547 : memref<128x256xf32, #tpu.memory_space<vmem>>[vector<16xi32>, vector<16xi32>], vector<16xf32>,
      %add3A_1551 = arith.constant 56 : i32
      %add3A_1552 = vector.broadcast %add3A_1551 : i32 to vector<16xi32>
      %add3A_1553 = arith.addi %get3A_1153, %add3A_1552 : vector<16xi32>
      %gather3A_1554 = tpu.vector_load_idx %arg16[%add3A_1149, %add3A_1553] : memref<128x128xf32, #tpu.memory_space<vmem>>[vector<16xi32>, vector<16xi32>], vector<16xf32>,
      %add3A_1555 = arith.constant 56 : i32
      %add3A_1556 = vector.broadcast %add3A_1555 : i32 to vector<16xi32>
      %add3A_1557 = arith.addi %add3A_1159, %add3A_1556 : vector<16xi32>
      tpu.vector_store_idx %arg14[%add3A_1149, %add3A_1557], %gather3A_1554 : memref<128x256xf32, #tpu.memory_space<vmem>>[vector<16xi32>, vector<16xi32>], vector<16xf32>,
      %add3A_1558 = arith.constant 57 : i32
      %add3A_1559 = vector.broadcast %add3A_1558 : i32 to vector<16xi32>
      %add3A_1560 = arith.addi %get3A_1153, %add3A_1559 : vector<16xi32>
      %gather3A_1561 = tpu.vector_load_idx %arg16[%add3A_1149, %add3A_1560] : memref<128x128xf32, #tpu.memory_space<vmem>>[vector<16xi32>, vector<16xi32>], vector<16xf32>,
      %add3A_1562 = arith.constant 57 : i32
      %add3A_1563 = vector.broadcast %add3A_1562 : i32 to vector<16xi32>
      %add3A_1564 = arith.addi %add3A_1159, %add3A_1563 : vector<16xi32>
      tpu.vector_store_idx %arg14[%add3A_1149, %add3A_1564], %gather3A_1561 : memref<128x256xf32, #tpu.memory_space<vmem>>[vector<16xi32>, vector<16xi32>], vector<16xf32>,
      %add3A_1565 = arith.constant 58 : i32
      %add3A_1566 = vector.broadcast %add3A_1565 : i32 to vector<16xi32>
      %add3A_1567 = arith.addi %get3A_1153, %add3A_1566 : vector<16xi32>
      %gather3A_1568 = tpu.vector_load_idx %arg16[%add3A_1149, %add3A_1567] : memref<128x128xf32, #tpu.memory_space<vmem>>[vector<16xi32>, vector<16xi32>], vector<16xf32>,
      %add3A_1569 = arith.constant 58 : i32
      %add3A_1570 = vector.broadcast %add3A_1569 : i32 to vector<16xi32>
      %add3A_1571 = arith.addi %add3A_1159, %add3A_1570 : vector<16xi32>
      tpu.vector_store_idx %arg14[%add3A_1149, %add3A_1571], %gather3A_1568 : memref<128x256xf32, #tpu.memory_space<vmem>>[vector<16xi32>, vector<16xi32>], vector<16xf32>,
      %add3A_1572 = arith.constant 59 : i32
      %add3A_1573 = vector.broadcast %add3A_1572 : i32 to vector<16xi32>
      %add3A_1574 = arith.addi %get3A_1153, %add3A_1573 : vector<16xi32>
      %gather3A_1575 = tpu.vector_load_idx %arg16[%add3A_1149, %add3A_1574] : memref<128x128xf32, #tpu.memory_space<vmem>>[vector<16xi32>, vector<16xi32>], vector<16xf32>,
      %add3A_1576 = arith.constant 59 : i32
      %add3A_1577 = vector.broadcast %add3A_1576 : i32 to vector<16xi32>
      %add3A_1578 = arith.addi %add3A_1159, %add3A_1577 : vector<16xi32>
      tpu.vector_store_idx %arg14[%add3A_1149, %add3A_1578], %gather3A_1575 : memref<128x256xf32, #tpu.memory_space<vmem>>[vector<16xi32>, vector<16xi32>], vector<16xf32>,
      %add3A_1579 = arith.constant 60 : i32
      %add3A_1580 = vector.broadcast %add3A_1579 : i32 to vector<16xi32>
      %add3A_1581 = arith.addi %get3A_1153, %add3A_1580 : vector<16xi32>
      %gather3A_1582 = tpu.vector_load_idx %arg16[%add3A_1149, %add3A_1581] : memref<128x128xf32, #tpu.memory_space<vmem>>[vector<16xi32>, vector<16xi32>], vector<16xf32>,
      %add3A_1583 = arith.constant 60 : i32
      %add3A_1584 = vector.broadcast %add3A_1583 : i32 to vector<16xi32>
      %add3A_1585 = arith.addi %add3A_1159, %add3A_1584 : vector<16xi32>
      tpu.vector_store_idx %arg14[%add3A_1149, %add3A_1585], %gather3A_1582 : memref<128x256xf32, #tpu.memory_space<vmem>>[vector<16xi32>, vector<16xi32>], vector<16xf32>,
      %add3A_1586 = arith.constant 61 : i32
      %add3A_1587 = vector.broadcast %add3A_1586 : i32 to vector<16xi32>
      %add3A_1588 = arith.addi %get3A_1153, %add3A_1587 : vector<16xi32>
      %gather3A_1589 = tpu.vector_load_idx %arg16[%add3A_1149, %add3A_1588] : memref<128x128xf32, #tpu.memory_space<vmem>>[vector<16xi32>, vector<16xi32>], vector<16xf32>,
      %add3A_1590 = arith.constant 61 : i32
      %add3A_1591 = vector.broadcast %add3A_1590 : i32 to vector<16xi32>
      %add3A_1592 = arith.addi %add3A_1159, %add3A_1591 : vector<16xi32>
      tpu.vector_store_idx %arg14[%add3A_1149, %add3A_1592], %gather3A_1589 : memref<128x256xf32, #tpu.memory_space<vmem>>[vector<16xi32>, vector<16xi32>], vector<16xf32>,
      %add3A_1593 = arith.constant 62 : i32
      %add3A_1594 = vector.broadcast %add3A_1593 : i32 to vector<16xi32>
      %add3A_1595 = arith.addi %get3A_1153, %add3A_1594 : vector<16xi32>
      %gather3A_1596 = tpu.vector_load_idx %arg16[%add3A_1149, %add3A_1595] : memref<128x128xf32, #tpu.memory_space<vmem>>[vector<16xi32>, vector<16xi32>], vector<16xf32>,
      %add3A_1597 = arith.constant 62 : i32
      %add3A_1598 = vector.broadcast %add3A_1597 : i32 to vector<16xi32>
      %add3A_1599 = arith.addi %add3A_1159, %add3A_1598 : vector<16xi32>
      tpu.vector_store_idx %arg14[%add3A_1149, %add3A_1599], %gather3A_1596 : memref<128x256xf32, #tpu.memory_space<vmem>>[vector<16xi32>, vector<16xi32>], vector<16xf32>,
      %add3A_1600 = arith.constant 63 : i32
      %add3A_1601 = vector.broadcast %add3A_1600 : i32 to vector<16xi32>
      %add3A_1602 = arith.addi %get3A_1153, %add3A_1601 : vector<16xi32>
      %gather3A_1603 = tpu.vector_load_idx %arg16[%add3A_1149, %add3A_1602] : memref<128x128xf32, #tpu.memory_space<vmem>>[vector<16xi32>, vector<16xi32>], vector<16xf32>,
      %add3A_1604 = arith.constant 63 : i32
      %add3A_1605 = vector.broadcast %add3A_1604 : i32 to vector<16xi32>
      %add3A_1606 = arith.addi %add3A_1159, %add3A_1605 : vector<16xi32>
      tpu.vector_store_idx %arg14[%add3A_1149, %add3A_1606], %gather3A_1603 : memref<128x256xf32, #tpu.memory_space<vmem>>[vector<16xi32>, vector<16xi32>], vector<16xf32>,
    }
    %scan3A_1128 = arith.constant 8 : i32
    %add3A_1129 = arith.constant 384 : i32
    %add3A_1130 = arith.addi %mul3A_2, %add3A_1129 : i32
    %dma_start3A_1131 = arith.constant 0 : i32
    %dma_start3A_1132 = tpu.memref_slice %arg8[%add3A_1130, %dma_start3A_1131] : memref<16384x256xf32, #tpu.memory_space<hbm>> -> memref<128x256xf32, #tpu.memory_space<hbm>>
    %dma_start3A_1133 = arith.constant 0 : i32
    %dma_start3A_1134 = tpu.memref_slice %arg8[%add3A_1130, %dma_start3A_1133] : memref<16384x256xf32, #tpu.memory_space<hbm>> -> memref<128x256xf32, #tpu.memory_space<hbm>>
    tpu.enqueue_dma source(%arg14 : memref<128x256xf32, #tpu.memory_space<vmem>>) target(%dma_start3A_1134 : memref<128x256xf32, #tpu.memory_space<hbm>>) target_semaphore(%arg21 : memref<!tpu.dma_semaphore, #tpu.memory_space<semaphore_mem>>)
    %dma_wait3A_1135 = arith.constant 0 : i32
    %dma_wait3A_1136 = tpu.memref_slice %arg8[%add3A_1109, %dma_wait3A_1135] : memref<16384x256xf32, #tpu.memory_space<hbm>> -> memref<128x256xf32, #tpu.memory_space<hbm>>
    %dma_wait3A_1137 = arith.constant 0 : i32
    %dma_wait3A_1138 = tpu.memref_slice %arg8[%add3A_1109, %dma_wait3A_1137] : memref<16384x256xf32, #tpu.memory_space<hbm>> -> memref<128x256xf32, #tpu.memory_space<hbm>>
    tpu.wait_dma2 semaphore(%arg20 : memref<!tpu.dma_semaphore, #tpu.memory_space<semaphore_mem>>) src(%arg13 : memref<128x256xf32, #tpu.memory_space<vmem>>) dst(%dma_wait3A_1138 : memref<128x256xf32, #tpu.memory_space<hbm>>)
    %dma_wait3A_1139 = arith.constant 0 : i32
    %dma_wait3A_1140 = tpu.memref_slice %arg8[%add3A_1130, %dma_wait3A_1139] : memref<16384x256xf32, #tpu.memory_space<hbm>> -> memref<128x256xf32, #tpu.memory_space<hbm>>
    %dma_wait3A_1141 = arith.constant 0 : i32
    %dma_wait3A_1142 = tpu.memref_slice %arg8[%add3A_1130, %dma_wait3A_1141] : memref<16384x256xf32, #tpu.memory_space<hbm>> -> memref<128x256xf32, #tpu.memory_space<hbm>>
    tpu.wait_dma2 semaphore(%arg21 : memref<!tpu.dma_semaphore, #tpu.memory_space<semaphore_mem>>) src(%arg14 : memref<128x256xf32, #tpu.memory_space<vmem>>) dst(%dma_wait3A_1142 : memref<128x256xf32, #tpu.memory_space<hbm>>)
    return
  }
}

</mosaic_0001>

<sc_bundles>
// kernel: kernel.3.cloned.1.call-start
scs
__scs_entry_jumppad:
0x0: {  	(pc) =	sbr.rel $0x88, $3  }
0x1: {  	(tag) =	ssettag $0x0;
	lr =	simm.s32 $0x1  }
0x2: {  	[smem:$0x3F99] =	sst lr;
	_ =	strace $0xD0000000  }
0x3: {  	_ = 	snop  }
0x4: {  	_ = 	snop  }
0x5: {  	_ = 	snop  }
0x6: {  	_ = 	snop  }
0x7: {  	_ = 	snop  }
__scs_overlays_trampoline_lowered:
0x8: {  	[smem:$0x3FA8] =	sst s0  }
0x9: {  	[smem:$0x3FA9] =	sst s1  }
0xa: {  	[smem:$0x3FAA] =	sst s2  }
0xb: {  	[smem:$0x3FAB] =	sst s3  }
0xc: {  	[smem:$0x3FAC] =	sst s4  }
0xd: {  	[smem:$0x3FAD] =	sst s5  }
0xe: {  	[smem:$0x3FAE] =	sst s6  }
0xf: {  	[smem:$0x3FAF] =	sst s7  }
0x10: {  	[smem:$0x3FB0] =	sst s8  }
0x11: {  	[smem:$0x3FB1] =	sst s9;
	s0 =	simm.s32 @!p0 $0x0  }
0x12: {  	s1 =	sld [smem:$0x3F97];
	s0 =	simm.s32 @p0 $0x1  }
0x13: {  	[smem:$0x3FB2] =	sst s0;
	s0 =	simm.s32 @!p1 $0x0  }
0x14: {  	s2 =	sld [smem:$0x3F96];
	s0 =	simm.s32 @p1 $0x1  }
0x15: {  	[smem:$0x3FB3] =	sst s0;
	s0 =	simm.s32 @!p2 $0x0  }
0x16: {  	s3 =	sld [smem:$0x3FDB];
	s0 =	simm.s32 @p2 $0x1  }
0x17: {  	s4 =	simm.s32 $0x1BF5;
	[smem:$0x3FB5] =	sst s0  }
0x18: {  	s0 =	sld [smem:$0x3F98];
	_ =	swait.ge [sflag:s4], $0x0  }
0x19: {  	s7 =	sld [smem:$0x3F99]  }
0x1a: {  	s8 =	sadd.s32 $0xFFFFE003, lr  }
0x1b: {  	s9 =	sadd.s32 $0xFFFFFEF7, lr;
	s5 =	simm.s32 $0xFFFFFFFF;
	p2 =	slt.u32 s8, $0xFFFFF086  }
0x1c: {  	p1 =	slt.u32 s9, $0xF7A;
	s5 =	simm.s32 @!p2 $0x0  }
0x1d: {  	s5 =	simm.s32 @p1 $0x1;
	p0 =	seq.s32 s7, s2  }
0x1e: {  	s7 =	smul.u32 @!p0 $0xF7A, s2;
	p2 =	seq.s32 @!p0 s5, $0x0  }
0x1f: {  	s9 =	smul.u32 $0xF7A, s1;
	s8 =	simm.s32 @!p0 $0x1BF5;
	p2 =	por !p2, p0  }
0x20: {  	[sflag:s8] =	ssyncset.s32 @!p0 $0xFFFFF086;
	s6 =	sadd.s32 @!p0 s3, s7;
	s7 =	simm.s32 @!p0 $0x108  }
0x21: {  	s3 =	sadd.s32 s3, s9;
	s6 =	sadd.s32 @!p0 $0x88, s6;
	s7 =	simm.s32 @p2 $0x1082  }
0x22: {  	[simem:s7], [sflag:s8] =	dma.local @!p0 [hbm:s6], $0xF7A  }
0x23: {  	s9 =	sor.u32 $0xD0000000, s2;
	s6 =	simm.s32 $0x108;
	_ =	swait.ge @!p0 [sflag:s8], $0x0  }
0x24: {  	s3 =	sadd.s32 $0x88, s3;
	s6 =	simm.s32 @!p1 $0x1082;
	[sflag:s4] =	ssyncset.s32 $0xFFFFF086  }
0x25: {  	[simem:s6], [sflag:s4] =	dma.local [hbm:s3], $0xF7A  }
0x26: {  	[smem:$0x3F99] =	sst s1;
	(tag) =	ssettag s2;
	_ =	strace s9  }
0x27: {  	s1 =	sld [smem:$0x3FA9]  }
0x28: {  	s2 =	sld [smem:$0x3FAA]  }
0x29: {  	s4 =	sld [smem:$0x3FAC]  }
0x2a: {  	p0 =	seq.s32 s5, $0x0;
	s5 =	sld [smem:$0x3FAD]  }
0x2b: {  	s6 =	sld [smem:$0x3FAE]  }
0x2c: {  	s7 =	sld [smem:$0x3FAF]  }
0x2d: {  	s3 =	simm.s32 $0x108;
	s8 =	sld [smem:$0x3FB0]  }
0x2e: {  	s3 =	simm.s32 @!p0 $0x1082;
	s9 =	sld [smem:$0x3FB1]  }
0x2f: {  	lr =	sadd.s32 s0, s3;
	s0 =	sld [smem:$0x3FA8]  }
0x30: {  	s3 =	sld [smem:$0x3FAB]  }
0x31: {  	[smem:$0x3FB4] =	sst s10  }
0x32: {  	s10 =	sld [smem:$0x3FB2];
	_ =	sdelay $0x3  }
0x33: {  	p0 =	seq.s32 s10, $0x1;
	s10 =	sld [smem:$0x3FB4];
	_ =	sdelay $0x3  }
0x34: {  	[smem:$0x3FB4] =	sst s10  }
0x35: {  	s10 =	sld [smem:$0x3FB3];
	_ =	sdelay $0x3  }
0x36: {  	p1 =	seq.s32 s10, $0x1;
	s10 =	sld [smem:$0x3FB4];
	_ =	sdelay $0x3  }
0x37: {  	[smem:$0x3FB4] =	sst s10  }
0x38: {  	s10 =	sld [smem:$0x3FB5]  }
0x39: {  	_ = 	snop;
	(pc) =	sbr.ind lr, $3  }
0x3a: {  	_ = 	snop  }
0x3b: {  	_ = 	snop  }
0x3c: {  	p2 =	seq.s32 s10, $0x1;
	s10 =	sld [smem:$0x3FB4]  }
0x3d: {  	_ =	shalt  }
0x3e: {  	_ =	shalt  }
0x3f: {  	_ =	shalt  }
0x40: {  	_ =	shalt  }
0x41: {  	_ =	shalt  }
0x42: {  	_ =	shalt  }
0x43: {  	_ =	shalt  }
0x44: {  	_ =	shalt  }
0x45: {  	_ =	shalt  }
0x46: {  	_ =	shalt  }
0x47: {  	_ =	shalt  }
0x48: {  	_ =	shalt  }
0x49: {  	_ =	shalt  }
0x4a: {  	_ =	shalt  }
0x4b: {  	_ =	shalt  }
0x4c: {  	_ =	shalt  }
0x4d: {  	_ =	shalt  }
0x4e: {  	_ =	shalt  }
0x4f: {  	_ =	shalt  }
0x50: {  	_ =	shalt  }
0x51: {  	_ =	shalt  }
0x52: {  	_ =	shalt  }
0x53: {  	_ =	shalt  }
0x54: {  	_ =	shalt  }
0x55: {  	_ =	shalt  }
0x56: {  	_ =	shalt  }
0x57: {  	_ =	shalt  }
0x58: {  	_ =	shalt  }
0x59: {  	_ =	shalt  }
0x5a: {  	_ =	shalt  }
0x5b: {  	_ =	shalt  }
0x5c: {  	_ =	shalt  }
0x5d: {  	_ =	shalt  }
0x5e: {  	_ =	shalt  }
0x5f: {  	_ =	shalt  }
0x60: {  	_ =	shalt  }
0x61: {  	_ =	shalt  }
0x62: {  	_ =	shalt  }
0x63: {  	_ =	shalt  }
0x64: {  	_ =	shalt  }
0x65: {  	_ =	shalt  }
0x66: {  	_ =	shalt  }
0x67: {  	_ =	shalt  }
0x68: {  	_ =	shalt  }
0x69: {  	_ =	shalt  }
0x6a: {  	_ =	shalt  }
0x6b: {  	_ =	shalt  }
0x6c: {  	_ =	shalt  }
0x6d: {  	_ =	shalt  }
0x6e: {  	_ =	shalt  }
0x6f: {  	_ =	shalt  }
0x70: {  	_ =	shalt  }
0x71: {  	_ =	shalt  }
0x72: {  	_ =	shalt  }
0x73: {  	_ =	shalt  }
0x74: {  	_ =	shalt  }
0x75: {  	_ =	shalt  }
0x76: {  	_ =	shalt  }
0x77: {  	_ =	shalt  }
0x78: {  	_ =	shalt  }
0x79: {  	_ =	shalt  }
0x7a: {  	_ =	shalt  }
0x7b: {  	_ =	shalt  }
0x7c: {  	_ =	shalt  }
0x7d: {  	_ =	shalt  }
0x7e: {  	_ =	shalt  }
0x7f: {  	_ =	shalt  }
0x80: {  	_ =	shalt  }
0x81: {  	_ =	shalt  }
0x82: {  	_ =	shalt  }
0x83: {  	_ =	shalt  }
0x84: {  	_ =	shalt  }
0x85: {  	_ =	shalt  }
0x86: {  	_ =	shalt  }
0x87: {  	_ =	shalt  }
.Lfunc_end0:
.L_simem_size_0:
called_computation_lowered:
.L_overlay_start_0:
0x88: {  	s2 =	sld [smem:$0x3FD9]  }
0x89: {  	s3 =	sld [smem:$0x3FFE];
	_ =	sdelay $0x1  }
0x8a: {  	s1 =	srdreg.scid  }
0x8b: {  	s0 =	sand.u32 $0x1, s1  }
0x8c: {  	s17 =	sshll.u32 s0, $0xA;
	s2 =	sadd.s32 s3, s2  }
0x8d: {  	s2 =	sadd.s32 s2, s17  }
0x8e: {  	[smem:$0x3FC0] =	sst s2  }
0x8f: {  	_ = 	snop  }
0x90: {  	s2 =	sld [smem:$0x3FC9]  }
0x91: {  	s18 =	sld [smem:$0x3FC8]  }
0x92: {  	s4 =	sld [smem:$0x3FC7]  }
0x93: {  	s5 =	sld [smem:$0x3FC6]  }
0x94: {  	s6 =	sld [smem:$0x3FD0];
	(tm) =	ssettm $0x1  }
0x95: {  	s7 =	sld [smem:$0x3FFB];
	_ =	sdelay $0x3  }
0x96: {  	_ =	strace s7  }
0x97: {  	s7 =	sld [smem:$0x3FFC];
	_ =	sdelay $0x3  }
0x98: {  	_ =	strace s7  }
0x99: {  	s7 =	sld [smem:$0x3FFD];
	_ =	sdelay $0x3  }
0x9a: {  	_ =	strace s7  }
0x9b: {  	_ =	strace $0x8FFFFFFF  }
0x9c: {  	s19 =	sld [smem:$0x3FDB];
	_ =	sdelay $0x1  }
0x9d: {  	s8 =	simm.s32 $_scs_section_size  }
0x9e: {  	s9 =	simm.s32 $_size__tile_overlayer_lowered;
	s10 =	simm.s32 $_tile_overlayer_lowered  }
0x9f: {  	s22 =	simm.s32 $0x1BFF;
	s21 =	sshll.u32 s10, $0x1;
	s7 =	sadd.s32 s8, s19  }
0xa0: {  	s11 =	simm.s32 $0x0;
	s20 =	sshll.u32 s9, $0x1;
	s9 =	sadd.s32 s21, s7  }
0xa1: {  	[timem:s11], [sflag:s22] =	dma.local [hbm:s9], s20  }
0xa2: {  	_ =	swait.ge [sflag:s22], s20  }
0xa3: {  	s8 =	ssub.s32 $0x0, s20;
	[sflag:s22] =	ssyncset.done $0x0  }
0xa4: {  	[sflag:s22] =	ssyncadd.s32 s8;
	_ =	sdelay $0x1  }
0xa5: {  	s23 =	simm.s32 $0x1B8B  }
0xa6: {  	_ =	swait.ge [sflag:s23], $0x1  }
0xa7: {  	[sflag:s23] =	ssyncset.done $0x0  }
0xa8: {  	s25 =	simm.s32 $0x1B8E;
	s24 =	sld [smem:$0x3FFE];
	[sflag:s23] =	ssyncadd.s32 $0xFFFFFFFF  }
0xa9: {  	s26 =	simm.s32 $execute0_lowered;
	[smem:$0x3FD2] =	sst s25  }
0xaa: {  	s9 =	sshll.u32 s26, $0x1;
	_ =	strace $0x80000046;
	[dreg:$0x1] =	wrdreg $0xFFFFFFFF  }
0xab: {  	s28 =	simm.s32 $_size_execute0_lowered;
	s7 =	sadd.s32 s7, s9;
	[dreg:$0x0] =	wrdreg $0x0  }
0xac: {  	s9 =	sshll.u32 s28, $0x1;
	[dreg:$0x2] =	wrdreg s7  }
0xad: {  	[dreg:$0x3] =	wrdreg s9  }
0xae: {  	[dreg:$0x4] =	wrdreg $0xC0  }
0xaf: {  	_ =	task [dreg:s11], $0x5FFFF  }
0xb0: {  	[dreg:$0x1] =	wrdreg $0xFFFFFFFF  }
0xb1: {  	[dreg:$0x0] =	wrdreg $0x60  }
0xb2: {  	[dreg:$0x2] =	wrdreg s2  }
0xb3: {  	[dreg:$0x3] =	wrdreg s18  }
0xb4: {  	[dreg:$0x4] =	wrdreg s4  }
0xb5: {  	[dreg:$0x5] =	wrdreg s5  }
0xb6: {  	[dreg:$0x6] =	wrdreg s24  }
0xb7: {  	[dreg:$0x7] =	wrdreg s6  }
0xb8: {  	[dreg:$0x8] =	wrdreg $0x9  }
0xb9: {  	_ =	task.clear_ibuf [dreg:s11], $0x9FFFF;
	_ =	strace $0x90000046  }
0xba: {  	s29 =	simm.s32 $0x9;
	_ =	strace $0x80000048  }
0xbb: {  	_ =	swait.ge [sflag:s29], $0x1  }
0xbc: {  	[sflag:s29] =	ssyncadd.s32 $0xFFFFFFFF  }
0xbd: {  	_ =	strace $0x90000048  }
0xbe: {  	_ =	sfence  }
0xbf: {  	s30 =	sld [smem:$0x0];
	_ =	sdelay $0x2  }
0xc0: {  	s31 =	sshll.u32 s1, $0xD;
	s1 =	sshrl.u32 s1, $0x2  }
0xc1: {  	s3 =	sand.u32 $0x4000, s31;
	s1 =	sadd.s32 s1, s30  }
0xc2: {  	s0 =	sor.u32 s3, s0;
	s1 =	sshll.u32 s1, $0x11  }
0xc3: {  	s0 =	sor.u32 s1, s0  }
0xc4: {  	s0 =	sadd.s32 $0x8F2B, s0  }
0xc5: {  	[sflag:s0] =	ssyncadd.remote.s32 $0x1  }
0xc6: {  	_ =	sfence.sel $0xFFFF  }
0xc7: {  	[dreg:$0x0] =	wrdreg $0xFFFFFFFF;
	(pc) =	sbr.abs _section_cstart, $3  }
0xc8: {  	[dreg:$0x1] =	wrdreg $0xFFFFFFFF  }
0xc9: {  	_ =	task.clear_ibuf [dreg:s11], $0x2FFFF;
	_ =	strace $0x9FFFFFFF  }
0xca: {  	(tm) =	ssettm $0x7FFFFFFF  }
0xcb: {  	_ =	shalt  }
tec
execute0_lowered:
.L_overlay_start_1:
0x0: {  	(tag) =	ssettag $0x1  }
0x1: {  	s0 =	rddreg [dreg:$0x0]  }
0x2: {  	s2 =	rddreg [dreg:$0x1]  }
0x3: {  	s7 =	rddreg [dreg:$0x2]  }
0x4: {  	s9 =	rddreg [dreg:$0x3]  }
0x5: {  	s1 =	rddreg [dreg:$0x4]  }
0x6: {  	s8 =	rddreg [dreg:$0x5];
	s4 =	srdreg.scid;
	s3 =	simm.s32 $0x0  }
0x7: {  	s5 =	stileid.u32;
	s16 =	simm.s32 $0x1;
	s17 =	simm.s32 $0x800  }
0x8: {  	s15 =	simm.s32 $0x80;
	s14 =	simm.s32 $0x10800;
	s18 =	simm.s32 $0x2  }
0x9: {  	s19 =	simm.s32 $0x8800;
	s20 =	simm.s32 $0xF800;
	s21 =	simm.s32 $0x10000  }
0xa: {  	s22 =	simm.s32 $0x14800;
	s23 =	simm.s32 $0x3;
	s24 =	simm.s32 $0x4  }
0xb: {  	s25 =	simm.s32 $0x5;
	s26 =	simm.s32 $0x0;
	s4 =	sand.u32 $0x1, s4  }
0xc: {  	[smem:$0x7FF] =	sst s3;
	s5 =	sshll.u32 s5, $0xA;
	s6 =	sshll.u32 s4, $0x9  }
0xd: {  	_ =	strace $0x80000047;
	s10 =	ssub.s32 $0x2, s4;
	s6 =	sor.u32 s6, s5  }
0xe: {  	v1 =	vlaneseq.u32;
	s4 =	sadd.s32 $0x186A00, s1;
	s30 =	sshrl.u32 s10, $0x1;
	s11 =	sshrl.u32 s6, $0x3  }
0xf: {  	v0 =	vand.u32 $0x7, v1;
	v62 =	vshrl.u32 v1, $0x3;
	s13 =	ssub.s32 s10, s30;
	s31 =	sshll.u32 s6, $0x5;
	s5 =	sadd.s32 s0, s11  }
0x10: {  	v63 =	vor.u32 $0x8, v1;
	[tilespmem:$0x1FFD0] =	vst v0;
	v0 =	vmul.u32 $0x8, v62;
	s6 =	sadd.s32 s2, s11;
	s7 =	sadd.s32 s7, s11;
	s8 =	sadd.s32 s8, s31  }
0x11: {  	[tilespmem:$0x1FFF0] =	vst v63;
	s9 =	sadd.s32 s9, s11;
	s13 =	smax.u32 s13, $0x1;
	s2 =	simm.s32 $0xF000  }
0x12: {  	vm0 =	vmmov $0xffff;
	[tilespmem:$0x1FFE0] =	vst v0;
	s10 =	sadd.s32 $0x1000, s8;
	s11 =	sadd.s32 $0x2000, s8;
	s12 =	sadd.s32 $0x3000, s8  }
.LBB2_1:
0x13: {  	[tilespmem:s3], [sflag:$0x1] =	stream.linear.gather [hbm4b:s5+s3], $0x200, $0x38;
	[tilespmem:$0x18800] =	vst v63  }
0x14: {  	s29 =	simm.s32 $0x200  }
0x15: {  	[tilespmem:s29], [sflag:$0x1] =	stream.linear.gather [hbm4b:s6+s3], $0x200, $0x38;
	[tilespmem:$0x18800] =	vst v63  }
0x16: {  	s28 =	simm.s32 $0x400  }
0x17: {  	[tilespmem:s28], [sflag:$0x1] =	stream.linear.gather [hbm4b:s7+s3], $0x200, $0x38;
	[tilespmem:$0x18800] =	vst v63  }
0x18: {  	s28 =	simm.s32 $0x600  }
0x19: {  	[tilespmem:s28], [sflag:$0x1] =	stream.linear.gather [hbm4b:s9+s3], $0x200, $0x38;
	[tilespmem:$0x18800] =	vst v63  }
0x1a: {  	_ =	swait.ge [sflag:s16], $0x200  }
0x1b: {  	[sflag:s16] =	ssyncset.done $0x0  }
0x1c: {  	[sflag:s16] =	ssyncadd.s32 $0xFFFFFE00  }
0x1d: {  	_ =	swait.ge [sflag:s16], $0x200  }
0x1e: {  	[sflag:s16] =	ssyncset.done $0x0  }
0x1f: {  	[sflag:s16] =	ssyncadd.s32 $0xFFFFFE00  }
0x20: {  	_ =	swait.ge [sflag:s16], $0x200  }
0x21: {  	[sflag:s16] =	ssyncset.done $0x0  }
0x22: {  	[sflag:s16] =	ssyncadd.s32 $0xFFFFFE00  }
0x23: {  	_ =	swait.ge [sflag:s16], $0x200  }
0x24: {  	[sflag:s16] =	ssyncset.done $0x0  }
0x25: {  	[sflag:s16] =	ssyncadd.s32 $0xFFFFFE00  }
0x26: {  	v0 =	vld [tilespmem:$0x0]  }
0x27: {  	v1 =	vld [tilespmem:$0x200]  }
0x28: {  	v2 =	vld [tilespmem:$0x400]  }
0x29: {  	v3 =	vld [tilespmem:$0x600]  }
0x2a: {  	v4 =	vld [tilespmem:$0x10]  }
0x2b: {  	v5 =	vld [tilespmem:$0x210]  }
0x2c: {  	v6 =	vld [tilespmem:$0x410]  }
0x2d: {  	v7 =	vld [tilespmem:$0x610]  }
0x2e: {  	v8 =	vld [tilespmem:$0x20]  }
0x2f: {  	v9 =	vld [tilespmem:$0x220]  }
0x30: {  	v10 =	vld [tilespmem:$0x420]  }
0x31: {  	v11 =	vld [tilespmem:$0x620]  }
0x32: {  	v12 =	vld [tilespmem:$0x30]  }
0x33: {  	v13 =	vld [tilespmem:$0x230]  }
0x34: {  	v14 =	vld [tilespmem:$0x430]  }
0x35: {  	v15 =	vld [tilespmem:$0x630]  }
0x36: {  	v16 =	vld [tilespmem:$0x40]  }
0x37: {  	v17 =	vld [tilespmem:$0x240]  }
0x38: {  	v18 =	vld [tilespmem:$0x440]  }
0x39: {  	v19 =	vld [tilespmem:$0x640]  }
0x3a: {  	v20 =	vld [tilespmem:$0x50]  }
0x3b: {  	v21 =	vld [tilespmem:$0x250]  }
0x3c: {  	v22 =	vld [tilespmem:$0x450]  }
0x3d: {  	v23 =	vld [tilespmem:$0x650]  }
0x3e: {  	v24 =	vld [tilespmem:$0x60]  }
0x3f: {  	v25 =	vld [tilespmem:$0x260]  }
0x40: {  	v26 =	vld [tilespmem:$0x460]  }
0x41: {  	v27 =	vld [tilespmem:$0x660]  }
0x42: {  	v28 =	vld [tilespmem:$0x70]  }
0x43: {  	v29 =	vld [tilespmem:$0x270]  }
0x44: {  	v30 =	vld [tilespmem:$0x470]  }
0x45: {  	v31 =	vld [tilespmem:$0x670]  }
0x46: {  	v32 =	vld [tilespmem:$0x80]  }
0x47: {  	v33 =	vld [tilespmem:$0x280]  }
0x48: {  	v34 =	vld [tilespmem:$0x480]  }
0x49: {  	v35 =	vld [tilespmem:$0x680]  }
0x4a: {  	v36 =	vld [tilespmem:$0x90]  }
0x4b: {  	v37 =	vld [tilespmem:$0x490]  }
0x4c: {  	v38 =	vld [tilespmem:$0x690]  }
0x4d: {  	v42 =	vld [tilespmem:$0xF0]  }
0x4e: {  	v45 =	vld [tilespmem:$0x2F0]  }
0x4f: {  	v46 =	vshrl.u32 v3, $0x1;
	v47 =	vshll.u32 v3, $0x6;
	v3 =	vld [tilespmem:$0x2B0]  }
0x50: {  	v50 =	vshrl.u32 v7, $0x1;
	v51 =	vshll.u32 v7, $0x6;
	v7 =	vmul.u32 $0x7, v12;
	v12 =	vld [tilespmem:$0x6B0]  }
0x51: {  	v54 =	vmul.u32 $0x7, v16;
	v16 =	vld [tilespmem:$0xD0]  }
0x52: {  	v59 =	vshrl.u32 v19, $0x1;
	v60 =	vshll.u32 v19, $0x6;
	v19 =	vld [tilespmem:$0x6D0]  }
0x53: {  	v0 =	vmul.u32 $0x7, v0;
	v39 =	vshrl.u32 v27, $0x1;
	v40 =	vshll.u32 v27, $0x6;
	v27 =	vld [tilespmem:$0x4F0];
	[tilespmem:$0x200] =	vst v46  }
0x54: {  	v4 =	vmul.u32 $0x7, v4;
	[tilespmem:$0x210] =	vst v50;
	v50 =	vld [tilespmem:$0x100]  }
0x55: {  	v44 =	vshrl.u32 v31, $0x1;
	[tilespmem:$0x240] =	vst v59;
	v46 =	vshll.u32 v31, $0x6;
	v31 =	vld [tilespmem:$0x720];
	v0 =	vadd.s32 v1, v0  }
0x56: {  	v63 =	vshrl.u32 v23, $0x1;
	[tilespmem:$0x270] =	vst v44;
	v44 =	vld [tilespmem:$0x540];
	v4 =	vadd.s32 v5, v4;
	v0 =	vmul.u32 $0x15, v0  }
0x57: {  	v41 =	vmul.u32 $0x7, v32;
	[tilespmem:$0x250] =	vst v63;
	v1 =	vld [tilespmem:$0x290];
	v7 =	vadd.s32 v13, v7;
	v48 =	vmul.u32 $0x15, v4  }
0x58: {  	v61 =	vmul.u32 $0x7, v24;
	[tilespmem:$0x260] =	vst v39;
	v5 =	vld [tilespmem:$0xA0];
	v7 =	vmul.u32 $0x15, v7;
	v0 =	vadd.s32 v2, v0  }
0x59: {  	v24 =	vshll.u32 v23, $0x6;
	v13 =	vld [tilespmem:$0x2C0];
	v23 =	vadd.s32 v33, v41;
	v49 =	vadd.s32 v6, v48;
	[tilespmem:$0x0] =	vst v0  }
0x5a: {  	v33 =	vld [tilespmem:$0x130];
	v23 =	vmul.u32 $0x15, v23;
	v55 =	vadd.s32 v14, v7;
	[tilespmem:$0x10] =	vst v49  }
0x5b: {  	v41 =	vld [tilespmem:$0x140];
	v4 =	vmul.u32 $0x7, v8;
	v7 =	vshrl.u32 v15, $0x1;
	[tilespmem:$0x30] =	vst v55  }
0x5c: {  	v8 =	vld [tilespmem:$0x2A0];
	v48 =	vadd.s32 v34, v23;
	[tilespmem:$0x230] =	vst v7  }
0x5d: {  	v2 =	vld [tilespmem:$0x4A0];
	v4 =	vadd.s32 v9, v4;
	v0 =	vand.u32 $0x40, v47;
	[tilespmem:$0x80] =	vst v48  }
0x5e: {  	v57 =	vmul.u32 $0x7, v20;
	v6 =	vld [tilespmem:$0x6A0];
	v4 =	vmul.u32 $0x15, v4;
	v49 =	vshrl.u32 v35, $0x1;
	[tilespmem:$0x600] =	vst v0  }
0x5f: {  	v9 =	vld [tilespmem:$0xB0];
	v0 =	vand.u32 $0x40, v51;
	[tilespmem:$0x280] =	vst v49  }
0x60: {  	v56 =	vshll.u32 v15, $0x6;
	v15 =	vld [tilespmem:$0x4C0];
	v14 =	vadd.s32 v21, v57;
	[tilespmem:$0x610] =	vst v0;
	v52 =	vadd.s32 v10, v4  }
0x61: {  	v53 =	vshll.u32 v11, $0x6;
	v21 =	vld [tilespmem:$0xE0];
	v14 =	vmul.u32 $0x15, v14;
	v4 =	vshrl.u32 v11, $0x1;
	[tilespmem:$0x20] =	vst v52  }
0x62: {  	v23 =	vld [tilespmem:$0x500];
	v0 =	vand.u32 $0x40, v53;
	[tilespmem:$0x220] =	vst v4  }
0x63: {  	v7 =	vld [tilespmem:$0x6C0];
	v62 =	vadd.s32 v22, v14;
	[tilespmem:$0x620] =	vst v0  }
0x64: {  	v47 =	vmul.u32 $0x7, v36;
	v36 =	vld [tilespmem:$0x330];
	v11 =	vadd.s32 v17, v54;
	v54 =	vshrl.u32 v38, $0x1;
	[tilespmem:$0x50] =	vst v62  }
0x65: {  	v48 =	vld [tilespmem:$0x150];
	v0 =	vand.u32 $0x40, v56;
	[tilespmem:$0x290] =	vst v54  }
0x66: {  	v10 =	vld [tilespmem:$0x4B0];
	v11 =	vmul.u32 $0x15, v11;
	v62 =	vshrl.u32 v12, $0x1;
	[tilespmem:$0x630] =	vst v0  }
0x67: {  	v55 =	vshll.u32 v38, $0x6;
	v17 =	vadd.s32 v25, v61;
	v14 =	vld [tilespmem:$0x2E0];
	v0 =	vand.u32 $0x40, v60;
	[tilespmem:$0x2B0] =	vst v62  }
0x68: {  	v22 =	vld [tilespmem:$0x4E0];
	v1 =	vadd.s32 v1, v47;
	v17 =	vmul.u32 $0x15, v17;
	v58 =	vadd.s32 v18, v11;
	[tilespmem:$0x640] =	vst v0  }
0x69: {  	v5 =	vmul.u32 $0x7, v5;
	v38 =	vld [tilespmem:$0x730];
	v1 =	vmul.u32 $0x15, v1;
	v0 =	vand.u32 $0x40, v24;
	[tilespmem:$0x40] =	vst v58  }
0x6a: {  	v25 =	vmul.u32 $0x7, v28;
	v47 =	vld [tilespmem:$0x740];
	v28 =	vadd.s32 v26, v17;
	[tilespmem:$0x650] =	vst v0  }
0x6b: {  	v4 =	vld [tilespmem:$0xC0];
	v5 =	vadd.s32 v8, v5;
	v9 =	vmul.u32 $0x7, v9;
	v53 =	vadd.s32 v37, v1;
	[tilespmem:$0x60] =	vst v28  }
0x6c: {  	v52 =	vld [tilespmem:$0x300];
	v5 =	vmul.u32 $0x15, v5;
	v26 =	vshrl.u32 v31, $0x1;
	[tilespmem:$0x90] =	vst v53  }
0x6d: {  	v20 =	vadd.s32 v29, v25;
	v0 =	vand.u32 $0x40, v40;
	v3 =	vadd.s32 v3, v9;
	v9 =	vld [tilespmem:$0x320];
	[tilespmem:$0x320] =	vst v26  }
0x6e: {  	v8 =	vld [tilespmem:$0x700];
	v20 =	vmul.u32 $0x15, v20;
	v57 =	vadd.s32 v2, v5;
	[tilespmem:$0x660] =	vst v0  }
0x6f: {  	v56 =	vld [tilespmem:$0x110];
	v58 =	vshrl.u32 v6, $0x1;
	[tilespmem:$0xA0] =	vst v57  }
0x70: {  	v54 =	vld [tilespmem:$0x550];
	v43 =	vadd.s32 v30, v20;
	[tilespmem:$0x2A0] =	vst v58  }
0x71: {  	v51 =	vshll.u32 v35, $0x6;
	v60 =	vld [tilespmem:$0x120];
	v0 =	vand.u32 $0x40, v46;
	[tilespmem:$0x70] =	vst v43  }
0x72: {  	v24 =	vld [tilespmem:$0x6E0];
	[tilespmem:$0x670] =	vst v0;
	v0 =	vand.u32 $0x40, v51  }
0x73: {  	v35 =	vmul.u32 $0x7, v21;
	v21 =	vld [tilespmem:$0x1E0];
	v3 =	vmul.u32 $0x15, v3;
	v57 =	vshrl.u32 v8, $0x1;
	[tilespmem:$0x680] =	vst v0  }
0x74: {  	v59 =	vshll.u32 v6, $0x6;
	v6 =	vld [tilespmem:$0x710];
	v0 =	vand.u32 $0x40, v55;
	[tilespmem:$0x300] =	vst v57  }
0x75: {  	v63 =	vshll.u32 v12, $0x6;
	v18 =	vld [tilespmem:$0x2D0];
	v61 =	vadd.s32 v10, v3;
	[tilespmem:$0x690] =	vst v0  }
0x76: {  	v16 =	vmul.u32 $0x7, v16;
	v39 =	vshll.u32 v19, $0x6;
	v11 =	vld [tilespmem:$0x4D0];
	v0 =	vand.u32 $0x40, v59;
	[tilespmem:$0xB0] =	vst v61  }
0x77: {  	v34 =	vshll.u32 v7, $0x6;
	v20 =	vld [tilespmem:$0x6F0];
	v4 =	vmul.u32 $0x7, v4;
	v43 =	vshrl.u32 v24, $0x1;
	[tilespmem:$0x6A0] =	vst v0  }
0x78: {  	v1 =	vld [tilespmem:$0x310];
	v40 =	vmul.u32 $0x7, v42;
	v28 =	vshll.u32 v31, $0x6;
	v0 =	vand.u32 $0x40, v63;
	[tilespmem:$0x2E0] =	vst v43  }
0x79: {  	v17 =	vld [tilespmem:$0x1D0];
	v46 =	vmul.u32 $0x7, v50;
	v4 =	vadd.s32 v13, v4;
	v62 =	vshrl.u32 v6, $0x1;
	[tilespmem:$0x6B0] =	vst v0  }
0x7a: {  	v5 =	vld [tilespmem:$0x510];
	v63 =	vshll.u32 v6, $0x6;
	v6 =	vmul.u32 $0x7, v33;
	v33 =	vshrl.u32 v38, $0x1;
	[tilespmem:$0x310] =	vst v62  }
0x7b: {  	v31 =	vld [tilespmem:$0x180];
	v53 =	vmul.u32 $0x7, v56;
	v4 =	vmul.u32 $0x15, v4;
	v0 =	vand.u32 $0x40, v34;
	[tilespmem:$0x330] =	vst v33  }
0x7c: {  	v30 =	vld [tilespmem:$0x520];
	v2 =	vmul.u32 $0x7, v60;
	v10 =	vadd.s32 v18, v16;
	v50 =	vshrl.u32 v20, $0x1;
	[tilespmem:$0x6C0] =	vst v0  }
0x7d: {  	v58 =	vld [tilespmem:$0x160];
	v18 =	vadd.s32 v52, v46;
	v1 =	vadd.s32 v1, v53;
	v32 =	vadd.s32 v15, v4;
	[tilespmem:$0x2F0] =	vst v50  }
0x7e: {  	v51 =	vld [tilespmem:$0x350];
	v18 =	vmul.u32 $0x15, v18;
	v2 =	vadd.s32 v9, v2;
	v4 =	vshrl.u32 v7, $0x1;
	[tilespmem:$0xC0] =	vst v32  }
0x7f: {  	v55 =	vld [tilespmem:$0x750];
	v1 =	vmul.u32 $0x15, v1;
	v2 =	vmul.u32 $0x15, v2;
	v0 =	vand.u32 $0x40, v39;
	[tilespmem:$0x2C0] =	vst v4  }
0x80: {  	v60 =	vld [tilespmem:$0x560];
	v7 =	vmul.u32 $0x15, v10;
	v10 =	vadd.s32 v14, v35;
	v56 =	vadd.s32 v23, v18;
	[tilespmem:$0x6D0] =	vst v0  }
0x81: {  	v57 =	vld [tilespmem:$0x1C0];
	v14 =	vadd.s32 v45, v40;
	v45 =	vshll.u32 v24, $0x6;
	v61 =	vadd.s32 v5, v1;
	[tilespmem:$0x100] =	vst v56  }
0x82: {  	v59 =	vshll.u32 v8, $0x6;
	v8 =	vld [tilespmem:$0x360];
	v0 =	vand.u32 $0x40, v45;
	[tilespmem:$0x110] =	vst v61  }
0x83: {  	v53 =	vld [tilespmem:$0x7B0];
	v25 =	vadd.s32 v30, v2;
	[tilespmem:$0x6E0] =	vst v0  }
0x84: {  	v43 =	vld [tilespmem:$0x790];
	v52 =	vshll.u32 v20, $0x6;
	v37 =	vadd.s32 v11, v7;
	[tilespmem:$0x120] =	vst v25  }
0x85: {  	v34 =	vshll.u32 v38, $0x6;
	v38 =	vld [tilespmem:$0x190];
	v10 =	vmul.u32 $0x15, v10;
	v7 =	vshrl.u32 v19, $0x1;
	[tilespmem:$0xD0] =	vst v37  }
0x86: {  	v5 =	vld [tilespmem:$0x760];
	v14 =	vmul.u32 $0x15, v14;
	v0 =	vand.u32 $0x40, v52;
	[tilespmem:$0x2D0] =	vst v7  }
0x87: {  	v40 =	vmul.u32 $0x7, v58;
	v4 =	vld [tilespmem:$0x530];
	v42 =	vadd.s32 v22, v10;
	[tilespmem:$0x6F0] =	vst v0  }
0x88: {  	v7 =	vld [tilespmem:$0x340];
	v49 =	vadd.s32 v27, v14;
	[tilespmem:$0xE0] =	vst v42  }
0x89: {  	v23 =	vld [tilespmem:$0x170];
	v8 =	vadd.s32 v8, v40;
	v0 =	vand.u32 $0x40, v59;
	[tilespmem:$0xF0] =	vst v49  }
0x8a: {  	v24 =	vld [tilespmem:$0x370];
	v6 =	vadd.s32 v36, v6;
	v8 =	vmul.u32 $0x15, v8;
	v14 =	vshrl.u32 v43, $0x1;
	[tilespmem:$0x700] =	vst v0  }
0x8b: {  	v29 =	vmul.u32 $0x15, v6;
	v6 =	vmul.u32 $0x7, v41;
	v41 =	vld [tilespmem:$0x390];
	v0 =	vand.u32 $0x40, v63;
	[tilespmem:$0x390] =	vst v14  }
0x8c: {  	v36 =	vld [tilespmem:$0x780];
	[tilespmem:$0x710] =	vst v0;
	v0 =	vand.u32 $0x40, v28;
	v46 =	vadd.s32 v60, v8  }
0x8d: {  	v30 =	vld [tilespmem:$0x770];
	[tilespmem:$0x720] =	vst v0;
	v32 =	vadd.s32 v4, v29;
	v4 =	vadd.s32 v7, v6;
	v7 =	vmul.u32 $0x7, v48  }
0x8e: {  	v45 =	vld [tilespmem:$0x1A0];
	v8 =	vshrl.u32 v5, $0x1;
	[tilespmem:$0x160] =	vst v46  }
0x8f: {  	v27 =	vld [tilespmem:$0x570];
	[tilespmem:$0x360] =	vst v8;
	v4 =	vmul.u32 $0x15, v4;
	v7 =	vadd.s32 v51, v7  }
0x90: {  	v9 =	vmul.u32 $0x7, v23;
	v0 =	vand.u32 $0x40, v34;
	v8 =	vld [tilespmem:$0x1B0];
	[tilespmem:$0x130] =	vst v32;
	v7 =	vmul.u32 $0x15, v7  }
0x91: {  	v39 =	vshll.u32 v47, $0x6;
	[tilespmem:$0x730] =	vst v0;
	v6 =	vld [tilespmem:$0x380];
	v37 =	vadd.s32 v44, v4;
	v4 =	vshrl.u32 v47, $0x1  }
0x92: {  	v1 =	vadd.s32 v24, v9;
	[tilespmem:$0x340] =	vst v4;
	v4 =	vld [tilespmem:$0x590];
	v42 =	vadd.s32 v54, v7;
	v7 =	vshrl.u32 v55, $0x1  }
0x93: {  	v11 =	vmul.u32 $0x7, v38;
	v50 =	vshrl.u32 v30, $0x1;
	v1 =	vmul.u32 $0x15, v1;
	[tilespmem:$0x350] =	vst v7;
	v7 =	vld [tilespmem:$0x3A0]  }
0x94: {  	v2 =	vmul.u32 $0x7, v31;
	v0 =	vand.u32 $0x40, v39;
	[tilespmem:$0x370] =	vst v50;
	v48 =	vshll.u32 v5, $0x6;
	v5 =	vld [tilespmem:$0x7A0]  }
0x95: {  	v56 =	vadd.s32 v41, v11;
	v60 =	vmul.u32 $0x7, v45;
	[tilespmem:$0x740] =	vst v0;
	v49 =	vadd.s32 v27, v1;
	v47 =	vld [tilespmem:$0x5A0]  }
0x96: {  	v59 =	vmul.u32 $0x15, v56;
	v1 =	vshll.u32 v53, $0x6;
	[tilespmem:$0x170] =	vst v49;
	v2 =	vadd.s32 v6, v2;
	v6 =	vld [tilespmem:$0x3B0]  }
0x97: {  	v62 =	vld [tilespmem:$0x5C0];
	v25 =	vshrl.u32 v53, $0x1;
	v44 =	vshll.u32 v55, $0x6;
	v27 =	vand.u32 $0x40, v1;
	[tilespmem:$0x140] =	vst v37  }
0x98: {  	v61 =	vld [tilespmem:$0x3C0];
	v0 =	vand.u32 $0x40, v44;
	[tilespmem:$0x7B0] =	vst v27;
	v63 =	vadd.s32 v4, v59;
	v4 =	vadd.s32 v7, v60  }
0x99: {  	v52 =	vld [tilespmem:$0x5B0];
	v51 =	vshll.u32 v30, $0x6;
	v8 =	vmul.u32 $0x7, v8;
	[tilespmem:$0x750] =	vst v0;
	v4 =	vmul.u32 $0x15, v4  }
0x9a: {  	v35 =	vld [tilespmem:$0x580];
	v0 =	vand.u32 $0x40, v48;
	v55 =	vshrl.u32 v36, $0x1;
	v20 =	vshrl.u32 v5, $0x1;
	[tilespmem:$0x3B0] =	vst v25  }
0x9b: {  	v18 =	vld [tilespmem:$0x3D0];
	[tilespmem:$0x150] =	vst v42;
	v19 =	vadd.s32 v47, v4;
	v4 =	vadd.s32 v6, v8;
	v6 =	vmul.u32 $0x7, v57  }
0x9c: {  	v5 =	vshll.u32 v5, $0x6;
	[tilespmem:$0x760] =	vst v0;
	v2 =	vmul.u32 $0x15, v2;
	v7 =	vld [tilespmem:$0x7C0];
	v4 =	vmul.u32 $0x15, v4  }
0x9d: {  	v24 =	vld [tilespmem:$0x3E0];
	v0 =	vand.u32 $0x40, v51;
	[tilespmem:$0x380] =	vst v55;
	v22 =	vand.u32 $0x40, v5;
	v5 =	vadd.s32 v61, v6  }
0x9e: {  	[tilespmem:$0x3A0] =	vst v20;
	v8 =	vld [tilespmem:$0x5D0];
	v23 =	vadd.s32 v52, v4;
	v4 =	vmul.u32 $0x15, v5;
	v5 =	vmul.u32 $0x7, v17  }
0x9f: {  	v16 =	vshll.u32 v43, $0x6;
	v58 =	vshll.u32 v36, $0x6;
	v30 =	vld [tilespmem:$0x1F0];
	[tilespmem:$0x770] =	vst v0  }
0xa0: {  	v0 =	vand.u32 $0x40, v58;
	[tilespmem:$0x7A0] =	vst v22;
	v54 =	vadd.s32 v35, v2;
	v6 =	vld [tilespmem:$0x7D0];
	v29 =	vadd.s32 v18, v5  }
0xa1: {  	[tilespmem:$0x780] =	vst v0;
	v31 =	vshll.u32 v7, $0x6;
	v32 =	vshrl.u32 v7, $0x1;
	v7 =	vld [tilespmem:$0x3F0];
	v2 =	vmul.u32 $0x15, v29  }
0xa2: {  	v0 =	vand.u32 $0x40, v16;
	[tilespmem:$0x180] =	vst v54;
	v5 =	vld [tilespmem:$0x5E0]  }
0xa3: {  	[tilespmem:$0x790] =	vst v0;
	v28 =	vadd.s32 v62, v4;
	v4 =	vmul.u32 $0x7, v21;
	v33 =	vadd.s32 v8, v2;
	v8 =	vld [tilespmem:$0x7E0]  }
0xa4: {  	v26 =	vld [tilespmem:$0x0];
	[tilespmem:$0x190] =	vst v63  }
0xa5: {  	v36 =	vmul.u32 $0x7, v30;
	[tilespmem:$0x1A0] =	vst v19;
	v4 =	vadd.s32 v24, v4  }
0xa6: {  	v37 =	vld [tilespmem:$0x5F0];
	[tilespmem:$0x3C0] =	vst v32;
	v4 =	vmul.u32 $0x15, v4  }
0xa7: {  	v0 =	vand.u32 $0x40, v31;
	[tilespmem:$0x1B0] =	vst v23;
	v34 =	vshrl.u32 v6, $0x1;
	v1 =	vadd.s32 v7, v36;
	v7 =	vld [tilespmem:$0x1FFD0]  }
0xa8: {  	[tilespmem:$0x7C0] =	vst v0;
	v40 =	vadd.s32 v5, v4;
	v41 =	vshrl.u32 v8, $0x1;
	v5 =	vshll.u32 v8, $0x6;
	v8 =	vld [tilespmem:$0x1FFF0]  }
0xa9: {  	[tilespmem:$0x1C0] =	vst v28;
	v35 =	vshll.u32 v6, $0x6;
	v6 =	vshll.u32 v26, $0x1;
	v42 =	vand.u32 $0x40, v5;
	v5 =	vld [tilespmem:$0x1FFE0]  }
0xaa: {  	v38 =	vand.u32 $0x7, v26;
	v6 =	vand.u32 $0xFFFFFFF0, v6;
	[tilespmem:$0x3D0] =	vst v34  }
0xab: {  	v0 =	vand.u32 $0x40, v35;
	v1 =	vmul.u32 $0x15, v1;
	[tilespmem:$0x1D0] =	vst v33;
	v39 =	vor.u32 v38, v6;
	v6 =	vld [tilespmem:$0x7F0]  }
0xac: {  	[tilespmem:$0x7D0] =	vst v0;
	v4 =	vperm.xlane v39, v7  }
0xad: {  	v43 =	vadd.s32 v37, v1;
	[tilespmem:$0x1E0] =	vst v40  }
0xae: {  	[tilespmem:$0x1F0] =	vst v43;
	v2 =	vperm.xlane v39, v8;
	v4 =	vadd.s32 v5, v4  }
0xaf: {  	[tilespmem:$0x3E0] =	vst v41  }
0xb0: {  	v44 =	vshrl.u32 v6, $0x1;
	v45 =	vshll.u32 v6, $0x6;
	[tilespmem:$0x7E0] =	vst v42;
	v2 =	vadd.s32 v5, v2  }
0xb1: {  	[tilespmem:$0x3F0] =	vst v44;
	v46 =	vand.u32 $0x40, v45  }
0xb2: {  	[tilespmem:$0x7F0] =	vst v46  }
0xb3: {  	[tilespmem:s17], [sflag:$0x2] =	stream.indirect_vreg.gather [hbm4b:s1+s3], $0x80, v4, vm0, $0xb8;
	[tilespmem:$0x18800] =	vst v63  }
0xb4: {  	s30 =	simm.s32 $0x1000  }
0xb5: {  	[tilespmem:s30], [sflag:$0x2] =	stream.indirect_vreg.gather [hbm4b:s1+s3], $0x80, v2, vm0, $0xb8;
	[tilespmem:$0x18800] =	vst v63  }
0xb6: {  	v47 =	vld [tilespmem:$0x10];
	_ =	sdelay $0x4  }
0xb7: {  	v48 =	vshll.u32 v47, $0x1  }
0xb8: {  	v0 =	vand.u32 $0x7, v47;
	v1 =	vand.u32 $0xFFFFFFF0, v48  }
0xb9: {  	v0 =	vor.u32 v0, v1  }
0xba: {  	v1 =	vperm.xlane v0, v7;
	_ =	sdelay $0x1  }
0xbb: {  	v0 =	vperm.xlane v0, v8;
	v1 =	vadd.s32 v5, v1;
	_ =	sdelay $0x1  }
0xbc: {  	v0 =	vadd.s32 v5, v0;
	_ =	sdelay $0x1  }
0xbd: {  	s30 =	simm.s32 $0x1800  }
0xbe: {  	[tilespmem:s30], [sflag:$0x2] =	stream.indirect_vreg.gather [hbm4b:s1+s3], $0x80, v1, vm0, $0xb8;
	[tilespmem:$0x18800] =	vst v63  }
0xbf: {  	s31 =	simm.s32 $0x2000  }
0xc0: {  	[tilespmem:s31], [sflag:$0x2] =	stream.indirect_vreg.gather [hbm4b:s1+s3], $0x80, v0, vm0, $0xb8;
	[tilespmem:$0x18800] =	vst v63  }
0xc1: {  	v0 =	vld [tilespmem:$0x20];
	_ =	sdelay $0x4  }
0xc2: {  	v49 =	vshll.u32 v0, $0x1  }
0xc3: {  	v0 =	vand.u32 $0x7, v0;
	v1 =	vand.u32 $0xFFFFFFF0, v49  }
0xc4: {  	v0 =	vor.u32 v0, v1  }
0xc5: {  	v1 =	vperm.xlane v0, v7;
	_ =	sdelay $0x1  }
0xc6: {  	v0 =	vperm.xlane v0, v8;
	v1 =	vadd.s32 v5, v1;
	_ =	sdelay $0x1  }
0xc7: {  	v0 =	vadd.s32 v5, v0;
	_ =	sdelay $0x1  }
0xc8: {  	s31 =	simm.s32 $0x2800  }
0xc9: {  	[tilespmem:s31], [sflag:$0x2] =	stream.indirect_vreg.gather [hbm4b:s1+s3], $0x80, v1, vm0, $0xb8;
	[tilespmem:$0x18800] =	vst v63  }
0xca: {  	s0 =	simm.s32 $0x3000  }
0xcb: {  	[tilespmem:s0], [sflag:$0x2] =	stream.indirect_vreg.gather [hbm4b:s1+s3], $0x80, v0, vm0, $0xb8;
	[tilespmem:$0x18800] =	vst v63  }
0xcc: {  	v0 =	vld [tilespmem:$0x30];
	_ =	sdelay $0x4  }
0xcd: {  	v50 =	vshll.u32 v0, $0x1  }
0xce: {  	v0 =	vand.u32 $0x7, v0;
	v1 =	vand.u32 $0xFFFFFFF0, v50  }
0xcf: {  	v0 =	vor.u32 v0, v1  }
0xd0: {  	v1 =	vperm.xlane v0, v7;
	_ =	sdelay $0x1  }
0xd1: {  	v0 =	vperm.xlane v0, v8;
	v1 =	vadd.s32 v5, v1;
	_ =	sdelay $0x1  }
0xd2: {  	v0 =	vadd.s32 v5, v0;
	_ =	sdelay $0x1  }
0xd3: {  	s0 =	simm.s32 $0x3800  }
0xd4: {  	[tilespmem:s0], [sflag:$0x2] =	stream.indirect_vreg.gather [hbm4b:s1+s3], $0x80, v1, vm0, $0xb8;
	[tilespmem:$0x18800] =	vst v63  }
0xd5: {  	s0 =	simm.s32 $0x4000  }
0xd6: {  	[tilespmem:s0], [sflag:$0x2] =	stream.indirect_vreg.gather [hbm4b:s1+s3], $0x80, v0, vm0, $0xb8;
	[tilespmem:$0x18800] =	vst v63  }
0xd7: {  	v0 =	vld [tilespmem:$0x40];
	_ =	sdelay $0x4  }
0xd8: {  	v51 =	vshll.u32 v0, $0x1  }
0xd9: {  	v0 =	vand.u32 $0x7, v0;
	v1 =	vand.u32 $0xFFFFFFF0, v51  }
0xda: {  	v0 =	vor.u32 v0, v1  }
0xdb: {  	v1 =	vperm.xlane v0, v7;
	_ =	sdelay $0x1  }
0xdc: {  	v0 =	vperm.xlane v0, v8;
	v1 =	vadd.s32 v5, v1;
	_ =	sdelay $0x1  }
0xdd: {  	v0 =	vadd.s32 v5, v0;
	_ =	sdelay $0x1  }
0xde: {  	s0 =	simm.s32 $0x4800  }
0xdf: {  	[tilespmem:s0], [sflag:$0x2] =	stream.indirect_vreg.gather [hbm4b:s1+s3], $0x80, v1, vm0, $0xb8;
	[tilespmem:$0x18800] =	vst v63  }
0xe0: {  	s0 =	simm.s32 $0x5000  }
0xe1: {  	[tilespmem:s0], [sflag:$0x2] =	stream.indirect_vreg.gather [hbm4b:s1+s3], $0x80, v0, vm0, $0xb8;
	[tilespmem:$0x18800] =	vst v63  }
0xe2: {  	v0 =	vld [tilespmem:$0x50];
	_ =	sdelay $0x4  }
0xe3: {  	v52 =	vshll.u32 v0, $0x1  }
0xe4: {  	v0 =	vand.u32 $0x7, v0;
	v1 =	vand.u32 $0xFFFFFFF0, v52  }
0xe5: {  	v0 =	vor.u32 v0, v1  }
0xe6: {  	v1 =	vperm.xlane v0, v7;
	_ =	sdelay $0x1  }
0xe7: {  	v0 =	vperm.xlane v0, v8;
	v1 =	vadd.s32 v5, v1;
	_ =	sdelay $0x1  }
0xe8: {  	v0 =	vadd.s32 v5, v0;
	_ =	sdelay $0x1  }
0xe9: {  	s0 =	simm.s32 $0x5800  }
0xea: {  	[tilespmem:s0], [sflag:$0x2] =	stream.indirect_vreg.gather [hbm4b:s1+s3], $0x80, v1, vm0, $0xb8;
	[tilespmem:$0x18800] =	vst v63  }
0xeb: {  	s0 =	simm.s32 $0x6000  }
0xec: {  	[tilespmem:s0], [sflag:$0x2] =	stream.indirect_vreg.gather [hbm4b:s1+s3], $0x80, v0, vm0, $0xb8;
	[tilespmem:$0x18800] =	vst v63  }
0xed: {  	v0 =	vld [tilespmem:$0x60];
	_ =	sdelay $0x4  }
0xee: {  	v53 =	vshll.u32 v0, $0x1  }
0xef: {  	v0 =	vand.u32 $0x7, v0;
	v1 =	vand.u32 $0xFFFFFFF0, v53  }
0xf0: {  	v0 =	vor.u32 v0, v1  }
0xf1: {  	v1 =	vperm.xlane v0, v7;
	_ =	sdelay $0x1  }
0xf2: {  	v0 =	vperm.xlane v0, v8;
	v1 =	vadd.s32 v5, v1;
	_ =	sdelay $0x1  }
0xf3: {  	v0 =	vadd.s32 v5, v0;
	_ =	sdelay $0x1  }
0xf4: {  	s0 =	simm.s32 $0x6800  }
0xf5: {  	[tilespmem:s0], [sflag:$0x2] =	stream.indirect_vreg.gather [hbm4b:s1+s3], $0x80, v1, vm0, $0xb8;
	[tilespmem:$0x18800] =	vst v63  }
0xf6: {  	s0 =	simm.s32 $0x7000  }
0xf7: {  	[tilespmem:s0], [sflag:$0x2] =	stream.indirect_vreg.gather [hbm4b:s1+s3], $0x80, v0, vm0, $0xb8;
	[tilespmem:$0x18800] =	vst v63  }
0xf8: {  	v0 =	vld [tilespmem:$0x70];
	_ =	sdelay $0x4  }
0xf9: {  	v54 =	vshll.u32 v0, $0x1  }
0xfa: {  	v0 =	vand.u32 $0x7, v0;
	v1 =	vand.u32 $0xFFFFFFF0, v54  }
0xfb: {  	v0 =	vor.u32 v0, v1  }
0xfc: {  	v1 =	vperm.xlane v0, v7;
	_ =	sdelay $0x1  }
0xfd: {  	v0 =	vperm.xlane v0, v8;
	v1 =	vadd.s32 v5, v1;
	_ =	sdelay $0x1  }
0xfe: {  	v0 =	vadd.s32 v5, v0;
	_ =	sdelay $0x1  }
0xff: {  	s0 =	simm.s32 $0x7800  }
0x100: {  	[tilespmem:s0], [sflag:$0x2] =	stream.indirect_vreg.gather [hbm4b:s1+s3], $0x80, v1, vm0, $0xb8;
	[tilespmem:$0x18800] =	vst v63  }
0x101: {  	s0 =	simm.s32 $0x8000  }
0x102: {  	[tilespmem:s0], [sflag:$0x2] =	stream.indirect_vreg.gather [hbm4b:s1+s3], $0x80, v0, vm0, $0xb8;
	[tilespmem:$0x18800] =	vst v63  }
0x103: {  	_ = 	snop  }
0x104: {  	[tilespmem:s14], [sflag:$0x2] =	stream.indirect.gather [hbm4b:s4+s15], $0x80, s29, s15, $0xb8;
	[tilespmem:$0x18800] =	vst v63  }
0x105: {  	_ =	swait.ge [sflag:s18], $0x8000  }
0x106: {  	[sflag:s18] =	ssyncset.done $0x0  }
0x107: {  	[sflag:s18] =	ssyncadd.s32 $0xFFFF8000  }
0x108: {  	_ =	swait.ge [sflag:s18], $0x4000  }
0x109: {  	[sflag:s18] =	ssyncset.done $0x0  }
0x10a: {  	[sflag:s18] =	ssyncadd.s32 $0xFFFFC000  }
0x10b: {  	v55 =	vld [tilespmem:$0x80];
	_ =	sdelay $0x4  }
0x10c: {  	v56 =	vshll.u32 v55, $0x1  }
0x10d: {  	v0 =	vand.u32 $0x7, v55;
	v1 =	vand.u32 $0xFFFFFFF0, v56  }
0x10e: {  	v0 =	vor.u32 v0, v1  }
0x10f: {  	v1 =	vperm.xlane v0, v7;
	_ =	sdelay $0x1  }
0x110: {  	v0 =	vperm.xlane v0, v8;
	v1 =	vadd.s32 v5, v1;
	_ =	sdelay $0x1  }
0x111: {  	v0 =	vadd.s32 v5, v0;
	_ =	sdelay $0x2  }
0x112: {  	[tilespmem:s19], [sflag:$0x3] =	stream.indirect_vreg.gather [hbm4b:s1+s3], $0x80, v1, vm0, $0xb8;
	[tilespmem:$0x18800] =	vst v63  }
0x113: {  	s0 =	simm.s32 $0x9000  }
0x114: {  	[tilespmem:s0], [sflag:$0x3] =	stream.indirect_vreg.gather [hbm4b:s1+s3], $0x80, v0, vm0, $0xb8;
	[tilespmem:$0x18800] =	vst v63  }
0x115: {  	v0 =	vld [tilespmem:$0x90];
	_ =	sdelay $0x4  }
0x116: {  	v57 =	vshll.u32 v0, $0x1  }
0x117: {  	v0 =	vand.u32 $0x7, v0;
	v1 =	vand.u32 $0xFFFFFFF0, v57  }
0x118: {  	v0 =	vor.u32 v0, v1  }
0x119: {  	v1 =	vperm.xlane v0, v7;
	_ =	sdelay $0x1  }
0x11a: {  	v0 =	vperm.xlane v0, v8;
	v1 =	vadd.s32 v5, v1;
	_ =	sdelay $0x1  }
0x11b: {  	v0 =	vadd.s32 v5, v0;
	_ =	sdelay $0x1  }
0x11c: {  	s0 =	simm.s32 $0x9800  }
0x11d: {  	[tilespmem:s0], [sflag:$0x3] =	stream.indirect_vreg.gather [hbm4b:s1+s3], $0x80, v1, vm0, $0xb8;
	[tilespmem:$0x18800] =	vst v63  }
0x11e: {  	s0 =	simm.s32 $0xA000  }
0x11f: {  	[tilespmem:s0], [sflag:$0x3] =	stream.indirect_vreg.gather [hbm4b:s1+s3], $0x80, v0, vm0, $0xb8;
	[tilespmem:$0x18800] =	vst v63  }
0x120: {  	v0 =	vld [tilespmem:$0xA0];
	_ =	sdelay $0x4  }
0x121: {  	v58 =	vshll.u32 v0, $0x1  }
0x122: {  	v0 =	vand.u32 $0x7, v0;
	v1 =	vand.u32 $0xFFFFFFF0, v58  }
0x123: {  	v0 =	vor.u32 v0, v1  }
0x124: {  	v1 =	vperm.xlane v0, v7;
	_ =	sdelay $0x1  }
0x125: {  	v0 =	vperm.xlane v0, v8;
	v1 =	vadd.s32 v5, v1;
	_ =	sdelay $0x1  }
0x126: {  	v0 =	vadd.s32 v5, v0;
	_ =	sdelay $0x1  }
0x127: {  	s0 =	simm.s32 $0xA800  }
0x128: {  	[tilespmem:s0], [sflag:$0x3] =	stream.indirect_vreg.gather [hbm4b:s1+s3], $0x80, v1, vm0, $0xb8;
	[tilespmem:$0x18800] =	vst v63  }
0x129: {  	s0 =	simm.s32 $0xB000  }
0x12a: {  	[tilespmem:s0], [sflag:$0x3] =	stream.indirect_vreg.gather [hbm4b:s1+s3], $0x80, v0, vm0, $0xb8;
	[tilespmem:$0x18800] =	vst v63  }
0x12b: {  	v0 =	vld [tilespmem:$0xB0];
	_ =	sdelay $0x4  }
0x12c: {  	v59 =	vshll.u32 v0, $0x1  }
0x12d: {  	v0 =	vand.u32 $0x7, v0;
	v1 =	vand.u32 $0xFFFFFFF0, v59  }
0x12e: {  	v0 =	vor.u32 v0, v1  }
0x12f: {  	v1 =	vperm.xlane v0, v7;
	_ =	sdelay $0x1  }
0x130: {  	v0 =	vperm.xlane v0, v8;
	v1 =	vadd.s32 v5, v1;
	_ =	sdelay $0x1  }
0x131: {  	v0 =	vadd.s32 v5, v0;
	_ =	sdelay $0x1  }
0x132: {  	s0 =	simm.s32 $0xB800  }
0x133: {  	[tilespmem:s0], [sflag:$0x3] =	stream.indirect_vreg.gather [hbm4b:s1+s3], $0x80, v1, vm0, $0xb8;
	[tilespmem:$0x18800] =	vst v63  }
0x134: {  	s0 =	simm.s32 $0xC000  }
0x135: {  	[tilespmem:s0], [sflag:$0x3] =	stream.indirect_vreg.gather [hbm4b:s1+s3], $0x80, v0, vm0, $0xb8;
	[tilespmem:$0x18800] =	vst v63  }
0x136: {  	v0 =	vld [tilespmem:$0xC0];
	_ =	sdelay $0x4  }
0x137: {  	v60 =	vshll.u32 v0, $0x1  }
0x138: {  	v0 =	vand.u32 $0x7, v0;
	v1 =	vand.u32 $0xFFFFFFF0, v60  }
0x139: {  	v0 =	vor.u32 v0, v1  }
0x13a: {  	v1 =	vperm.xlane v0, v7;
	_ =	sdelay $0x1  }
0x13b: {  	v0 =	vperm.xlane v0, v8;
	v1 =	vadd.s32 v5, v1;
	_ =	sdelay $0x1  }
0x13c: {  	v0 =	vadd.s32 v5, v0;
	_ =	sdelay $0x1  }
0x13d: {  	s0 =	simm.s32 $0xC800  }
0x13e: {  	[tilespmem:s0], [sflag:$0x3] =	stream.indirect_vreg.gather [hbm4b:s1+s3], $0x80, v1, vm0, $0xb8;
	[tilespmem:$0x18800] =	vst v63  }
0x13f: {  	s0 =	simm.s32 $0xD000  }
0x140: {  	[tilespmem:s0], [sflag:$0x3] =	stream.indirect_vreg.gather [hbm4b:s1+s3], $0x80, v0, vm0, $0xb8;
	[tilespmem:$0x18800] =	vst v63  }
0x141: {  	v0 =	vld [tilespmem:$0xD0];
	_ =	sdelay $0x4  }
0x142: {  	v61 =	vshll.u32 v0, $0x1  }
0x143: {  	v0 =	vand.u32 $0x7, v0;
	v1 =	vand.u32 $0xFFFFFFF0, v61  }
0x144: {  	v0 =	vor.u32 v0, v1  }
0x145: {  	v1 =	vperm.xlane v0, v7;
	_ =	sdelay $0x1  }
0x146: {  	v0 =	vperm.xlane v0, v8;
	v1 =	vadd.s32 v5, v1;
	_ =	sdelay $0x1  }
0x147: {  	v0 =	vadd.s32 v5, v0;
	_ =	sdelay $0x1  }
0x148: {  	s0 =	simm.s32 $0xD800  }
0x149: {  	[tilespmem:s0], [sflag:$0x3] =	stream.indirect_vreg.gather [hbm4b:s1+s3], $0x80, v1, vm0, $0xb8;
	[tilespmem:$0x18800] =	vst v63  }
0x14a: {  	s0 =	simm.s32 $0xE000  }
0x14b: {  	[tilespmem:s0], [sflag:$0x3] =	stream.indirect_vreg.gather [hbm4b:s1+s3], $0x80, v0, vm0, $0xb8;
	[tilespmem:$0x18800] =	vst v63  }
0x14c: {  	v0 =	vld [tilespmem:$0xE0];
	_ =	sdelay $0x4  }
0x14d: {  	v62 =	vshll.u32 v0, $0x1  }
0x14e: {  	v0 =	vand.u32 $0x7, v0;
	v1 =	vand.u32 $0xFFFFFFF0, v62  }
0x14f: {  	v0 =	vor.u32 v0, v1  }
0x150: {  	v1 =	vperm.xlane v0, v7;
	_ =	sdelay $0x1  }
0x151: {  	v0 =	vperm.xlane v0, v8;
	v1 =	vadd.s32 v5, v1;
	_ =	sdelay $0x1  }
0x152: {  	v0 =	vadd.s32 v5, v0;
	_ =	sdelay $0x1  }
0x153: {  	s0 =	simm.s32 $0xE800  }
0x154: {  	[tilespmem:s0], [sflag:$0x3] =	stream.indirect_vreg.gather [hbm4b:s1+s3], $0x80, v1, vm0, $0xb8;
	[tilespmem:$0x18800] =	vst v63  }
0x155: {  	_ = 	snop  }
0x156: {  	[tilespmem:s2], [sflag:$0x3] =	stream.indirect_vreg.gather [hbm4b:s1+s3], $0x80, v0, vm0, $0xb8;
	[tilespmem:$0x18800] =	vst v63  }
0x157: {  	v0 =	vld [tilespmem:$0xF0];
	_ =	sdelay $0x4  }
0x158: {  	v63 =	vshll.u32 v0, $0x1  }
0x159: {  	v0 =	vand.u32 $0x7, v0;
	v1 =	vand.u32 $0xFFFFFFF0, v63  }
0x15a: {  	v0 =	vor.u32 v0, v1  }
0x15b: {  	v1 =	vperm.xlane v0, v7;
	_ =	sdelay $0x1  }
0x15c: {  	v0 =	vperm.xlane v0, v8;
	v1 =	vadd.s32 v5, v1;
	_ =	sdelay $0x1  }
0x15d: {  	v0 =	vadd.s32 v5, v0;
	_ =	sdelay $0x2  }
0x15e: {  	[tilespmem:s20], [sflag:$0x3] =	stream.indirect_vreg.gather [hbm4b:s1+s3], $0x80, v1, vm0, $0xb8;
	[tilespmem:$0x18800] =	vst v63  }
0x15f: {  	_ = 	snop  }
0x160: {  	[tilespmem:s21], [sflag:$0x3] =	stream.indirect_vreg.gather [hbm4b:s1+s3], $0x80, v0, vm0, $0xb8;
	[tilespmem:$0x18800] =	vst v63  }
0x161: {  	s29 =	simm.s32 $0x0;
	s0 =	simm.s32 $0x280  }
0x162: {  	[tilespmem:s22], [sflag:$0x3] =	stream.indirect.gather [hbm4b:s4+s15], $0x80, s0, s15, $0xb8;
	[tilespmem:$0x18800] =	vst v63  }
.LBB2_2:
0x163: {  	v1 =	vld [tilespmem:s28+$0x0];
	_ =	sdelay $0x2  }
0x164: {  	v0 =	vlaneseq.u32  }
0x165: {  	v0 =	vor.u32 s29, v0  }
0x166: {  	v5 =	vshll.u32 v0, $0x7;
	v2 =	vand.u32 $0xFFFFFF80, v1  }
0x167: {  	v3 =	vand.u32 $0x7F, v1;
	v2 =	vadd.s32 v5, v2  }
0x168: {  	v3 =	vor.u32 v3, v2;
	_ =	sdelay $0x1  }
0x169: {  	v2 =	vmul.u32 $0x80, v7  }
0x16a: {  	v0 =	vshll.u32 v0, $0x8;
	v6 =	vadd.s32 $0x1, v1  }
0x16b: {  	v4 =	vand.u32 $0x7800, v0;
	v0 =	vand.u32 $0xFFFFFF80, v6;
	v7 =	vor.u32 $0x440, v2  }
0x16c: {  	v6 =	vand.u32 $0x7F, v6;
	v0 =	vadd.s32 v5, v0;
	[tilespmem:$0x1FF70] =	vst v7;
	v7 =	vor.u32 v7, v4;
	v3 =	vld.idx.msk [tilespmem:v3+s14+$0x0], $0xffff  }
0x16d: {  	v0 =	vor.u32 v6, v0;
	_ =	sdelay $0x2  }
0x16e: {  	v6 =	vadd.s32 $0x2, v1  }
0x16f: {  	[tilespmem:v7+s17+$0x0] =	vst.idx.msk $0xffff, v3;
	v7 =	vor.u32 $0x441, v2;
	v3 =	vand.u32 $0xFFFFFF80, v6  }
0x170: {  	v6 =	vand.u32 $0x7F, v6;
	v0 =	vld.idx.msk [tilespmem:v0+s14+$0x0], $0xffff;
	[tilespmem:$0x1FF80] =	vst v7;
	v7 =	vor.u32 v7, v4;
	v3 =	vadd.s32 v5, v3  }
0x171: {  	v3 =	vor.u32 v6, v3;
	_ =	sdelay $0x2  }
0x172: {  	v6 =	vadd.s32 $0x3, v1  }
0x173: {  	[tilespmem:v7+s17+$0x0] =	vst.idx.msk $0xffff, v0;
	v7 =	vor.u32 $0x442, v2;
	v0 =	vand.u32 $0xFFFFFF80, v6  }
0x174: {  	v6 =	vand.u32 $0x7F, v6;
	v3 =	vld.idx.msk [tilespmem:v3+s14+$0x0], $0xffff;
	[tilespmem:$0x1FF90] =	vst v7;
	v7 =	vor.u32 v7, v4;
	v0 =	vadd.s32 v5, v0  }
0x175: {  	v0 =	vor.u32 v6, v0;
	_ =	sdelay $0x2  }
0x176: {  	v6 =	vadd.s32 $0x4, v1  }
0x177: {  	[tilespmem:v7+s17+$0x0] =	vst.idx.msk $0xffff, v3;
	v7 =	vor.u32 $0x443, v2;
	v3 =	vand.u32 $0xFFFFFF80, v6  }
0x178: {  	v6 =	vand.u32 $0x7F, v6;
	v0 =	vld.idx.msk [tilespmem:v0+s14+$0x0], $0xffff;
	v8 =	vor.u32 v7, v4;
	v3 =	vadd.s32 v5, v3  }
0x179: {  	v3 =	vor.u32 v6, v3;
	_ =	sdelay $0x2  }
0x17a: {  	[tilespmem:$0x1FFA0] =	vst v7;
	v6 =	vadd.s32 $0x5, v1  }
0x17b: {  	v7 =	vor.u32 $0x444, v2;
	[tilespmem:v8+s17+$0x0] =	vst.idx.msk $0xffff, v0;
	v0 =	vand.u32 $0xFFFFFF80, v6  }
0x17c: {  	v9 =	vor.u32 v7, v4;
	v6 =	vand.u32 $0x7F, v6;
	v3 =	vld.idx.msk [tilespmem:v3+s14+$0x0], $0xffff;
	v0 =	vadd.s32 v5, v0  }
0x17d: {  	v0 =	vor.u32 v6, v0;
	_ =	sdelay $0x2  }
0x17e: {  	[tilespmem:$0x1FFB0] =	vst v7;
	v6 =	vadd.s32 $0x6, v1  }
0x17f: {  	v7 =	vor.u32 $0x445, v2;
	[tilespmem:v9+s17+$0x0] =	vst.idx.msk $0xffff, v3;
	v3 =	vand.u32 $0xFFFFFF80, v6  }
0x180: {  	v10 =	vor.u32 v7, v4;
	v6 =	vand.u32 $0x7F, v6;
	v0 =	vld.idx.msk [tilespmem:v0+s14+$0x0], $0xffff;
	v3 =	vadd.s32 v5, v3  }
0x181: {  	v3 =	vor.u32 v6, v3;
	_ =	sdelay $0x2  }
0x182: {  	v6 =	vadd.s32 $0x7, v1  }
0x183: {  	[tilespmem:v10+s17+$0x0] =	vst.idx.msk $0xffff, v0;
	v10 =	vor.u32 $0x446, v2;
	v0 =	vand.u32 $0xFFFFFF80, v6  }
0x184: {  	v6 =	vand.u32 $0x7F, v6;
	v3 =	vld.idx.msk [tilespmem:v3+s14+$0x0], $0xffff;
	v11 =	vor.u32 v10, v4;
	v0 =	vadd.s32 v5, v0  }
0x185: {  	v0 =	vor.u32 v6, v0;
	_ =	sdelay $0x2  }
0x186: {  	v6 =	vadd.s32 $0x8, v1  }
0x187: {  	[tilespmem:v11+s17+$0x0] =	vst.idx.msk $0xffff, v3;
	v11 =	vor.u32 $0x447, v2;
	v3 =	vand.u32 $0xFFFFFF80, v6  }
0x188: {  	v6 =	vand.u32 $0x7F, v6;
	v0 =	vld.idx.msk [tilespmem:v0+s14+$0x0], $0xffff;
	v12 =	vor.u32 v11, v4;
	v3 =	vadd.s32 v5, v3  }
0x189: {  	v3 =	vor.u32 v6, v3;
	_ =	sdelay $0x2  }
0x18a: {  	v6 =	vadd.s32 $0x9, v1  }
0x18b: {  	[tilespmem:v12+s17+$0x0] =	vst.idx.msk $0xffff, v0;
	v12 =	vor.u32 $0x448, v2;
	v0 =	vand.u32 $0xFFFFFF80, v6  }
0x18c: {  	v6 =	vand.u32 $0x7F, v6;
	v3 =	vld.idx.msk [tilespmem:v3+s14+$0x0], $0xffff;
	v13 =	vor.u32 v12, v4;
	v0 =	vadd.s32 v5, v0  }
0x18d: {  	v0 =	vor.u32 v6, v0;
	_ =	sdelay $0x2  }
0x18e: {  	v6 =	vadd.s32 $0xA, v1  }
0x18f: {  	[tilespmem:v13+s17+$0x0] =	vst.idx.msk $0xffff, v3;
	v13 =	vor.u32 $0x449, v2;
	v3 =	vand.u32 $0xFFFFFF80, v6  }
0x190: {  	v6 =	vand.u32 $0x7F, v6;
	v0 =	vld.idx.msk [tilespmem:v0+s14+$0x0], $0xffff;
	v14 =	vor.u32 v13, v4;
	v3 =	vadd.s32 v5, v3  }
0x191: {  	v3 =	vor.u32 v6, v3;
	_ =	sdelay $0x2  }
0x192: {  	v6 =	vadd.s32 $0xB, v1  }
0x193: {  	[tilespmem:v14+s17+$0x0] =	vst.idx.msk $0xffff, v0;
	v14 =	vor.u32 $0x44A, v2;
	v0 =	vand.u32 $0xFFFFFF80, v6  }
0x194: {  	v6 =	vand.u32 $0x7F, v6;
	v3 =	vld.idx.msk [tilespmem:v3+s14+$0x0], $0xffff;
	v15 =	vor.u32 v14, v4;
	v0 =	vadd.s32 v5, v0  }
0x195: {  	v0 =	vor.u32 v6, v0;
	_ =	sdelay $0x2  }
0x196: {  	v6 =	vadd.s32 $0xC, v1  }
0x197: {  	[tilespmem:v15+s17+$0x0] =	vst.idx.msk $0xffff, v3;
	v15 =	vor.u32 $0x44B, v2;
	v3 =	vand.u32 $0xFFFFFF80, v6  }
0x198: {  	v6 =	vand.u32 $0x7F, v6;
	v0 =	vld.idx.msk [tilespmem:v0+s14+$0x0], $0xffff;
	v16 =	vor.u32 v15, v4;
	v3 =	vadd.s32 v5, v3  }
0x199: {  	v3 =	vor.u32 v6, v3;
	_ =	sdelay $0x2  }
0x19a: {  	v6 =	vadd.s32 $0xD, v1  }
0x19b: {  	[tilespmem:v16+s17+$0x0] =	vst.idx.msk $0xffff, v0;
	v16 =	vor.u32 $0x44C, v2;
	v0 =	vand.u32 $0xFFFFFF80, v6  }
0x19c: {  	v6 =	vand.u32 $0x7F, v6;
	v3 =	vld.idx.msk [tilespmem:v3+s14+$0x0], $0xffff;
	v17 =	vor.u32 v16, v4;
	v0 =	vadd.s32 v5, v0  }
0x19d: {  	v0 =	vor.u32 v6, v0;
	_ =	sdelay $0x2  }
0x19e: {  	v6 =	vadd.s32 $0xE, v1  }
0x19f: {  	[tilespmem:v17+s17+$0x0] =	vst.idx.msk $0xffff, v3;
	v17 =	vor.u32 $0x44D, v2;
	v3 =	vand.u32 $0xFFFFFF80, v6  }
0x1a0: {  	v6 =	vand.u32 $0x7F, v6;
	v0 =	vld.idx.msk [tilespmem:v0+s14+$0x0], $0xffff;
	v18 =	vor.u32 v17, v4;
	v3 =	vadd.s32 v5, v3  }
0x1a1: {  	v3 =	vor.u32 v6, v3;
	_ =	sdelay $0x2  }
0x1a2: {  	v6 =	vadd.s32 $0xF, v1  }
0x1a3: {  	[tilespmem:v18+s17+$0x0] =	vst.idx.msk $0xffff, v0;
	v18 =	vor.u32 $0x44E, v2;
	v0 =	vand.u32 $0xFFFFFF80, v6  }
0x1a4: {  	v6 =	vand.u32 $0x7F, v6;
	v3 =	vld.idx.msk [tilespmem:v3+s14+$0x0], $0xffff;
	v19 =	vor.u32 v18, v4;
	v0 =	vadd.s32 v5, v0  }
0x1a5: {  	v0 =	vor.u32 v6, v0;
	_ =	sdelay $0x2  }
0x1a6: {  	v6 =	vadd.s32 $0x10, v1  }
0x1a7: {  	[tilespmem:v19+s17+$0x0] =	vst.idx.msk $0xffff, v3;
	v19 =	vor.u32 $0x44F, v2;
	v3 =	vand.u32 $0xFFFFFF80, v6  }
0x1a8: {  	v6 =	vand.u32 $0x7F, v6;
	v0 =	vld.idx.msk [tilespmem:v0+s14+$0x0], $0xffff;
	v20 =	vor.u32 v19, v4;
	v3 =	vadd.s32 v5, v3  }
0x1a9: {  	v3 =	vor.u32 v6, v3;
	_ =	sdelay $0x2  }
0x1aa: {  	v6 =	vadd.s32 $0x11, v1  }
0x1ab: {  	[tilespmem:v20+s17+$0x0] =	vst.idx.msk $0xffff, v0;
	v20 =	vor.u32 $0x450, v2;
	v0 =	vand.u32 $0xFFFFFF80, v6  }
0x1ac: {  	v6 =	vand.u32 $0x7F, v6;
	v3 =	vld.idx.msk [tilespmem:v3+s14+$0x0], $0xffff;
	v21 =	vor.u32 v20, v4;
	v0 =	vadd.s32 v5, v0  }
0x1ad: {  	v0 =	vor.u32 v6, v0;
	_ =	sdelay $0x2  }
0x1ae: {  	v6 =	vadd.s32 $0x12, v1  }
0x1af: {  	[tilespmem:v21+s17+$0x0] =	vst.idx.msk $0xffff, v3;
	v21 =	vor.u32 $0x451, v2;
	v3 =	vand.u32 $0xFFFFFF80, v6  }
0x1b0: {  	v6 =	vand.u32 $0x7F, v6;
	v0 =	vld.idx.msk [tilespmem:v0+s14+$0x0], $0xffff;
	v22 =	vor.u32 v21, v4;
	v3 =	vadd.s32 v5, v3  }
0x1b1: {  	v3 =	vor.u32 v6, v3;
	_ =	sdelay $0x2  }
0x1b2: {  	v6 =	vadd.s32 $0x13, v1  }
0x1b3: {  	[tilespmem:v22+s17+$0x0] =	vst.idx.msk $0xffff, v0;
	v22 =	vor.u32 $0x452, v2;
	v0 =	vand.u32 $0xFFFFFF80, v6  }
0x1b4: {  	v6 =	vand.u32 $0x7F, v6;
	v3 =	vld.idx.msk [tilespmem:v3+s14+$0x0], $0xffff;
	v23 =	vor.u32 v22, v4;
	v0 =	vadd.s32 v5, v0  }
0x1b5: {  	v0 =	vor.u32 v6, v0;
	_ =	sdelay $0x2  }
0x1b6: {  	v6 =	vadd.s32 $0x14, v1  }
0x1b7: {  	[tilespmem:v23+s17+$0x0] =	vst.idx.msk $0xffff, v3;
	v23 =	vor.u32 $0x453, v2;
	v3 =	vand.u32 $0xFFFFFF80, v6  }
0x1b8: {  	v6 =	vand.u32 $0x7F, v6;
	v0 =	vld.idx.msk [tilespmem:v0+s14+$0x0], $0xffff;
	v24 =	vor.u32 v23, v4;
	v3 =	vadd.s32 v5, v3  }
0x1b9: {  	v3 =	vor.u32 v6, v3;
	_ =	sdelay $0x2  }
0x1ba: {  	v6 =	vadd.s32 $0x15, v1  }
0x1bb: {  	[tilespmem:v24+s17+$0x0] =	vst.idx.msk $0xffff, v0;
	v24 =	vor.u32 $0x454, v2;
	v0 =	vand.u32 $0xFFFFFF80, v6  }
0x1bc: {  	v6 =	vand.u32 $0x7F, v6;
	v3 =	vld.idx.msk [tilespmem:v3+s14+$0x0], $0xffff;
	v25 =	vor.u32 v24, v4;
	v0 =	vadd.s32 v5, v0  }
0x1bd: {  	v0 =	vor.u32 v6, v0;
	_ =	sdelay $0x2  }
0x1be: {  	v6 =	vadd.s32 $0x16, v1  }
0x1bf: {  	[tilespmem:v25+s17+$0x0] =	vst.idx.msk $0xffff, v3;
	v25 =	vor.u32 $0x455, v2;
	v3 =	vand.u32 $0xFFFFFF80, v6  }
0x1c0: {  	v6 =	vand.u32 $0x7F, v6;
	v0 =	vld.idx.msk [tilespmem:v0+s14+$0x0], $0xffff;
	v26 =	vor.u32 v25, v4;
	v3 =	vadd.s32 v5, v3  }
0x1c1: {  	v3 =	vor.u32 v6, v3;
	_ =	sdelay $0x2  }
0x1c2: {  	v6 =	vadd.s32 $0x17, v1  }
0x1c3: {  	[tilespmem:v26+s17+$0x0] =	vst.idx.msk $0xffff, v0;
	v26 =	vor.u32 $0x456, v2;
	v0 =	vand.u32 $0xFFFFFF80, v6  }
0x1c4: {  	v6 =	vand.u32 $0x7F, v6;
	v3 =	vld.idx.msk [tilespmem:v3+s14+$0x0], $0xffff;
	v27 =	vor.u32 v26, v4;
	v0 =	vadd.s32 v5, v0  }
0x1c5: {  	v0 =	vor.u32 v6, v0;
	_ =	sdelay $0x2  }
0x1c6: {  	v6 =	vadd.s32 $0x18, v1  }
0x1c7: {  	[tilespmem:v27+s17+$0x0] =	vst.idx.msk $0xffff, v3;
	v27 =	vor.u32 $0x457, v2;
	v3 =	vand.u32 $0xFFFFFF80, v6  }
0x1c8: {  	v6 =	vand.u32 $0x7F, v6;
	v0 =	vld.idx.msk [tilespmem:v0+s14+$0x0], $0xffff;
	v28 =	vor.u32 v27, v4;
	v3 =	vadd.s32 v5, v3  }
0x1c9: {  	v3 =	vor.u32 v6, v3;
	_ =	sdelay $0x2  }
0x1ca: {  	v6 =	vadd.s32 $0x19, v1  }
0x1cb: {  	[tilespmem:v28+s17+$0x0] =	vst.idx.msk $0xffff, v0;
	v28 =	vor.u32 $0x458, v2;
	v0 =	vand.u32 $0xFFFFFF80, v6  }
0x1cc: {  	v6 =	vand.u32 $0x7F, v6;
	v3 =	vld.idx.msk [tilespmem:v3+s14+$0x0], $0xffff;
	v29 =	vor.u32 v28, v4;
	v0 =	vadd.s32 v5, v0  }
0x1cd: {  	v0 =	vor.u32 v6, v0;
	_ =	sdelay $0x2  }
0x1ce: {  	v6 =	vadd.s32 $0x1A, v1  }
0x1cf: {  	[tilespmem:v29+s17+$0x0] =	vst.idx.msk $0xffff, v3;
	v29 =	vor.u32 $0x459, v2;
	v3 =	vand.u32 $0xFFFFFF80, v6  }
0x1d0: {  	v6 =	vand.u32 $0x7F, v6;
	v0 =	vld.idx.msk [tilespmem:v0+s14+$0x0], $0xffff;
	v30 =	vor.u32 v29, v4;
	v3 =	vadd.s32 v5, v3  }
0x1d1: {  	v3 =	vor.u32 v6, v3;
	_ =	sdelay $0x2  }
0x1d2: {  	v6 =	vadd.s32 $0x1B, v1  }
0x1d3: {  	[tilespmem:v30+s17+$0x0] =	vst.idx.msk $0xffff, v0;
	v30 =	vor.u32 $0x45A, v2;
	v0 =	vand.u32 $0xFFFFFF80, v6  }
0x1d4: {  	v6 =	vand.u32 $0x7F, v6;
	v3 =	vld.idx.msk [tilespmem:v3+s14+$0x0], $0xffff;
	v31 =	vor.u32 v30, v4;
	v0 =	vadd.s32 v5, v0  }
0x1d5: {  	v0 =	vor.u32 v6, v0;
	_ =	sdelay $0x2  }
0x1d6: {  	v6 =	vadd.s32 $0x1C, v1  }
0x1d7: {  	[tilespmem:v31+s17+$0x0] =	vst.idx.msk $0xffff, v3;
	v31 =	vor.u32 $0x45B, v2;
	v3 =	vand.u32 $0xFFFFFF80, v6  }
0x1d8: {  	v6 =	vand.u32 $0x7F, v6;
	v0 =	vld.idx.msk [tilespmem:v0+s14+$0x0], $0xffff;
	v32 =	vor.u32 v31, v4;
	v3 =	vadd.s32 v5, v3  }
0x1d9: {  	v3 =	vor.u32 v6, v3;
	_ =	sdelay $0x2  }
0x1da: {  	v6 =	vadd.s32 $0x1D, v1  }
0x1db: {  	[tilespmem:v32+s17+$0x0] =	vst.idx.msk $0xffff, v0;
	v32 =	vor.u32 $0x45C, v2;
	v0 =	vand.u32 $0xFFFFFF80, v6  }
0x1dc: {  	v6 =	vand.u32 $0x7F, v6;
	v3 =	vld.idx.msk [tilespmem:v3+s14+$0x0], $0xffff;
	v33 =	vor.u32 v32, v4;
	v0 =	vadd.s32 v5, v0  }
0x1dd: {  	v0 =	vor.u32 v6, v0;
	_ =	sdelay $0x2  }
0x1de: {  	v6 =	vadd.s32 $0x1E, v1  }
0x1df: {  	[tilespmem:v33+s17+$0x0] =	vst.idx.msk $0xffff, v3;
	v33 =	vor.u32 $0x45D, v2;
	v3 =	vand.u32 $0xFFFFFF80, v6  }
0x1e0: {  	v6 =	vand.u32 $0x7F, v6;
	v0 =	vld.idx.msk [tilespmem:v0+s14+$0x0], $0xffff;
	v34 =	vor.u32 v33, v4;
	v3 =	vadd.s32 v5, v3  }
0x1e1: {  	v3 =	vor.u32 v6, v3;
	_ =	sdelay $0x2  }
0x1e2: {  	v6 =	vadd.s32 $0x1F, v1  }
0x1e3: {  	[tilespmem:v34+s17+$0x0] =	vst.idx.msk $0xffff, v0;
	v34 =	vor.u32 $0x45E, v2;
	v0 =	vand.u32 $0xFFFFFF80, v6  }
0x1e4: {  	v6 =	vand.u32 $0x7F, v6;
	v3 =	vld.idx.msk [tilespmem:v3+s14+$0x0], $0xffff;
	v35 =	vor.u32 v34, v4;
	v0 =	vadd.s32 v5, v0  }
0x1e5: {  	v0 =	vor.u32 v6, v0;
	_ =	sdelay $0x2  }
0x1e6: {  	v6 =	vadd.s32 $0x20, v1  }
0x1e7: {  	[tilespmem:v35+s17+$0x0] =	vst.idx.msk $0xffff, v3;
	v35 =	vor.u32 $0x45F, v2;
	v3 =	vand.u32 $0xFFFFFF80, v6  }
0x1e8: {  	v6 =	vand.u32 $0x7F, v6;
	v0 =	vld.idx.msk [tilespmem:v0+s14+$0x0], $0xffff;
	v36 =	vor.u32 v35, v4;
	v3 =	vadd.s32 v5, v3  }
0x1e9: {  	v3 =	vor.u32 v6, v3;
	_ =	sdelay $0x2  }
0x1ea: {  	v6 =	vadd.s32 $0x21, v1  }
0x1eb: {  	[tilespmem:v36+s17+$0x0] =	vst.idx.msk $0xffff, v0;
	v36 =	vor.u32 $0x460, v2;
	v0 =	vand.u32 $0xFFFFFF80, v6  }
0x1ec: {  	v6 =	vand.u32 $0x7F, v6;
	v3 =	vld.idx.msk [tilespmem:v3+s14+$0x0], $0xffff;
	v37 =	vor.u32 v36, v4;
	v0 =	vadd.s32 v5, v0  }
0x1ed: {  	v0 =	vor.u32 v6, v0;
	_ =	sdelay $0x2  }
0x1ee: {  	v6 =	vadd.s32 $0x22, v1  }
0x1ef: {  	[tilespmem:v37+s17+$0x0] =	vst.idx.msk $0xffff, v3;
	v37 =	vor.u32 $0x461, v2;
	v3 =	vand.u32 $0xFFFFFF80, v6  }
0x1f0: {  	v6 =	vand.u32 $0x7F, v6;
	v0 =	vld.idx.msk [tilespmem:v0+s14+$0x0], $0xffff;
	v38 =	vor.u32 v37, v4;
	v3 =	vadd.s32 v5, v3  }
0x1f1: {  	v3 =	vor.u32 v6, v3;
	_ =	sdelay $0x2  }
0x1f2: {  	v6 =	vadd.s32 $0x23, v1  }
0x1f3: {  	[tilespmem:v38+s17+$0x0] =	vst.idx.msk $0xffff, v0;
	v38 =	vor.u32 $0x462, v2;
	v0 =	vand.u32 $0xFFFFFF80, v6  }
0x1f4: {  	v6 =	vand.u32 $0x7F, v6;
	v3 =	vld.idx.msk [tilespmem:v3+s14+$0x0], $0xffff;
	v39 =	vor.u32 v38, v4;
	v0 =	vadd.s32 v5, v0  }
0x1f5: {  	v0 =	vor.u32 v6, v0;
	_ =	sdelay $0x2  }
0x1f6: {  	v6 =	vadd.s32 $0x24, v1  }
0x1f7: {  	[tilespmem:v39+s17+$0x0] =	vst.idx.msk $0xffff, v3;
	v39 =	vor.u32 $0x463, v2;
	v3 =	vand.u32 $0xFFFFFF80, v6  }
0x1f8: {  	v6 =	vand.u32 $0x7F, v6;
	v0 =	vld.idx.msk [tilespmem:v0+s14+$0x0], $0xffff;
	v40 =	vor.u32 v39, v4;
	v3 =	vadd.s32 v5, v3  }
0x1f9: {  	v3 =	vor.u32 v6, v3;
	_ =	sdelay $0x2  }
0x1fa: {  	v6 =	vadd.s32 $0x25, v1  }
0x1fb: {  	[tilespmem:v40+s17+$0x0] =	vst.idx.msk $0xffff, v0;
	v40 =	vor.u32 $0x464, v2;
	v0 =	vand.u32 $0xFFFFFF80, v6  }
0x1fc: {  	v6 =	vand.u32 $0x7F, v6;
	v3 =	vld.idx.msk [tilespmem:v3+s14+$0x0], $0xffff;
	v41 =	vor.u32 v40, v4;
	v0 =	vadd.s32 v5, v0  }
0x1fd: {  	v0 =	vor.u32 v6, v0;
	_ =	sdelay $0x2  }
0x1fe: {  	v6 =	vadd.s32 $0x26, v1  }
0x1ff: {  	[tilespmem:v41+s17+$0x0] =	vst.idx.msk $0xffff, v3;
	v41 =	vor.u32 $0x465, v2;
	v3 =	vand.u32 $0xFFFFFF80, v6  }
0x200: {  	v6 =	vand.u32 $0x7F, v6;
	v0 =	vld.idx.msk [tilespmem:v0+s14+$0x0], $0xffff;
	v42 =	vor.u32 v41, v4;
	v3 =	vadd.s32 v5, v3  }
0x201: {  	v3 =	vor.u32 v6, v3;
	_ =	sdelay $0x2  }
0x202: {  	v6 =	vadd.s32 $0x27, v1  }
0x203: {  	[tilespmem:v42+s17+$0x0] =	vst.idx.msk $0xffff, v0;
	v42 =	vor.u32 $0x466, v2;
	v0 =	vand.u32 $0xFFFFFF80, v6  }
0x204: {  	v6 =	vand.u32 $0x7F, v6;
	v3 =	vld.idx.msk [tilespmem:v3+s14+$0x0], $0xffff;
	v43 =	vor.u32 v42, v4;
	v0 =	vadd.s32 v5, v0  }
0x205: {  	v0 =	vor.u32 v6, v0;
	_ =	sdelay $0x2  }
0x206: {  	v6 =	vadd.s32 $0x28, v1  }
0x207: {  	[tilespmem:v43+s17+$0x0] =	vst.idx.msk $0xffff, v3;
	v43 =	vor.u32 $0x467, v2;
	v3 =	vand.u32 $0xFFFFFF80, v6  }
0x208: {  	v6 =	vand.u32 $0x7F, v6;
	v0 =	vld.idx.msk [tilespmem:v0+s14+$0x0], $0xffff;
	v44 =	vor.u32 v43, v4;
	v3 =	vadd.s32 v5, v3  }
0x209: {  	v3 =	vor.u32 v6, v3;
	_ =	sdelay $0x2  }
0x20a: {  	v6 =	vadd.s32 $0x29, v1  }
0x20b: {  	[tilespmem:v44+s17+$0x0] =	vst.idx.msk $0xffff, v0;
	v44 =	vor.u32 $0x468, v2;
	v0 =	vand.u32 $0xFFFFFF80, v6  }
0x20c: {  	v6 =	vand.u32 $0x7F, v6;
	v3 =	vld.idx.msk [tilespmem:v3+s14+$0x0], $0xffff;
	v45 =	vor.u32 v44, v4;
	v0 =	vadd.s32 v5, v0  }
0x20d: {  	v0 =	vor.u32 v6, v0;
	_ =	sdelay $0x2  }
0x20e: {  	v6 =	vadd.s32 $0x2A, v1  }
0x20f: {  	[tilespmem:v45+s17+$0x0] =	vst.idx.msk $0xffff, v3;
	v45 =	vor.u32 $0x469, v2;
	v3 =	vand.u32 $0xFFFFFF80, v6  }
0x210: {  	v6 =	vand.u32 $0x7F, v6;
	v0 =	vld.idx.msk [tilespmem:v0+s14+$0x0], $0xffff;
	v46 =	vor.u32 v45, v4;
	v3 =	vadd.s32 v5, v3  }
0x211: {  	v3 =	vor.u32 v6, v3;
	_ =	sdelay $0x2  }
0x212: {  	v6 =	vadd.s32 $0x2B, v1  }
0x213: {  	[tilespmem:v46+s17+$0x0] =	vst.idx.msk $0xffff, v0;
	v46 =	vor.u32 $0x46A, v2;
	v0 =	vand.u32 $0xFFFFFF80, v6  }
0x214: {  	v6 =	vand.u32 $0x7F, v6;
	v3 =	vld.idx.msk [tilespmem:v3+s14+$0x0], $0xffff;
	v47 =	vor.u32 v46, v4;
	v0 =	vadd.s32 v5, v0  }
0x215: {  	v0 =	vor.u32 v6, v0;
	_ =	sdelay $0x2  }
0x216: {  	v6 =	vadd.s32 $0x2C, v1  }
0x217: {  	[tilespmem:v47+s17+$0x0] =	vst.idx.msk $0xffff, v3;
	v47 =	vor.u32 $0x46B, v2;
	v3 =	vand.u32 $0xFFFFFF80, v6  }
0x218: {  	v6 =	vand.u32 $0x7F, v6;
	v0 =	vld.idx.msk [tilespmem:v0+s14+$0x0], $0xffff;
	v48 =	vor.u32 v47, v4;
	v3 =	vadd.s32 v5, v3  }
0x219: {  	v3 =	vor.u32 v6, v3;
	_ =	sdelay $0x2  }
0x21a: {  	v6 =	vadd.s32 $0x2D, v1  }
0x21b: {  	[tilespmem:v48+s17+$0x0] =	vst.idx.msk $0xffff, v0;
	v48 =	vor.u32 $0x46C, v2;
	v0 =	vand.u32 $0xFFFFFF80, v6  }
0x21c: {  	v6 =	vand.u32 $0x7F, v6;
	v3 =	vld.idx.msk [tilespmem:v3+s14+$0x0], $0xffff;
	v49 =	vor.u32 v48, v4;
	v0 =	vadd.s32 v5, v0  }
0x21d: {  	v0 =	vor.u32 v6, v0;
	_ =	sdelay $0x2  }
0x21e: {  	v6 =	vadd.s32 $0x2E, v1  }
0x21f: {  	[tilespmem:v49+s17+$0x0] =	vst.idx.msk $0xffff, v3;
	v49 =	vor.u32 $0x46D, v2;
	v3 =	vand.u32 $0xFFFFFF80, v6  }
0x220: {  	v6 =	vand.u32 $0x7F, v6;
	v0 =	vld.idx.msk [tilespmem:v0+s14+$0x0], $0xffff;
	v50 =	vor.u32 v49, v4;
	v3 =	vadd.s32 v5, v3  }
0x221: {  	v3 =	vor.u32 v6, v3;
	_ =	sdelay $0x2  }
0x222: {  	v6 =	vadd.s32 $0x2F, v1  }
0x223: {  	[tilespmem:v50+s17+$0x0] =	vst.idx.msk $0xffff, v0;
	v50 =	vor.u32 $0x46E, v2;
	v0 =	vand.u32 $0xFFFFFF80, v6  }
0x224: {  	v6 =	vand.u32 $0x7F, v6;
	v3 =	vld.idx.msk [tilespmem:v3+s14+$0x0], $0xffff;
	v51 =	vor.u32 v50, v4;
	v0 =	vadd.s32 v5, v0  }
0x225: {  	v0 =	vor.u32 v6, v0;
	_ =	sdelay $0x2  }
0x226: {  	v6 =	vadd.s32 $0x30, v1  }
0x227: {  	[tilespmem:v51+s17+$0x0] =	vst.idx.msk $0xffff, v3;
	v51 =	vor.u32 $0x46F, v2;
	v3 =	vand.u32 $0xFFFFFF80, v6  }
0x228: {  	v6 =	vand.u32 $0x7F, v6;
	v0 =	vld.idx.msk [tilespmem:v0+s14+$0x0], $0xffff;
	v52 =	vor.u32 v51, v4;
	v3 =	vadd.s32 v5, v3  }
0x229: {  	v3 =	vor.u32 v6, v3;
	_ =	sdelay $0x2  }
0x22a: {  	v6 =	vadd.s32 $0x31, v1  }
0x22b: {  	[tilespmem:v52+s17+$0x0] =	vst.idx.msk $0xffff, v0;
	v52 =	vor.u32 $0x470, v2;
	v0 =	vand.u32 $0xFFFFFF80, v6  }
0x22c: {  	v6 =	vand.u32 $0x7F, v6;
	v3 =	vld.idx.msk [tilespmem:v3+s14+$0x0], $0xffff;
	v53 =	vor.u32 v52, v4;
	v0 =	vadd.s32 v5, v0  }
0x22d: {  	v0 =	vor.u32 v6, v0;
	_ =	sdelay $0x2  }
0x22e: {  	v6 =	vadd.s32 $0x32, v1  }
0x22f: {  	[tilespmem:v53+s17+$0x0] =	vst.idx.msk $0xffff, v3;
	v53 =	vor.u32 $0x471, v2;
	v3 =	vand.u32 $0xFFFFFF80, v6  }
0x230: {  	v6 =	vand.u32 $0x7F, v6;
	v0 =	vld.idx.msk [tilespmem:v0+s14+$0x0], $0xffff;
	v54 =	vor.u32 v53, v4;
	v3 =	vadd.s32 v5, v3  }
0x231: {  	v3 =	vor.u32 v6, v3;
	_ =	sdelay $0x2  }
0x232: {  	v6 =	vadd.s32 $0x33, v1  }
0x233: {  	[tilespmem:v54+s17+$0x0] =	vst.idx.msk $0xffff, v0;
	v54 =	vor.u32 $0x472, v2;
	v0 =	vand.u32 $0xFFFFFF80, v6  }
0x234: {  	v6 =	vand.u32 $0x7F, v6;
	v3 =	vld.idx.msk [tilespmem:v3+s14+$0x0], $0xffff;
	v55 =	vor.u32 v54, v4;
	v0 =	vadd.s32 v5, v0  }
0x235: {  	v0 =	vor.u32 v6, v0;
	_ =	sdelay $0x2  }
0x236: {  	v6 =	vadd.s32 $0x34, v1  }
0x237: {  	[tilespmem:v55+s17+$0x0] =	vst.idx.msk $0xffff, v3;
	v55 =	vor.u32 $0x473, v2;
	v3 =	vand.u32 $0xFFFFFF80, v6  }
0x238: {  	v6 =	vand.u32 $0x7F, v6;
	v0 =	vld.idx.msk [tilespmem:v0+s14+$0x0], $0xffff;
	v56 =	vor.u32 v55, v4;
	v3 =	vadd.s32 v5, v3  }
0x239: {  	v3 =	vor.u32 v6, v3;
	_ =	sdelay $0x2  }
0x23a: {  	v6 =	vadd.s32 $0x35, v1  }
0x23b: {  	[tilespmem:v56+s17+$0x0] =	vst.idx.msk $0xffff, v0;
	v56 =	vor.u32 $0x474, v2;
	v0 =	vand.u32 $0xFFFFFF80, v6  }
0x23c: {  	v6 =	vand.u32 $0x7F, v6;
	v3 =	vld.idx.msk [tilespmem:v3+s14+$0x0], $0xffff;
	v57 =	vor.u32 v56, v4;
	v0 =	vadd.s32 v5, v0  }
0x23d: {  	v0 =	vor.u32 v6, v0;
	_ =	sdelay $0x2  }
0x23e: {  	v6 =	vadd.s32 $0x36, v1  }
0x23f: {  	[tilespmem:v57+s17+$0x0] =	vst.idx.msk $0xffff, v3;
	v57 =	vor.u32 $0x475, v2;
	v3 =	vand.u32 $0xFFFFFF80, v6  }
0x240: {  	v6 =	vand.u32 $0x7F, v6;
	v0 =	vld.idx.msk [tilespmem:v0+s14+$0x0], $0xffff;
	v58 =	vor.u32 v57, v4;
	v3 =	vadd.s32 v5, v3  }
0x241: {  	v3 =	vor.u32 v6, v3;
	_ =	sdelay $0x2  }
0x242: {  	v6 =	vadd.s32 $0x37, v1  }
0x243: {  	[tilespmem:v58+s17+$0x0] =	vst.idx.msk $0xffff, v0;
	v58 =	vor.u32 $0x476, v2;
	v0 =	vand.u32 $0xFFFFFF80, v6  }
0x244: {  	v6 =	vand.u32 $0x7F, v6;
	v3 =	vld.idx.msk [tilespmem:v3+s14+$0x0], $0xffff;
	v59 =	vor.u32 v58, v4;
	v0 =	vadd.s32 v5, v0  }
0x245: {  	v0 =	vor.u32 v6, v0;
	_ =	sdelay $0x2  }
0x246: {  	v6 =	vadd.s32 $0x38, v1  }
0x247: {  	[tilespmem:v59+s17+$0x0] =	vst.idx.msk $0xffff, v3;
	v59 =	vor.u32 $0x477, v2;
	v3 =	vand.u32 $0xFFFFFF80, v6  }
0x248: {  	v6 =	vand.u32 $0x7F, v6;
	v0 =	vld.idx.msk [tilespmem:v0+s14+$0x0], $0xffff;
	v60 =	vor.u32 v59, v4;
	v3 =	vadd.s32 v5, v3  }
0x249: {  	v3 =	vor.u32 v6, v3;
	_ =	sdelay $0x2  }
0x24a: {  	v6 =	vadd.s32 $0x39, v1  }
0x24b: {  	[tilespmem:v60+s17+$0x0] =	vst.idx.msk $0xffff, v0;
	v60 =	vor.u32 $0x478, v2;
	v0 =	vand.u32 $0xFFFFFF80, v6  }
0x24c: {  	v6 =	vand.u32 $0x7F, v6;
	v3 =	vld.idx.msk [tilespmem:v3+s14+$0x0], $0xffff;
	v0 =	vadd.s32 v5, v0;
	v61 =	vor.u32 v60, v4  }
0x24d: {  	v0 =	vor.u32 v6, v0;
	_ =	sdelay $0x2  }
0x24e: {  	v6 =	vadd.s32 $0x3A, v1  }
0x24f: {  	[tilespmem:v61+s17+$0x0] =	vst.idx.msk $0xffff, v3;
	v61 =	vor.u32 $0x479, v2;
	v3 =	vand.u32 $0xFFFFFF80, v6  }
0x250: {  	v6 =	vand.u32 $0x7F, v6;
	v0 =	vld.idx.msk [tilespmem:v0+s14+$0x0], $0xffff;
	v3 =	vadd.s32 v5, v3;
	v62 =	vor.u32 v61, v4  }
0x251: {  	v3 =	vor.u32 v6, v3;
	_ =	sdelay $0x2  }
0x252: {  	v6 =	vadd.s32 $0x3B, v1  }
0x253: {  	[tilespmem:v62+s17+$0x0] =	vst.idx.msk $0xffff, v0;
	v62 =	vor.u32 $0x47A, v2;
	v0 =	vand.u32 $0xFFFFFF80, v6  }
0x254: {  	v6 =	vand.u32 $0x7F, v6;
	v3 =	vld.idx.msk [tilespmem:v3+s14+$0x0], $0xffff;
	v0 =	vadd.s32 v5, v0;
	v63 =	vor.u32 v62, v4  }
0x255: {  	v0 =	vor.u32 v6, v0;
	_ =	sdelay $0x2  }
0x256: {  	v6 =	vadd.s32 $0x3C, v1  }
0x257: {  	[tilespmem:v63+s17+$0x0] =	vst.idx.msk $0xffff, v3;
	v63 =	vor.u32 $0x47B, v2;
	v3 =	vand.u32 $0xFFFFFF80, v6  }
0x258: {  	[tilespmem:$0x1FFC0] =	vst v7;
	v6 =	vand.u32 $0x7F, v6;
	v0 =	vld.idx.msk [tilespmem:v0+s14+$0x0], $0xffff;
	v3 =	vadd.s32 v5, v3;
	v7 =	vor.u32 v63, v4  }
0x259: {  	v6 =	vor.u32 v6, v3;
	_ =	sdelay $0x2  }
0x25a: {  	v8 =	vadd.s32 $0x3D, v1  }
0x25b: {  	v3 =	vor.u32 $0x47C, v2;
	[tilespmem:v7+s17+$0x0] =	vst.idx.msk $0xffff, v0;
	v0 =	vand.u32 $0xFFFFFF80, v8  }
0x25c: {  	v7 =	vand.u32 $0x7F, v8;
	v8 =	vor.u32 v3, v4;
	v6 =	vld.idx.msk [tilespmem:v6+s14+$0x0], $0xffff;
	v0 =	vadd.s32 v5, v0  }
0x25d: {  	v7 =	vor.u32 v7, v0;
	_ =	sdelay $0x2  }
0x25e: {  	v9 =	vadd.s32 $0x3E, v1  }
0x25f: {  	v0 =	vor.u32 $0x47D, v2;
	[tilespmem:v8+s17+$0x0] =	vst.idx.msk $0xffff, v6;
	v6 =	vand.u32 $0xFFFFFF80, v9  }
0x260: {  	v8 =	vand.u32 $0x7F, v9;
	v9 =	vor.u32 v0, v4;
	v7 =	vld.idx.msk [tilespmem:v7+s14+$0x0], $0xffff;
	v6 =	vadd.s32 v5, v6  }
0x261: {  	v6 =	vor.u32 v8, v6;
	_ =	sdelay $0x2  }
0x262: {  	v8 =	vadd.s32 $0x3F, v1  }
0x263: {  	v1 =	vor.u32 $0x47E, v2;
	[tilespmem:v9+s17+$0x0] =	vst.idx.msk $0xffff, v7;
	v7 =	vand.u32 $0xFFFFFF80, v8  }
0x264: {  	v5 =	vadd.s32 v5, v7;
	v6 =	vld.idx.msk [tilespmem:v6+s14+$0x0], $0xffff;
	v7 =	vand.u32 $0x7F, v8;
	v8 =	vor.u32 v1, v4  }
0x265: {  	v5 =	vor.u32 v7, v5;
	_ =	sdelay $0x3  }
0x266: {  	v2 =	vor.u32 $0x47F, v2;
	[tilespmem:v8+s17+$0x0] =	vst.idx.msk $0xffff, v6  }
0x267: {  	p0 =	sne.s32 s29, $0x70;
	v4 =	vor.u32 v2, v4;
	v5 =	vld.idx.msk [tilespmem:v5+s14+$0x0], $0xffff  }
.Ltmp0:
0x268: {  	_ = 	snop;
	(pc) =	sbr.rel @p0 .LBB2_2-.Ltmp0, $2  }
0x269: {  	_ =	sdelay $0x2  }
0x26a: {  	s28 =	sadd.s32 $0x10, s28;
	s29 =	sadd.s32 $0x10, s29;
	v7 =	vld [tilespmem:$0x1FFD0];
	[tilespmem:v4+s17+$0x0] =	vst.idx.msk $0xffff, v5  }
0x26b: {  	s28 =	simm.s32 $0x0  }
0x26c: {  	[hbm4b:s8+s28] =	stream.linear.scatter [tilespmem:s17], [sflag:$0x4], $0x8000, $0x38;
	[tilespmem:$0x18800] =	vst v63  }
0x26d: {  	_ =	swait.ge [sflag:s23], $0x8000  }
0x26e: {  	[sflag:s23] =	ssyncset.done $0x0  }
0x26f: {  	[sflag:s23] =	ssyncadd.s32 $0xFFFF8000  }
0x270: {  	_ =	swait.ge [sflag:s23], $0x4000  }
0x271: {  	[sflag:s23] =	ssyncset.done $0x0  }
0x272: {  	[sflag:s23] =	ssyncadd.s32 $0xFFFFC000  }
0x273: {  	_ =	swait.ge [sflag:s24], $0x8000  }
0x274: {  	[sflag:s24] =	ssyncset.done $0x0  }
0x275: {  	[sflag:s24] =	ssyncadd.s32 $0xFFFF8000  }
0x276: {  	v4 =	vld [tilespmem:$0x100];
	_ =	sdelay $0x3  }
0x277: {  	v6 =	vld [tilespmem:$0x1FFE0]  }
0x278: {  	v8 =	vld [tilespmem:$0x1FFF0];
	v5 =	vshll.u32 v4, $0x1  }
0x279: {  	v4 =	vand.u32 $0x7, v4;
	v5 =	vand.u32 $0xFFFFFFF0, v5  }
0x27a: {  	v4 =	vor.u32 v4, v5  }
0x27b: {  	v5 =	vperm.xlane v4, v7;
	_ =	sdelay $0x1  }
0x27c: {  	v4 =	vperm.xlane v4, v8;
	v5 =	vadd.s32 v6, v5;
	_ =	sdelay $0x1  }
0x27d: {  	v4 =	vadd.s32 v6, v4;
	_ =	sdelay $0x2  }
0x27e: {  	[tilespmem:s17], [sflag:$0x2] =	stream.indirect_vreg.gather [hbm4b:s1+s28], $0x80, v5, vm0, $0xb8;
	[tilespmem:$0x18800] =	vst v63  }
0x27f: {  	s29 =	simm.s32 $0x1000  }
0x280: {  	[tilespmem:s29], [sflag:$0x2] =	stream.indirect_vreg.gather [hbm4b:s1+s28], $0x80, v4, vm0, $0xb8;
	[tilespmem:$0x18800] =	vst v63  }
0x281: {  	v4 =	vld [tilespmem:$0x110];
	_ =	sdelay $0x4  }
0x282: {  	v5 =	vshll.u32 v4, $0x1  }
0x283: {  	v4 =	vand.u32 $0x7, v4;
	v5 =	vand.u32 $0xFFFFFFF0, v5  }
0x284: {  	v4 =	vor.u32 v4, v5  }
0x285: {  	v5 =	vperm.xlane v4, v7;
	_ =	sdelay $0x1  }
0x286: {  	v4 =	vperm.xlane v4, v8;
	v5 =	vadd.s32 v6, v5;
	_ =	sdelay $0x1  }
0x287: {  	v4 =	vadd.s32 v6, v4;
	_ =	sdelay $0x2  }
0x288: {  	[tilespmem:s30], [sflag:$0x2] =	stream.indirect_vreg.gather [hbm4b:s1+s28], $0x80, v5, vm0, $0xb8;
	[tilespmem:$0x18800] =	vst v63  }
0x289: {  	s29 =	simm.s32 $0x2000  }
0x28a: {  	[tilespmem:s29], [sflag:$0x2] =	stream.indirect_vreg.gather [hbm4b:s1+s28], $0x80, v4, vm0, $0xb8;
	[tilespmem:$0x18800] =	vst v63  }
0x28b: {  	v4 =	vld [tilespmem:$0x120];
	_ =	sdelay $0x4  }
0x28c: {  	v5 =	vshll.u32 v4, $0x1  }
0x28d: {  	v4 =	vand.u32 $0x7, v4;
	v5 =	vand.u32 $0xFFFFFFF0, v5  }
0x28e: {  	v4 =	vor.u32 v4, v5  }
0x28f: {  	v5 =	vperm.xlane v4, v7;
	_ =	sdelay $0x1  }
0x290: {  	v4 =	vperm.xlane v4, v8;
	v5 =	vadd.s32 v6, v5;
	_ =	sdelay $0x1  }
0x291: {  	v4 =	vadd.s32 v6, v4;
	_ =	sdelay $0x2  }
0x292: {  	[tilespmem:s31], [sflag:$0x2] =	stream.indirect_vreg.gather [hbm4b:s1+s28], $0x80, v5, vm0, $0xb8;
	[tilespmem:$0x18800] =	vst v63  }
0x293: {  	s0 =	simm.s32 $0x3000  }
0x294: {  	[tilespmem:s0], [sflag:$0x2] =	stream.indirect_vreg.gather [hbm4b:s1+s28], $0x80, v4, vm0, $0xb8;
	[tilespmem:$0x18800] =	vst v63  }
0x295: {  	v4 =	vld [tilespmem:$0x130];
	_ =	sdelay $0x4  }
0x296: {  	v5 =	vshll.u32 v4, $0x1  }
0x297: {  	v4 =	vand.u32 $0x7, v4;
	v5 =	vand.u32 $0xFFFFFFF0, v5  }
0x298: {  	v4 =	vor.u32 v4, v5  }
0x299: {  	v5 =	vperm.xlane v4, v7;
	_ =	sdelay $0x1  }
0x29a: {  	v4 =	vperm.xlane v4, v8;
	v5 =	vadd.s32 v6, v5;
	_ =	sdelay $0x1  }
0x29b: {  	v4 =	vadd.s32 v6, v4;
	_ =	sdelay $0x1  }
0x29c: {  	s31 =	simm.s32 $0x3800  }
0x29d: {  	[tilespmem:s31], [sflag:$0x2] =	stream.indirect_vreg.gather [hbm4b:s1+s28], $0x80, v5, vm0, $0xb8;
	[tilespmem:$0x18800] =	vst v63  }
0x29e: {  	s30 =	simm.s32 $0x4000  }
0x29f: {  	[tilespmem:s30], [sflag:$0x2] =	stream.indirect_vreg.gather [hbm4b:s1+s28], $0x80, v4, vm0, $0xb8;
	[tilespmem:$0x18800] =	vst v63  }
0x2a0: {  	v4 =	vld [tilespmem:$0x140];
	_ =	sdelay $0x4  }
0x2a1: {  	v5 =	vshll.u32 v4, $0x1  }
0x2a2: {  	v4 =	vand.u32 $0x7, v4;
	v5 =	vand.u32 $0xFFFFFFF0, v5  }
0x2a3: {  	v4 =	vor.u32 v4, v5  }
0x2a4: {  	v5 =	vperm.xlane v4, v7;
	_ =	sdelay $0x1  }
0x2a5: {  	v4 =	vperm.xlane v4, v8;
	v5 =	vadd.s32 v6, v5;
	_ =	sdelay $0x1  }
0x2a6: {  	v4 =	vadd.s32 v6, v4;
	_ =	sdelay $0x1  }
0x2a7: {  	s31 =	simm.s32 $0x4800  }
0x2a8: {  	[tilespmem:s31], [sflag:$0x2] =	stream.indirect_vreg.gather [hbm4b:s1+s28], $0x80, v5, vm0, $0xb8;
	[tilespmem:$0x18800] =	vst v63  }
0x2a9: {  	s30 =	simm.s32 $0x5000  }
0x2aa: {  	[tilespmem:s30], [sflag:$0x2] =	stream.indirect_vreg.gather [hbm4b:s1+s28], $0x80, v4, vm0, $0xb8;
	[tilespmem:$0x18800] =	vst v63  }
0x2ab: {  	v4 =	vld [tilespmem:$0x150];
	_ =	sdelay $0x4  }
0x2ac: {  	v5 =	vshll.u32 v4, $0x1  }
0x2ad: {  	v4 =	vand.u32 $0x7, v4;
	v5 =	vand.u32 $0xFFFFFFF0, v5  }
0x2ae: {  	v4 =	vor.u32 v4, v5  }
0x2af: {  	v5 =	vperm.xlane v4, v7;
	_ =	sdelay $0x1  }
0x2b0: {  	v4 =	vperm.xlane v4, v8;
	v5 =	vadd.s32 v6, v5;
	_ =	sdelay $0x1  }
0x2b1: {  	v4 =	vadd.s32 v6, v4;
	_ =	sdelay $0x1  }
0x2b2: {  	s31 =	simm.s32 $0x5800  }
0x2b3: {  	[tilespmem:s31], [sflag:$0x2] =	stream.indirect_vreg.gather [hbm4b:s1+s28], $0x80, v5, vm0, $0xb8;
	[tilespmem:$0x18800] =	vst v63  }
0x2b4: {  	s30 =	simm.s32 $0x6000  }
0x2b5: {  	[tilespmem:s30], [sflag:$0x2] =	stream.indirect_vreg.gather [hbm4b:s1+s28], $0x80, v4, vm0, $0xb8;
	[tilespmem:$0x18800] =	vst v63  }
0x2b6: {  	v4 =	vld [tilespmem:$0x160];
	_ =	sdelay $0x4  }
0x2b7: {  	v5 =	vshll.u32 v4, $0x1  }
0x2b8: {  	v4 =	vand.u32 $0x7, v4;
	v5 =	vand.u32 $0xFFFFFFF0, v5  }
0x2b9: {  	v4 =	vor.u32 v4, v5  }
0x2ba: {  	v5 =	vperm.xlane v4, v7;
	_ =	sdelay $0x1  }
0x2bb: {  	v4 =	vperm.xlane v4, v8;
	v5 =	vadd.s32 v6, v5;
	_ =	sdelay $0x1  }
0x2bc: {  	v4 =	vadd.s32 v6, v4;
	_ =	sdelay $0x1  }
0x2bd: {  	s31 =	simm.s32 $0x6800  }
0x2be: {  	[tilespmem:s31], [sflag:$0x2] =	stream.indirect_vreg.gather [hbm4b:s1+s28], $0x80, v5, vm0, $0xb8;
	[tilespmem:$0x18800] =	vst v63  }
0x2bf: {  	s30 =	simm.s32 $0x7000  }
0x2c0: {  	[tilespmem:s30], [sflag:$0x2] =	stream.indirect_vreg.gather [hbm4b:s1+s28], $0x80, v4, vm0, $0xb8;
	[tilespmem:$0x18800] =	vst v63  }
0x2c1: {  	v4 =	vld [tilespmem:$0x170];
	_ =	sdelay $0x4  }
0x2c2: {  	v5 =	vshll.u32 v4, $0x1  }
0x2c3: {  	v4 =	vand.u32 $0x7, v4;
	v5 =	vand.u32 $0xFFFFFFF0, v5  }
0x2c4: {  	v4 =	vor.u32 v4, v5  }
0x2c5: {  	v5 =	vperm.xlane v4, v7;
	_ =	sdelay $0x1  }
0x2c6: {  	v4 =	vperm.xlane v4, v8;
	v5 =	vadd.s32 v6, v5;
	_ =	sdelay $0x1  }
0x2c7: {  	v4 =	vadd.s32 v6, v4;
	_ =	sdelay $0x1  }
0x2c8: {  	s31 =	simm.s32 $0x7800  }
0x2c9: {  	[tilespmem:s31], [sflag:$0x2] =	stream.indirect_vreg.gather [hbm4b:s1+s28], $0x80, v5, vm0, $0xb8;
	[tilespmem:$0x18800] =	vst v63  }
0x2ca: {  	s30 =	simm.s32 $0x8000  }
0x2cb: {  	[tilespmem:s30], [sflag:$0x2] =	stream.indirect_vreg.gather [hbm4b:s1+s28], $0x80, v4, vm0, $0xb8;
	[tilespmem:$0x18800] =	vst v63  }
0x2cc: {  	[tilespmem:$0x1FF60] =	vst v10;
	s29 =	simm.s32 $0x680;
	s31 =	simm.s32 $0x300  }
0x2cd: {  	[tilespmem:s14], [sflag:$0x2] =	stream.indirect.gather [hbm4b:s4+s15], $0x80, s31, s15, $0xb8;
	[tilespmem:$0x18800] =	vst v63  }
.LBB2_4:
0x2ce: {  	v6 =	vld [tilespmem:s29+$0x0];
	_ =	sdelay $0x2  }
0x2cf: {  	v4 =	vlaneseq.u32  }
0x2d0: {  	v5 =	vor.u32 s28, v4  }
0x2d1: {  	v4 =	vshll.u32 v5, $0x7;
	v7 =	vand.u32 $0xFFFFFF80, v6  }
0x2d2: {  	v8 =	vand.u32 $0x7F, v6;
	v7 =	vadd.s32 v4, v7  }
0x2d3: {  	v10 =	vld [tilespmem:$0x1FF70];
	v7 =	vor.u32 v8, v7;
	_ =	sdelay $0x2  }
0x2d4: {  	v5 =	vshll.u32 v5, $0x8  }
0x2d5: {  	v5 =	vand.u32 $0x7800, v5  }
0x2d6: {  	v10 =	vor.u32 v10, v5;
	v7 =	vld.idx.msk [tilespmem:v7+s22+$0x0], $0xffff;
	_ =	sdelay $0x1  }
0x2d7: {  	v8 =	vadd.s32 $0x1, v6  }
0x2d8: {  	v9 =	vand.u32 $0xFFFFFF80, v8  }
0x2d9: {  	v8 =	vand.u32 $0x7F, v8;
	v9 =	vadd.s32 v4, v9  }
0x2da: {  	v8 =	vor.u32 v8, v9;
	[tilespmem:v10+s19+$0x0] =	vst.idx.msk $0xffff, v7;
	v10 =	vld [tilespmem:$0x1FF80];
	_ =	sdelay $0x4  }
0x2db: {  	v8 =	vld.idx.msk [tilespmem:v8+s22+$0x0], $0xffff;
	v10 =	vor.u32 v10, v5;
	_ =	sdelay $0x1  }
0x2dc: {  	v9 =	vadd.s32 $0x2, v6  }
0x2dd: {  	v7 =	vand.u32 $0xFFFFFF80, v9  }
0x2de: {  	v9 =	vand.u32 $0x7F, v9;
	v7 =	vadd.s32 v4, v7  }
0x2df: {  	v7 =	vor.u32 v9, v7;
	[tilespmem:v10+s19+$0x0] =	vst.idx.msk $0xffff, v8;
	v10 =	vld [tilespmem:$0x1FF90];
	_ =	sdelay $0x4  }
0x2e0: {  	v7 =	vld.idx.msk [tilespmem:v7+s22+$0x0], $0xffff;
	v10 =	vor.u32 v10, v5;
	_ =	sdelay $0x1  }
0x2e1: {  	v9 =	vadd.s32 $0x3, v6  }
0x2e2: {  	v8 =	vand.u32 $0xFFFFFF80, v9  }
0x2e3: {  	v9 =	vand.u32 $0x7F, v9;
	v8 =	vadd.s32 v4, v8  }
0x2e4: {  	v8 =	vor.u32 v9, v8;
	[tilespmem:v10+s19+$0x0] =	vst.idx.msk $0xffff, v7;
	v10 =	vld [tilespmem:$0x1FFA0];
	_ =	sdelay $0x4  }
0x2e5: {  	v8 =	vld.idx.msk [tilespmem:v8+s22+$0x0], $0xffff;
	v10 =	vor.u32 v10, v5;
	_ =	sdelay $0x1  }
0x2e6: {  	v9 =	vadd.s32 $0x4, v6  }
0x2e7: {  	v7 =	vand.u32 $0xFFFFFF80, v9  }
0x2e8: {  	v9 =	vand.u32 $0x7F, v9;
	v7 =	vadd.s32 v4, v7  }
0x2e9: {  	v7 =	vor.u32 v9, v7;
	[tilespmem:v10+s19+$0x0] =	vst.idx.msk $0xffff, v8;
	v10 =	vld [tilespmem:$0x1FFB0];
	_ =	sdelay $0x4  }
0x2ea: {  	v7 =	vld.idx.msk [tilespmem:v7+s22+$0x0], $0xffff;
	v10 =	vor.u32 v10, v5;
	_ =	sdelay $0x1  }
0x2eb: {  	v9 =	vadd.s32 $0x5, v6  }
0x2ec: {  	v8 =	vand.u32 $0xFFFFFF80, v9  }
0x2ed: {  	v9 =	vand.u32 $0x7F, v9;
	v8 =	vadd.s32 v4, v8  }
0x2ee: {  	v8 =	vor.u32 v9, v8;
	[tilespmem:v10+s19+$0x0] =	vst.idx.msk $0xffff, v7;
	v10 =	vld [tilespmem:$0x1FFC0];
	_ =	sdelay $0x4  }
0x2ef: {  	v8 =	vld.idx.msk [tilespmem:v8+s22+$0x0], $0xffff;
	v10 =	vor.u32 v10, v5;
	_ =	sdelay $0x1  }
0x2f0: {  	v9 =	vadd.s32 $0x6, v6  }
0x2f1: {  	v7 =	vand.u32 $0xFFFFFF80, v9  }
0x2f2: {  	v9 =	vand.u32 $0x7F, v9;
	v7 =	vadd.s32 v4, v7  }
0x2f3: {  	v7 =	vor.u32 v9, v7;
	[tilespmem:v10+s19+$0x0] =	vst.idx.msk $0xffff, v8;
	v10 =	vld [tilespmem:$0x1FF60];
	_ =	sdelay $0x2  }
0x2f4: {  	v9 =	vadd.s32 $0x7, v6  }
0x2f5: {  	v8 =	vand.u32 $0xFFFFFF80, v9  }
0x2f6: {  	v9 =	vand.u32 $0x7F, v9;
	v7 =	vld.idx.msk [tilespmem:v7+s22+$0x0], $0xffff;
	v8 =	vadd.s32 v4, v8;
	v10 =	vor.u32 v10, v5  }
0x2f7: {  	v8 =	vor.u32 v9, v8;
	_ =	sdelay $0x2  }
0x2f8: {  	v9 =	vadd.s32 $0x8, v6  }
0x2f9: {  	[tilespmem:v10+s19+$0x0] =	vst.idx.msk $0xffff, v7;
	v7 =	vand.u32 $0xFFFFFF80, v9  }
0x2fa: {  	v10 =	vor.u32 v11, v5;
	v9 =	vand.u32 $0x7F, v9;
	v8 =	vld.idx.msk [tilespmem:v8+s22+$0x0], $0xffff;
	v7 =	vadd.s32 v4, v7  }
0x2fb: {  	v7 =	vor.u32 v9, v7;
	_ =	sdelay $0x2  }
0x2fc: {  	v9 =	vadd.s32 $0x9, v6  }
0x2fd: {  	[tilespmem:v10+s19+$0x0] =	vst.idx.msk $0xffff, v8;
	v8 =	vand.u32 $0xFFFFFF80, v9  }
0x2fe: {  	v10 =	vor.u32 v12, v5;
	v9 =	vand.u32 $0x7F, v9;
	v7 =	vld.idx.msk [tilespmem:v7+s22+$0x0], $0xffff;
	v8 =	vadd.s32 v4, v8  }
0x2ff: {  	v8 =	vor.u32 v9, v8;
	_ =	sdelay $0x2  }
0x300: {  	v9 =	vadd.s32 $0xA, v6  }
0x301: {  	[tilespmem:v10+s19+$0x0] =	vst.idx.msk $0xffff, v7;
	v7 =	vand.u32 $0xFFFFFF80, v9  }
0x302: {  	v10 =	vor.u32 v13, v5;
	v9 =	vand.u32 $0x7F, v9;
	v8 =	vld.idx.msk [tilespmem:v8+s22+$0x0], $0xffff;
	v7 =	vadd.s32 v4, v7  }
0x303: {  	v7 =	vor.u32 v9, v7;
	_ =	sdelay $0x2  }
0x304: {  	v9 =	vadd.s32 $0xB, v6  }
0x305: {  	[tilespmem:v10+s19+$0x0] =	vst.idx.msk $0xffff, v8;
	v8 =	vand.u32 $0xFFFFFF80, v9  }
0x306: {  	v10 =	vor.u32 v14, v5;
	v9 =	vand.u32 $0x7F, v9;
	v7 =	vld.idx.msk [tilespmem:v7+s22+$0x0], $0xffff;
	v8 =	vadd.s32 v4, v8  }
0x307: {  	v8 =	vor.u32 v9, v8;
	_ =	sdelay $0x2  }
0x308: {  	v9 =	vadd.s32 $0xC, v6  }
0x309: {  	[tilespmem:v10+s19+$0x0] =	vst.idx.msk $0xffff, v7;
	v7 =	vand.u32 $0xFFFFFF80, v9  }
0x30a: {  	v10 =	vor.u32 v15, v5;
	v9 =	vand.u32 $0x7F, v9;
	v8 =	vld.idx.msk [tilespmem:v8+s22+$0x0], $0xffff;
	v7 =	vadd.s32 v4, v7  }
0x30b: {  	v7 =	vor.u32 v9, v7;
	_ =	sdelay $0x2  }
0x30c: {  	v9 =	vadd.s32 $0xD, v6  }
0x30d: {  	[tilespmem:v10+s19+$0x0] =	vst.idx.msk $0xffff, v8;
	v8 =	vand.u32 $0xFFFFFF80, v9  }
0x30e: {  	v10 =	vor.u32 v16, v5;
	v9 =	vand.u32 $0x7F, v9;
	v7 =	vld.idx.msk [tilespmem:v7+s22+$0x0], $0xffff;
	v8 =	vadd.s32 v4, v8  }
0x30f: {  	v8 =	vor.u32 v9, v8;
	_ =	sdelay $0x2  }
0x310: {  	v9 =	vadd.s32 $0xE, v6  }
0x311: {  	[tilespmem:v10+s19+$0x0] =	vst.idx.msk $0xffff, v7;
	v7 =	vand.u32 $0xFFFFFF80, v9  }
0x312: {  	v10 =	vor.u32 v17, v5;
	v9 =	vand.u32 $0x7F, v9;
	v8 =	vld.idx.msk [tilespmem:v8+s22+$0x0], $0xffff;
	v7 =	vadd.s32 v4, v7  }
0x313: {  	v7 =	vor.u32 v9, v7;
	_ =	sdelay $0x2  }
0x314: {  	v9 =	vadd.s32 $0xF, v6  }
0x315: {  	[tilespmem:v10+s19+$0x0] =	vst.idx.msk $0xffff, v8;
	v8 =	vand.u32 $0xFFFFFF80, v9  }
0x316: {  	v10 =	vor.u32 v18, v5;
	v9 =	vand.u32 $0x7F, v9;
	v7 =	vld.idx.msk [tilespmem:v7+s22+$0x0], $0xffff;
	v8 =	vadd.s32 v4, v8  }
0x317: {  	v8 =	vor.u32 v9, v8;
	_ =	sdelay $0x2  }
0x318: {  	v9 =	vadd.s32 $0x10, v6  }
0x319: {  	[tilespmem:v10+s19+$0x0] =	vst.idx.msk $0xffff, v7;
	v7 =	vand.u32 $0xFFFFFF80, v9  }
0x31a: {  	v10 =	vor.u32 v19, v5;
	v9 =	vand.u32 $0x7F, v9;
	v8 =	vld.idx.msk [tilespmem:v8+s22+$0x0], $0xffff;
	v7 =	vadd.s32 v4, v7  }
0x31b: {  	v7 =	vor.u32 v9, v7;
	_ =	sdelay $0x2  }
0x31c: {  	v9 =	vadd.s32 $0x11, v6  }
0x31d: {  	[tilespmem:v10+s19+$0x0] =	vst.idx.msk $0xffff, v8;
	v8 =	vand.u32 $0xFFFFFF80, v9  }
0x31e: {  	v10 =	vor.u32 v20, v5;
	v9 =	vand.u32 $0x7F, v9;
	v7 =	vld.idx.msk [tilespmem:v7+s22+$0x0], $0xffff;
	v8 =	vadd.s32 v4, v8  }
0x31f: {  	v8 =	vor.u32 v9, v8;
	_ =	sdelay $0x2  }
0x320: {  	v9 =	vadd.s32 $0x12, v6  }
0x321: {  	[tilespmem:v10+s19+$0x0] =	vst.idx.msk $0xffff, v7;
	v7 =	vand.u32 $0xFFFFFF80, v9  }
0x322: {  	v10 =	vor.u32 v21, v5;
	v9 =	vand.u32 $0x7F, v9;
	v8 =	vld.idx.msk [tilespmem:v8+s22+$0x0], $0xffff;
	v7 =	vadd.s32 v4, v7  }
0x323: {  	v7 =	vor.u32 v9, v7;
	_ =	sdelay $0x2  }
0x324: {  	v9 =	vadd.s32 $0x13, v6  }
0x325: {  	[tilespmem:v10+s19+$0x0] =	vst.idx.msk $0xffff, v8;
	v8 =	vand.u32 $0xFFFFFF80, v9  }
0x326: {  	v10 =	vor.u32 v22, v5;
	v9 =	vand.u32 $0x7F, v9;
	v7 =	vld.idx.msk [tilespmem:v7+s22+$0x0], $0xffff;
	v8 =	vadd.s32 v4, v8  }
0x327: {  	v8 =	vor.u32 v9, v8;
	_ =	sdelay $0x2  }
0x328: {  	v9 =	vadd.s32 $0x14, v6  }
0x329: {  	[tilespmem:v10+s19+$0x0] =	vst.idx.msk $0xffff, v7;
	v7 =	vand.u32 $0xFFFFFF80, v9  }
0x32a: {  	v10 =	vor.u32 v23, v5;
	v9 =	vand.u32 $0x7F, v9;
	v8 =	vld.idx.msk [tilespmem:v8+s22+$0x0], $0xffff;
	v7 =	vadd.s32 v4, v7  }
0x32b: {  	v7 =	vor.u32 v9, v7;
	_ =	sdelay $0x2  }
0x32c: {  	v9 =	vadd.s32 $0x15, v6  }
0x32d: {  	[tilespmem:v10+s19+$0x0] =	vst.idx.msk $0xffff, v8;
	v8 =	vand.u32 $0xFFFFFF80, v9  }
0x32e: {  	v10 =	vor.u32 v24, v5;
	v9 =	vand.u32 $0x7F, v9;
	v7 =	vld.idx.msk [tilespmem:v7+s22+$0x0], $0xffff;
	v8 =	vadd.s32 v4, v8  }
0x32f: {  	v8 =	vor.u32 v9, v8;
	_ =	sdelay $0x2  }
0x330: {  	v9 =	vadd.s32 $0x16, v6  }
0x331: {  	[tilespmem:v10+s19+$0x0] =	vst.idx.msk $0xffff, v7;
	v7 =	vand.u32 $0xFFFFFF80, v9  }
0x332: {  	v10 =	vor.u32 v25, v5;
	v9 =	vand.u32 $0x7F, v9;
	v8 =	vld.idx.msk [tilespmem:v8+s22+$0x0], $0xffff;
	v7 =	vadd.s32 v4, v7  }
0x333: {  	v7 =	vor.u32 v9, v7;
	_ =	sdelay $0x2  }
0x334: {  	v9 =	vadd.s32 $0x17, v6  }
0x335: {  	[tilespmem:v10+s19+$0x0] =	vst.idx.msk $0xffff, v8;
	v8 =	vand.u32 $0xFFFFFF80, v9  }
0x336: {  	v10 =	vor.u32 v26, v5;
	v9 =	vand.u32 $0x7F, v9;
	v7 =	vld.idx.msk [tilespmem:v7+s22+$0x0], $0xffff;
	v8 =	vadd.s32 v4, v8  }
0x337: {  	v8 =	vor.u32 v9, v8;
	_ =	sdelay $0x2  }
0x338: {  	v9 =	vadd.s32 $0x18, v6  }
0x339: {  	[tilespmem:v10+s19+$0x0] =	vst.idx.msk $0xffff, v7;
	v7 =	vand.u32 $0xFFFFFF80, v9  }
0x33a: {  	v10 =	vor.u32 v27, v5;
	v9 =	vand.u32 $0x7F, v9;
	v8 =	vld.idx.msk [tilespmem:v8+s22+$0x0], $0xffff;
	v7 =	vadd.s32 v4, v7  }
0x33b: {  	v7 =	vor.u32 v9, v7;
	_ =	sdelay $0x2  }
0x33c: {  	v9 =	vadd.s32 $0x19, v6  }
0x33d: {  	[tilespmem:v10+s19+$0x0] =	vst.idx.msk $0xffff, v8;
	v8 =	vand.u32 $0xFFFFFF80, v9  }
0x33e: {  	v10 =	vor.u32 v28, v5;
	v9 =	vand.u32 $0x7F, v9;
	v7 =	vld.idx.msk [tilespmem:v7+s22+$0x0], $0xffff;
	v8 =	vadd.s32 v4, v8  }
0x33f: {  	v8 =	vor.u32 v9, v8;
	_ =	sdelay $0x2  }
0x340: {  	v9 =	vadd.s32 $0x1A, v6  }
0x341: {  	[tilespmem:v10+s19+$0x0] =	vst.idx.msk $0xffff, v7;
	v7 =	vand.u32 $0xFFFFFF80, v9  }
0x342: {  	v10 =	vor.u32 v29, v5;
	v9 =	vand.u32 $0x7F, v9;
	v8 =	vld.idx.msk [tilespmem:v8+s22+$0x0], $0xffff;
	v7 =	vadd.s32 v4, v7  }
0x343: {  	v7 =	vor.u32 v9, v7;
	_ =	sdelay $0x2  }
0x344: {  	v9 =	vadd.s32 $0x1B, v6  }
0x345: {  	[tilespmem:v10+s19+$0x0] =	vst.idx.msk $0xffff, v8;
	v8 =	vand.u32 $0xFFFFFF80, v9  }
0x346: {  	v10 =	vor.u32 v30, v5;
	v9 =	vand.u32 $0x7F, v9;
	v7 =	vld.idx.msk [tilespmem:v7+s22+$0x0], $0xffff;
	v8 =	vadd.s32 v4, v8  }
0x347: {  	v8 =	vor.u32 v9, v8;
	_ =	sdelay $0x2  }
0x348: {  	v9 =	vadd.s32 $0x1C, v6  }
0x349: {  	[tilespmem:v10+s19+$0x0] =	vst.idx.msk $0xffff, v7;
	v7 =	vand.u32 $0xFFFFFF80, v9  }
0x34a: {  	v10 =	vor.u32 v31, v5;
	v9 =	vand.u32 $0x7F, v9;
	v8 =	vld.idx.msk [tilespmem:v8+s22+$0x0], $0xffff;
	v7 =	vadd.s32 v4, v7  }
0x34b: {  	v7 =	vor.u32 v9, v7;
	_ =	sdelay $0x2  }
0x34c: {  	v9 =	vadd.s32 $0x1D, v6  }
0x34d: {  	[tilespmem:v10+s19+$0x0] =	vst.idx.msk $0xffff, v8;
	v8 =	vand.u32 $0xFFFFFF80, v9  }
0x34e: {  	v10 =	vor.u32 v32, v5;
	v9 =	vand.u32 $0x7F, v9;
	v7 =	vld.idx.msk [tilespmem:v7+s22+$0x0], $0xffff;
	v8 =	vadd.s32 v4, v8  }
0x34f: {  	v8 =	vor.u32 v9, v8;
	_ =	sdelay $0x2  }
0x350: {  	v9 =	vadd.s32 $0x1E, v6  }
0x351: {  	[tilespmem:v10+s19+$0x0] =	vst.idx.msk $0xffff, v7;
	v7 =	vand.u32 $0xFFFFFF80, v9  }
0x352: {  	v10 =	vor.u32 v33, v5;
	v9 =	vand.u32 $0x7F, v9;
	v8 =	vld.idx.msk [tilespmem:v8+s22+$0x0], $0xffff;
	v7 =	vadd.s32 v4, v7  }
0x353: {  	v7 =	vor.u32 v9, v7;
	_ =	sdelay $0x2  }
0x354: {  	v9 =	vadd.s32 $0x1F, v6  }
0x355: {  	[tilespmem:v10+s19+$0x0] =	vst.idx.msk $0xffff, v8;
	v8 =	vand.u32 $0xFFFFFF80, v9  }
0x356: {  	v10 =	vor.u32 v34, v5;
	v9 =	vand.u32 $0x7F, v9;
	v7 =	vld.idx.msk [tilespmem:v7+s22+$0x0], $0xffff;
	v8 =	vadd.s32 v4, v8  }
0x357: {  	v8 =	vor.u32 v9, v8;
	_ =	sdelay $0x2  }
0x358: {  	v9 =	vadd.s32 $0x20, v6  }
0x359: {  	[tilespmem:v10+s19+$0x0] =	vst.idx.msk $0xffff, v7;
	v7 =	vand.u32 $0xFFFFFF80, v9  }
0x35a: {  	v10 =	vor.u32 v35, v5;
	v9 =	vand.u32 $0x7F, v9;
	v8 =	vld.idx.msk [tilespmem:v8+s22+$0x0], $0xffff;
	v7 =	vadd.s32 v4, v7  }
0x35b: {  	v7 =	vor.u32 v9, v7;
	_ =	sdelay $0x2  }
0x35c: {  	v9 =	vadd.s32 $0x21, v6  }
0x35d: {  	[tilespmem:v10+s19+$0x0] =	vst.idx.msk $0xffff, v8;
	v8 =	vand.u32 $0xFFFFFF80, v9  }
0x35e: {  	v10 =	vor.u32 v36, v5;
	v9 =	vand.u32 $0x7F, v9;
	v7 =	vld.idx.msk [tilespmem:v7+s22+$0x0], $0xffff;
	v8 =	vadd.s32 v4, v8  }
0x35f: {  	v8 =	vor.u32 v9, v8;
	_ =	sdelay $0x2  }
0x360: {  	v9 =	vadd.s32 $0x22, v6  }
0x361: {  	[tilespmem:v10+s19+$0x0] =	vst.idx.msk $0xffff, v7;
	v7 =	vand.u32 $0xFFFFFF80, v9  }
0x362: {  	v10 =	vor.u32 v37, v5;
	v9 =	vand.u32 $0x7F, v9;
	v8 =	vld.idx.msk [tilespmem:v8+s22+$0x0], $0xffff;
	v7 =	vadd.s32 v4, v7  }
0x363: {  	v7 =	vor.u32 v9, v7;
	_ =	sdelay $0x2  }
0x364: {  	v9 =	vadd.s32 $0x23, v6  }
0x365: {  	[tilespmem:v10+s19+$0x0] =	vst.idx.msk $0xffff, v8;
	v8 =	vand.u32 $0xFFFFFF80, v9  }
0x366: {  	v10 =	vor.u32 v38, v5;
	v9 =	vand.u32 $0x7F, v9;
	v7 =	vld.idx.msk [tilespmem:v7+s22+$0x0], $0xffff;
	v8 =	vadd.s32 v4, v8  }
0x367: {  	v8 =	vor.u32 v9, v8;
	_ =	sdelay $0x2  }
0x368: {  	v9 =	vadd.s32 $0x24, v6  }
0x369: {  	[tilespmem:v10+s19+$0x0] =	vst.idx.msk $0xffff, v7;
	v7 =	vand.u32 $0xFFFFFF80, v9  }
0x36a: {  	v10 =	vor.u32 v39, v5;
	v9 =	vand.u32 $0x7F, v9;
	v8 =	vld.idx.msk [tilespmem:v8+s22+$0x0], $0xffff;
	v7 =	vadd.s32 v4, v7  }
0x36b: {  	v7 =	vor.u32 v9, v7;
	_ =	sdelay $0x2  }
0x36c: {  	v9 =	vadd.s32 $0x25, v6  }
0x36d: {  	[tilespmem:v10+s19+$0x0] =	vst.idx.msk $0xffff, v8;
	v8 =	vand.u32 $0xFFFFFF80, v9  }
0x36e: {  	v10 =	vor.u32 v40, v5;
	v9 =	vand.u32 $0x7F, v9;
	v7 =	vld.idx.msk [tilespmem:v7+s22+$0x0], $0xffff;
	v8 =	vadd.s32 v4, v8  }
0x36f: {  	v8 =	vor.u32 v9, v8;
	_ =	sdelay $0x2  }
0x370: {  	v9 =	vadd.s32 $0x26, v6  }
0x371: {  	[tilespmem:v10+s19+$0x0] =	vst.idx.msk $0xffff, v7;
	v7 =	vand.u32 $0xFFFFFF80, v9  }
0x372: {  	v10 =	vor.u32 v41, v5;
	v9 =	vand.u32 $0x7F, v9;
	v8 =	vld.idx.msk [tilespmem:v8+s22+$0x0], $0xffff;
	v7 =	vadd.s32 v4, v7  }
0x373: {  	v7 =	vor.u32 v9, v7;
	_ =	sdelay $0x2  }
0x374: {  	v9 =	vadd.s32 $0x27, v6  }
0x375: {  	[tilespmem:v10+s19+$0x0] =	vst.idx.msk $0xffff, v8;
	v8 =	vand.u32 $0xFFFFFF80, v9  }
0x376: {  	v10 =	vor.u32 v42, v5;
	v9 =	vand.u32 $0x7F, v9;
	v7 =	vld.idx.msk [tilespmem:v7+s22+$0x0], $0xffff;
	v8 =	vadd.s32 v4, v8  }
0x377: {  	v8 =	vor.u32 v9, v8;
	_ =	sdelay $0x2  }
0x378: {  	v9 =	vadd.s32 $0x28, v6  }
0x379: {  	[tilespmem:v10+s19+$0x0] =	vst.idx.msk $0xffff, v7;
	v7 =	vand.u32 $0xFFFFFF80, v9  }
0x37a: {  	v10 =	vor.u32 v43, v5;
	v9 =	vand.u32 $0x7F, v9;
	v8 =	vld.idx.msk [tilespmem:v8+s22+$0x0], $0xffff;
	v7 =	vadd.s32 v4, v7  }
0x37b: {  	v7 =	vor.u32 v9, v7;
	_ =	sdelay $0x2  }
0x37c: {  	v9 =	vadd.s32 $0x29, v6  }
0x37d: {  	[tilespmem:v10+s19+$0x0] =	vst.idx.msk $0xffff, v8;
	v8 =	vand.u32 $0xFFFFFF80, v9  }
0x37e: {  	v10 =	vor.u32 v44, v5;
	v9 =	vand.u32 $0x7F, v9;
	v7 =	vld.idx.msk [tilespmem:v7+s22+$0x0], $0xffff;
	v8 =	vadd.s32 v4, v8  }
0x37f: {  	v8 =	vor.u32 v9, v8;
	_ =	sdelay $0x2  }
0x380: {  	v9 =	vadd.s32 $0x2A, v6  }
0x381: {  	[tilespmem:v10+s19+$0x0] =	vst.idx.msk $0xffff, v7;
	v7 =	vand.u32 $0xFFFFFF80, v9  }
0x382: {  	v10 =	vor.u32 v45, v5;
	v9 =	vand.u32 $0x7F, v9;
	v8 =	vld.idx.msk [tilespmem:v8+s22+$0x0], $0xffff;
	v7 =	vadd.s32 v4, v7  }
0x383: {  	v7 =	vor.u32 v9, v7;
	_ =	sdelay $0x2  }
0x384: {  	v9 =	vadd.s32 $0x2B, v6  }
0x385: {  	[tilespmem:v10+s19+$0x0] =	vst.idx.msk $0xffff, v8;
	v8 =	vand.u32 $0xFFFFFF80, v9  }
0x386: {  	v10 =	vor.u32 v46, v5;
	v9 =	vand.u32 $0x7F, v9;
	v7 =	vld.idx.msk [tilespmem:v7+s22+$0x0], $0xffff;
	v8 =	vadd.s32 v4, v8  }
0x387: {  	v8 =	vor.u32 v9, v8;
	_ =	sdelay $0x2  }
0x388: {  	v9 =	vadd.s32 $0x2C, v6  }
0x389: {  	[tilespmem:v10+s19+$0x0] =	vst.idx.msk $0xffff, v7;
	v7 =	vand.u32 $0xFFFFFF80, v9  }
0x38a: {  	v10 =	vor.u32 v47, v5;
	v9 =	vand.u32 $0x7F, v9;
	v8 =	vld.idx.msk [tilespmem:v8+s22+$0x0], $0xffff;
	v7 =	vadd.s32 v4, v7  }
0x38b: {  	v7 =	vor.u32 v9, v7;
	_ =	sdelay $0x2  }
0x38c: {  	v9 =	vadd.s32 $0x2D, v6  }
0x38d: {  	[tilespmem:v10+s19+$0x0] =	vst.idx.msk $0xffff, v8;
	v8 =	vand.u32 $0xFFFFFF80, v9  }
0x38e: {  	v10 =	vor.u32 v48, v5;
	v9 =	vand.u32 $0x7F, v9;
	v7 =	vld.idx.msk [tilespmem:v7+s22+$0x0], $0xffff;
	v8 =	vadd.s32 v4, v8  }
0x38f: {  	v8 =	vor.u32 v9, v8;
	_ =	sdelay $0x2  }
0x390: {  	v9 =	vadd.s32 $0x2E, v6  }
0x391: {  	[tilespmem:v10+s19+$0x0] =	vst.idx.msk $0xffff, v7;
	v7 =	vand.u32 $0xFFFFFF80, v9  }
0x392: {  	v10 =	vor.u32 v49, v5;
	v9 =	vand.u32 $0x7F, v9;
	v8 =	vld.idx.msk [tilespmem:v8+s22+$0x0], $0xffff;
	v7 =	vadd.s32 v4, v7  }
0x393: {  	v7 =	vor.u32 v9, v7;
	_ =	sdelay $0x2  }
0x394: {  	v9 =	vadd.s32 $0x2F, v6  }
0x395: {  	[tilespmem:v10+s19+$0x0] =	vst.idx.msk $0xffff, v8;
	v8 =	vand.u32 $0xFFFFFF80, v9  }
0x396: {  	v10 =	vor.u32 v50, v5;
	v9 =	vand.u32 $0x7F, v9;
	v7 =	vld.idx.msk [tilespmem:v7+s22+$0x0], $0xffff;
	v8 =	vadd.s32 v4, v8  }
0x397: {  	v8 =	vor.u32 v9, v8;
	_ =	sdelay $0x2  }
0x398: {  	v9 =	vadd.s32 $0x30, v6  }
0x399: {  	[tilespmem:v10+s19+$0x0] =	vst.idx.msk $0xffff, v7;
	v7 =	vand.u32 $0xFFFFFF80, v9  }
0x39a: {  	v10 =	vor.u32 v51, v5;
	v9 =	vand.u32 $0x7F, v9;
	v8 =	vld.idx.msk [tilespmem:v8+s22+$0x0], $0xffff;
	v7 =	vadd.s32 v4, v7  }
0x39b: {  	v7 =	vor.u32 v9, v7;
	_ =	sdelay $0x2  }
0x39c: {  	v9 =	vadd.s32 $0x31, v6  }
0x39d: {  	[tilespmem:v10+s19+$0x0] =	vst.idx.msk $0xffff, v8;
	v8 =	vand.u32 $0xFFFFFF80, v9  }
0x39e: {  	v10 =	vor.u32 v52, v5;
	v9 =	vand.u32 $0x7F, v9;
	v7 =	vld.idx.msk [tilespmem:v7+s22+$0x0], $0xffff;
	v8 =	vadd.s32 v4, v8  }
0x39f: {  	v8 =	vor.u32 v9, v8;
	_ =	sdelay $0x2  }
0x3a0: {  	v9 =	vadd.s32 $0x32, v6  }
0x3a1: {  	[tilespmem:v10+s19+$0x0] =	vst.idx.msk $0xffff, v7;
	v7 =	vand.u32 $0xFFFFFF80, v9  }
0x3a2: {  	v10 =	vor.u32 v53, v5;
	v9 =	vand.u32 $0x7F, v9;
	v8 =	vld.idx.msk [tilespmem:v8+s22+$0x0], $0xffff;
	v7 =	vadd.s32 v4, v7  }
0x3a3: {  	v7 =	vor.u32 v9, v7;
	_ =	sdelay $0x2  }
0x3a4: {  	v9 =	vadd.s32 $0x33, v6  }
0x3a5: {  	[tilespmem:v10+s19+$0x0] =	vst.idx.msk $0xffff, v8;
	v8 =	vand.u32 $0xFFFFFF80, v9  }
0x3a6: {  	v10 =	vor.u32 v54, v5;
	v9 =	vand.u32 $0x7F, v9;
	v7 =	vld.idx.msk [tilespmem:v7+s22+$0x0], $0xffff;
	v8 =	vadd.s32 v4, v8  }
0x3a7: {  	v8 =	vor.u32 v9, v8;
	_ =	sdelay $0x2  }
0x3a8: {  	v9 =	vadd.s32 $0x34, v6  }
0x3a9: {  	[tilespmem:v10+s19+$0x0] =	vst.idx.msk $0xffff, v7;
	v7 =	vand.u32 $0xFFFFFF80, v9  }
0x3aa: {  	v10 =	vor.u32 v55, v5;
	v9 =	vand.u32 $0x7F, v9;
	v8 =	vld.idx.msk [tilespmem:v8+s22+$0x0], $0xffff;
	v7 =	vadd.s32 v4, v7  }
0x3ab: {  	v7 =	vor.u32 v9, v7;
	_ =	sdelay $0x2  }
0x3ac: {  	v9 =	vadd.s32 $0x35, v6  }
0x3ad: {  	[tilespmem:v10+s19+$0x0] =	vst.idx.msk $0xffff, v8;
	v8 =	vand.u32 $0xFFFFFF80, v9  }
0x3ae: {  	v10 =	vor.u32 v56, v5;
	v9 =	vand.u32 $0x7F, v9;
	v7 =	vld.idx.msk [tilespmem:v7+s22+$0x0], $0xffff;
	v8 =	vadd.s32 v4, v8  }
0x3af: {  	v8 =	vor.u32 v9, v8;
	_ =	sdelay $0x2  }
0x3b0: {  	v9 =	vadd.s32 $0x36, v6  }
0x3b1: {  	[tilespmem:v10+s19+$0x0] =	vst.idx.msk $0xffff, v7;
	v7 =	vand.u32 $0xFFFFFF80, v9  }
0x3b2: {  	v10 =	vor.u32 v57, v5;
	v9 =	vand.u32 $0x7F, v9;
	v8 =	vld.idx.msk [tilespmem:v8+s22+$0x0], $0xffff;
	v7 =	vadd.s32 v4, v7  }
0x3b3: {  	v7 =	vor.u32 v9, v7;
	_ =	sdelay $0x2  }
0x3b4: {  	v9 =	vadd.s32 $0x37, v6  }
0x3b5: {  	[tilespmem:v10+s19+$0x0] =	vst.idx.msk $0xffff, v8;
	v8 =	vand.u32 $0xFFFFFF80, v9  }
0x3b6: {  	v10 =	vor.u32 v58, v5;
	v9 =	vand.u32 $0x7F, v9;
	v7 =	vld.idx.msk [tilespmem:v7+s22+$0x0], $0xffff;
	v8 =	vadd.s32 v4, v8  }
0x3b7: {  	v8 =	vor.u32 v9, v8;
	_ =	sdelay $0x2  }
0x3b8: {  	v9 =	vadd.s32 $0x38, v6  }
0x3b9: {  	[tilespmem:v10+s19+$0x0] =	vst.idx.msk $0xffff, v7;
	v7 =	vand.u32 $0xFFFFFF80, v9  }
0x3ba: {  	v10 =	vor.u32 v59, v5;
	v9 =	vand.u32 $0x7F, v9;
	v8 =	vld.idx.msk [tilespmem:v8+s22+$0x0], $0xffff;
	v7 =	vadd.s32 v4, v7  }
0x3bb: {  	v7 =	vor.u32 v9, v7;
	_ =	sdelay $0x2  }
0x3bc: {  	v9 =	vadd.s32 $0x39, v6  }
0x3bd: {  	[tilespmem:v10+s19+$0x0] =	vst.idx.msk $0xffff, v8;
	v8 =	vand.u32 $0xFFFFFF80, v9  }
0x3be: {  	v10 =	vor.u32 v60, v5;
	v9 =	vand.u32 $0x7F, v9;
	v7 =	vld.idx.msk [tilespmem:v7+s22+$0x0], $0xffff;
	v8 =	vadd.s32 v4, v8  }
0x3bf: {  	v8 =	vor.u32 v9, v8;
	_ =	sdelay $0x2  }
0x3c0: {  	v9 =	vadd.s32 $0x3A, v6  }
0x3c1: {  	[tilespmem:v10+s19+$0x0] =	vst.idx.msk $0xffff, v7;
	v7 =	vand.u32 $0xFFFFFF80, v9  }
0x3c2: {  	v10 =	vor.u32 v61, v5;
	v9 =	vand.u32 $0x7F, v9;
	v8 =	vld.idx.msk [tilespmem:v8+s22+$0x0], $0xffff;
	v7 =	vadd.s32 v4, v7  }
0x3c3: {  	v7 =	vor.u32 v9, v7;
	_ =	sdelay $0x2  }
0x3c4: {  	v9 =	vadd.s32 $0x3B, v6  }
0x3c5: {  	[tilespmem:v10+s19+$0x0] =	vst.idx.msk $0xffff, v8;
	v8 =	vand.u32 $0xFFFFFF80, v9  }
0x3c6: {  	v10 =	vor.u32 v62, v5;
	v9 =	vand.u32 $0x7F, v9;
	v7 =	vld.idx.msk [tilespmem:v7+s22+$0x0], $0xffff;
	v8 =	vadd.s32 v4, v8  }
0x3c7: {  	v8 =	vor.u32 v9, v8;
	_ =	sdelay $0x2  }
0x3c8: {  	v9 =	vadd.s32 $0x3C, v6  }
0x3c9: {  	[tilespmem:v10+s19+$0x0] =	vst.idx.msk $0xffff, v7;
	v7 =	vand.u32 $0xFFFFFF80, v9  }
0x3ca: {  	v10 =	vor.u32 v63, v5;
	v9 =	vand.u32 $0x7F, v9;
	v8 =	vld.idx.msk [tilespmem:v8+s22+$0x0], $0xffff;
	v7 =	vadd.s32 v4, v7  }
0x3cb: {  	v7 =	vor.u32 v9, v7;
	_ =	sdelay $0x2  }
0x3cc: {  	v9 =	vadd.s32 $0x3D, v6  }
0x3cd: {  	[tilespmem:v10+s19+$0x0] =	vst.idx.msk $0xffff, v8;
	v8 =	vand.u32 $0xFFFFFF80, v9  }
0x3ce: {  	v10 =	vor.u32 v3, v5;
	v9 =	vand.u32 $0x7F, v9;
	v7 =	vld.idx.msk [tilespmem:v7+s22+$0x0], $0xffff;
	v8 =	vadd.s32 v4, v8  }
0x3cf: {  	v8 =	vor.u32 v9, v8;
	_ =	sdelay $0x2  }
0x3d0: {  	v9 =	vadd.s32 $0x3E, v6  }
0x3d1: {  	[tilespmem:v10+s19+$0x0] =	vst.idx.msk $0xffff, v7;
	v7 =	vand.u32 $0xFFFFFF80, v9  }
0x3d2: {  	v10 =	vor.u32 v0, v5;
	v9 =	vand.u32 $0x7F, v9;
	v8 =	vld.idx.msk [tilespmem:v8+s22+$0x0], $0xffff;
	v7 =	vadd.s32 v4, v7  }
0x3d3: {  	v7 =	vor.u32 v9, v7;
	_ =	sdelay $0x2  }
0x3d4: {  	v6 =	vadd.s32 $0x3F, v6  }
0x3d5: {  	[tilespmem:v10+s19+$0x0] =	vst.idx.msk $0xffff, v8;
	v8 =	vand.u32 $0xFFFFFF80, v6  }
0x3d6: {  	v6 =	vand.u32 $0x7F, v6;
	v7 =	vld.idx.msk [tilespmem:v7+s22+$0x0], $0xffff;
	v4 =	vadd.s32 v4, v8;
	v8 =	vor.u32 v1, v5  }
0x3d7: {  	v4 =	vor.u32 v6, v4;
	_ =	sdelay $0x3  }
0x3d8: {  	[tilespmem:v8+s19+$0x0] =	vst.idx.msk $0xffff, v7  }
0x3d9: {  	p0 =	sne.s32 s28, $0x70;
	v5 =	vor.u32 v2, v5;
	v4 =	vld.idx.msk [tilespmem:v4+s22+$0x0], $0xffff  }
.Ltmp1:
0x3da: {  	_ = 	snop;
	(pc) =	sbr.rel @p0 .LBB2_4-.Ltmp1, $2  }
0x3db: {  	_ =	sdelay $0x2  }
0x3dc: {  	s29 =	sadd.s32 $0x10, s29;
	s28 =	sadd.s32 $0x10, s28;
	[tilespmem:v5+s19+$0x0] =	vst.idx.msk $0xffff, v4  }
0x3dd: {  	s28 =	simm.s32 $0x0  }
0x3de: {  	[hbm4b:s10+s28] =	stream.linear.scatter [tilespmem:s19], [sflag:$0x5], $0x8000, $0x38;
	[tilespmem:$0x18800] =	vst v63  }
0x3df: {  	_ =	swait.ge [sflag:s18], $0x8000  }
0x3e0: {  	[sflag:s18] =	ssyncset.done $0x0  }
0x3e1: {  	[sflag:s18] =	ssyncadd.s32 $0xFFFF8000  }
0x3e2: {  	_ =	swait.ge [sflag:s18], $0x4000  }
0x3e3: {  	[sflag:s18] =	ssyncset.done $0x0  }
0x3e4: {  	[sflag:s18] =	ssyncadd.s32 $0xFFFFC000  }
0x3e5: {  	_ =	swait.ge [sflag:s25], $0x8000  }
0x3e6: {  	[sflag:s25] =	ssyncset.done $0x0  }
0x3e7: {  	[sflag:s25] =	ssyncadd.s32 $0xFFFF8000  }
0x3e8: {  	v4 =	vld [tilespmem:$0x180];
	_ =	sdelay $0x2  }
0x3e9: {  	v6 =	vld [tilespmem:$0x1FFD0]  }
0x3ea: {  	v7 =	vld [tilespmem:$0x1FFE0]  }
0x3eb: {  	v8 =	vld [tilespmem:$0x1FFF0];
	v5 =	vshll.u32 v4, $0x1  }
0x3ec: {  	v4 =	vand.u32 $0x7, v4;
	v5 =	vand.u32 $0xFFFFFFF0, v5  }
0x3ed: {  	v4 =	vor.u32 v4, v5  }
0x3ee: {  	v5 =	vperm.xlane v4, v6;
	_ =	sdelay $0x1  }
0x3ef: {  	v4 =	vperm.xlane v4, v8;
	v5 =	vadd.s32 v7, v5;
	_ =	sdelay $0x1  }
0x3f0: {  	v4 =	vadd.s32 v7, v4;
	_ =	sdelay $0x2  }
0x3f1: {  	[tilespmem:s19], [sflag:$0x3] =	stream.indirect_vreg.gather [hbm4b:s1+s28], $0x80, v5, vm0, $0xb8;
	[tilespmem:$0x18800] =	vst v63  }
0x3f2: {  	s0 =	simm.s32 $0x9000  }
0x3f3: {  	[tilespmem:s0], [sflag:$0x3] =	stream.indirect_vreg.gather [hbm4b:s1+s28], $0x80, v4, vm0, $0xb8;
	[tilespmem:$0x18800] =	vst v63  }
0x3f4: {  	v4 =	vld [tilespmem:$0x190];
	_ =	sdelay $0x4  }
0x3f5: {  	v5 =	vshll.u32 v4, $0x1  }
0x3f6: {  	v4 =	vand.u32 $0x7, v4;
	v5 =	vand.u32 $0xFFFFFFF0, v5  }
0x3f7: {  	v4 =	vor.u32 v4, v5  }
0x3f8: {  	v5 =	vperm.xlane v4, v6;
	_ =	sdelay $0x1  }
0x3f9: {  	v4 =	vperm.xlane v4, v8;
	v5 =	vadd.s32 v7, v5;
	_ =	sdelay $0x1  }
0x3fa: {  	v4 =	vadd.s32 v7, v4;
	_ =	sdelay $0x1  }
0x3fb: {  	s30 =	simm.s32 $0x9800  }
0x3fc: {  	[tilespmem:s30], [sflag:$0x3] =	stream.indirect_vreg.gather [hbm4b:s1+s28], $0x80, v5, vm0, $0xb8;
	[tilespmem:$0x18800] =	vst v63  }
0x3fd: {  	s31 =	simm.s32 $0xA000  }
0x3fe: {  	[tilespmem:s31], [sflag:$0x3] =	stream.indirect_vreg.gather [hbm4b:s1+s28], $0x80, v4, vm0, $0xb8;
	[tilespmem:$0x18800] =	vst v63  }
0x3ff: {  	v4 =	vld [tilespmem:$0x1A0];
	_ =	sdelay $0x4  }
0x400: {  	v5 =	vshll.u32 v4, $0x1  }
0x401: {  	v4 =	vand.u32 $0x7, v4;
	v5 =	vand.u32 $0xFFFFFFF0, v5  }
0x402: {  	v4 =	vor.u32 v4, v5  }
0x403: {  	v5 =	vperm.xlane v4, v6;
	_ =	sdelay $0x1  }
0x404: {  	v4 =	vperm.xlane v4, v8;
	v5 =	vadd.s32 v7, v5;
	_ =	sdelay $0x1  }
0x405: {  	v4 =	vadd.s32 v7, v4;
	_ =	sdelay $0x1  }
0x406: {  	s30 =	simm.s32 $0xA800  }
0x407: {  	[tilespmem:s30], [sflag:$0x3] =	stream.indirect_vreg.gather [hbm4b:s1+s28], $0x80, v5, vm0, $0xb8;
	[tilespmem:$0x18800] =	vst v63  }
0x408: {  	s31 =	simm.s32 $0xB000  }
0x409: {  	[tilespmem:s31], [sflag:$0x3] =	stream.indirect_vreg.gather [hbm4b:s1+s28], $0x80, v4, vm0, $0xb8;
	[tilespmem:$0x18800] =	vst v63  }
0x40a: {  	v4 =	vld [tilespmem:$0x1B0];
	_ =	sdelay $0x4  }
0x40b: {  	v5 =	vshll.u32 v4, $0x1  }
0x40c: {  	v4 =	vand.u32 $0x7, v4;
	v5 =	vand.u32 $0xFFFFFFF0, v5  }
0x40d: {  	v4 =	vor.u32 v4, v5  }
0x40e: {  	v5 =	vperm.xlane v4, v6;
	_ =	sdelay $0x1  }
0x40f: {  	v4 =	vperm.xlane v4, v8;
	v5 =	vadd.s32 v7, v5;
	_ =	sdelay $0x1  }
0x410: {  	v4 =	vadd.s32 v7, v4;
	_ =	sdelay $0x1  }
0x411: {  	s30 =	simm.s32 $0xB800  }
0x412: {  	[tilespmem:s30], [sflag:$0x3] =	stream.indirect_vreg.gather [hbm4b:s1+s28], $0x80, v5, vm0, $0xb8;
	[tilespmem:$0x18800] =	vst v63  }
0x413: {  	s31 =	simm.s32 $0xC000  }
0x414: {  	[tilespmem:s31], [sflag:$0x3] =	stream.indirect_vreg.gather [hbm4b:s1+s28], $0x80, v4, vm0, $0xb8;
	[tilespmem:$0x18800] =	vst v63  }
0x415: {  	v4 =	vld [tilespmem:$0x1C0];
	_ =	sdelay $0x4  }
0x416: {  	v5 =	vshll.u32 v4, $0x1  }
0x417: {  	v4 =	vand.u32 $0x7, v4;
	v5 =	vand.u32 $0xFFFFFFF0, v5  }
0x418: {  	v4 =	vor.u32 v4, v5  }
0x419: {  	v5 =	vperm.xlane v4, v6;
	_ =	sdelay $0x1  }
0x41a: {  	v4 =	vperm.xlane v4, v8;
	v5 =	vadd.s32 v7, v5;
	_ =	sdelay $0x1  }
0x41b: {  	v4 =	vadd.s32 v7, v4;
	_ =	sdelay $0x1  }
0x41c: {  	s30 =	simm.s32 $0xC800  }
0x41d: {  	[tilespmem:s30], [sflag:$0x3] =	stream.indirect_vreg.gather [hbm4b:s1+s28], $0x80, v5, vm0, $0xb8;
	[tilespmem:$0x18800] =	vst v63  }
0x41e: {  	s31 =	simm.s32 $0xD000  }
0x41f: {  	[tilespmem:s31], [sflag:$0x3] =	stream.indirect_vreg.gather [hbm4b:s1+s28], $0x80, v4, vm0, $0xb8;
	[tilespmem:$0x18800] =	vst v63  }
0x420: {  	v4 =	vld [tilespmem:$0x1D0];
	_ =	sdelay $0x4  }
0x421: {  	v5 =	vshll.u32 v4, $0x1  }
0x422: {  	v4 =	vand.u32 $0x7, v4;
	v5 =	vand.u32 $0xFFFFFFF0, v5  }
0x423: {  	v4 =	vor.u32 v4, v5  }
0x424: {  	v5 =	vperm.xlane v4, v6;
	_ =	sdelay $0x1  }
0x425: {  	v4 =	vperm.xlane v4, v8;
	v5 =	vadd.s32 v7, v5;
	_ =	sdelay $0x1  }
0x426: {  	v4 =	vadd.s32 v7, v4;
	_ =	sdelay $0x1  }
0x427: {  	s30 =	simm.s32 $0xD800  }
0x428: {  	[tilespmem:s30], [sflag:$0x3] =	stream.indirect_vreg.gather [hbm4b:s1+s28], $0x80, v5, vm0, $0xb8;
	[tilespmem:$0x18800] =	vst v63  }
0x429: {  	s31 =	simm.s32 $0xE000  }
0x42a: {  	[tilespmem:s31], [sflag:$0x3] =	stream.indirect_vreg.gather [hbm4b:s1+s28], $0x80, v4, vm0, $0xb8;
	[tilespmem:$0x18800] =	vst v63  }
0x42b: {  	v4 =	vld [tilespmem:$0x1E0];
	_ =	sdelay $0x4  }
0x42c: {  	v5 =	vshll.u32 v4, $0x1  }
0x42d: {  	v4 =	vand.u32 $0x7, v4;
	v5 =	vand.u32 $0xFFFFFFF0, v5  }
0x42e: {  	v4 =	vor.u32 v4, v5  }
0x42f: {  	v5 =	vperm.xlane v4, v6;
	_ =	sdelay $0x1  }
0x430: {  	v4 =	vperm.xlane v4, v8;
	v5 =	vadd.s32 v7, v5;
	_ =	sdelay $0x1  }
0x431: {  	v4 =	vadd.s32 v7, v4;
	_ =	sdelay $0x1  }
0x432: {  	s30 =	simm.s32 $0xE800  }
0x433: {  	[tilespmem:s30], [sflag:$0x3] =	stream.indirect_vreg.gather [hbm4b:s1+s28], $0x80, v5, vm0, $0xb8;
	[tilespmem:$0x18800] =	vst v63  }
0x434: {  	_ = 	snop  }
0x435: {  	[tilespmem:s2], [sflag:$0x3] =	stream.indirect_vreg.gather [hbm4b:s1+s28], $0x80, v4, vm0, $0xb8;
	[tilespmem:$0x18800] =	vst v63  }
0x436: {  	v4 =	vld [tilespmem:$0x1F0];
	_ =	sdelay $0x4  }
0x437: {  	v5 =	vshll.u32 v4, $0x1  }
0x438: {  	v4 =	vand.u32 $0x7, v4;
	v5 =	vand.u32 $0xFFFFFFF0, v5  }
0x439: {  	v4 =	vor.u32 v4, v5  }
0x43a: {  	v5 =	vperm.xlane v4, v6;
	_ =	sdelay $0x1  }
0x43b: {  	v4 =	vperm.xlane v4, v8;
	v5 =	vadd.s32 v7, v5;
	_ =	sdelay $0x1  }
0x43c: {  	v4 =	vadd.s32 v7, v4;
	_ =	sdelay $0x2  }
0x43d: {  	[tilespmem:s20], [sflag:$0x3] =	stream.indirect_vreg.gather [hbm4b:s1+s28], $0x80, v5, vm0, $0xb8;
	[tilespmem:$0x18800] =	vst v63  }
0x43e: {  	_ = 	snop  }
0x43f: {  	[tilespmem:s21], [sflag:$0x3] =	stream.indirect_vreg.gather [hbm4b:s1+s28], $0x80, v4, vm0, $0xb8;
	[tilespmem:$0x18800] =	vst v63  }
0x440: {  	s29 =	simm.s32 $0x700;
	s31 =	simm.s32 $0x380  }
0x441: {  	[tilespmem:s22], [sflag:$0x3] =	stream.indirect.gather [hbm4b:s4+s15], $0x80, s31, s15, $0xb8;
	[tilespmem:$0x18800] =	vst v63  }
.LBB2_6:
0x442: {  	v6 =	vld [tilespmem:s29+$0x0];
	_ =	sdelay $0x2  }
0x443: {  	v4 =	vlaneseq.u32  }
0x444: {  	v5 =	vor.u32 s28, v4  }
0x445: {  	v4 =	vshll.u32 v5, $0x7;
	v7 =	vand.u32 $0xFFFFFF80, v6  }
0x446: {  	v8 =	vand.u32 $0x7F, v6;
	v7 =	vadd.s32 v4, v7  }
0x447: {  	v10 =	vld [tilespmem:$0x1FF70];
	v7 =	vor.u32 v8, v7;
	_ =	sdelay $0x2  }
0x448: {  	v5 =	vshll.u32 v5, $0x8  }
0x449: {  	v5 =	vand.u32 $0x7800, v5  }
0x44a: {  	v10 =	vor.u32 v10, v5;
	v7 =	vld.idx.msk [tilespmem:v7+s14+$0x0], $0xffff;
	_ =	sdelay $0x1  }
0x44b: {  	v8 =	vadd.s32 $0x1, v6  }
0x44c: {  	v9 =	vand.u32 $0xFFFFFF80, v8  }
0x44d: {  	v8 =	vand.u32 $0x7F, v8;
	v9 =	vadd.s32 v4, v9  }
0x44e: {  	v8 =	vor.u32 v8, v9;
	[tilespmem:v10+s17+$0x0] =	vst.idx.msk $0xffff, v7;
	v10 =	vld [tilespmem:$0x1FF80];
	_ =	sdelay $0x4  }
0x44f: {  	v8 =	vld.idx.msk [tilespmem:v8+s14+$0x0], $0xffff;
	v10 =	vor.u32 v10, v5;
	_ =	sdelay $0x1  }
0x450: {  	v9 =	vadd.s32 $0x2, v6  }
0x451: {  	v7 =	vand.u32 $0xFFFFFF80, v9  }
0x452: {  	v9 =	vand.u32 $0x7F, v9;
	v7 =	vadd.s32 v4, v7  }
0x453: {  	v7 =	vor.u32 v9, v7;
	[tilespmem:v10+s17+$0x0] =	vst.idx.msk $0xffff, v8;
	v10 =	vld [tilespmem:$0x1FF90];
	_ =	sdelay $0x4  }
0x454: {  	v7 =	vld.idx.msk [tilespmem:v7+s14+$0x0], $0xffff;
	v10 =	vor.u32 v10, v5;
	_ =	sdelay $0x1  }
0x455: {  	v9 =	vadd.s32 $0x3, v6  }
0x456: {  	v8 =	vand.u32 $0xFFFFFF80, v9  }
0x457: {  	v9 =	vand.u32 $0x7F, v9;
	v8 =	vadd.s32 v4, v8  }
0x458: {  	v8 =	vor.u32 v9, v8;
	[tilespmem:v10+s17+$0x0] =	vst.idx.msk $0xffff, v7;
	v10 =	vld [tilespmem:$0x1FFA0];
	_ =	sdelay $0x4  }
0x459: {  	v8 =	vld.idx.msk [tilespmem:v8+s14+$0x0], $0xffff;
	v10 =	vor.u32 v10, v5;
	_ =	sdelay $0x1  }
0x45a: {  	v9 =	vadd.s32 $0x4, v6  }
0x45b: {  	v7 =	vand.u32 $0xFFFFFF80, v9  }
0x45c: {  	v9 =	vand.u32 $0x7F, v9;
	v7 =	vadd.s32 v4, v7  }
0x45d: {  	v7 =	vor.u32 v9, v7;
	[tilespmem:v10+s17+$0x0] =	vst.idx.msk $0xffff, v8;
	v10 =	vld [tilespmem:$0x1FFB0];
	_ =	sdelay $0x4  }
0x45e: {  	v7 =	vld.idx.msk [tilespmem:v7+s14+$0x0], $0xffff;
	v10 =	vor.u32 v10, v5;
	_ =	sdelay $0x1  }
0x45f: {  	v9 =	vadd.s32 $0x5, v6  }
0x460: {  	v8 =	vand.u32 $0xFFFFFF80, v9  }
0x461: {  	v9 =	vand.u32 $0x7F, v9;
	v8 =	vadd.s32 v4, v8  }
0x462: {  	v8 =	vor.u32 v9, v8;
	[tilespmem:v10+s17+$0x0] =	vst.idx.msk $0xffff, v7;
	v10 =	vld [tilespmem:$0x1FFC0];
	_ =	sdelay $0x4  }
0x463: {  	v8 =	vld.idx.msk [tilespmem:v8+s14+$0x0], $0xffff;
	v10 =	vor.u32 v10, v5;
	_ =	sdelay $0x1  }
0x464: {  	v9 =	vadd.s32 $0x6, v6  }
0x465: {  	v7 =	vand.u32 $0xFFFFFF80, v9  }
0x466: {  	v9 =	vand.u32 $0x7F, v9;
	v7 =	vadd.s32 v4, v7  }
0x467: {  	v7 =	vor.u32 v9, v7;
	[tilespmem:v10+s17+$0x0] =	vst.idx.msk $0xffff, v8;
	v10 =	vld [tilespmem:$0x1FF60];
	_ =	sdelay $0x2  }
0x468: {  	v9 =	vadd.s32 $0x7, v6  }
0x469: {  	v8 =	vand.u32 $0xFFFFFF80, v9  }
0x46a: {  	v9 =	vand.u32 $0x7F, v9;
	v7 =	vld.idx.msk [tilespmem:v7+s14+$0x0], $0xffff;
	v8 =	vadd.s32 v4, v8;
	v10 =	vor.u32 v10, v5  }
0x46b: {  	v8 =	vor.u32 v9, v8;
	_ =	sdelay $0x2  }
0x46c: {  	v9 =	vadd.s32 $0x8, v6  }
0x46d: {  	[tilespmem:v10+s17+$0x0] =	vst.idx.msk $0xffff, v7;
	v7 =	vand.u32 $0xFFFFFF80, v9  }
0x46e: {  	v10 =	vor.u32 v11, v5;
	v9 =	vand.u32 $0x7F, v9;
	v8 =	vld.idx.msk [tilespmem:v8+s14+$0x0], $0xffff;
	v7 =	vadd.s32 v4, v7  }
0x46f: {  	v7 =	vor.u32 v9, v7;
	_ =	sdelay $0x2  }
0x470: {  	v9 =	vadd.s32 $0x9, v6  }
0x471: {  	[tilespmem:v10+s17+$0x0] =	vst.idx.msk $0xffff, v8;
	v8 =	vand.u32 $0xFFFFFF80, v9  }
0x472: {  	v10 =	vor.u32 v12, v5;
	v9 =	vand.u32 $0x7F, v9;
	v7 =	vld.idx.msk [tilespmem:v7+s14+$0x0], $0xffff;
	v8 =	vadd.s32 v4, v8  }
0x473: {  	v8 =	vor.u32 v9, v8;
	_ =	sdelay $0x2  }
0x474: {  	v9 =	vadd.s32 $0xA, v6  }
0x475: {  	[tilespmem:v10+s17+$0x0] =	vst.idx.msk $0xffff, v7;
	v7 =	vand.u32 $0xFFFFFF80, v9  }
0x476: {  	v10 =	vor.u32 v13, v5;
	v9 =	vand.u32 $0x7F, v9;
	v8 =	vld.idx.msk [tilespmem:v8+s14+$0x0], $0xffff;
	v7 =	vadd.s32 v4, v7  }
0x477: {  	v7 =	vor.u32 v9, v7;
	_ =	sdelay $0x2  }
0x478: {  	v9 =	vadd.s32 $0xB, v6  }
0x479: {  	[tilespmem:v10+s17+$0x0] =	vst.idx.msk $0xffff, v8;
	v8 =	vand.u32 $0xFFFFFF80, v9  }
0x47a: {  	v10 =	vor.u32 v14, v5;
	v9 =	vand.u32 $0x7F, v9;
	v7 =	vld.idx.msk [tilespmem:v7+s14+$0x0], $0xffff;
	v8 =	vadd.s32 v4, v8  }
0x47b: {  	v8 =	vor.u32 v9, v8;
	_ =	sdelay $0x2  }
0x47c: {  	v9 =	vadd.s32 $0xC, v6  }
0x47d: {  	[tilespmem:v10+s17+$0x0] =	vst.idx.msk $0xffff, v7;
	v7 =	vand.u32 $0xFFFFFF80, v9  }
0x47e: {  	v10 =	vor.u32 v15, v5;
	v9 =	vand.u32 $0x7F, v9;
	v8 =	vld.idx.msk [tilespmem:v8+s14+$0x0], $0xffff;
	v7 =	vadd.s32 v4, v7  }
0x47f: {  	v7 =	vor.u32 v9, v7;
	_ =	sdelay $0x2  }
0x480: {  	v9 =	vadd.s32 $0xD, v6  }
0x481: {  	[tilespmem:v10+s17+$0x0] =	vst.idx.msk $0xffff, v8;
	v8 =	vand.u32 $0xFFFFFF80, v9  }
0x482: {  	v10 =	vor.u32 v16, v5;
	v9 =	vand.u32 $0x7F, v9;
	v7 =	vld.idx.msk [tilespmem:v7+s14+$0x0], $0xffff;
	v8 =	vadd.s32 v4, v8  }
0x483: {  	v8 =	vor.u32 v9, v8;
	_ =	sdelay $0x2  }
0x484: {  	v9 =	vadd.s32 $0xE, v6  }
0x485: {  	[tilespmem:v10+s17+$0x0] =	vst.idx.msk $0xffff, v7;
	v7 =	vand.u32 $0xFFFFFF80, v9  }
0x486: {  	v10 =	vor.u32 v17, v5;
	v9 =	vand.u32 $0x7F, v9;
	v8 =	vld.idx.msk [tilespmem:v8+s14+$0x0], $0xffff;
	v7 =	vadd.s32 v4, v7  }
0x487: {  	v7 =	vor.u32 v9, v7;
	_ =	sdelay $0x2  }
0x488: {  	v9 =	vadd.s32 $0xF, v6  }
0x489: {  	[tilespmem:v10+s17+$0x0] =	vst.idx.msk $0xffff, v8;
	v8 =	vand.u32 $0xFFFFFF80, v9  }
0x48a: {  	v10 =	vor.u32 v18, v5;
	v9 =	vand.u32 $0x7F, v9;
	v7 =	vld.idx.msk [tilespmem:v7+s14+$0x0], $0xffff;
	v8 =	vadd.s32 v4, v8  }
0x48b: {  	v8 =	vor.u32 v9, v8;
	_ =	sdelay $0x2  }
0x48c: {  	v9 =	vadd.s32 $0x10, v6  }
0x48d: {  	[tilespmem:v10+s17+$0x0] =	vst.idx.msk $0xffff, v7;
	v7 =	vand.u32 $0xFFFFFF80, v9  }
0x48e: {  	v10 =	vor.u32 v19, v5;
	v9 =	vand.u32 $0x7F, v9;
	v8 =	vld.idx.msk [tilespmem:v8+s14+$0x0], $0xffff;
	v7 =	vadd.s32 v4, v7  }
0x48f: {  	v7 =	vor.u32 v9, v7;
	_ =	sdelay $0x2  }
0x490: {  	v9 =	vadd.s32 $0x11, v6  }
0x491: {  	[tilespmem:v10+s17+$0x0] =	vst.idx.msk $0xffff, v8;
	v8 =	vand.u32 $0xFFFFFF80, v9  }
0x492: {  	v10 =	vor.u32 v20, v5;
	v9 =	vand.u32 $0x7F, v9;
	v7 =	vld.idx.msk [tilespmem:v7+s14+$0x0], $0xffff;
	v8 =	vadd.s32 v4, v8  }
0x493: {  	v8 =	vor.u32 v9, v8;
	_ =	sdelay $0x2  }
0x494: {  	v9 =	vadd.s32 $0x12, v6  }
0x495: {  	[tilespmem:v10+s17+$0x0] =	vst.idx.msk $0xffff, v7;
	v7 =	vand.u32 $0xFFFFFF80, v9  }
0x496: {  	v10 =	vor.u32 v21, v5;
	v9 =	vand.u32 $0x7F, v9;
	v8 =	vld.idx.msk [tilespmem:v8+s14+$0x0], $0xffff;
	v7 =	vadd.s32 v4, v7  }
0x497: {  	v7 =	vor.u32 v9, v7;
	_ =	sdelay $0x2  }
0x498: {  	v9 =	vadd.s32 $0x13, v6  }
0x499: {  	[tilespmem:v10+s17+$0x0] =	vst.idx.msk $0xffff, v8;
	v8 =	vand.u32 $0xFFFFFF80, v9  }
0x49a: {  	v10 =	vor.u32 v22, v5;
	v9 =	vand.u32 $0x7F, v9;
	v7 =	vld.idx.msk [tilespmem:v7+s14+$0x0], $0xffff;
	v8 =	vadd.s32 v4, v8  }
0x49b: {  	v8 =	vor.u32 v9, v8;
	_ =	sdelay $0x2  }
0x49c: {  	v9 =	vadd.s32 $0x14, v6  }
0x49d: {  	[tilespmem:v10+s17+$0x0] =	vst.idx.msk $0xffff, v7;
	v7 =	vand.u32 $0xFFFFFF80, v9  }
0x49e: {  	v10 =	vor.u32 v23, v5;
	v9 =	vand.u32 $0x7F, v9;
	v8 =	vld.idx.msk [tilespmem:v8+s14+$0x0], $0xffff;
	v7 =	vadd.s32 v4, v7  }
0x49f: {  	v7 =	vor.u32 v9, v7;
	_ =	sdelay $0x2  }
0x4a0: {  	v9 =	vadd.s32 $0x15, v6  }
0x4a1: {  	[tilespmem:v10+s17+$0x0] =	vst.idx.msk $0xffff, v8;
	v8 =	vand.u32 $0xFFFFFF80, v9  }
0x4a2: {  	v10 =	vor.u32 v24, v5;
	v9 =	vand.u32 $0x7F, v9;
	v7 =	vld.idx.msk [tilespmem:v7+s14+$0x0], $0xffff;
	v8 =	vadd.s32 v4, v8  }
0x4a3: {  	v8 =	vor.u32 v9, v8;
	_ =	sdelay $0x2  }
0x4a4: {  	v9 =	vadd.s32 $0x16, v6  }
0x4a5: {  	[tilespmem:v10+s17+$0x0] =	vst.idx.msk $0xffff, v7;
	v7 =	vand.u32 $0xFFFFFF80, v9  }
0x4a6: {  	v10 =	vor.u32 v25, v5;
	v9 =	vand.u32 $0x7F, v9;
	v8 =	vld.idx.msk [tilespmem:v8+s14+$0x0], $0xffff;
	v7 =	vadd.s32 v4, v7  }
0x4a7: {  	v7 =	vor.u32 v9, v7;
	_ =	sdelay $0x2  }
0x4a8: {  	v9 =	vadd.s32 $0x17, v6  }
0x4a9: {  	[tilespmem:v10+s17+$0x0] =	vst.idx.msk $0xffff, v8;
	v8 =	vand.u32 $0xFFFFFF80, v9  }
0x4aa: {  	v10 =	vor.u32 v26, v5;
	v9 =	vand.u32 $0x7F, v9;
	v7 =	vld.idx.msk [tilespmem:v7+s14+$0x0], $0xffff;
	v8 =	vadd.s32 v4, v8  }
0x4ab: {  	v8 =	vor.u32 v9, v8;
	_ =	sdelay $0x2  }
0x4ac: {  	v9 =	vadd.s32 $0x18, v6  }
0x4ad: {  	[tilespmem:v10+s17+$0x0] =	vst.idx.msk $0xffff, v7;
	v7 =	vand.u32 $0xFFFFFF80, v9  }
0x4ae: {  	v10 =	vor.u32 v27, v5;
	v9 =	vand.u32 $0x7F, v9;
	v8 =	vld.idx.msk [tilespmem:v8+s14+$0x0], $0xffff;
	v7 =	vadd.s32 v4, v7  }
0x4af: {  	v7 =	vor.u32 v9, v7;
	_ =	sdelay $0x2  }
0x4b0: {  	v9 =	vadd.s32 $0x19, v6  }
0x4b1: {  	[tilespmem:v10+s17+$0x0] =	vst.idx.msk $0xffff, v8;
	v8 =	vand.u32 $0xFFFFFF80, v9  }
0x4b2: {  	v10 =	vor.u32 v28, v5;
	v9 =	vand.u32 $0x7F, v9;
	v7 =	vld.idx.msk [tilespmem:v7+s14+$0x0], $0xffff;
	v8 =	vadd.s32 v4, v8  }
0x4b3: {  	v8 =	vor.u32 v9, v8;
	_ =	sdelay $0x2  }
0x4b4: {  	v9 =	vadd.s32 $0x1A, v6  }
0x4b5: {  	[tilespmem:v10+s17+$0x0] =	vst.idx.msk $0xffff, v7;
	v7 =	vand.u32 $0xFFFFFF80, v9  }
0x4b6: {  	v10 =	vor.u32 v29, v5;
	v9 =	vand.u32 $0x7F, v9;
	v8 =	vld.idx.msk [tilespmem:v8+s14+$0x0], $0xffff;
	v7 =	vadd.s32 v4, v7  }
0x4b7: {  	v7 =	vor.u32 v9, v7;
	_ =	sdelay $0x2  }
0x4b8: {  	v9 =	vadd.s32 $0x1B, v6  }
0x4b9: {  	[tilespmem:v10+s17+$0x0] =	vst.idx.msk $0xffff, v8;
	v8 =	vand.u32 $0xFFFFFF80, v9  }
0x4ba: {  	v10 =	vor.u32 v30, v5;
	v9 =	vand.u32 $0x7F, v9;
	v7 =	vld.idx.msk [tilespmem:v7+s14+$0x0], $0xffff;
	v8 =	vadd.s32 v4, v8  }
0x4bb: {  	v8 =	vor.u32 v9, v8;
	_ =	sdelay $0x2  }
0x4bc: {  	v9 =	vadd.s32 $0x1C, v6  }
0x4bd: {  	[tilespmem:v10+s17+$0x0] =	vst.idx.msk $0xffff, v7;
	v7 =	vand.u32 $0xFFFFFF80, v9  }
0x4be: {  	v10 =	vor.u32 v31, v5;
	v9 =	vand.u32 $0x7F, v9;
	v8 =	vld.idx.msk [tilespmem:v8+s14+$0x0], $0xffff;
	v7 =	vadd.s32 v4, v7  }
0x4bf: {  	v7 =	vor.u32 v9, v7;
	_ =	sdelay $0x2  }
0x4c0: {  	v9 =	vadd.s32 $0x1D, v6  }
0x4c1: {  	[tilespmem:v10+s17+$0x0] =	vst.idx.msk $0xffff, v8;
	v8 =	vand.u32 $0xFFFFFF80, v9  }
0x4c2: {  	v10 =	vor.u32 v32, v5;
	v9 =	vand.u32 $0x7F, v9;
	v7 =	vld.idx.msk [tilespmem:v7+s14+$0x0], $0xffff;
	v8 =	vadd.s32 v4, v8  }
0x4c3: {  	v8 =	vor.u32 v9, v8;
	_ =	sdelay $0x2  }
0x4c4: {  	v9 =	vadd.s32 $0x1E, v6  }
0x4c5: {  	[tilespmem:v10+s17+$0x0] =	vst.idx.msk $0xffff, v7;
	v7 =	vand.u32 $0xFFFFFF80, v9  }
0x4c6: {  	v10 =	vor.u32 v33, v5;
	v9 =	vand.u32 $0x7F, v9;
	v8 =	vld.idx.msk [tilespmem:v8+s14+$0x0], $0xffff;
	v7 =	vadd.s32 v4, v7  }
0x4c7: {  	v7 =	vor.u32 v9, v7;
	_ =	sdelay $0x2  }
0x4c8: {  	v9 =	vadd.s32 $0x1F, v6  }
0x4c9: {  	[tilespmem:v10+s17+$0x0] =	vst.idx.msk $0xffff, v8;
	v8 =	vand.u32 $0xFFFFFF80, v9  }
0x4ca: {  	v10 =	vor.u32 v34, v5;
	v9 =	vand.u32 $0x7F, v9;
	v7 =	vld.idx.msk [tilespmem:v7+s14+$0x0], $0xffff;
	v8 =	vadd.s32 v4, v8  }
0x4cb: {  	v8 =	vor.u32 v9, v8;
	_ =	sdelay $0x2  }
0x4cc: {  	v9 =	vadd.s32 $0x20, v6  }
0x4cd: {  	[tilespmem:v10+s17+$0x0] =	vst.idx.msk $0xffff, v7;
	v7 =	vand.u32 $0xFFFFFF80, v9  }
0x4ce: {  	v10 =	vor.u32 v35, v5;
	v9 =	vand.u32 $0x7F, v9;
	v8 =	vld.idx.msk [tilespmem:v8+s14+$0x0], $0xffff;
	v7 =	vadd.s32 v4, v7  }
0x4cf: {  	v7 =	vor.u32 v9, v7;
	_ =	sdelay $0x2  }
0x4d0: {  	v9 =	vadd.s32 $0x21, v6  }
0x4d1: {  	[tilespmem:v10+s17+$0x0] =	vst.idx.msk $0xffff, v8;
	v8 =	vand.u32 $0xFFFFFF80, v9  }
0x4d2: {  	v10 =	vor.u32 v36, v5;
	v9 =	vand.u32 $0x7F, v9;
	v7 =	vld.idx.msk [tilespmem:v7+s14+$0x0], $0xffff;
	v8 =	vadd.s32 v4, v8  }
0x4d3: {  	v8 =	vor.u32 v9, v8;
	_ =	sdelay $0x2  }
0x4d4: {  	v9 =	vadd.s32 $0x22, v6  }
0x4d5: {  	[tilespmem:v10+s17+$0x0] =	vst.idx.msk $0xffff, v7;
	v7 =	vand.u32 $0xFFFFFF80, v9  }
0x4d6: {  	v10 =	vor.u32 v37, v5;
	v9 =	vand.u32 $0x7F, v9;
	v8 =	vld.idx.msk [tilespmem:v8+s14+$0x0], $0xffff;
	v7 =	vadd.s32 v4, v7  }
0x4d7: {  	v7 =	vor.u32 v9, v7;
	_ =	sdelay $0x2  }
0x4d8: {  	v9 =	vadd.s32 $0x23, v6  }
0x4d9: {  	[tilespmem:v10+s17+$0x0] =	vst.idx.msk $0xffff, v8;
	v8 =	vand.u32 $0xFFFFFF80, v9  }
0x4da: {  	v10 =	vor.u32 v38, v5;
	v9 =	vand.u32 $0x7F, v9;
	v7 =	vld.idx.msk [tilespmem:v7+s14+$0x0], $0xffff;
	v8 =	vadd.s32 v4, v8  }
0x4db: {  	v8 =	vor.u32 v9, v8;
	_ =	sdelay $0x2  }
0x4dc: {  	v9 =	vadd.s32 $0x24, v6  }
0x4dd: {  	[tilespmem:v10+s17+$0x0] =	vst.idx.msk $0xffff, v7;
	v7 =	vand.u32 $0xFFFFFF80, v9  }
0x4de: {  	v10 =	vor.u32 v39, v5;
	v9 =	vand.u32 $0x7F, v9;
	v8 =	vld.idx.msk [tilespmem:v8+s14+$0x0], $0xffff;
	v7 =	vadd.s32 v4, v7  }
0x4df: {  	v7 =	vor.u32 v9, v7;
	_ =	sdelay $0x2  }
0x4e0: {  	v9 =	vadd.s32 $0x25, v6  }
0x4e1: {  	[tilespmem:v10+s17+$0x0] =	vst.idx.msk $0xffff, v8;
	v8 =	vand.u32 $0xFFFFFF80, v9  }
0x4e2: {  	v10 =	vor.u32 v40, v5;
	v9 =	vand.u32 $0x7F, v9;
	v7 =	vld.idx.msk [tilespmem:v7+s14+$0x0], $0xffff;
	v8 =	vadd.s32 v4, v8  }
0x4e3: {  	v8 =	vor.u32 v9, v8;
	_ =	sdelay $0x2  }
0x4e4: {  	v9 =	vadd.s32 $0x26, v6  }
0x4e5: {  	[tilespmem:v10+s17+$0x0] =	vst.idx.msk $0xffff, v7;
	v7 =	vand.u32 $0xFFFFFF80, v9  }
0x4e6: {  	v10 =	vor.u32 v41, v5;
	v9 =	vand.u32 $0x7F, v9;
	v8 =	vld.idx.msk [tilespmem:v8+s14+$0x0], $0xffff;
	v7 =	vadd.s32 v4, v7  }
0x4e7: {  	v7 =	vor.u32 v9, v7;
	_ =	sdelay $0x2  }
0x4e8: {  	v9 =	vadd.s32 $0x27, v6  }
0x4e9: {  	[tilespmem:v10+s17+$0x0] =	vst.idx.msk $0xffff, v8;
	v8 =	vand.u32 $0xFFFFFF80, v9  }
0x4ea: {  	v10 =	vor.u32 v42, v5;
	v9 =	vand.u32 $0x7F, v9;
	v7 =	vld.idx.msk [tilespmem:v7+s14+$0x0], $0xffff;
	v8 =	vadd.s32 v4, v8  }
0x4eb: {  	v8 =	vor.u32 v9, v8;
	_ =	sdelay $0x2  }
0x4ec: {  	v9 =	vadd.s32 $0x28, v6  }
0x4ed: {  	[tilespmem:v10+s17+$0x0] =	vst.idx.msk $0xffff, v7;
	v7 =	vand.u32 $0xFFFFFF80, v9  }
0x4ee: {  	v10 =	vor.u32 v43, v5;
	v9 =	vand.u32 $0x7F, v9;
	v8 =	vld.idx.msk [tilespmem:v8+s14+$0x0], $0xffff;
	v7 =	vadd.s32 v4, v7  }
0x4ef: {  	v7 =	vor.u32 v9, v7;
	_ =	sdelay $0x2  }
0x4f0: {  	v9 =	vadd.s32 $0x29, v6  }
0x4f1: {  	[tilespmem:v10+s17+$0x0] =	vst.idx.msk $0xffff, v8;
	v8 =	vand.u32 $0xFFFFFF80, v9  }
0x4f2: {  	v10 =	vor.u32 v44, v5;
	v9 =	vand.u32 $0x7F, v9;
	v7 =	vld.idx.msk [tilespmem:v7+s14+$0x0], $0xffff;
	v8 =	vadd.s32 v4, v8  }
0x4f3: {  	v8 =	vor.u32 v9, v8;
	_ =	sdelay $0x2  }
0x4f4: {  	v9 =	vadd.s32 $0x2A, v6  }
0x4f5: {  	[tilespmem:v10+s17+$0x0] =	vst.idx.msk $0xffff, v7;
	v7 =	vand.u32 $0xFFFFFF80, v9  }
0x4f6: {  	v10 =	vor.u32 v45, v5;
	v9 =	vand.u32 $0x7F, v9;
	v8 =	vld.idx.msk [tilespmem:v8+s14+$0x0], $0xffff;
	v7 =	vadd.s32 v4, v7  }
0x4f7: {  	v7 =	vor.u32 v9, v7;
	_ =	sdelay $0x2  }
0x4f8: {  	v9 =	vadd.s32 $0x2B, v6  }
0x4f9: {  	[tilespmem:v10+s17+$0x0] =	vst.idx.msk $0xffff, v8;
	v8 =	vand.u32 $0xFFFFFF80, v9  }
0x4fa: {  	v10 =	vor.u32 v46, v5;
	v9 =	vand.u32 $0x7F, v9;
	v7 =	vld.idx.msk [tilespmem:v7+s14+$0x0], $0xffff;
	v8 =	vadd.s32 v4, v8  }
0x4fb: {  	v8 =	vor.u32 v9, v8;
	_ =	sdelay $0x2  }
0x4fc: {  	v9 =	vadd.s32 $0x2C, v6  }
0x4fd: {  	[tilespmem:v10+s17+$0x0] =	vst.idx.msk $0xffff, v7;
	v7 =	vand.u32 $0xFFFFFF80, v9  }
0x4fe: {  	v10 =	vor.u32 v47, v5;
	v9 =	vand.u32 $0x7F, v9;
	v8 =	vld.idx.msk [tilespmem:v8+s14+$0x0], $0xffff;
	v7 =	vadd.s32 v4, v7  }
0x4ff: {  	v7 =	vor.u32 v9, v7;
	_ =	sdelay $0x2  }
0x500: {  	v9 =	vadd.s32 $0x2D, v6  }
0x501: {  	[tilespmem:v10+s17+$0x0] =	vst.idx.msk $0xffff, v8;
	v8 =	vand.u32 $0xFFFFFF80, v9  }
0x502: {  	v10 =	vor.u32 v48, v5;
	v9 =	vand.u32 $0x7F, v9;
	v7 =	vld.idx.msk [tilespmem:v7+s14+$0x0], $0xffff;
	v8 =	vadd.s32 v4, v8  }
0x503: {  	v8 =	vor.u32 v9, v8;
	_ =	sdelay $0x2  }
0x504: {  	v9 =	vadd.s32 $0x2E, v6  }
0x505: {  	[tilespmem:v10+s17+$0x0] =	vst.idx.msk $0xffff, v7;
	v7 =	vand.u32 $0xFFFFFF80, v9  }
0x506: {  	v10 =	vor.u32 v49, v5;
	v9 =	vand.u32 $0x7F, v9;
	v8 =	vld.idx.msk [tilespmem:v8+s14+$0x0], $0xffff;
	v7 =	vadd.s32 v4, v7  }
0x507: {  	v7 =	vor.u32 v9, v7;
	_ =	sdelay $0x2  }
0x508: {  	v9 =	vadd.s32 $0x2F, v6  }
0x509: {  	[tilespmem:v10+s17+$0x0] =	vst.idx.msk $0xffff, v8;
	v8 =	vand.u32 $0xFFFFFF80, v9  }
0x50a: {  	v10 =	vor.u32 v50, v5;
	v9 =	vand.u32 $0x7F, v9;
	v7 =	vld.idx.msk [tilespmem:v7+s14+$0x0], $0xffff;
	v8 =	vadd.s32 v4, v8  }
0x50b: {  	v8 =	vor.u32 v9, v8;
	_ =	sdelay $0x2  }
0x50c: {  	v9 =	vadd.s32 $0x30, v6  }
0x50d: {  	[tilespmem:v10+s17+$0x0] =	vst.idx.msk $0xffff, v7;
	v7 =	vand.u32 $0xFFFFFF80, v9  }
0x50e: {  	v10 =	vor.u32 v51, v5;
	v9 =	vand.u32 $0x7F, v9;
	v8 =	vld.idx.msk [tilespmem:v8+s14+$0x0], $0xffff;
	v7 =	vadd.s32 v4, v7  }
0x50f: {  	v7 =	vor.u32 v9, v7;
	_ =	sdelay $0x2  }
0x510: {  	v9 =	vadd.s32 $0x31, v6  }
0x511: {  	[tilespmem:v10+s17+$0x0] =	vst.idx.msk $0xffff, v8;
	v8 =	vand.u32 $0xFFFFFF80, v9  }
0x512: {  	v10 =	vor.u32 v52, v5;
	v9 =	vand.u32 $0x7F, v9;
	v7 =	vld.idx.msk [tilespmem:v7+s14+$0x0], $0xffff;
	v8 =	vadd.s32 v4, v8  }
0x513: {  	v8 =	vor.u32 v9, v8;
	_ =	sdelay $0x2  }
0x514: {  	v9 =	vadd.s32 $0x32, v6  }
0x515: {  	[tilespmem:v10+s17+$0x0] =	vst.idx.msk $0xffff, v7;
	v7 =	vand.u32 $0xFFFFFF80, v9  }
0x516: {  	v10 =	vor.u32 v53, v5;
	v9 =	vand.u32 $0x7F, v9;
	v8 =	vld.idx.msk [tilespmem:v8+s14+$0x0], $0xffff;
	v7 =	vadd.s32 v4, v7  }
0x517: {  	v7 =	vor.u32 v9, v7;
	_ =	sdelay $0x2  }
0x518: {  	v9 =	vadd.s32 $0x33, v6  }
0x519: {  	[tilespmem:v10+s17+$0x0] =	vst.idx.msk $0xffff, v8;
	v8 =	vand.u32 $0xFFFFFF80, v9  }
0x51a: {  	v10 =	vor.u32 v54, v5;
	v9 =	vand.u32 $0x7F, v9;
	v7 =	vld.idx.msk [tilespmem:v7+s14+$0x0], $0xffff;
	v8 =	vadd.s32 v4, v8  }
0x51b: {  	v8 =	vor.u32 v9, v8;
	_ =	sdelay $0x2  }
0x51c: {  	v9 =	vadd.s32 $0x34, v6  }
0x51d: {  	[tilespmem:v10+s17+$0x0] =	vst.idx.msk $0xffff, v7;
	v7 =	vand.u32 $0xFFFFFF80, v9  }
0x51e: {  	v10 =	vor.u32 v55, v5;
	v9 =	vand.u32 $0x7F, v9;
	v8 =	vld.idx.msk [tilespmem:v8+s14+$0x0], $0xffff;
	v7 =	vadd.s32 v4, v7  }
0x51f: {  	v7 =	vor.u32 v9, v7;
	_ =	sdelay $0x2  }
0x520: {  	v9 =	vadd.s32 $0x35, v6  }
0x521: {  	[tilespmem:v10+s17+$0x0] =	vst.idx.msk $0xffff, v8;
	v8 =	vand.u32 $0xFFFFFF80, v9  }
0x522: {  	v10 =	vor.u32 v56, v5;
	v9 =	vand.u32 $0x7F, v9;
	v7 =	vld.idx.msk [tilespmem:v7+s14+$0x0], $0xffff;
	v8 =	vadd.s32 v4, v8  }
0x523: {  	v8 =	vor.u32 v9, v8;
	_ =	sdelay $0x2  }
0x524: {  	v9 =	vadd.s32 $0x36, v6  }
0x525: {  	[tilespmem:v10+s17+$0x0] =	vst.idx.msk $0xffff, v7;
	v7 =	vand.u32 $0xFFFFFF80, v9  }
0x526: {  	v10 =	vor.u32 v57, v5;
	v9 =	vand.u32 $0x7F, v9;
	v8 =	vld.idx.msk [tilespmem:v8+s14+$0x0], $0xffff;
	v7 =	vadd.s32 v4, v7  }
0x527: {  	v7 =	vor.u32 v9, v7;
	_ =	sdelay $0x2  }
0x528: {  	v9 =	vadd.s32 $0x37, v6  }
0x529: {  	[tilespmem:v10+s17+$0x0] =	vst.idx.msk $0xffff, v8;
	v8 =	vand.u32 $0xFFFFFF80, v9  }
0x52a: {  	v10 =	vor.u32 v58, v5;
	v9 =	vand.u32 $0x7F, v9;
	v7 =	vld.idx.msk [tilespmem:v7+s14+$0x0], $0xffff;
	v8 =	vadd.s32 v4, v8  }
0x52b: {  	v8 =	vor.u32 v9, v8;
	_ =	sdelay $0x2  }
0x52c: {  	v9 =	vadd.s32 $0x38, v6  }
0x52d: {  	[tilespmem:v10+s17+$0x0] =	vst.idx.msk $0xffff, v7;
	v7 =	vand.u32 $0xFFFFFF80, v9  }
0x52e: {  	v10 =	vor.u32 v59, v5;
	v9 =	vand.u32 $0x7F, v9;
	v8 =	vld.idx.msk [tilespmem:v8+s14+$0x0], $0xffff;
	v7 =	vadd.s32 v4, v7  }
0x52f: {  	v7 =	vor.u32 v9, v7;
	_ =	sdelay $0x2  }
0x530: {  	v9 =	vadd.s32 $0x39, v6  }
0x531: {  	[tilespmem:v10+s17+$0x0] =	vst.idx.msk $0xffff, v8;
	v8 =	vand.u32 $0xFFFFFF80, v9  }
0x532: {  	v10 =	vor.u32 v60, v5;
	v9 =	vand.u32 $0x7F, v9;
	v7 =	vld.idx.msk [tilespmem:v7+s14+$0x0], $0xffff;
	v8 =	vadd.s32 v4, v8  }
0x533: {  	v8 =	vor.u32 v9, v8;
	_ =	sdelay $0x2  }
0x534: {  	v9 =	vadd.s32 $0x3A, v6  }
0x535: {  	[tilespmem:v10+s17+$0x0] =	vst.idx.msk $0xffff, v7;
	v7 =	vand.u32 $0xFFFFFF80, v9  }
0x536: {  	v10 =	vor.u32 v61, v5;
	v9 =	vand.u32 $0x7F, v9;
	v8 =	vld.idx.msk [tilespmem:v8+s14+$0x0], $0xffff;
	v7 =	vadd.s32 v4, v7  }
0x537: {  	v7 =	vor.u32 v9, v7;
	_ =	sdelay $0x2  }
0x538: {  	v9 =	vadd.s32 $0x3B, v6  }
0x539: {  	[tilespmem:v10+s17+$0x0] =	vst.idx.msk $0xffff, v8;
	v8 =	vand.u32 $0xFFFFFF80, v9  }
0x53a: {  	v10 =	vor.u32 v62, v5;
	v9 =	vand.u32 $0x7F, v9;
	v7 =	vld.idx.msk [tilespmem:v7+s14+$0x0], $0xffff;
	v8 =	vadd.s32 v4, v8  }
0x53b: {  	v8 =	vor.u32 v9, v8;
	_ =	sdelay $0x2  }
0x53c: {  	v9 =	vadd.s32 $0x3C, v6  }
0x53d: {  	[tilespmem:v10+s17+$0x0] =	vst.idx.msk $0xffff, v7;
	v7 =	vand.u32 $0xFFFFFF80, v9  }
0x53e: {  	v10 =	vor.u32 v63, v5;
	v9 =	vand.u32 $0x7F, v9;
	v8 =	vld.idx.msk [tilespmem:v8+s14+$0x0], $0xffff;
	v7 =	vadd.s32 v4, v7  }
0x53f: {  	v7 =	vor.u32 v9, v7;
	_ =	sdelay $0x2  }
0x540: {  	v9 =	vadd.s32 $0x3D, v6  }
0x541: {  	[tilespmem:v10+s17+$0x0] =	vst.idx.msk $0xffff, v8;
	v8 =	vand.u32 $0xFFFFFF80, v9  }
0x542: {  	v10 =	vor.u32 v3, v5;
	v9 =	vand.u32 $0x7F, v9;
	v7 =	vld.idx.msk [tilespmem:v7+s14+$0x0], $0xffff;
	v8 =	vadd.s32 v4, v8  }
0x543: {  	v8 =	vor.u32 v9, v8;
	_ =	sdelay $0x2  }
0x544: {  	v9 =	vadd.s32 $0x3E, v6  }
0x545: {  	[tilespmem:v10+s17+$0x0] =	vst.idx.msk $0xffff, v7;
	v7 =	vand.u32 $0xFFFFFF80, v9  }
0x546: {  	v10 =	vor.u32 v0, v5;
	v9 =	vand.u32 $0x7F, v9;
	v8 =	vld.idx.msk [tilespmem:v8+s14+$0x0], $0xffff;
	v7 =	vadd.s32 v4, v7  }
0x547: {  	v7 =	vor.u32 v9, v7;
	_ =	sdelay $0x2  }
0x548: {  	v6 =	vadd.s32 $0x3F, v6  }
0x549: {  	[tilespmem:v10+s17+$0x0] =	vst.idx.msk $0xffff, v8;
	v8 =	vand.u32 $0xFFFFFF80, v6  }
0x54a: {  	v6 =	vand.u32 $0x7F, v6;
	v7 =	vld.idx.msk [tilespmem:v7+s14+$0x0], $0xffff;
	v4 =	vadd.s32 v4, v8;
	v8 =	vor.u32 v1, v5  }
0x54b: {  	v4 =	vor.u32 v6, v4;
	_ =	sdelay $0x3  }
0x54c: {  	[tilespmem:v8+s17+$0x0] =	vst.idx.msk $0xffff, v7  }
0x54d: {  	p0 =	sne.s32 s28, $0x70;
	v5 =	vor.u32 v2, v5;
	v4 =	vld.idx.msk [tilespmem:v4+s14+$0x0], $0xffff  }
.Ltmp2:
0x54e: {  	_ = 	snop;
	(pc) =	sbr.rel @p0 .LBB2_6-.Ltmp2, $2  }
0x54f: {  	_ =	sdelay $0x2  }
0x550: {  	s29 =	sadd.s32 $0x10, s29;
	s28 =	sadd.s32 $0x10, s28;
	[tilespmem:v5+s17+$0x0] =	vst.idx.msk $0xffff, v4  }
0x551: {  	s28 =	simm.s32 $0x0  }
0x552: {  	[hbm4b:s11+s28] =	stream.linear.scatter [tilespmem:s17], [sflag:$0x4], $0x8000, $0x38;
	[tilespmem:$0x18800] =	vst v63  }
0x553: {  	_ =	swait.ge [sflag:s23], $0x8000  }
0x554: {  	[sflag:s23] =	ssyncset.done $0x0  }
0x555: {  	[sflag:s23] =	ssyncadd.s32 $0xFFFF8000  }
0x556: {  	_ =	swait.ge [sflag:s23], $0x4000  }
0x557: {  	[sflag:s23] =	ssyncset.done $0x0  }
0x558: {  	s29 =	simm.s32 $0x780;
	v4 =	vlaneseq.u32;
	[sflag:s23] =	ssyncadd.s32 $0xFFFFC000  }
.LBB2_8:
0x559: {  	v6 =	vld [tilespmem:s29+$0x0];
	_ =	sdelay $0x3  }
0x55a: {  	v5 =	vor.u32 s28, v4  }
0x55b: {  	v4 =	vshll.u32 v5, $0x7;
	v7 =	vand.u32 $0xFFFFFF80, v6  }
0x55c: {  	v8 =	vand.u32 $0x7F, v6;
	v7 =	vadd.s32 v4, v7  }
0x55d: {  	v10 =	vld [tilespmem:$0x1FF70];
	v7 =	vor.u32 v8, v7;
	_ =	sdelay $0x2  }
0x55e: {  	v5 =	vshll.u32 v5, $0x8  }
0x55f: {  	v5 =	vand.u32 $0x7800, v5  }
0x560: {  	v10 =	vor.u32 v10, v5;
	v7 =	vld.idx.msk [tilespmem:v7+s22+$0x0], $0xffff;
	_ =	sdelay $0x1  }
0x561: {  	v8 =	vadd.s32 $0x1, v6  }
0x562: {  	v9 =	vand.u32 $0xFFFFFF80, v8  }
0x563: {  	v8 =	vand.u32 $0x7F, v8;
	v9 =	vadd.s32 v4, v9  }
0x564: {  	v8 =	vor.u32 v8, v9;
	[tilespmem:v10+s19+$0x0] =	vst.idx.msk $0xffff, v7;
	v10 =	vld [tilespmem:$0x1FF80];
	_ =	sdelay $0x4  }
0x565: {  	v8 =	vld.idx.msk [tilespmem:v8+s22+$0x0], $0xffff;
	v10 =	vor.u32 v10, v5;
	_ =	sdelay $0x1  }
0x566: {  	v9 =	vadd.s32 $0x2, v6  }
0x567: {  	v7 =	vand.u32 $0xFFFFFF80, v9  }
0x568: {  	v9 =	vand.u32 $0x7F, v9;
	v7 =	vadd.s32 v4, v7  }
0x569: {  	v7 =	vor.u32 v9, v7;
	[tilespmem:v10+s19+$0x0] =	vst.idx.msk $0xffff, v8;
	v10 =	vld [tilespmem:$0x1FF90];
	_ =	sdelay $0x4  }
0x56a: {  	v7 =	vld.idx.msk [tilespmem:v7+s22+$0x0], $0xffff;
	v10 =	vor.u32 v10, v5;
	_ =	sdelay $0x1  }
0x56b: {  	v9 =	vadd.s32 $0x3, v6  }
0x56c: {  	v8 =	vand.u32 $0xFFFFFF80, v9  }
0x56d: {  	v9 =	vand.u32 $0x7F, v9;
	v8 =	vadd.s32 v4, v8  }
0x56e: {  	v8 =	vor.u32 v9, v8;
	[tilespmem:v10+s19+$0x0] =	vst.idx.msk $0xffff, v7;
	v10 =	vld [tilespmem:$0x1FFA0];
	_ =	sdelay $0x4  }
0x56f: {  	v8 =	vld.idx.msk [tilespmem:v8+s22+$0x0], $0xffff;
	v10 =	vor.u32 v10, v5;
	_ =	sdelay $0x1  }
0x570: {  	v9 =	vadd.s32 $0x4, v6  }
0x571: {  	v7 =	vand.u32 $0xFFFFFF80, v9  }
0x572: {  	v9 =	vand.u32 $0x7F, v9;
	v7 =	vadd.s32 v4, v7  }
0x573: {  	v7 =	vor.u32 v9, v7;
	[tilespmem:v10+s19+$0x0] =	vst.idx.msk $0xffff, v8;
	v10 =	vld [tilespmem:$0x1FFB0];
	_ =	sdelay $0x4  }
0x574: {  	v7 =	vld.idx.msk [tilespmem:v7+s22+$0x0], $0xffff;
	v10 =	vor.u32 v10, v5;
	_ =	sdelay $0x1  }
0x575: {  	v9 =	vadd.s32 $0x5, v6  }
0x576: {  	v8 =	vand.u32 $0xFFFFFF80, v9  }
0x577: {  	v9 =	vand.u32 $0x7F, v9;
	v8 =	vadd.s32 v4, v8  }
0x578: {  	v8 =	vor.u32 v9, v8;
	[tilespmem:v10+s19+$0x0] =	vst.idx.msk $0xffff, v7;
	v10 =	vld [tilespmem:$0x1FFC0];
	_ =	sdelay $0x4  }
0x579: {  	v8 =	vld.idx.msk [tilespmem:v8+s22+$0x0], $0xffff;
	v10 =	vor.u32 v10, v5;
	_ =	sdelay $0x1  }
0x57a: {  	v9 =	vadd.s32 $0x6, v6  }
0x57b: {  	v7 =	vand.u32 $0xFFFFFF80, v9  }
0x57c: {  	v9 =	vand.u32 $0x7F, v9;
	v7 =	vadd.s32 v4, v7  }
0x57d: {  	v7 =	vor.u32 v9, v7;
	[tilespmem:v10+s19+$0x0] =	vst.idx.msk $0xffff, v8;
	v10 =	vld [tilespmem:$0x1FF60];
	_ =	sdelay $0x2  }
0x57e: {  	v9 =	vadd.s32 $0x7, v6  }
0x57f: {  	v8 =	vand.u32 $0xFFFFFF80, v9  }
0x580: {  	v9 =	vand.u32 $0x7F, v9;
	v7 =	vld.idx.msk [tilespmem:v7+s22+$0x0], $0xffff;
	v8 =	vadd.s32 v4, v8;
	v10 =	vor.u32 v10, v5  }
0x581: {  	v8 =	vor.u32 v9, v8;
	_ =	sdelay $0x2  }
0x582: {  	v9 =	vadd.s32 $0x8, v6  }
0x583: {  	[tilespmem:v10+s19+$0x0] =	vst.idx.msk $0xffff, v7;
	v7 =	vand.u32 $0xFFFFFF80, v9  }
0x584: {  	v10 =	vor.u32 v11, v5;
	v9 =	vand.u32 $0x7F, v9;
	v8 =	vld.idx.msk [tilespmem:v8+s22+$0x0], $0xffff;
	v7 =	vadd.s32 v4, v7  }
0x585: {  	v7 =	vor.u32 v9, v7;
	_ =	sdelay $0x2  }
0x586: {  	v9 =	vadd.s32 $0x9, v6  }
0x587: {  	[tilespmem:v10+s19+$0x0] =	vst.idx.msk $0xffff, v8;
	v8 =	vand.u32 $0xFFFFFF80, v9  }
0x588: {  	v10 =	vor.u32 v12, v5;
	v9 =	vand.u32 $0x7F, v9;
	v7 =	vld.idx.msk [tilespmem:v7+s22+$0x0], $0xffff;
	v8 =	vadd.s32 v4, v8  }
0x589: {  	v8 =	vor.u32 v9, v8;
	_ =	sdelay $0x2  }
0x58a: {  	v9 =	vadd.s32 $0xA, v6  }
0x58b: {  	[tilespmem:v10+s19+$0x0] =	vst.idx.msk $0xffff, v7;
	v7 =	vand.u32 $0xFFFFFF80, v9  }
0x58c: {  	v10 =	vor.u32 v13, v5;
	v9 =	vand.u32 $0x7F, v9;
	v8 =	vld.idx.msk [tilespmem:v8+s22+$0x0], $0xffff;
	v7 =	vadd.s32 v4, v7  }
0x58d: {  	v7 =	vor.u32 v9, v7;
	_ =	sdelay $0x2  }
0x58e: {  	v9 =	vadd.s32 $0xB, v6  }
0x58f: {  	[tilespmem:v10+s19+$0x0] =	vst.idx.msk $0xffff, v8;
	v8 =	vand.u32 $0xFFFFFF80, v9  }
0x590: {  	v10 =	vor.u32 v14, v5;
	v9 =	vand.u32 $0x7F, v9;
	v7 =	vld.idx.msk [tilespmem:v7+s22+$0x0], $0xffff;
	v8 =	vadd.s32 v4, v8  }
0x591: {  	v8 =	vor.u32 v9, v8;
	_ =	sdelay $0x2  }
0x592: {  	v9 =	vadd.s32 $0xC, v6  }
0x593: {  	[tilespmem:v10+s19+$0x0] =	vst.idx.msk $0xffff, v7;
	v7 =	vand.u32 $0xFFFFFF80, v9  }
0x594: {  	v10 =	vor.u32 v15, v5;
	v9 =	vand.u32 $0x7F, v9;
	v8 =	vld.idx.msk [tilespmem:v8+s22+$0x0], $0xffff;
	v7 =	vadd.s32 v4, v7  }
0x595: {  	v7 =	vor.u32 v9, v7;
	_ =	sdelay $0x2  }
0x596: {  	v9 =	vadd.s32 $0xD, v6  }
0x597: {  	[tilespmem:v10+s19+$0x0] =	vst.idx.msk $0xffff, v8;
	v8 =	vand.u32 $0xFFFFFF80, v9  }
0x598: {  	v10 =	vor.u32 v16, v5;
	v9 =	vand.u32 $0x7F, v9;
	v7 =	vld.idx.msk [tilespmem:v7+s22+$0x0], $0xffff;
	v8 =	vadd.s32 v4, v8  }
0x599: {  	v8 =	vor.u32 v9, v8;
	_ =	sdelay $0x2  }
0x59a: {  	v9 =	vadd.s32 $0xE, v6  }
0x59b: {  	[tilespmem:v10+s19+$0x0] =	vst.idx.msk $0xffff, v7;
	v7 =	vand.u32 $0xFFFFFF80, v9  }
0x59c: {  	v10 =	vor.u32 v17, v5;
	v9 =	vand.u32 $0x7F, v9;
	v8 =	vld.idx.msk [tilespmem:v8+s22+$0x0], $0xffff;
	v7 =	vadd.s32 v4, v7  }
0x59d: {  	v7 =	vor.u32 v9, v7;
	_ =	sdelay $0x2  }
0x59e: {  	v9 =	vadd.s32 $0xF, v6  }
0x59f: {  	[tilespmem:v10+s19+$0x0] =	vst.idx.msk $0xffff, v8;
	v8 =	vand.u32 $0xFFFFFF80, v9  }
0x5a0: {  	v10 =	vor.u32 v18, v5;
	v9 =	vand.u32 $0x7F, v9;
	v7 =	vld.idx.msk [tilespmem:v7+s22+$0x0], $0xffff;
	v8 =	vadd.s32 v4, v8  }
0x5a1: {  	v8 =	vor.u32 v9, v8;
	_ =	sdelay $0x2  }
0x5a2: {  	v9 =	vadd.s32 $0x10, v6  }
0x5a3: {  	[tilespmem:v10+s19+$0x0] =	vst.idx.msk $0xffff, v7;
	v7 =	vand.u32 $0xFFFFFF80, v9  }
0x5a4: {  	v10 =	vor.u32 v19, v5;
	v9 =	vand.u32 $0x7F, v9;
	v8 =	vld.idx.msk [tilespmem:v8+s22+$0x0], $0xffff;
	v7 =	vadd.s32 v4, v7  }
0x5a5: {  	v7 =	vor.u32 v9, v7;
	_ =	sdelay $0x2  }
0x5a6: {  	v9 =	vadd.s32 $0x11, v6  }
0x5a7: {  	[tilespmem:v10+s19+$0x0] =	vst.idx.msk $0xffff, v8;
	v8 =	vand.u32 $0xFFFFFF80, v9  }
0x5a8: {  	v10 =	vor.u32 v20, v5;
	v9 =	vand.u32 $0x7F, v9;
	v7 =	vld.idx.msk [tilespmem:v7+s22+$0x0], $0xffff;
	v8 =	vadd.s32 v4, v8  }
0x5a9: {  	v8 =	vor.u32 v9, v8;
	_ =	sdelay $0x2  }
0x5aa: {  	v9 =	vadd.s32 $0x12, v6  }
0x5ab: {  	[tilespmem:v10+s19+$0x0] =	vst.idx.msk $0xffff, v7;
	v7 =	vand.u32 $0xFFFFFF80, v9  }
0x5ac: {  	v10 =	vor.u32 v21, v5;
	v9 =	vand.u32 $0x7F, v9;
	v8 =	vld.idx.msk [tilespmem:v8+s22+$0x0], $0xffff;
	v7 =	vadd.s32 v4, v7  }
0x5ad: {  	v7 =	vor.u32 v9, v7;
	_ =	sdelay $0x2  }
0x5ae: {  	v9 =	vadd.s32 $0x13, v6  }
0x5af: {  	[tilespmem:v10+s19+$0x0] =	vst.idx.msk $0xffff, v8;
	v8 =	vand.u32 $0xFFFFFF80, v9  }
0x5b0: {  	v10 =	vor.u32 v22, v5;
	v9 =	vand.u32 $0x7F, v9;
	v7 =	vld.idx.msk [tilespmem:v7+s22+$0x0], $0xffff;
	v8 =	vadd.s32 v4, v8  }
0x5b1: {  	v8 =	vor.u32 v9, v8;
	_ =	sdelay $0x2  }
0x5b2: {  	v9 =	vadd.s32 $0x14, v6  }
0x5b3: {  	[tilespmem:v10+s19+$0x0] =	vst.idx.msk $0xffff, v7;
	v7 =	vand.u32 $0xFFFFFF80, v9  }
0x5b4: {  	v10 =	vor.u32 v23, v5;
	v9 =	vand.u32 $0x7F, v9;
	v8 =	vld.idx.msk [tilespmem:v8+s22+$0x0], $0xffff;
	v7 =	vadd.s32 v4, v7  }
0x5b5: {  	v7 =	vor.u32 v9, v7;
	_ =	sdelay $0x2  }
0x5b6: {  	v9 =	vadd.s32 $0x15, v6  }
0x5b7: {  	[tilespmem:v10+s19+$0x0] =	vst.idx.msk $0xffff, v8;
	v8 =	vand.u32 $0xFFFFFF80, v9  }
0x5b8: {  	v10 =	vor.u32 v24, v5;
	v9 =	vand.u32 $0x7F, v9;
	v7 =	vld.idx.msk [tilespmem:v7+s22+$0x0], $0xffff;
	v8 =	vadd.s32 v4, v8  }
0x5b9: {  	v8 =	vor.u32 v9, v8;
	_ =	sdelay $0x2  }
0x5ba: {  	v9 =	vadd.s32 $0x16, v6  }
0x5bb: {  	[tilespmem:v10+s19+$0x0] =	vst.idx.msk $0xffff, v7;
	v7 =	vand.u32 $0xFFFFFF80, v9  }
0x5bc: {  	v10 =	vor.u32 v25, v5;
	v9 =	vand.u32 $0x7F, v9;
	v8 =	vld.idx.msk [tilespmem:v8+s22+$0x0], $0xffff;
	v7 =	vadd.s32 v4, v7  }
0x5bd: {  	v7 =	vor.u32 v9, v7;
	_ =	sdelay $0x2  }
0x5be: {  	v9 =	vadd.s32 $0x17, v6  }
0x5bf: {  	[tilespmem:v10+s19+$0x0] =	vst.idx.msk $0xffff, v8;
	v8 =	vand.u32 $0xFFFFFF80, v9  }
0x5c0: {  	v10 =	vor.u32 v26, v5;
	v9 =	vand.u32 $0x7F, v9;
	v7 =	vld.idx.msk [tilespmem:v7+s22+$0x0], $0xffff;
	v8 =	vadd.s32 v4, v8  }
0x5c1: {  	v8 =	vor.u32 v9, v8;
	_ =	sdelay $0x2  }
0x5c2: {  	v9 =	vadd.s32 $0x18, v6  }
0x5c3: {  	[tilespmem:v10+s19+$0x0] =	vst.idx.msk $0xffff, v7;
	v7 =	vand.u32 $0xFFFFFF80, v9  }
0x5c4: {  	v10 =	vor.u32 v27, v5;
	v9 =	vand.u32 $0x7F, v9;
	v8 =	vld.idx.msk [tilespmem:v8+s22+$0x0], $0xffff;
	v7 =	vadd.s32 v4, v7  }
0x5c5: {  	v7 =	vor.u32 v9, v7;
	_ =	sdelay $0x2  }
0x5c6: {  	v9 =	vadd.s32 $0x19, v6  }
0x5c7: {  	[tilespmem:v10+s19+$0x0] =	vst.idx.msk $0xffff, v8;
	v8 =	vand.u32 $0xFFFFFF80, v9  }
0x5c8: {  	v10 =	vor.u32 v28, v5;
	v9 =	vand.u32 $0x7F, v9;
	v7 =	vld.idx.msk [tilespmem:v7+s22+$0x0], $0xffff;
	v8 =	vadd.s32 v4, v8  }
0x5c9: {  	v8 =	vor.u32 v9, v8;
	_ =	sdelay $0x2  }
0x5ca: {  	v9 =	vadd.s32 $0x1A, v6  }
0x5cb: {  	[tilespmem:v10+s19+$0x0] =	vst.idx.msk $0xffff, v7;
	v7 =	vand.u32 $0xFFFFFF80, v9  }
0x5cc: {  	v10 =	vor.u32 v29, v5;
	v9 =	vand.u32 $0x7F, v9;
	v8 =	vld.idx.msk [tilespmem:v8+s22+$0x0], $0xffff;
	v7 =	vadd.s32 v4, v7  }
0x5cd: {  	v7 =	vor.u32 v9, v7;
	_ =	sdelay $0x2  }
0x5ce: {  	v9 =	vadd.s32 $0x1B, v6  }
0x5cf: {  	[tilespmem:v10+s19+$0x0] =	vst.idx.msk $0xffff, v8;
	v8 =	vand.u32 $0xFFFFFF80, v9  }
0x5d0: {  	v10 =	vor.u32 v30, v5;
	v9 =	vand.u32 $0x7F, v9;
	v7 =	vld.idx.msk [tilespmem:v7+s22+$0x0], $0xffff;
	v8 =	vadd.s32 v4, v8  }
0x5d1: {  	v8 =	vor.u32 v9, v8;
	_ =	sdelay $0x2  }
0x5d2: {  	v9 =	vadd.s32 $0x1C, v6  }
0x5d3: {  	[tilespmem:v10+s19+$0x0] =	vst.idx.msk $0xffff, v7;
	v7 =	vand.u32 $0xFFFFFF80, v9  }
0x5d4: {  	v10 =	vor.u32 v31, v5;
	v9 =	vand.u32 $0x7F, v9;
	v8 =	vld.idx.msk [tilespmem:v8+s22+$0x0], $0xffff;
	v7 =	vadd.s32 v4, v7  }
0x5d5: {  	v7 =	vor.u32 v9, v7;
	_ =	sdelay $0x2  }
0x5d6: {  	v9 =	vadd.s32 $0x1D, v6  }
0x5d7: {  	[tilespmem:v10+s19+$0x0] =	vst.idx.msk $0xffff, v8;
	v8 =	vand.u32 $0xFFFFFF80, v9  }
0x5d8: {  	v10 =	vor.u32 v32, v5;
	v9 =	vand.u32 $0x7F, v9;
	v7 =	vld.idx.msk [tilespmem:v7+s22+$0x0], $0xffff;
	v8 =	vadd.s32 v4, v8  }
0x5d9: {  	v8 =	vor.u32 v9, v8;
	_ =	sdelay $0x2  }
0x5da: {  	v9 =	vadd.s32 $0x1E, v6  }
0x5db: {  	[tilespmem:v10+s19+$0x0] =	vst.idx.msk $0xffff, v7;
	v7 =	vand.u32 $0xFFFFFF80, v9  }
0x5dc: {  	v10 =	vor.u32 v33, v5;
	v9 =	vand.u32 $0x7F, v9;
	v8 =	vld.idx.msk [tilespmem:v8+s22+$0x0], $0xffff;
	v7 =	vadd.s32 v4, v7  }
0x5dd: {  	v7 =	vor.u32 v9, v7;
	_ =	sdelay $0x2  }
0x5de: {  	v9 =	vadd.s32 $0x1F, v6  }
0x5df: {  	[tilespmem:v10+s19+$0x0] =	vst.idx.msk $0xffff, v8;
	v8 =	vand.u32 $0xFFFFFF80, v9  }
0x5e0: {  	v10 =	vor.u32 v34, v5;
	v9 =	vand.u32 $0x7F, v9;
	v7 =	vld.idx.msk [tilespmem:v7+s22+$0x0], $0xffff;
	v8 =	vadd.s32 v4, v8  }
0x5e1: {  	v8 =	vor.u32 v9, v8;
	_ =	sdelay $0x2  }
0x5e2: {  	v9 =	vadd.s32 $0x20, v6  }
0x5e3: {  	[tilespmem:v10+s19+$0x0] =	vst.idx.msk $0xffff, v7;
	v7 =	vand.u32 $0xFFFFFF80, v9  }
0x5e4: {  	v10 =	vor.u32 v35, v5;
	v9 =	vand.u32 $0x7F, v9;
	v8 =	vld.idx.msk [tilespmem:v8+s22+$0x0], $0xffff;
	v7 =	vadd.s32 v4, v7  }
0x5e5: {  	v7 =	vor.u32 v9, v7;
	_ =	sdelay $0x2  }
0x5e6: {  	v9 =	vadd.s32 $0x21, v6  }
0x5e7: {  	[tilespmem:v10+s19+$0x0] =	vst.idx.msk $0xffff, v8;
	v8 =	vand.u32 $0xFFFFFF80, v9  }
0x5e8: {  	v10 =	vor.u32 v36, v5;
	v9 =	vand.u32 $0x7F, v9;
	v7 =	vld.idx.msk [tilespmem:v7+s22+$0x0], $0xffff;
	v8 =	vadd.s32 v4, v8  }
0x5e9: {  	v8 =	vor.u32 v9, v8;
	_ =	sdelay $0x2  }
0x5ea: {  	v9 =	vadd.s32 $0x22, v6  }
0x5eb: {  	[tilespmem:v10+s19+$0x0] =	vst.idx.msk $0xffff, v7;
	v7 =	vand.u32 $0xFFFFFF80, v9  }
0x5ec: {  	v10 =	vor.u32 v37, v5;
	v9 =	vand.u32 $0x7F, v9;
	v8 =	vld.idx.msk [tilespmem:v8+s22+$0x0], $0xffff;
	v7 =	vadd.s32 v4, v7  }
0x5ed: {  	v7 =	vor.u32 v9, v7;
	_ =	sdelay $0x2  }
0x5ee: {  	v9 =	vadd.s32 $0x23, v6  }
0x5ef: {  	[tilespmem:v10+s19+$0x0] =	vst.idx.msk $0xffff, v8;
	v8 =	vand.u32 $0xFFFFFF80, v9  }
0x5f0: {  	v10 =	vor.u32 v38, v5;
	v9 =	vand.u32 $0x7F, v9;
	v7 =	vld.idx.msk [tilespmem:v7+s22+$0x0], $0xffff;
	v8 =	vadd.s32 v4, v8  }
0x5f1: {  	v8 =	vor.u32 v9, v8;
	_ =	sdelay $0x2  }
0x5f2: {  	v9 =	vadd.s32 $0x24, v6  }
0x5f3: {  	[tilespmem:v10+s19+$0x0] =	vst.idx.msk $0xffff, v7;
	v7 =	vand.u32 $0xFFFFFF80, v9  }
0x5f4: {  	v10 =	vor.u32 v39, v5;
	v9 =	vand.u32 $0x7F, v9;
	v8 =	vld.idx.msk [tilespmem:v8+s22+$0x0], $0xffff;
	v7 =	vadd.s32 v4, v7  }
0x5f5: {  	v7 =	vor.u32 v9, v7;
	_ =	sdelay $0x2  }
0x5f6: {  	v9 =	vadd.s32 $0x25, v6  }
0x5f7: {  	[tilespmem:v10+s19+$0x0] =	vst.idx.msk $0xffff, v8;
	v8 =	vand.u32 $0xFFFFFF80, v9  }
0x5f8: {  	v10 =	vor.u32 v40, v5;
	v9 =	vand.u32 $0x7F, v9;
	v7 =	vld.idx.msk [tilespmem:v7+s22+$0x0], $0xffff;
	v8 =	vadd.s32 v4, v8  }
0x5f9: {  	v8 =	vor.u32 v9, v8;
	_ =	sdelay $0x2  }
0x5fa: {  	v9 =	vadd.s32 $0x26, v6  }
0x5fb: {  	[tilespmem:v10+s19+$0x0] =	vst.idx.msk $0xffff, v7;
	v7 =	vand.u32 $0xFFFFFF80, v9  }
0x5fc: {  	v10 =	vor.u32 v41, v5;
	v9 =	vand.u32 $0x7F, v9;
	v8 =	vld.idx.msk [tilespmem:v8+s22+$0x0], $0xffff;
	v7 =	vadd.s32 v4, v7  }
0x5fd: {  	v7 =	vor.u32 v9, v7;
	_ =	sdelay $0x2  }
0x5fe: {  	v9 =	vadd.s32 $0x27, v6  }
0x5ff: {  	[tilespmem:v10+s19+$0x0] =	vst.idx.msk $0xffff, v8;
	v8 =	vand.u32 $0xFFFFFF80, v9  }
0x600: {  	v10 =	vor.u32 v42, v5;
	v9 =	vand.u32 $0x7F, v9;
	v7 =	vld.idx.msk [tilespmem:v7+s22+$0x0], $0xffff;
	v8 =	vadd.s32 v4, v8  }
0x601: {  	v8 =	vor.u32 v9, v8;
	_ =	sdelay $0x2  }
0x602: {  	v9 =	vadd.s32 $0x28, v6  }
0x603: {  	[tilespmem:v10+s19+$0x0] =	vst.idx.msk $0xffff, v7;
	v7 =	vand.u32 $0xFFFFFF80, v9  }
0x604: {  	v10 =	vor.u32 v43, v5;
	v9 =	vand.u32 $0x7F, v9;
	v8 =	vld.idx.msk [tilespmem:v8+s22+$0x0], $0xffff;
	v7 =	vadd.s32 v4, v7  }
0x605: {  	v7 =	vor.u32 v9, v7;
	_ =	sdelay $0x2  }
0x606: {  	v9 =	vadd.s32 $0x29, v6  }
0x607: {  	[tilespmem:v10+s19+$0x0] =	vst.idx.msk $0xffff, v8;
	v8 =	vand.u32 $0xFFFFFF80, v9  }
0x608: {  	v10 =	vor.u32 v44, v5;
	v9 =	vand.u32 $0x7F, v9;
	v7 =	vld.idx.msk [tilespmem:v7+s22+$0x0], $0xffff;
	v8 =	vadd.s32 v4, v8  }
0x609: {  	v8 =	vor.u32 v9, v8;
	_ =	sdelay $0x2  }
0x60a: {  	v9 =	vadd.s32 $0x2A, v6  }
0x60b: {  	[tilespmem:v10+s19+$0x0] =	vst.idx.msk $0xffff, v7;
	v7 =	vand.u32 $0xFFFFFF80, v9  }
0x60c: {  	v10 =	vor.u32 v45, v5;
	v9 =	vand.u32 $0x7F, v9;
	v8 =	vld.idx.msk [tilespmem:v8+s22+$0x0], $0xffff;
	v7 =	vadd.s32 v4, v7  }
0x60d: {  	v7 =	vor.u32 v9, v7;
	_ =	sdelay $0x2  }
0x60e: {  	v9 =	vadd.s32 $0x2B, v6  }
0x60f: {  	[tilespmem:v10+s19+$0x0] =	vst.idx.msk $0xffff, v8;
	v8 =	vand.u32 $0xFFFFFF80, v9  }
0x610: {  	v10 =	vor.u32 v46, v5;
	v9 =	vand.u32 $0x7F, v9;
	v7 =	vld.idx.msk [tilespmem:v7+s22+$0x0], $0xffff;
	v8 =	vadd.s32 v4, v8  }
0x611: {  	v8 =	vor.u32 v9, v8;
	_ =	sdelay $0x2  }
0x612: {  	v9 =	vadd.s32 $0x2C, v6  }
0x613: {  	[tilespmem:v10+s19+$0x0] =	vst.idx.msk $0xffff, v7;
	v7 =	vand.u32 $0xFFFFFF80, v9  }
0x614: {  	v10 =	vor.u32 v47, v5;
	v9 =	vand.u32 $0x7F, v9;
	v8 =	vld.idx.msk [tilespmem:v8+s22+$0x0], $0xffff;
	v7 =	vadd.s32 v4, v7  }
0x615: {  	v7 =	vor.u32 v9, v7;
	_ =	sdelay $0x2  }
0x616: {  	v9 =	vadd.s32 $0x2D, v6  }
0x617: {  	[tilespmem:v10+s19+$0x0] =	vst.idx.msk $0xffff, v8;
	v8 =	vand.u32 $0xFFFFFF80, v9  }
0x618: {  	v10 =	vor.u32 v48, v5;
	v9 =	vand.u32 $0x7F, v9;
	v7 =	vld.idx.msk [tilespmem:v7+s22+$0x0], $0xffff;
	v8 =	vadd.s32 v4, v8  }
0x619: {  	v8 =	vor.u32 v9, v8;
	_ =	sdelay $0x2  }
0x61a: {  	v9 =	vadd.s32 $0x2E, v6  }
0x61b: {  	[tilespmem:v10+s19+$0x0] =	vst.idx.msk $0xffff, v7;
	v7 =	vand.u32 $0xFFFFFF80, v9  }
0x61c: {  	v10 =	vor.u32 v49, v5;
	v9 =	vand.u32 $0x7F, v9;
	v8 =	vld.idx.msk [tilespmem:v8+s22+$0x0], $0xffff;
	v7 =	vadd.s32 v4, v7  }
0x61d: {  	v7 =	vor.u32 v9, v7;
	_ =	sdelay $0x2  }
0x61e: {  	v9 =	vadd.s32 $0x2F, v6  }
0x61f: {  	[tilespmem:v10+s19+$0x0] =	vst.idx.msk $0xffff, v8;
	v8 =	vand.u32 $0xFFFFFF80, v9  }
0x620: {  	v10 =	vor.u32 v50, v5;
	v9 =	vand.u32 $0x7F, v9;
	v7 =	vld.idx.msk [tilespmem:v7+s22+$0x0], $0xffff;
	v8 =	vadd.s32 v4, v8  }
0x621: {  	v8 =	vor.u32 v9, v8;
	_ =	sdelay $0x2  }
0x622: {  	v9 =	vadd.s32 $0x30, v6  }
0x623: {  	[tilespmem:v10+s19+$0x0] =	vst.idx.msk $0xffff, v7;
	v7 =	vand.u32 $0xFFFFFF80, v9  }
0x624: {  	v10 =	vor.u32 v51, v5;
	v9 =	vand.u32 $0x7F, v9;
	v8 =	vld.idx.msk [tilespmem:v8+s22+$0x0], $0xffff;
	v7 =	vadd.s32 v4, v7  }
0x625: {  	v7 =	vor.u32 v9, v7;
	_ =	sdelay $0x2  }
0x626: {  	v9 =	vadd.s32 $0x31, v6  }
0x627: {  	[tilespmem:v10+s19+$0x0] =	vst.idx.msk $0xffff, v8;
	v8 =	vand.u32 $0xFFFFFF80, v9  }
0x628: {  	v10 =	vor.u32 v52, v5;
	v9 =	vand.u32 $0x7F, v9;
	v7 =	vld.idx.msk [tilespmem:v7+s22+$0x0], $0xffff;
	v8 =	vadd.s32 v4, v8  }
0x629: {  	v8 =	vor.u32 v9, v8;
	_ =	sdelay $0x2  }
0x62a: {  	v9 =	vadd.s32 $0x32, v6  }
0x62b: {  	[tilespmem:v10+s19+$0x0] =	vst.idx.msk $0xffff, v7;
	v7 =	vand.u32 $0xFFFFFF80, v9  }
0x62c: {  	v10 =	vor.u32 v53, v5;
	v9 =	vand.u32 $0x7F, v9;
	v8 =	vld.idx.msk [tilespmem:v8+s22+$0x0], $0xffff;
	v7 =	vadd.s32 v4, v7  }
0x62d: {  	v7 =	vor.u32 v9, v7;
	_ =	sdelay $0x2  }
0x62e: {  	v9 =	vadd.s32 $0x33, v6  }
0x62f: {  	[tilespmem:v10+s19+$0x0] =	vst.idx.msk $0xffff, v8;
	v8 =	vand.u32 $0xFFFFFF80, v9  }
0x630: {  	v10 =	vor.u32 v54, v5;
	v9 =	vand.u32 $0x7F, v9;
	v7 =	vld.idx.msk [tilespmem:v7+s22+$0x0], $0xffff;
	v8 =	vadd.s32 v4, v8  }
0x631: {  	v8 =	vor.u32 v9, v8;
	_ =	sdelay $0x2  }
0x632: {  	v9 =	vadd.s32 $0x34, v6  }
0x633: {  	[tilespmem:v10+s19+$0x0] =	vst.idx.msk $0xffff, v7;
	v7 =	vand.u32 $0xFFFFFF80, v9  }
0x634: {  	v10 =	vor.u32 v55, v5;
	v9 =	vand.u32 $0x7F, v9;
	v8 =	vld.idx.msk [tilespmem:v8+s22+$0x0], $0xffff;
	v7 =	vadd.s32 v4, v7  }
0x635: {  	v7 =	vor.u32 v9, v7;
	_ =	sdelay $0x2  }
0x636: {  	v9 =	vadd.s32 $0x35, v6  }
0x637: {  	[tilespmem:v10+s19+$0x0] =	vst.idx.msk $0xffff, v8;
	v8 =	vand.u32 $0xFFFFFF80, v9  }
0x638: {  	v10 =	vor.u32 v56, v5;
	v9 =	vand.u32 $0x7F, v9;
	v7 =	vld.idx.msk [tilespmem:v7+s22+$0x0], $0xffff;
	v8 =	vadd.s32 v4, v8  }
0x639: {  	v8 =	vor.u32 v9, v8;
	_ =	sdelay $0x2  }
0x63a: {  	v9 =	vadd.s32 $0x36, v6  }
0x63b: {  	[tilespmem:v10+s19+$0x0] =	vst.idx.msk $0xffff, v7;
	v7 =	vand.u32 $0xFFFFFF80, v9  }
0x63c: {  	v10 =	vor.u32 v57, v5;
	v9 =	vand.u32 $0x7F, v9;
	v8 =	vld.idx.msk [tilespmem:v8+s22+$0x0], $0xffff;
	v7 =	vadd.s32 v4, v7  }
0x63d: {  	v7 =	vor.u32 v9, v7;
	_ =	sdelay $0x2  }
0x63e: {  	v9 =	vadd.s32 $0x37, v6  }
0x63f: {  	[tilespmem:v10+s19+$0x0] =	vst.idx.msk $0xffff, v8;
	v8 =	vand.u32 $0xFFFFFF80, v9  }
0x640: {  	v10 =	vor.u32 v58, v5;
	v9 =	vand.u32 $0x7F, v9;
	v7 =	vld.idx.msk [tilespmem:v7+s22+$0x0], $0xffff;
	v8 =	vadd.s32 v4, v8  }
0x641: {  	v8 =	vor.u32 v9, v8;
	_ =	sdelay $0x2  }
0x642: {  	v9 =	vadd.s32 $0x38, v6  }
0x643: {  	[tilespmem:v10+s19+$0x0] =	vst.idx.msk $0xffff, v7;
	v7 =	vand.u32 $0xFFFFFF80, v9  }
0x644: {  	v10 =	vor.u32 v59, v5;
	v9 =	vand.u32 $0x7F, v9;
	v8 =	vld.idx.msk [tilespmem:v8+s22+$0x0], $0xffff;
	v7 =	vadd.s32 v4, v7  }
0x645: {  	v7 =	vor.u32 v9, v7;
	_ =	sdelay $0x2  }
0x646: {  	v9 =	vadd.s32 $0x39, v6  }
0x647: {  	[tilespmem:v10+s19+$0x0] =	vst.idx.msk $0xffff, v8;
	v8 =	vand.u32 $0xFFFFFF80, v9  }
0x648: {  	v10 =	vor.u32 v60, v5;
	v9 =	vand.u32 $0x7F, v9;
	v7 =	vld.idx.msk [tilespmem:v7+s22+$0x0], $0xffff;
	v8 =	vadd.s32 v4, v8  }
0x649: {  	v8 =	vor.u32 v9, v8;
	_ =	sdelay $0x2  }
0x64a: {  	v9 =	vadd.s32 $0x3A, v6  }
0x64b: {  	[tilespmem:v10+s19+$0x0] =	vst.idx.msk $0xffff, v7;
	v7 =	vand.u32 $0xFFFFFF80, v9  }
0x64c: {  	v10 =	vor.u32 v61, v5;
	v9 =	vand.u32 $0x7F, v9;
	v8 =	vld.idx.msk [tilespmem:v8+s22+$0x0], $0xffff;
	v7 =	vadd.s32 v4, v7  }
0x64d: {  	v7 =	vor.u32 v9, v7;
	_ =	sdelay $0x2  }
0x64e: {  	v9 =	vadd.s32 $0x3B, v6  }
0x64f: {  	[tilespmem:v10+s19+$0x0] =	vst.idx.msk $0xffff, v8;
	v8 =	vand.u32 $0xFFFFFF80, v9  }
0x650: {  	v10 =	vor.u32 v62, v5;
	v9 =	vand.u32 $0x7F, v9;
	v7 =	vld.idx.msk [tilespmem:v7+s22+$0x0], $0xffff;
	v8 =	vadd.s32 v4, v8  }
0x651: {  	v8 =	vor.u32 v9, v8;
	_ =	sdelay $0x2  }
0x652: {  	v9 =	vadd.s32 $0x3C, v6  }
0x653: {  	[tilespmem:v10+s19+$0x0] =	vst.idx.msk $0xffff, v7;
	v7 =	vand.u32 $0xFFFFFF80, v9  }
0x654: {  	v10 =	vor.u32 v63, v5;
	v9 =	vand.u32 $0x7F, v9;
	v8 =	vld.idx.msk [tilespmem:v8+s22+$0x0], $0xffff;
	v7 =	vadd.s32 v4, v7  }
0x655: {  	v7 =	vor.u32 v9, v7;
	_ =	sdelay $0x2  }
0x656: {  	v9 =	vadd.s32 $0x3D, v6  }
0x657: {  	[tilespmem:v10+s19+$0x0] =	vst.idx.msk $0xffff, v8;
	v8 =	vand.u32 $0xFFFFFF80, v9  }
0x658: {  	v10 =	vor.u32 v3, v5;
	v9 =	vand.u32 $0x7F, v9;
	v7 =	vld.idx.msk [tilespmem:v7+s22+$0x0], $0xffff;
	v8 =	vadd.s32 v4, v8  }
0x659: {  	v8 =	vor.u32 v9, v8;
	_ =	sdelay $0x2  }
0x65a: {  	v9 =	vadd.s32 $0x3E, v6  }
0x65b: {  	[tilespmem:v10+s19+$0x0] =	vst.idx.msk $0xffff, v7;
	v7 =	vand.u32 $0xFFFFFF80, v9  }
0x65c: {  	v10 =	vor.u32 v0, v5;
	v9 =	vand.u32 $0x7F, v9;
	v8 =	vld.idx.msk [tilespmem:v8+s22+$0x0], $0xffff;
	v7 =	vadd.s32 v4, v7  }
0x65d: {  	v7 =	vor.u32 v9, v7;
	_ =	sdelay $0x2  }
0x65e: {  	v6 =	vadd.s32 $0x3F, v6  }
0x65f: {  	[tilespmem:v10+s19+$0x0] =	vst.idx.msk $0xffff, v8;
	v8 =	vand.u32 $0xFFFFFF80, v6  }
0x660: {  	v6 =	vand.u32 $0x7F, v6;
	v7 =	vld.idx.msk [tilespmem:v7+s22+$0x0], $0xffff;
	v4 =	vadd.s32 v4, v8;
	v8 =	vor.u32 v1, v5  }
0x661: {  	v4 =	vor.u32 v6, v4;
	_ =	sdelay $0x3  }
0x662: {  	[tilespmem:v8+s19+$0x0] =	vst.idx.msk $0xffff, v7  }
0x663: {  	p0 =	sne.s32 s28, $0x70;
	v5 =	vor.u32 v2, v5;
	v4 =	vld.idx.msk [tilespmem:v4+s22+$0x0], $0xffff  }
.Ltmp3:
0x664: {  	_ = 	snop;
	(pc) =	sbr.rel @p0 .LBB2_8-.Ltmp3, $2  }
0x665: {  	_ =	sdelay $0x2  }
0x666: {  	s29 =	sadd.s32 $0x10, s29;
	s28 =	sadd.s32 $0x10, s28;
	[tilespmem:v5+s19+$0x0] =	vst.idx.msk $0xffff, v4;
	v4 =	vlaneseq.u32  }
0x667: {  	[hbm4b:s12+s3] =	stream.linear.scatter [tilespmem:s19], [sflag:$0x5], $0x8000, $0x38;
	[tilespmem:$0x18800] =	vst v63  }
0x668: {  	s26 =	sadd.s32 $0x1, s26  }
0x669: {  	_ =	swait.ge [sflag:s24], $0x8000;
	p0 =	sne.s32 s26, s13  }
.Ltmp4:
0x66a: {  	[sflag:s24] =	ssyncset.done $0x0;
	(pc) =	sbr.rel @p0 .LBB2_1-.Ltmp4, $4  }
0x66b: {  	[sflag:s24] =	ssyncadd.s32 $0xFFFF8000  }
0x66c: {  	_ =	swait.ge [sflag:s25], $0x8000  }
0x66d: {  	[sflag:s25] =	ssyncset.done $0x0  }
0x66e: {  	[sflag:s25] =	ssyncadd.s32 $0xFFFF8000  }
0x66f: {  	_ =	sfence.sel $0x180000  }
0x670: {  	[bflag:$0x0] =	sbarrier.arrive $0xFFFF  }
0x671: {  	_ =	strace $0x90000047  }
0x672: {  	s0 =	stileid.u32;
	[bflag:$0x2] =	sbarrier.arrive $0xFFFF  }
0x673: {  	p0 =	sne.s32 s0, $0x0;
	s0 =	rddreg [dreg:$0x6]  }
0x674: {  	s0 =	sadd.s32 @!p0 $0x100000, s0  }
0x675: {  	[sflag:s0] =	ssyncadd.tile.s32 @!p0 $0x1;
	_ =	shalt  }
.Lfunc_end2:
_tile_overlayer_lowered:
.L_overlay_start_2:
0x676: {  	(tag) =	ssettag $0x2  }
0x677: {  	s0 =	rddreg [dreg:$0x0];
	s2 =	stileid.u32  }
0x678: {  	s1 =	rddreg [dreg:$0x1];
	p0 =	sne.s32 s2, $0x0  }
0x679: {  	s3 =	rddreg [dreg:$0x2];
	[bflag:$0x3] =	sbarrier.arrive $0xFFFF;
	s2 =	simm.s32 @!p0 $0x1C06  }
0x67a: {  	[timem:s3], [sflag:s2] =	dma.local @!p0 [hbm:s0], s1  }
0x67b: {  	s0 =	simm.s32 @!p0 $0x6  }
0x67c: {  	_ =	swait.ge @!p0 [sflag:s0], s1  }
0x67d: {  	s1 =	ssub.s32 @!p0 $0x0, s1;
	[sflag:s0] =	ssyncset.done @!p0 $0x0  }
0x67e: {  	[sflag:s0] =	ssyncadd.s32 @!p0 s1  }
0x67f: {  	[bflag:$0x3] =	sbarrier.arrive $0xFFFF  }
0x680: {  	_ =	shalt  }

</sc_bundles>
